<compile_context>
chip_gen: v7x
topology: tpu7x:2x2x1
jax: 0.10.2.dev20260603
libtpu: 0.0.44.dev20260713+nightly
codegen_flags: <defaults>
</compile_context>

<pallas_src>
import jax
import jax.numpy as jnp
from jax import lax
from jax.experimental import pallas as pl
from jax.experimental.pallas import tpu as pltpu
from jax.experimental.pallas import tpu_sc as plsc

B = 16
N = 4096
K = 20
D = 128
W = 128

NC = 2
NS = 16
NW = NC * NS

QW = (B * N) // NW
C = 16
NCH = QW // C
G = 80
NG = (C * K) // G


def _body(table, idxf, out, idx_v, rows_v, out_v, isem, gsem, osem):
    wid = lax.axis_index("s") * NC + lax.axis_index("c")
    b = wid // (NW // B)
    boff = b * N
    base_q = wid * QW

    def idx_copy(t, s):
        q0 = base_q + t * C
        return pltpu.make_async_copy(idxf.at[pl.ds(q0 * K, C * K)],
                                     idx_v.at[pl.ds(s * C * K, C * K)],
                                     isem.at[s])

    def fire_gathers(s):
        o = s * C * K
        for j in range((C * K) // 16):
            sl = pl.ds(o + j * 16, 16)
            idx_v[sl] = idx_v[sl] + boff
        for g in range(NG):
            pltpu.async_copy(table.at[idx_v.at[pl.ds(o + g * G, G)]],
                             rows_v.at[s, pl.ds(g * G, G)], gsem.at[s])

    def wait_gathers(s):
        o = s * C * K
        for g in range(NG):
            pltpu.make_async_copy(table.at[idx_v.at[pl.ds(o + g * G, G)]],
                                  rows_v.at[s, pl.ds(g * G, G)],
                                  gsem.at[s]).wait()

    def out_copy(t, s):
        q0 = base_q + t * C
        return pltpu.make_async_copy(out_v.at[s], out.at[pl.ds(q0, C)],
                                     osem.at[s])

    idx_copy(0, 0).start()
    idx_copy(1, 1).start()
    idx_copy(0, 0).wait()
    fire_gathers(0)

    def step(t, s):
        so = 1 - s
        tn = jnp.minimum(t + 1, NCH - 1)
        tn2 = jnp.minimum(t + 2, NCH - 1)

        idx_copy(tn, so).wait()
        fire_gathers(so)

        wait_gathers(s)
        idx_copy(tn2, s).start()

        @pl.when(t >= 2)
        def _():
            out_copy(t - 2, s).wait()

        def one_q(q, carry2):
            r = q * K
            for db in range(W // 16):
                sl = pl.ds(db * 16, 16)
                acc = rows_v[s, r, sl]
                for k in range(1, K):
                    acc = jnp.maximum(acc, rows_v[s, r + k, sl])
                out_v[s, q, sl] = acc
            return carry2

        lax.fori_loop(0, C, one_q, 0, unroll=False)
        out_copy(t, s).start()

    def super_step(j, carry):
        step(2 * j, 0)
        step(2 * j + 1, 1)
        return carry

    lax.fori_loop(0, NCH // 2, super_step, 0, unroll=False)

    out_copy(NCH - 2, 0).wait()
    out_copy(NCH - 1, 1).wait()


@jax.jit
def _launch(table, idxf):
    mesh = plsc.VectorSubcoreMesh(core_axis_name="c", subcore_axis_name="s")
    return pl.kernel(
        _body,
        out_type=jax.ShapeDtypeStruct((B * N, W), jnp.float32),
        mesh=mesh,
        scratch_types=[
            pltpu.VMEM((2 * C * K,), jnp.int32),
            pltpu.VMEM((2, C * K, W), jnp.float32),
            pltpu.VMEM((2, C, W), jnp.float32),
            pltpu.SemaphoreType.DMA((2,)),
            pltpu.SemaphoreType.DMA((2,)),
            pltpu.SemaphoreType.DMA((2,)),
        ],
    )(table, idxf)


def kernel(input1, input2):
    table = input1.reshape(B * N, D)
    idxf = input2.reshape(B * N * K)
    out = _launch(table, idxf)
    return out.reshape(B, N, D)

# --- scband reference (transcript-rebuilt; emitter-appended) ---
"""Pipeline reference for scband-get-local-feature-27290222198841 (READ-ONLY COPY).

The authoritative reference and input builder live on the scoring server;
editing this copy changes nothing except your own understanding.
"""

import jax, jax.numpy as jnp
import numpy as np

BATCH_SIZE = 16
NUM_POINTS = 4096
NUM_DIMS = 128
K_NEIGHBORS = 20


def setup_inputs(seed: int = 0) -> dict:
    key = jax.random.key(seed)
    k1, k2 = jax.random.split(key)
    point_cloud = jax.random.normal(k1, (BATCH_SIZE, NUM_POINTS, 1, NUM_DIMS), dtype=jnp.float32)
    nn_idx = jax.random.randint(k2, (BATCH_SIZE, NUM_POINTS, K_NEIGHBORS), 0, NUM_POINTS, dtype=jnp.int32)
    return {"input1": point_cloud, "input2": nn_idx}


def reference(input1, input2):
    # input1: (B, N, 1, D) point cloud; input2: (B, N, K) neighbor indices in [0, N)
    point_cloud = jnp.squeeze(input1)  # (B, N, D); B > 1 so squeeze only drops the singleton axis
    idx_ = (jnp.arange(BATCH_SIZE, dtype=jnp.int32) * NUM_POINTS).reshape(BATCH_SIZE, 1, 1)
    point_cloud_flat = point_cloud.reshape(-1, NUM_DIMS)  # (B*N, D)
    gather_idx = input2 + idx_  # (B, N, K), global row ids
    point_cloud_neighbors = jnp.take(point_cloud_flat, gather_idx, axis=0)  # (B, N, K, D)
    edge_feature = jnp.max(point_cloud_neighbors, axis=-2)  # (B, N, D)
    return edge_feature

if __name__ == "__main__":
    import jax
    _d = setup_inputs()
    print(jax.jit(kernel)(*tuple(_d.values())))

</pallas_src>

<mosaic_0001>
#map = affine_map<(d0, d1) -> (0, 0)>
#map1 = affine_map<(d0, d1) -> (0)>
module attributes {stable_mosaic.version = 14 : i64} {
  func.func @_body(%arg0: i32, %arg1: i32, %arg2: memref<65536x128xf32, #tpu.memory_space<hbm>>, %arg3: memref<1310720xi32, #tpu.memory_space<hbm>>, %arg4: memref<65536x128xf32, #tpu.memory_space<hbm>>, %arg5: memref<640xi32, #tpu.memory_space<vmem>>, %arg6: memref<2x320x128xf32, #tpu.memory_space<vmem>>, %arg7: memref<2x16x128xf32, #tpu.memory_space<vmem>>, %arg8: memref<2x!tpu.dma_semaphore, #tpu.memory_space<semaphore_mem>>, %arg9: memref<2x!tpu.dma_semaphore, #tpu.memory_space<semaphore_mem>>, %arg10: memref<2x!tpu.dma_semaphore, #tpu.memory_space<semaphore_mem>>) attributes {dimension_semantics = [#tpu.dimension_semantics<core_parallel>, #tpu.dimension_semantics<subcore_parallel>], iteration_bounds = array<i64: 2, 16>, scalar_prefetch = 0 : i64, scratch_operands = 6 : i64, tpu.core_type = #tpu.core_type<sc_vector_subcore>, window_params = [{transform_indices = #map}, {transform_indices = #map1}, {transform_indices = #map}]} {
    %mul3A = arith.constant 2 : i32
    %mul3A_0 = arith.muli %arg1, %mul3A : i32
    %add3A = arith.addi %mul3A_0, %arg0 : i32
    %jit3A = arith.constant 2 : i32
    %div3A = arith.divsi %add3A, %jit3A : i32
    %sign3A = arith.constant 0 : i32
    %sign3A_1 = arith.cmpi sgt, %add3A, %sign3A : i32
    %sign3A_2 = arith.extui %sign3A_1 : i1 to i32
    %sign3A_3 = arith.constant 0 : i32
    %sign3A_4 = arith.cmpi slt, %add3A, %sign3A_3 : i32
    %sign3A_5 = arith.extui %sign3A_4 : i1 to i32
    %sign3A_6 = arith.subi %sign3A_2, %sign3A_5 : i32
    %sign3A_7 = arith.constant 0 : i32
    %sign3A_8 = arith.cmpi sgt, %jit3A, %sign3A_7 : i32
    %sign3A_9 = arith.extui %sign3A_8 : i1 to i32
    %sign3A_10 = arith.constant 0 : i32
    %sign3A_11 = arith.cmpi slt, %jit3A, %sign3A_10 : i32
    %sign3A_12 = arith.extui %sign3A_11 : i1 to i32
    %sign3A_13 = arith.subi %sign3A_9, %sign3A_12 : i32
    %ne3A = arith.cmpi ne, %sign3A_6, %sign3A_13 : i32
    %rem3A = arith.remsi %add3A, %jit3A : i32
    %ne3A_14 = arith.constant 0 : i32
    %ne3A_15 = arith.cmpi ne, %rem3A, %ne3A_14 : i32
    %and3A = arith.andi %ne3A, %ne3A_15 : i1
    %sub3A = arith.constant 1 : i32
    %sub3A_16 = arith.subi %div3A, %sub3A : i32
    %select_n3A = arith.select %and3A, %sub3A_16, %div3A : i32
    %mul3A_17 = arith.constant 4096 : i32
    %mul3A_18 = arith.muli %select_n3A, %mul3A_17 : i32
    %mul3A_19 = arith.constant 2048 : i32
    %mul3A_20 = arith.muli %add3A, %mul3A_19 : i32
    %add3A_21 = arith.constant 0 : i32
    %add3A_22 = arith.addi %mul3A_20, %add3A_21 : i32
    %mul3A_23 = arith.constant 20 : i32
    %mul3A_24 = arith.muli %add3A_22, %mul3A_23 : i32
    %dma_start3A = arith.constant 0 : i32
    %dma_start3A_25 = arith.constant 0 : i32
    %dma_start3A_26 = tpu.memref_slice %arg5[%dma_start3A_25] : memref<640xi32, #tpu.memory_space<vmem>> -> memref<320xi32, #tpu.memory_space<vmem>>
    %dma_start3A_27 = tpu.memref_slice %arg3[%mul3A_24] : memref<1310720xi32, #tpu.memory_space<hbm>> -> memref<320xi32, #tpu.memory_space<hbm>>
    %dma_start3A_28 = tpu.memref_slice %arg8[%dma_start3A] : memref<2x!tpu.dma_semaphore, #tpu.memory_space<semaphore_mem>> -> memref<1x!tpu.dma_semaphore, #tpu.memory_space<semaphore_mem>>
    %dma_start3A_29 = tpu.memref_squeeze %dma_start3A_28 : memref<1x!tpu.dma_semaphore, #tpu.memory_space<semaphore_mem>> -> memref<!tpu.dma_semaphore, #tpu.memory_space<semaphore_mem>>
    %dma_start3A_30 = arith.constant 0 : i32
    %dma_start3A_31 = tpu.memref_slice %arg5[%dma_start3A_30] : memref<640xi32, #tpu.memory_space<vmem>> -> memref<320xi32, #tpu.memory_space<vmem>>
    %dma_start3A_32 = tpu.memref_slice %arg3[%mul3A_24] : memref<1310720xi32, #tpu.memory_space<hbm>> -> memref<320xi32, #tpu.memory_space<hbm>>
    tpu.enqueue_dma source(%dma_start3A_32 : memref<320xi32, #tpu.memory_space<hbm>>) target(%dma_start3A_31 : memref<320xi32, #tpu.memory_space<vmem>>) target_semaphore(%dma_start3A_29 : memref<!tpu.dma_semaphore, #tpu.memory_space<semaphore_mem>>)
    %add3A_33 = arith.constant 16 : i32
    %add3A_34 = arith.addi %mul3A_20, %add3A_33 : i32
    %mul3A_35 = arith.constant 20 : i32
    %mul3A_36 = arith.muli %add3A_34, %mul3A_35 : i32
    %dma_start3A_37 = arith.constant 1 : i32
    %dma_start3A_38 = arith.constant 320 : i32
    %dma_start3A_39 = tpu.memref_slice %arg5[%dma_start3A_38] : memref<640xi32, #tpu.memory_space<vmem>> -> memref<320xi32, #tpu.memory_space<vmem>>
    %dma_start3A_40 = tpu.memref_slice %arg3[%mul3A_36] : memref<1310720xi32, #tpu.memory_space<hbm>> -> memref<320xi32, #tpu.memory_space<hbm>>
    %dma_start3A_41 = tpu.memref_slice %arg8[%dma_start3A_37] : memref<2x!tpu.dma_semaphore, #tpu.memory_space<semaphore_mem>> -> memref<1x!tpu.dma_semaphore, #tpu.memory_space<semaphore_mem>>
    %dma_start3A_42 = tpu.memref_squeeze %dma_start3A_41 : memref<1x!tpu.dma_semaphore, #tpu.memory_space<semaphore_mem>> -> memref<!tpu.dma_semaphore, #tpu.memory_space<semaphore_mem>>
    %dma_start3A_43 = arith.constant 320 : i32
    %dma_start3A_44 = tpu.memref_slice %arg5[%dma_start3A_43] : memref<640xi32, #tpu.memory_space<vmem>> -> memref<320xi32, #tpu.memory_space<vmem>>
    %dma_start3A_45 = tpu.memref_slice %arg3[%mul3A_36] : memref<1310720xi32, #tpu.memory_space<hbm>> -> memref<320xi32, #tpu.memory_space<hbm>>
    tpu.enqueue_dma source(%dma_start3A_45 : memref<320xi32, #tpu.memory_space<hbm>>) target(%dma_start3A_44 : memref<320xi32, #tpu.memory_space<vmem>>) target_semaphore(%dma_start3A_42 : memref<!tpu.dma_semaphore, #tpu.memory_space<semaphore_mem>>)
    %add3A_46 = arith.constant 0 : i32
    %add3A_47 = arith.addi %mul3A_20, %add3A_46 : i32
    %mul3A_48 = arith.constant 20 : i32
    %mul3A_49 = arith.muli %add3A_47, %mul3A_48 : i32
    %dma_wait3A = arith.constant 0 : i32
    %dma_wait3A_50 = arith.constant 0 : i32
    %dma_wait3A_51 = tpu.memref_slice %arg5[%dma_wait3A_50] : memref<640xi32, #tpu.memory_space<vmem>> -> memref<320xi32, #tpu.memory_space<vmem>>
    %dma_wait3A_52 = tpu.memref_slice %arg3[%mul3A_49] : memref<1310720xi32, #tpu.memory_space<hbm>> -> memref<320xi32, #tpu.memory_space<hbm>>
    %dma_wait3A_53 = tpu.memref_slice %arg8[%dma_wait3A] : memref<2x!tpu.dma_semaphore, #tpu.memory_space<semaphore_mem>> -> memref<1x!tpu.dma_semaphore, #tpu.memory_space<semaphore_mem>>
    %dma_wait3A_54 = tpu.memref_squeeze %dma_wait3A_53 : memref<1x!tpu.dma_semaphore, #tpu.memory_space<semaphore_mem>> -> memref<!tpu.dma_semaphore, #tpu.memory_space<semaphore_mem>>
    %dma_wait3A_55 = arith.constant 0 : i32
    %dma_wait3A_56 = tpu.memref_slice %arg5[%dma_wait3A_55] : memref<640xi32, #tpu.memory_space<vmem>> -> memref<320xi32, #tpu.memory_space<vmem>>
    %dma_wait3A_57 = tpu.memref_slice %arg3[%mul3A_49] : memref<1310720xi32, #tpu.memory_space<hbm>> -> memref<320xi32, #tpu.memory_space<hbm>>
    tpu.wait_dma2 semaphore(%dma_wait3A_54 : memref<!tpu.dma_semaphore, #tpu.memory_space<semaphore_mem>>) src(%dma_wait3A_57 : memref<320xi32, #tpu.memory_space<hbm>>) dst(%dma_wait3A_56 : memref<320xi32, #tpu.memory_space<vmem>>)
    %get3A = arith.constant 0 : index
    %get3A_58 = tpu.vector_load %arg5[%get3A] {strides = array<i32>} : memref<640xi32, #tpu.memory_space<vmem>>, vector<16xi32>,
    %get3A_59 = vector.shape_cast %get3A_58 : vector<16xi32> to vector<16xi32>
    %add3A_60 = vector.broadcast %mul3A_18 : i32 to vector<16xi32>
    %add3A_61 = arith.addi %get3A_59, %add3A_60 : vector<16xi32>
    %swap3A = arith.constant 0 : index
    %swap3A_62 = tpu.vector_load %arg5[%swap3A] {strides = array<i32>} : memref<640xi32, #tpu.memory_space<vmem>>, vector<16xi32>,
    %swap3A_63 = vector.shape_cast %swap3A_62 : vector<16xi32> to vector<16xi32>
    %swap3A_64 = vector.shape_cast %add3A_61 : vector<16xi32> to vector<16xi32>
    tpu.vector_store %arg5[%swap3A], %swap3A_64 {strides = array<i32>} : memref<640xi32, #tpu.memory_space<vmem>>, vector<16xi32>,
    %get3A_65 = arith.constant 16 : index
    %get3A_66 = tpu.vector_load %arg5[%get3A_65] {strides = array<i32>} : memref<640xi32, #tpu.memory_space<vmem>>, vector<16xi32>,
    %get3A_67 = vector.shape_cast %get3A_66 : vector<16xi32> to vector<16xi32>
    %add3A_68 = vector.broadcast %mul3A_18 : i32 to vector<16xi32>
    %add3A_69 = arith.addi %get3A_67, %add3A_68 : vector<16xi32>
    %swap3A_70 = arith.constant 16 : index
    %swap3A_71 = tpu.vector_load %arg5[%swap3A_70] {strides = array<i32>} : memref<640xi32, #tpu.memory_space<vmem>>, vector<16xi32>,
    %swap3A_72 = vector.shape_cast %swap3A_71 : vector<16xi32> to vector<16xi32>
    %swap3A_73 = vector.shape_cast %add3A_69 : vector<16xi32> to vector<16xi32>
    tpu.vector_store %arg5[%swap3A_70], %swap3A_73 {strides = array<i32>} : memref<640xi32, #tpu.memory_space<vmem>>, vector<16xi32>,
    %get3A_74 = arith.constant 32 : index
    %get3A_75 = tpu.vector_load %arg5[%get3A_74] {strides = array<i32>} : memref<640xi32, #tpu.memory_space<vmem>>, vector<16xi32>,
    %get3A_76 = vector.shape_cast %get3A_75 : vector<16xi32> to vector<16xi32>
    %add3A_77 = vector.broadcast %mul3A_18 : i32 to vector<16xi32>
    %add3A_78 = arith.addi %get3A_76, %add3A_77 : vector<16xi32>
    %swap3A_79 = arith.constant 32 : index
    %swap3A_80 = tpu.vector_load %arg5[%swap3A_79] {strides = array<i32>} : memref<640xi32, #tpu.memory_space<vmem>>, vector<16xi32>,
    %swap3A_81 = vector.shape_cast %swap3A_80 : vector<16xi32> to vector<16xi32>
    %swap3A_82 = vector.shape_cast %add3A_78 : vector<16xi32> to vector<16xi32>
    tpu.vector_store %arg5[%swap3A_79], %swap3A_82 {strides = array<i32>} : memref<640xi32, #tpu.memory_space<vmem>>, vector<16xi32>,
    %get3A_83 = arith.constant 48 : index
    %get3A_84 = tpu.vector_load %arg5[%get3A_83] {strides = array<i32>} : memref<640xi32, #tpu.memory_space<vmem>>, vector<16xi32>,
    %get3A_85 = vector.shape_cast %get3A_84 : vector<16xi32> to vector<16xi32>
    %add3A_86 = vector.broadcast %mul3A_18 : i32 to vector<16xi32>
    %add3A_87 = arith.addi %get3A_85, %add3A_86 : vector<16xi32>
    %swap3A_88 = arith.constant 48 : index
    %swap3A_89 = tpu.vector_load %arg5[%swap3A_88] {strides = array<i32>} : memref<640xi32, #tpu.memory_space<vmem>>, vector<16xi32>,
    %swap3A_90 = vector.shape_cast %swap3A_89 : vector<16xi32> to vector<16xi32>
    %swap3A_91 = vector.shape_cast %add3A_87 : vector<16xi32> to vector<16xi32>
    tpu.vector_store %arg5[%swap3A_88], %swap3A_91 {strides = array<i32>} : memref<640xi32, #tpu.memory_space<vmem>>, vector<16xi32>,
    %get3A_92 = arith.constant 64 : index
    %get3A_93 = tpu.vector_load %arg5[%get3A_92] {strides = array<i32>} : memref<640xi32, #tpu.memory_space<vmem>>, vector<16xi32>,
    %get3A_94 = vector.shape_cast %get3A_93 : vector<16xi32> to vector<16xi32>
    %add3A_95 = vector.broadcast %mul3A_18 : i32 to vector<16xi32>
    %add3A_96 = arith.addi %get3A_94, %add3A_95 : vector<16xi32>
    %swap3A_97 = arith.constant 64 : index
    %swap3A_98 = tpu.vector_load %arg5[%swap3A_97] {strides = array<i32>} : memref<640xi32, #tpu.memory_space<vmem>>, vector<16xi32>,
    %swap3A_99 = vector.shape_cast %swap3A_98 : vector<16xi32> to vector<16xi32>
    %swap3A_100 = vector.shape_cast %add3A_96 : vector<16xi32> to vector<16xi32>
    tpu.vector_store %arg5[%swap3A_97], %swap3A_100 {strides = array<i32>} : memref<640xi32, #tpu.memory_space<vmem>>, vector<16xi32>,
    %get3A_101 = arith.constant 80 : index
    %get3A_102 = tpu.vector_load %arg5[%get3A_101] {strides = array<i32>} : memref<640xi32, #tpu.memory_space<vmem>>, vector<16xi32>,
    %get3A_103 = vector.shape_cast %get3A_102 : vector<16xi32> to vector<16xi32>
    %add3A_104 = vector.broadcast %mul3A_18 : i32 to vector<16xi32>
    %add3A_105 = arith.addi %get3A_103, %add3A_104 : vector<16xi32>
    %swap3A_106 = arith.constant 80 : index
    %swap3A_107 = tpu.vector_load %arg5[%swap3A_106] {strides = array<i32>} : memref<640xi32, #tpu.memory_space<vmem>>, vector<16xi32>,
    %swap3A_108 = vector.shape_cast %swap3A_107 : vector<16xi32> to vector<16xi32>
    %swap3A_109 = vector.shape_cast %add3A_105 : vector<16xi32> to vector<16xi32>
    tpu.vector_store %arg5[%swap3A_106], %swap3A_109 {strides = array<i32>} : memref<640xi32, #tpu.memory_space<vmem>>, vector<16xi32>,
    %get3A_110 = arith.constant 96 : index
    %get3A_111 = tpu.vector_load %arg5[%get3A_110] {strides = array<i32>} : memref<640xi32, #tpu.memory_space<vmem>>, vector<16xi32>,
    %get3A_112 = vector.shape_cast %get3A_111 : vector<16xi32> to vector<16xi32>
    %add3A_113 = vector.broadcast %mul3A_18 : i32 to vector<16xi32>
    %add3A_114 = arith.addi %get3A_112, %add3A_113 : vector<16xi32>
    %swap3A_115 = arith.constant 96 : index
    %swap3A_116 = tpu.vector_load %arg5[%swap3A_115] {strides = array<i32>} : memref<640xi32, #tpu.memory_space<vmem>>, vector<16xi32>,
    %swap3A_117 = vector.shape_cast %swap3A_116 : vector<16xi32> to vector<16xi32>
    %swap3A_118 = vector.shape_cast %add3A_114 : vector<16xi32> to vector<16xi32>
    tpu.vector_store %arg5[%swap3A_115], %swap3A_118 {strides = array<i32>} : memref<640xi32, #tpu.memory_space<vmem>>, vector<16xi32>,
    %get3A_119 = arith.constant 112 : index
    %get3A_120 = tpu.vector_load %arg5[%get3A_119] {strides = array<i32>} : memref<640xi32, #tpu.memory_space<vmem>>, vector<16xi32>,
    %get3A_121 = vector.shape_cast %get3A_120 : vector<16xi32> to vector<16xi32>
    %add3A_122 = vector.broadcast %mul3A_18 : i32 to vector<16xi32>
    %add3A_123 = arith.addi %get3A_121, %add3A_122 : vector<16xi32>
    %swap3A_124 = arith.constant 112 : index
    %swap3A_125 = tpu.vector_load %arg5[%swap3A_124] {strides = array<i32>} : memref<640xi32, #tpu.memory_space<vmem>>, vector<16xi32>,
    %swap3A_126 = vector.shape_cast %swap3A_125 : vector<16xi32> to vector<16xi32>
    %swap3A_127 = vector.shape_cast %add3A_123 : vector<16xi32> to vector<16xi32>
    tpu.vector_store %arg5[%swap3A_124], %swap3A_127 {strides = array<i32>} : memref<640xi32, #tpu.memory_space<vmem>>, vector<16xi32>,
    %get3A_128 = arith.constant 128 : index
    %get3A_129 = tpu.vector_load %arg5[%get3A_128] {strides = array<i32>} : memref<640xi32, #tpu.memory_space<vmem>>, vector<16xi32>,
    %get3A_130 = vector.shape_cast %get3A_129 : vector<16xi32> to vector<16xi32>
    %add3A_131 = vector.broadcast %mul3A_18 : i32 to vector<16xi32>
    %add3A_132 = arith.addi %get3A_130, %add3A_131 : vector<16xi32>
    %swap3A_133 = arith.constant 128 : index
    %swap3A_134 = tpu.vector_load %arg5[%swap3A_133] {strides = array<i32>} : memref<640xi32, #tpu.memory_space<vmem>>, vector<16xi32>,
    %swap3A_135 = vector.shape_cast %swap3A_134 : vector<16xi32> to vector<16xi32>
    %swap3A_136 = vector.shape_cast %add3A_132 : vector<16xi32> to vector<16xi32>
    tpu.vector_store %arg5[%swap3A_133], %swap3A_136 {strides = array<i32>} : memref<640xi32, #tpu.memory_space<vmem>>, vector<16xi32>,
    %get3A_137 = arith.constant 144 : index
    %get3A_138 = tpu.vector_load %arg5[%get3A_137] {strides = array<i32>} : memref<640xi32, #tpu.memory_space<vmem>>, vector<16xi32>,
    %get3A_139 = vector.shape_cast %get3A_138 : vector<16xi32> to vector<16xi32>
    %add3A_140 = vector.broadcast %mul3A_18 : i32 to vector<16xi32>
    %add3A_141 = arith.addi %get3A_139, %add3A_140 : vector<16xi32>
    %swap3A_142 = arith.constant 144 : index
    %swap3A_143 = tpu.vector_load %arg5[%swap3A_142] {strides = array<i32>} : memref<640xi32, #tpu.memory_space<vmem>>, vector<16xi32>,
    %swap3A_144 = vector.shape_cast %swap3A_143 : vector<16xi32> to vector<16xi32>
    %swap3A_145 = vector.shape_cast %add3A_141 : vector<16xi32> to vector<16xi32>
    tpu.vector_store %arg5[%swap3A_142], %swap3A_145 {strides = array<i32>} : memref<640xi32, #tpu.memory_space<vmem>>, vector<16xi32>,
    %get3A_146 = arith.constant 160 : index
    %get3A_147 = tpu.vector_load %arg5[%get3A_146] {strides = array<i32>} : memref<640xi32, #tpu.memory_space<vmem>>, vector<16xi32>,
    %get3A_148 = vector.shape_cast %get3A_147 : vector<16xi32> to vector<16xi32>
    %add3A_149 = vector.broadcast %mul3A_18 : i32 to vector<16xi32>
    %add3A_150 = arith.addi %get3A_148, %add3A_149 : vector<16xi32>
    %swap3A_151 = arith.constant 160 : index
    %swap3A_152 = tpu.vector_load %arg5[%swap3A_151] {strides = array<i32>} : memref<640xi32, #tpu.memory_space<vmem>>, vector<16xi32>,
    %swap3A_153 = vector.shape_cast %swap3A_152 : vector<16xi32> to vector<16xi32>
    %swap3A_154 = vector.shape_cast %add3A_150 : vector<16xi32> to vector<16xi32>
    tpu.vector_store %arg5[%swap3A_151], %swap3A_154 {strides = array<i32>} : memref<640xi32, #tpu.memory_space<vmem>>, vector<16xi32>,
    %get3A_155 = arith.constant 176 : index
    %get3A_156 = tpu.vector_load %arg5[%get3A_155] {strides = array<i32>} : memref<640xi32, #tpu.memory_space<vmem>>, vector<16xi32>,
    %get3A_157 = vector.shape_cast %get3A_156 : vector<16xi32> to vector<16xi32>
    %add3A_158 = vector.broadcast %mul3A_18 : i32 to vector<16xi32>
    %add3A_159 = arith.addi %get3A_157, %add3A_158 : vector<16xi32>
    %swap3A_160 = arith.constant 176 : index
    %swap3A_161 = tpu.vector_load %arg5[%swap3A_160] {strides = array<i32>} : memref<640xi32, #tpu.memory_space<vmem>>, vector<16xi32>,
    %swap3A_162 = vector.shape_cast %swap3A_161 : vector<16xi32> to vector<16xi32>
    %swap3A_163 = vector.shape_cast %add3A_159 : vector<16xi32> to vector<16xi32>
    tpu.vector_store %arg5[%swap3A_160], %swap3A_163 {strides = array<i32>} : memref<640xi32, #tpu.memory_space<vmem>>, vector<16xi32>,
    %get3A_164 = arith.constant 192 : index
    %get3A_165 = tpu.vector_load %arg5[%get3A_164] {strides = array<i32>} : memref<640xi32, #tpu.memory_space<vmem>>, vector<16xi32>,
    %get3A_166 = vector.shape_cast %get3A_165 : vector<16xi32> to vector<16xi32>
    %add3A_167 = vector.broadcast %mul3A_18 : i32 to vector<16xi32>
    %add3A_168 = arith.addi %get3A_166, %add3A_167 : vector<16xi32>
    %swap3A_169 = arith.constant 192 : index
    %swap3A_170 = tpu.vector_load %arg5[%swap3A_169] {strides = array<i32>} : memref<640xi32, #tpu.memory_space<vmem>>, vector<16xi32>,
    %swap3A_171 = vector.shape_cast %swap3A_170 : vector<16xi32> to vector<16xi32>
    %swap3A_172 = vector.shape_cast %add3A_168 : vector<16xi32> to vector<16xi32>
    tpu.vector_store %arg5[%swap3A_169], %swap3A_172 {strides = array<i32>} : memref<640xi32, #tpu.memory_space<vmem>>, vector<16xi32>,
    %get3A_173 = arith.constant 208 : index
    %get3A_174 = tpu.vector_load %arg5[%get3A_173] {strides = array<i32>} : memref<640xi32, #tpu.memory_space<vmem>>, vector<16xi32>,
    %get3A_175 = vector.shape_cast %get3A_174 : vector<16xi32> to vector<16xi32>
    %add3A_176 = vector.broadcast %mul3A_18 : i32 to vector<16xi32>
    %add3A_177 = arith.addi %get3A_175, %add3A_176 : vector<16xi32>
    %swap3A_178 = arith.constant 208 : index
    %swap3A_179 = tpu.vector_load %arg5[%swap3A_178] {strides = array<i32>} : memref<640xi32, #tpu.memory_space<vmem>>, vector<16xi32>,
    %swap3A_180 = vector.shape_cast %swap3A_179 : vector<16xi32> to vector<16xi32>
    %swap3A_181 = vector.shape_cast %add3A_177 : vector<16xi32> to vector<16xi32>
    tpu.vector_store %arg5[%swap3A_178], %swap3A_181 {strides = array<i32>} : memref<640xi32, #tpu.memory_space<vmem>>, vector<16xi32>,
    %get3A_182 = arith.constant 224 : index
    %get3A_183 = tpu.vector_load %arg5[%get3A_182] {strides = array<i32>} : memref<640xi32, #tpu.memory_space<vmem>>, vector<16xi32>,
    %get3A_184 = vector.shape_cast %get3A_183 : vector<16xi32> to vector<16xi32>
    %add3A_185 = vector.broadcast %mul3A_18 : i32 to vector<16xi32>
    %add3A_186 = arith.addi %get3A_184, %add3A_185 : vector<16xi32>
    %swap3A_187 = arith.constant 224 : index
    %swap3A_188 = tpu.vector_load %arg5[%swap3A_187] {strides = array<i32>} : memref<640xi32, #tpu.memory_space<vmem>>, vector<16xi32>,
    %swap3A_189 = vector.shape_cast %swap3A_188 : vector<16xi32> to vector<16xi32>
    %swap3A_190 = vector.shape_cast %add3A_186 : vector<16xi32> to vector<16xi32>
    tpu.vector_store %arg5[%swap3A_187], %swap3A_190 {strides = array<i32>} : memref<640xi32, #tpu.memory_space<vmem>>, vector<16xi32>,
    %get3A_191 = arith.constant 240 : index
    %get3A_192 = tpu.vector_load %arg5[%get3A_191] {strides = array<i32>} : memref<640xi32, #tpu.memory_space<vmem>>, vector<16xi32>,
    %get3A_193 = vector.shape_cast %get3A_192 : vector<16xi32> to vector<16xi32>
    %add3A_194 = vector.broadcast %mul3A_18 : i32 to vector<16xi32>
    %add3A_195 = arith.addi %get3A_193, %add3A_194 : vector<16xi32>
    %swap3A_196 = arith.constant 240 : index
    %swap3A_197 = tpu.vector_load %arg5[%swap3A_196] {strides = array<i32>} : memref<640xi32, #tpu.memory_space<vmem>>, vector<16xi32>,
    %swap3A_198 = vector.shape_cast %swap3A_197 : vector<16xi32> to vector<16xi32>
    %swap3A_199 = vector.shape_cast %add3A_195 : vector<16xi32> to vector<16xi32>
    tpu.vector_store %arg5[%swap3A_196], %swap3A_199 {strides = array<i32>} : memref<640xi32, #tpu.memory_space<vmem>>, vector<16xi32>,
    %get3A_200 = arith.constant 256 : index
    %get3A_201 = tpu.vector_load %arg5[%get3A_200] {strides = array<i32>} : memref<640xi32, #tpu.memory_space<vmem>>, vector<16xi32>,
    %get3A_202 = vector.shape_cast %get3A_201 : vector<16xi32> to vector<16xi32>
    %add3A_203 = vector.broadcast %mul3A_18 : i32 to vector<16xi32>
    %add3A_204 = arith.addi %get3A_202, %add3A_203 : vector<16xi32>
    %swap3A_205 = arith.constant 256 : index
    %swap3A_206 = tpu.vector_load %arg5[%swap3A_205] {strides = array<i32>} : memref<640xi32, #tpu.memory_space<vmem>>, vector<16xi32>,
    %swap3A_207 = vector.shape_cast %swap3A_206 : vector<16xi32> to vector<16xi32>
    %swap3A_208 = vector.shape_cast %add3A_204 : vector<16xi32> to vector<16xi32>
    tpu.vector_store %arg5[%swap3A_205], %swap3A_208 {strides = array<i32>} : memref<640xi32, #tpu.memory_space<vmem>>, vector<16xi32>,
    %get3A_209 = arith.constant 272 : index
    %get3A_210 = tpu.vector_load %arg5[%get3A_209] {strides = array<i32>} : memref<640xi32, #tpu.memory_space<vmem>>, vector<16xi32>,
    %get3A_211 = vector.shape_cast %get3A_210 : vector<16xi32> to vector<16xi32>
    %add3A_212 = vector.broadcast %mul3A_18 : i32 to vector<16xi32>
    %add3A_213 = arith.addi %get3A_211, %add3A_212 : vector<16xi32>
    %swap3A_214 = arith.constant 272 : index
    %swap3A_215 = tpu.vector_load %arg5[%swap3A_214] {strides = array<i32>} : memref<640xi32, #tpu.memory_space<vmem>>, vector<16xi32>,
    %swap3A_216 = vector.shape_cast %swap3A_215 : vector<16xi32> to vector<16xi32>
    %swap3A_217 = vector.shape_cast %add3A_213 : vector<16xi32> to vector<16xi32>
    tpu.vector_store %arg5[%swap3A_214], %swap3A_217 {strides = array<i32>} : memref<640xi32, #tpu.memory_space<vmem>>, vector<16xi32>,
    %get3A_218 = arith.constant 288 : index
    %get3A_219 = tpu.vector_load %arg5[%get3A_218] {strides = array<i32>} : memref<640xi32, #tpu.memory_space<vmem>>, vector<16xi32>,
    %get3A_220 = vector.shape_cast %get3A_219 : vector<16xi32> to vector<16xi32>
    %add3A_221 = vector.broadcast %mul3A_18 : i32 to vector<16xi32>
    %add3A_222 = arith.addi %get3A_220, %add3A_221 : vector<16xi32>
    %swap3A_223 = arith.constant 288 : index
    %swap3A_224 = tpu.vector_load %arg5[%swap3A_223] {strides = array<i32>} : memref<640xi32, #tpu.memory_space<vmem>>, vector<16xi32>,
    %swap3A_225 = vector.shape_cast %swap3A_224 : vector<16xi32> to vector<16xi32>
    %swap3A_226 = vector.shape_cast %add3A_222 : vector<16xi32> to vector<16xi32>
    tpu.vector_store %arg5[%swap3A_223], %swap3A_226 {strides = array<i32>} : memref<640xi32, #tpu.memory_space<vmem>>, vector<16xi32>,
    %get3A_227 = arith.constant 304 : index
    %get3A_228 = tpu.vector_load %arg5[%get3A_227] {strides = array<i32>} : memref<640xi32, #tpu.memory_space<vmem>>, vector<16xi32>,
    %get3A_229 = vector.shape_cast %get3A_228 : vector<16xi32> to vector<16xi32>
    %add3A_230 = vector.broadcast %mul3A_18 : i32 to vector<16xi32>
    %add3A_231 = arith.addi %get3A_229, %add3A_230 : vector<16xi32>
    %swap3A_232 = arith.constant 304 : index
    %swap3A_233 = tpu.vector_load %arg5[%swap3A_232] {strides = array<i32>} : memref<640xi32, #tpu.memory_space<vmem>>, vector<16xi32>,
    %swap3A_234 = vector.shape_cast %swap3A_233 : vector<16xi32> to vector<16xi32>
    %swap3A_235 = vector.shape_cast %add3A_231 : vector<16xi32> to vector<16xi32>
    tpu.vector_store %arg5[%swap3A_232], %swap3A_235 {strides = array<i32>} : memref<640xi32, #tpu.memory_space<vmem>>, vector<16xi32>,
    %dma_start3A_236 = arith.constant 0 : i32
    %dma_start3A_237 = arith.constant 0 : i32
    %dma_start3A_238 = arith.constant 0 : i32
    %dma_start3A_239 = arith.constant 0 : i32
    %dma_start3A_240 = tpu.memref_slice %arg6[%dma_start3A_236, %dma_start3A_238, %dma_start3A_239] : memref<2x320x128xf32, #tpu.memory_space<vmem>> -> memref<1x80x128xf32, #tpu.memory_space<vmem>>
    %dma_start3A_241 = tpu.memref_squeeze %dma_start3A_240 : memref<1x80x128xf32, #tpu.memory_space<vmem>> -> memref<80x128xf32, #tpu.memory_space<vmem>>
    %dma_start3A_242 = arith.constant 0 : i32
    %dma_start3A_243 = tpu.memref_slice %arg5[%dma_start3A_242] : memref<640xi32, #tpu.memory_space<vmem>> -> memref<80xi32, #tpu.memory_space<vmem>>
    %dma_start3A_244 = arith.constant 0 : i32
    %dma_start3A_245 = arith.constant 0 : i32
    %dma_start3A_246 = tpu.memref_slice %arg2[%dma_start3A_244, %dma_start3A_245] : memref<65536x128xf32, #tpu.memory_space<hbm>> -> memref<65536x128xf32, #tpu.memory_space<hbm>>
    %dma_start3A_247 = tpu.memref_slice %arg9[%dma_start3A_237] : memref<2x!tpu.dma_semaphore, #tpu.memory_space<semaphore_mem>> -> memref<1x!tpu.dma_semaphore, #tpu.memory_space<semaphore_mem>>
    %dma_start3A_248 = tpu.memref_squeeze %dma_start3A_247 : memref<1x!tpu.dma_semaphore, #tpu.memory_space<semaphore_mem>> -> memref<!tpu.dma_semaphore, #tpu.memory_space<semaphore_mem>>
    tpu.enqueue_indirect_dma source(%dma_start3A_246 : memref<65536x128xf32, #tpu.memory_space<hbm>>) target(%dma_start3A_241 : memref<80x128xf32, #tpu.memory_space<vmem>>) offsets(%dma_start3A_243 : memref<80xi32, #tpu.memory_space<vmem>>) semaphore(%dma_start3A_248 : memref<!tpu.dma_semaphore, #tpu.memory_space<semaphore_mem>>)
    %dma_start3A_249 = arith.constant 0 : i32
    %dma_start3A_250 = arith.constant 0 : i32
    %dma_start3A_251 = arith.constant 80 : i32
    %dma_start3A_252 = arith.constant 0 : i32
    %dma_start3A_253 = tpu.memref_slice %arg6[%dma_start3A_249, %dma_start3A_251, %dma_start3A_252] : memref<2x320x128xf32, #tpu.memory_space<vmem>> -> memref<1x80x128xf32, #tpu.memory_space<vmem>>
    %dma_start3A_254 = tpu.memref_squeeze %dma_start3A_253 : memref<1x80x128xf32, #tpu.memory_space<vmem>> -> memref<80x128xf32, #tpu.memory_space<vmem>>
    %dma_start3A_255 = arith.constant 80 : i32
    %dma_start3A_256 = tpu.memref_slice %arg5[%dma_start3A_255] : memref<640xi32, #tpu.memory_space<vmem>> -> memref<80xi32, #tpu.memory_space<vmem>>
    %dma_start3A_257 = arith.constant 0 : i32
    %dma_start3A_258 = arith.constant 0 : i32
    %dma_start3A_259 = tpu.memref_slice %arg2[%dma_start3A_257, %dma_start3A_258] : memref<65536x128xf32, #tpu.memory_space<hbm>> -> memref<65536x128xf32, #tpu.memory_space<hbm>>
    %dma_start3A_260 = tpu.memref_slice %arg9[%dma_start3A_250] : memref<2x!tpu.dma_semaphore, #tpu.memory_space<semaphore_mem>> -> memref<1x!tpu.dma_semaphore, #tpu.memory_space<semaphore_mem>>
    %dma_start3A_261 = tpu.memref_squeeze %dma_start3A_260 : memref<1x!tpu.dma_semaphore, #tpu.memory_space<semaphore_mem>> -> memref<!tpu.dma_semaphore, #tpu.memory_space<semaphore_mem>>
    tpu.enqueue_indirect_dma source(%dma_start3A_259 : memref<65536x128xf32, #tpu.memory_space<hbm>>) target(%dma_start3A_254 : memref<80x128xf32, #tpu.memory_space<vmem>>) offsets(%dma_start3A_256 : memref<80xi32, #tpu.memory_space<vmem>>) semaphore(%dma_start3A_261 : memref<!tpu.dma_semaphore, #tpu.memory_space<semaphore_mem>>)
    %dma_start3A_262 = arith.constant 0 : i32
    %dma_start3A_263 = arith.constant 0 : i32
    %dma_start3A_264 = arith.constant 160 : i32
    %dma_start3A_265 = arith.constant 0 : i32
    %dma_start3A_266 = tpu.memref_slice %arg6[%dma_start3A_262, %dma_start3A_264, %dma_start3A_265] : memref<2x320x128xf32, #tpu.memory_space<vmem>> -> memref<1x80x128xf32, #tpu.memory_space<vmem>>
    %dma_start3A_267 = tpu.memref_squeeze %dma_start3A_266 : memref<1x80x128xf32, #tpu.memory_space<vmem>> -> memref<80x128xf32, #tpu.memory_space<vmem>>
    %dma_start3A_268 = arith.constant 160 : i32
    %dma_start3A_269 = tpu.memref_slice %arg5[%dma_start3A_268] : memref<640xi32, #tpu.memory_space<vmem>> -> memref<80xi32, #tpu.memory_space<vmem>>
    %dma_start3A_270 = arith.constant 0 : i32
    %dma_start3A_271 = arith.constant 0 : i32
    %dma_start3A_272 = tpu.memref_slice %arg2[%dma_start3A_270, %dma_start3A_271] : memref<65536x128xf32, #tpu.memory_space<hbm>> -> memref<65536x128xf32, #tpu.memory_space<hbm>>
    %dma_start3A_273 = tpu.memref_slice %arg9[%dma_start3A_263] : memref<2x!tpu.dma_semaphore, #tpu.memory_space<semaphore_mem>> -> memref<1x!tpu.dma_semaphore, #tpu.memory_space<semaphore_mem>>
    %dma_start3A_274 = tpu.memref_squeeze %dma_start3A_273 : memref<1x!tpu.dma_semaphore, #tpu.memory_space<semaphore_mem>> -> memref<!tpu.dma_semaphore, #tpu.memory_space<semaphore_mem>>
    tpu.enqueue_indirect_dma source(%dma_start3A_272 : memref<65536x128xf32, #tpu.memory_space<hbm>>) target(%dma_start3A_267 : memref<80x128xf32, #tpu.memory_space<vmem>>) offsets(%dma_start3A_269 : memref<80xi32, #tpu.memory_space<vmem>>) semaphore(%dma_start3A_274 : memref<!tpu.dma_semaphore, #tpu.memory_space<semaphore_mem>>)
    %dma_start3A_275 = arith.constant 0 : i32
    %dma_start3A_276 = arith.constant 0 : i32
    %dma_start3A_277 = arith.constant 240 : i32
    %dma_start3A_278 = arith.constant 0 : i32
    %dma_start3A_279 = tpu.memref_slice %arg6[%dma_start3A_275, %dma_start3A_277, %dma_start3A_278] : memref<2x320x128xf32, #tpu.memory_space<vmem>> -> memref<1x80x128xf32, #tpu.memory_space<vmem>>
    %dma_start3A_280 = tpu.memref_squeeze %dma_start3A_279 : memref<1x80x128xf32, #tpu.memory_space<vmem>> -> memref<80x128xf32, #tpu.memory_space<vmem>>
    %dma_start3A_281 = arith.constant 240 : i32
    %dma_start3A_282 = tpu.memref_slice %arg5[%dma_start3A_281] : memref<640xi32, #tpu.memory_space<vmem>> -> memref<80xi32, #tpu.memory_space<vmem>>
    %dma_start3A_283 = arith.constant 0 : i32
    %dma_start3A_284 = arith.constant 0 : i32
    %dma_start3A_285 = tpu.memref_slice %arg2[%dma_start3A_283, %dma_start3A_284] : memref<65536x128xf32, #tpu.memory_space<hbm>> -> memref<65536x128xf32, #tpu.memory_space<hbm>>
    %dma_start3A_286 = tpu.memref_slice %arg9[%dma_start3A_276] : memref<2x!tpu.dma_semaphore, #tpu.memory_space<semaphore_mem>> -> memref<1x!tpu.dma_semaphore, #tpu.memory_space<semaphore_mem>>
    %dma_start3A_287 = tpu.memref_squeeze %dma_start3A_286 : memref<1x!tpu.dma_semaphore, #tpu.memory_space<semaphore_mem>> -> memref<!tpu.dma_semaphore, #tpu.memory_space<semaphore_mem>>
    tpu.enqueue_indirect_dma source(%dma_start3A_285 : memref<65536x128xf32, #tpu.memory_space<hbm>>) target(%dma_start3A_280 : memref<80x128xf32, #tpu.memory_space<vmem>>) offsets(%dma_start3A_282 : memref<80xi32, #tpu.memory_space<vmem>>) semaphore(%dma_start3A_287 : memref<!tpu.dma_semaphore, #tpu.memory_space<semaphore_mem>>)
    %scan3A = arith.constant 0 : i32
    %scan3A_288 = arith.constant 0 : i32
    %scan3A_289 = arith.constant 64 : i32
    %scan3A_290 = arith.addi %scan3A_288, %scan3A_289 : i32
    %scan3A_291 = arith.constant 1 : i32
    scf.for %scan3A_329 = %scan3A_288 to %scan3A_290 step %scan3A_291  : i32 {
      %mul3A_330 = arith.constant 2 : i32
      %mul3A_331 = arith.muli %mul3A_330, %scan3A_329 : i32
      %add3A_332 = arith.constant 1 : i32
      %add3A_333 = arith.addi %mul3A_331, %add3A_332 : i32
      %min3A = arith.constant 127 : i32
      %min3A_334 = arith.minsi %add3A_333, %min3A : i32
      %add3A_335 = arith.constant 2 : i32
      %add3A_336 = arith.addi %mul3A_331, %add3A_335 : i32
      %min3A_337 = arith.constant 127 : i32
      %min3A_338 = arith.minsi %add3A_336, %min3A_337 : i32
      %mul3A_339 = arith.constant 16 : i32
      %mul3A_340 = arith.muli %min3A_334, %mul3A_339 : i32
      %add3A_341 = arith.addi %mul3A_20, %mul3A_340 : i32
      %mul3A_342 = arith.constant 20 : i32
      %mul3A_343 = arith.muli %add3A_341, %mul3A_342 : i32
      %dma_wait3A_344 = arith.constant 1 : i32
      %dma_wait3A_345 = arith.constant 320 : i32
      %dma_wait3A_346 = tpu.memref_slice %arg5[%dma_wait3A_345] : memref<640xi32, #tpu.memory_space<vmem>> -> memref<320xi32, #tpu.memory_space<vmem>>
      %dma_wait3A_347 = tpu.memref_slice %arg3[%mul3A_343] : memref<1310720xi32, #tpu.memory_space<hbm>> -> memref<320xi32, #tpu.memory_space<hbm>>
      %dma_wait3A_348 = tpu.memref_slice %arg8[%dma_wait3A_344] : memref<2x!tpu.dma_semaphore, #tpu.memory_space<semaphore_mem>> -> memref<1x!tpu.dma_semaphore, #tpu.memory_space<semaphore_mem>>
      %dma_wait3A_349 = tpu.memref_squeeze %dma_wait3A_348 : memref<1x!tpu.dma_semaphore, #tpu.memory_space<semaphore_mem>> -> memref<!tpu.dma_semaphore, #tpu.memory_space<semaphore_mem>>
      %dma_wait3A_350 = arith.constant 320 : i32
      %dma_wait3A_351 = tpu.memref_slice %arg5[%dma_wait3A_350] : memref<640xi32, #tpu.memory_space<vmem>> -> memref<320xi32, #tpu.memory_space<vmem>>
      %dma_wait3A_352 = tpu.memref_slice %arg3[%mul3A_343] : memref<1310720xi32, #tpu.memory_space<hbm>> -> memref<320xi32, #tpu.memory_space<hbm>>
      tpu.wait_dma2 semaphore(%dma_wait3A_349 : memref<!tpu.dma_semaphore, #tpu.memory_space<semaphore_mem>>) src(%dma_wait3A_352 : memref<320xi32, #tpu.memory_space<hbm>>) dst(%dma_wait3A_351 : memref<320xi32, #tpu.memory_space<vmem>>)
      %get3A_353 = arith.constant 320 : index
      %get3A_354 = tpu.vector_load %arg5[%get3A_353] {strides = array<i32>} : memref<640xi32, #tpu.memory_space<vmem>>, vector<16xi32>,
      %get3A_355 = vector.shape_cast %get3A_354 : vector<16xi32> to vector<16xi32>
      %add3A_356 = vector.broadcast %mul3A_18 : i32 to vector<16xi32>
      %add3A_357 = arith.addi %get3A_355, %add3A_356 : vector<16xi32>
      %swap3A_358 = arith.constant 320 : index
      %swap3A_359 = tpu.vector_load %arg5[%swap3A_358] {strides = array<i32>} : memref<640xi32, #tpu.memory_space<vmem>>, vector<16xi32>,
      %swap3A_360 = vector.shape_cast %swap3A_359 : vector<16xi32> to vector<16xi32>
      %swap3A_361 = vector.shape_cast %add3A_357 : vector<16xi32> to vector<16xi32>
      tpu.vector_store %arg5[%swap3A_358], %swap3A_361 {strides = array<i32>} : memref<640xi32, #tpu.memory_space<vmem>>, vector<16xi32>,
      %get3A_362 = arith.constant 336 : index
      %get3A_363 = tpu.vector_load %arg5[%get3A_362] {strides = array<i32>} : memref<640xi32, #tpu.memory_space<vmem>>, vector<16xi32>,
      %get3A_364 = vector.shape_cast %get3A_363 : vector<16xi32> to vector<16xi32>
      %add3A_365 = vector.broadcast %mul3A_18 : i32 to vector<16xi32>
      %add3A_366 = arith.addi %get3A_364, %add3A_365 : vector<16xi32>
      %swap3A_367 = arith.constant 336 : index
      %swap3A_368 = tpu.vector_load %arg5[%swap3A_367] {strides = array<i32>} : memref<640xi32, #tpu.memory_space<vmem>>, vector<16xi32>,
      %swap3A_369 = vector.shape_cast %swap3A_368 : vector<16xi32> to vector<16xi32>
      %swap3A_370 = vector.shape_cast %add3A_366 : vector<16xi32> to vector<16xi32>
      tpu.vector_store %arg5[%swap3A_367], %swap3A_370 {strides = array<i32>} : memref<640xi32, #tpu.memory_space<vmem>>, vector<16xi32>,
      %get3A_371 = arith.constant 352 : index
      %get3A_372 = tpu.vector_load %arg5[%get3A_371] {strides = array<i32>} : memref<640xi32, #tpu.memory_space<vmem>>, vector<16xi32>,
      %get3A_373 = vector.shape_cast %get3A_372 : vector<16xi32> to vector<16xi32>
      %add3A_374 = vector.broadcast %mul3A_18 : i32 to vector<16xi32>
      %add3A_375 = arith.addi %get3A_373, %add3A_374 : vector<16xi32>
      %swap3A_376 = arith.constant 352 : index
      %swap3A_377 = tpu.vector_load %arg5[%swap3A_376] {strides = array<i32>} : memref<640xi32, #tpu.memory_space<vmem>>, vector<16xi32>,
      %swap3A_378 = vector.shape_cast %swap3A_377 : vector<16xi32> to vector<16xi32>
      %swap3A_379 = vector.shape_cast %add3A_375 : vector<16xi32> to vector<16xi32>
      tpu.vector_store %arg5[%swap3A_376], %swap3A_379 {strides = array<i32>} : memref<640xi32, #tpu.memory_space<vmem>>, vector<16xi32>,
      %get3A_380 = arith.constant 368 : index
      %get3A_381 = tpu.vector_load %arg5[%get3A_380] {strides = array<i32>} : memref<640xi32, #tpu.memory_space<vmem>>, vector<16xi32>,
      %get3A_382 = vector.shape_cast %get3A_381 : vector<16xi32> to vector<16xi32>
      %add3A_383 = vector.broadcast %mul3A_18 : i32 to vector<16xi32>
      %add3A_384 = arith.addi %get3A_382, %add3A_383 : vector<16xi32>
      %swap3A_385 = arith.constant 368 : index
      %swap3A_386 = tpu.vector_load %arg5[%swap3A_385] {strides = array<i32>} : memref<640xi32, #tpu.memory_space<vmem>>, vector<16xi32>,
      %swap3A_387 = vector.shape_cast %swap3A_386 : vector<16xi32> to vector<16xi32>
      %swap3A_388 = vector.shape_cast %add3A_384 : vector<16xi32> to vector<16xi32>
      tpu.vector_store %arg5[%swap3A_385], %swap3A_388 {strides = array<i32>} : memref<640xi32, #tpu.memory_space<vmem>>, vector<16xi32>,
      %get3A_389 = arith.constant 384 : index
      %get3A_390 = tpu.vector_load %arg5[%get3A_389] {strides = array<i32>} : memref<640xi32, #tpu.memory_space<vmem>>, vector<16xi32>,
      %get3A_391 = vector.shape_cast %get3A_390 : vector<16xi32> to vector<16xi32>
      %add3A_392 = vector.broadcast %mul3A_18 : i32 to vector<16xi32>
      %add3A_393 = arith.addi %get3A_391, %add3A_392 : vector<16xi32>
      %swap3A_394 = arith.constant 384 : index
      %swap3A_395 = tpu.vector_load %arg5[%swap3A_394] {strides = array<i32>} : memref<640xi32, #tpu.memory_space<vmem>>, vector<16xi32>,
      %swap3A_396 = vector.shape_cast %swap3A_395 : vector<16xi32> to vector<16xi32>
      %swap3A_397 = vector.shape_cast %add3A_393 : vector<16xi32> to vector<16xi32>
      tpu.vector_store %arg5[%swap3A_394], %swap3A_397 {strides = array<i32>} : memref<640xi32, #tpu.memory_space<vmem>>, vector<16xi32>,
      %get3A_398 = arith.constant 400 : index
      %get3A_399 = tpu.vector_load %arg5[%get3A_398] {strides = array<i32>} : memref<640xi32, #tpu.memory_space<vmem>>, vector<16xi32>,
      %get3A_400 = vector.shape_cast %get3A_399 : vector<16xi32> to vector<16xi32>
      %add3A_401 = vector.broadcast %mul3A_18 : i32 to vector<16xi32>
      %add3A_402 = arith.addi %get3A_400, %add3A_401 : vector<16xi32>
      %swap3A_403 = arith.constant 400 : index
      %swap3A_404 = tpu.vector_load %arg5[%swap3A_403] {strides = array<i32>} : memref<640xi32, #tpu.memory_space<vmem>>, vector<16xi32>,
      %swap3A_405 = vector.shape_cast %swap3A_404 : vector<16xi32> to vector<16xi32>
      %swap3A_406 = vector.shape_cast %add3A_402 : vector<16xi32> to vector<16xi32>
      tpu.vector_store %arg5[%swap3A_403], %swap3A_406 {strides = array<i32>} : memref<640xi32, #tpu.memory_space<vmem>>, vector<16xi32>,
      %get3A_407 = arith.constant 416 : index
      %get3A_408 = tpu.vector_load %arg5[%get3A_407] {strides = array<i32>} : memref<640xi32, #tpu.memory_space<vmem>>, vector<16xi32>,
      %get3A_409 = vector.shape_cast %get3A_408 : vector<16xi32> to vector<16xi32>
      %add3A_410 = vector.broadcast %mul3A_18 : i32 to vector<16xi32>
      %add3A_411 = arith.addi %get3A_409, %add3A_410 : vector<16xi32>
      %swap3A_412 = arith.constant 416 : index
      %swap3A_413 = tpu.vector_load %arg5[%swap3A_412] {strides = array<i32>} : memref<640xi32, #tpu.memory_space<vmem>>, vector<16xi32>,
      %swap3A_414 = vector.shape_cast %swap3A_413 : vector<16xi32> to vector<16xi32>
      %swap3A_415 = vector.shape_cast %add3A_411 : vector<16xi32> to vector<16xi32>
      tpu.vector_store %arg5[%swap3A_412], %swap3A_415 {strides = array<i32>} : memref<640xi32, #tpu.memory_space<vmem>>, vector<16xi32>,
      %get3A_416 = arith.constant 432 : index
      %get3A_417 = tpu.vector_load %arg5[%get3A_416] {strides = array<i32>} : memref<640xi32, #tpu.memory_space<vmem>>, vector<16xi32>,
      %get3A_418 = vector.shape_cast %get3A_417 : vector<16xi32> to vector<16xi32>
      %add3A_419 = vector.broadcast %mul3A_18 : i32 to vector<16xi32>
      %add3A_420 = arith.addi %get3A_418, %add3A_419 : vector<16xi32>
      %swap3A_421 = arith.constant 432 : index
      %swap3A_422 = tpu.vector_load %arg5[%swap3A_421] {strides = array<i32>} : memref<640xi32, #tpu.memory_space<vmem>>, vector<16xi32>,
      %swap3A_423 = vector.shape_cast %swap3A_422 : vector<16xi32> to vector<16xi32>
      %swap3A_424 = vector.shape_cast %add3A_420 : vector<16xi32> to vector<16xi32>
      tpu.vector_store %arg5[%swap3A_421], %swap3A_424 {strides = array<i32>} : memref<640xi32, #tpu.memory_space<vmem>>, vector<16xi32>,
      %get3A_425 = arith.constant 448 : index
      %get3A_426 = tpu.vector_load %arg5[%get3A_425] {strides = array<i32>} : memref<640xi32, #tpu.memory_space<vmem>>, vector<16xi32>,
      %get3A_427 = vector.shape_cast %get3A_426 : vector<16xi32> to vector<16xi32>
      %add3A_428 = vector.broadcast %mul3A_18 : i32 to vector<16xi32>
      %add3A_429 = arith.addi %get3A_427, %add3A_428 : vector<16xi32>
      %swap3A_430 = arith.constant 448 : index
      %swap3A_431 = tpu.vector_load %arg5[%swap3A_430] {strides = array<i32>} : memref<640xi32, #tpu.memory_space<vmem>>, vector<16xi32>,
      %swap3A_432 = vector.shape_cast %swap3A_431 : vector<16xi32> to vector<16xi32>
      %swap3A_433 = vector.shape_cast %add3A_429 : vector<16xi32> to vector<16xi32>
      tpu.vector_store %arg5[%swap3A_430], %swap3A_433 {strides = array<i32>} : memref<640xi32, #tpu.memory_space<vmem>>, vector<16xi32>,
      %get3A_434 = arith.constant 464 : index
      %get3A_435 = tpu.vector_load %arg5[%get3A_434] {strides = array<i32>} : memref<640xi32, #tpu.memory_space<vmem>>, vector<16xi32>,
      %get3A_436 = vector.shape_cast %get3A_435 : vector<16xi32> to vector<16xi32>
      %add3A_437 = vector.broadcast %mul3A_18 : i32 to vector<16xi32>
      %add3A_438 = arith.addi %get3A_436, %add3A_437 : vector<16xi32>
      %swap3A_439 = arith.constant 464 : index
      %swap3A_440 = tpu.vector_load %arg5[%swap3A_439] {strides = array<i32>} : memref<640xi32, #tpu.memory_space<vmem>>, vector<16xi32>,
      %swap3A_441 = vector.shape_cast %swap3A_440 : vector<16xi32> to vector<16xi32>
      %swap3A_442 = vector.shape_cast %add3A_438 : vector<16xi32> to vector<16xi32>
      tpu.vector_store %arg5[%swap3A_439], %swap3A_442 {strides = array<i32>} : memref<640xi32, #tpu.memory_space<vmem>>, vector<16xi32>,
      %get3A_443 = arith.constant 480 : index
      %get3A_444 = tpu.vector_load %arg5[%get3A_443] {strides = array<i32>} : memref<640xi32, #tpu.memory_space<vmem>>, vector<16xi32>,
      %get3A_445 = vector.shape_cast %get3A_444 : vector<16xi32> to vector<16xi32>
      %add3A_446 = vector.broadcast %mul3A_18 : i32 to vector<16xi32>
      %add3A_447 = arith.addi %get3A_445, %add3A_446 : vector<16xi32>
      %swap3A_448 = arith.constant 480 : index
      %swap3A_449 = tpu.vector_load %arg5[%swap3A_448] {strides = array<i32>} : memref<640xi32, #tpu.memory_space<vmem>>, vector<16xi32>,
      %swap3A_450 = vector.shape_cast %swap3A_449 : vector<16xi32> to vector<16xi32>
      %swap3A_451 = vector.shape_cast %add3A_447 : vector<16xi32> to vector<16xi32>
      tpu.vector_store %arg5[%swap3A_448], %swap3A_451 {strides = array<i32>} : memref<640xi32, #tpu.memory_space<vmem>>, vector<16xi32>,
      %get3A_452 = arith.constant 496 : index
      %get3A_453 = tpu.vector_load %arg5[%get3A_452] {strides = array<i32>} : memref<640xi32, #tpu.memory_space<vmem>>, vector<16xi32>,
      %get3A_454 = vector.shape_cast %get3A_453 : vector<16xi32> to vector<16xi32>
      %add3A_455 = vector.broadcast %mul3A_18 : i32 to vector<16xi32>
      %add3A_456 = arith.addi %get3A_454, %add3A_455 : vector<16xi32>
      %swap3A_457 = arith.constant 496 : index
      %swap3A_458 = tpu.vector_load %arg5[%swap3A_457] {strides = array<i32>} : memref<640xi32, #tpu.memory_space<vmem>>, vector<16xi32>,
      %swap3A_459 = vector.shape_cast %swap3A_458 : vector<16xi32> to vector<16xi32>
      %swap3A_460 = vector.shape_cast %add3A_456 : vector<16xi32> to vector<16xi32>
      tpu.vector_store %arg5[%swap3A_457], %swap3A_460 {strides = array<i32>} : memref<640xi32, #tpu.memory_space<vmem>>, vector<16xi32>,
      %get3A_461 = arith.constant 512 : index
      %get3A_462 = tpu.vector_load %arg5[%get3A_461] {strides = array<i32>} : memref<640xi32, #tpu.memory_space<vmem>>, vector<16xi32>,
      %get3A_463 = vector.shape_cast %get3A_462 : vector<16xi32> to vector<16xi32>
      %add3A_464 = vector.broadcast %mul3A_18 : i32 to vector<16xi32>
      %add3A_465 = arith.addi %get3A_463, %add3A_464 : vector<16xi32>
      %swap3A_466 = arith.constant 512 : index
      %swap3A_467 = tpu.vector_load %arg5[%swap3A_466] {strides = array<i32>} : memref<640xi32, #tpu.memory_space<vmem>>, vector<16xi32>,
      %swap3A_468 = vector.shape_cast %swap3A_467 : vector<16xi32> to vector<16xi32>
      %swap3A_469 = vector.shape_cast %add3A_465 : vector<16xi32> to vector<16xi32>
      tpu.vector_store %arg5[%swap3A_466], %swap3A_469 {strides = array<i32>} : memref<640xi32, #tpu.memory_space<vmem>>, vector<16xi32>,
      %get3A_470 = arith.constant 528 : index
      %get3A_471 = tpu.vector_load %arg5[%get3A_470] {strides = array<i32>} : memref<640xi32, #tpu.memory_space<vmem>>, vector<16xi32>,
      %get3A_472 = vector.shape_cast %get3A_471 : vector<16xi32> to vector<16xi32>
      %add3A_473 = vector.broadcast %mul3A_18 : i32 to vector<16xi32>
      %add3A_474 = arith.addi %get3A_472, %add3A_473 : vector<16xi32>
      %swap3A_475 = arith.constant 528 : index
      %swap3A_476 = tpu.vector_load %arg5[%swap3A_475] {strides = array<i32>} : memref<640xi32, #tpu.memory_space<vmem>>, vector<16xi32>,
      %swap3A_477 = vector.shape_cast %swap3A_476 : vector<16xi32> to vector<16xi32>
      %swap3A_478 = vector.shape_cast %add3A_474 : vector<16xi32> to vector<16xi32>
      tpu.vector_store %arg5[%swap3A_475], %swap3A_478 {strides = array<i32>} : memref<640xi32, #tpu.memory_space<vmem>>, vector<16xi32>,
      %get3A_479 = arith.constant 544 : index
      %get3A_480 = tpu.vector_load %arg5[%get3A_479] {strides = array<i32>} : memref<640xi32, #tpu.memory_space<vmem>>, vector<16xi32>,
      %get3A_481 = vector.shape_cast %get3A_480 : vector<16xi32> to vector<16xi32>
      %add3A_482 = vector.broadcast %mul3A_18 : i32 to vector<16xi32>
      %add3A_483 = arith.addi %get3A_481, %add3A_482 : vector<16xi32>
      %swap3A_484 = arith.constant 544 : index
      %swap3A_485 = tpu.vector_load %arg5[%swap3A_484] {strides = array<i32>} : memref<640xi32, #tpu.memory_space<vmem>>, vector<16xi32>,
      %swap3A_486 = vector.shape_cast %swap3A_485 : vector<16xi32> to vector<16xi32>
      %swap3A_487 = vector.shape_cast %add3A_483 : vector<16xi32> to vector<16xi32>
      tpu.vector_store %arg5[%swap3A_484], %swap3A_487 {strides = array<i32>} : memref<640xi32, #tpu.memory_space<vmem>>, vector<16xi32>,
      %get3A_488 = arith.constant 560 : index
      %get3A_489 = tpu.vector_load %arg5[%get3A_488] {strides = array<i32>} : memref<640xi32, #tpu.memory_space<vmem>>, vector<16xi32>,
      %get3A_490 = vector.shape_cast %get3A_489 : vector<16xi32> to vector<16xi32>
      %add3A_491 = vector.broadcast %mul3A_18 : i32 to vector<16xi32>
      %add3A_492 = arith.addi %get3A_490, %add3A_491 : vector<16xi32>
      %swap3A_493 = arith.constant 560 : index
      %swap3A_494 = tpu.vector_load %arg5[%swap3A_493] {strides = array<i32>} : memref<640xi32, #tpu.memory_space<vmem>>, vector<16xi32>,
      %swap3A_495 = vector.shape_cast %swap3A_494 : vector<16xi32> to vector<16xi32>
      %swap3A_496 = vector.shape_cast %add3A_492 : vector<16xi32> to vector<16xi32>
      tpu.vector_store %arg5[%swap3A_493], %swap3A_496 {strides = array<i32>} : memref<640xi32, #tpu.memory_space<vmem>>, vector<16xi32>,
      %get3A_497 = arith.constant 576 : index
      %get3A_498 = tpu.vector_load %arg5[%get3A_497] {strides = array<i32>} : memref<640xi32, #tpu.memory_space<vmem>>, vector<16xi32>,
      %get3A_499 = vector.shape_cast %get3A_498 : vector<16xi32> to vector<16xi32>
      %add3A_500 = vector.broadcast %mul3A_18 : i32 to vector<16xi32>
      %add3A_501 = arith.addi %get3A_499, %add3A_500 : vector<16xi32>
      %swap3A_502 = arith.constant 576 : index
      %swap3A_503 = tpu.vector_load %arg5[%swap3A_502] {strides = array<i32>} : memref<640xi32, #tpu.memory_space<vmem>>, vector<16xi32>,
      %swap3A_504 = vector.shape_cast %swap3A_503 : vector<16xi32> to vector<16xi32>
      %swap3A_505 = vector.shape_cast %add3A_501 : vector<16xi32> to vector<16xi32>
      tpu.vector_store %arg5[%swap3A_502], %swap3A_505 {strides = array<i32>} : memref<640xi32, #tpu.memory_space<vmem>>, vector<16xi32>,
      %get3A_506 = arith.constant 592 : index
      %get3A_507 = tpu.vector_load %arg5[%get3A_506] {strides = array<i32>} : memref<640xi32, #tpu.memory_space<vmem>>, vector<16xi32>,
      %get3A_508 = vector.shape_cast %get3A_507 : vector<16xi32> to vector<16xi32>
      %add3A_509 = vector.broadcast %mul3A_18 : i32 to vector<16xi32>
      %add3A_510 = arith.addi %get3A_508, %add3A_509 : vector<16xi32>
      %swap3A_511 = arith.constant 592 : index
      %swap3A_512 = tpu.vector_load %arg5[%swap3A_511] {strides = array<i32>} : memref<640xi32, #tpu.memory_space<vmem>>, vector<16xi32>,
      %swap3A_513 = vector.shape_cast %swap3A_512 : vector<16xi32> to vector<16xi32>
      %swap3A_514 = vector.shape_cast %add3A_510 : vector<16xi32> to vector<16xi32>
      tpu.vector_store %arg5[%swap3A_511], %swap3A_514 {strides = array<i32>} : memref<640xi32, #tpu.memory_space<vmem>>, vector<16xi32>,
      %get3A_515 = arith.constant 608 : index
      %get3A_516 = tpu.vector_load %arg5[%get3A_515] {strides = array<i32>} : memref<640xi32, #tpu.memory_space<vmem>>, vector<16xi32>,
      %get3A_517 = vector.shape_cast %get3A_516 : vector<16xi32> to vector<16xi32>
      %add3A_518 = vector.broadcast %mul3A_18 : i32 to vector<16xi32>
      %add3A_519 = arith.addi %get3A_517, %add3A_518 : vector<16xi32>
      %swap3A_520 = arith.constant 608 : index
      %swap3A_521 = tpu.vector_load %arg5[%swap3A_520] {strides = array<i32>} : memref<640xi32, #tpu.memory_space<vmem>>, vector<16xi32>,
      %swap3A_522 = vector.shape_cast %swap3A_521 : vector<16xi32> to vector<16xi32>
      %swap3A_523 = vector.shape_cast %add3A_519 : vector<16xi32> to vector<16xi32>
      tpu.vector_store %arg5[%swap3A_520], %swap3A_523 {strides = array<i32>} : memref<640xi32, #tpu.memory_space<vmem>>, vector<16xi32>,
      %get3A_524 = arith.constant 624 : index
      %get3A_525 = tpu.vector_load %arg5[%get3A_524] {strides = array<i32>} : memref<640xi32, #tpu.memory_space<vmem>>, vector<16xi32>,
      %get3A_526 = vector.shape_cast %get3A_525 : vector<16xi32> to vector<16xi32>
      %add3A_527 = vector.broadcast %mul3A_18 : i32 to vector<16xi32>
      %add3A_528 = arith.addi %get3A_526, %add3A_527 : vector<16xi32>
      %swap3A_529 = arith.constant 624 : index
      %swap3A_530 = tpu.vector_load %arg5[%swap3A_529] {strides = array<i32>} : memref<640xi32, #tpu.memory_space<vmem>>, vector<16xi32>,
      %swap3A_531 = vector.shape_cast %swap3A_530 : vector<16xi32> to vector<16xi32>
      %swap3A_532 = vector.shape_cast %add3A_528 : vector<16xi32> to vector<16xi32>
      tpu.vector_store %arg5[%swap3A_529], %swap3A_532 {strides = array<i32>} : memref<640xi32, #tpu.memory_space<vmem>>, vector<16xi32>,
      %dma_start3A_533 = arith.constant 1 : i32
      %dma_start3A_534 = arith.constant 1 : i32
      %dma_start3A_535 = arith.constant 0 : i32
      %dma_start3A_536 = arith.constant 0 : i32
      %dma_start3A_537 = tpu.memref_slice %arg6[%dma_start3A_533, %dma_start3A_535, %dma_start3A_536] : memref<2x320x128xf32, #tpu.memory_space<vmem>> -> memref<1x80x128xf32, #tpu.memory_space<vmem>>
      %dma_start3A_538 = tpu.memref_squeeze %dma_start3A_537 : memref<1x80x128xf32, #tpu.memory_space<vmem>> -> memref<80x128xf32, #tpu.memory_space<vmem>>
      %dma_start3A_539 = arith.constant 320 : i32
      %dma_start3A_540 = tpu.memref_slice %arg5[%dma_start3A_539] : memref<640xi32, #tpu.memory_space<vmem>> -> memref<80xi32, #tpu.memory_space<vmem>>
      %dma_start3A_541 = arith.constant 0 : i32
      %dma_start3A_542 = arith.constant 0 : i32
      %dma_start3A_543 = tpu.memref_slice %arg2[%dma_start3A_541, %dma_start3A_542] : memref<65536x128xf32, #tpu.memory_space<hbm>> -> memref<65536x128xf32, #tpu.memory_space<hbm>>
      %dma_start3A_544 = tpu.memref_slice %arg9[%dma_start3A_534] : memref<2x!tpu.dma_semaphore, #tpu.memory_space<semaphore_mem>> -> memref<1x!tpu.dma_semaphore, #tpu.memory_space<semaphore_mem>>
      %dma_start3A_545 = tpu.memref_squeeze %dma_start3A_544 : memref<1x!tpu.dma_semaphore, #tpu.memory_space<semaphore_mem>> -> memref<!tpu.dma_semaphore, #tpu.memory_space<semaphore_mem>>
      tpu.enqueue_indirect_dma source(%dma_start3A_543 : memref<65536x128xf32, #tpu.memory_space<hbm>>) target(%dma_start3A_538 : memref<80x128xf32, #tpu.memory_space<vmem>>) offsets(%dma_start3A_540 : memref<80xi32, #tpu.memory_space<vmem>>) semaphore(%dma_start3A_545 : memref<!tpu.dma_semaphore, #tpu.memory_space<semaphore_mem>>)
      %dma_start3A_546 = arith.constant 1 : i32
      %dma_start3A_547 = arith.constant 1 : i32
      %dma_start3A_548 = arith.constant 80 : i32
      %dma_start3A_549 = arith.constant 0 : i32
      %dma_start3A_550 = tpu.memref_slice %arg6[%dma_start3A_546, %dma_start3A_548, %dma_start3A_549] : memref<2x320x128xf32, #tpu.memory_space<vmem>> -> memref<1x80x128xf32, #tpu.memory_space<vmem>>
      %dma_start3A_551 = tpu.memref_squeeze %dma_start3A_550 : memref<1x80x128xf32, #tpu.memory_space<vmem>> -> memref<80x128xf32, #tpu.memory_space<vmem>>
      %dma_start3A_552 = arith.constant 400 : i32
      %dma_start3A_553 = tpu.memref_slice %arg5[%dma_start3A_552] : memref<640xi32, #tpu.memory_space<vmem>> -> memref<80xi32, #tpu.memory_space<vmem>>
      %dma_start3A_554 = arith.constant 0 : i32
      %dma_start3A_555 = arith.constant 0 : i32
      %dma_start3A_556 = tpu.memref_slice %arg2[%dma_start3A_554, %dma_start3A_555] : memref<65536x128xf32, #tpu.memory_space<hbm>> -> memref<65536x128xf32, #tpu.memory_space<hbm>>
      %dma_start3A_557 = tpu.memref_slice %arg9[%dma_start3A_547] : memref<2x!tpu.dma_semaphore, #tpu.memory_space<semaphore_mem>> -> memref<1x!tpu.dma_semaphore, #tpu.memory_space<semaphore_mem>>
      %dma_start3A_558 = tpu.memref_squeeze %dma_start3A_557 : memref<1x!tpu.dma_semaphore, #tpu.memory_space<semaphore_mem>> -> memref<!tpu.dma_semaphore, #tpu.memory_space<semaphore_mem>>
      tpu.enqueue_indirect_dma source(%dma_start3A_556 : memref<65536x128xf32, #tpu.memory_space<hbm>>) target(%dma_start3A_551 : memref<80x128xf32, #tpu.memory_space<vmem>>) offsets(%dma_start3A_553 : memref<80xi32, #tpu.memory_space<vmem>>) semaphore(%dma_start3A_558 : memref<!tpu.dma_semaphore, #tpu.memory_space<semaphore_mem>>)
      %dma_start3A_559 = arith.constant 1 : i32
      %dma_start3A_560 = arith.constant 1 : i32
      %dma_start3A_561 = arith.constant 160 : i32
      %dma_start3A_562 = arith.constant 0 : i32
      %dma_start3A_563 = tpu.memref_slice %arg6[%dma_start3A_559, %dma_start3A_561, %dma_start3A_562] : memref<2x320x128xf32, #tpu.memory_space<vmem>> -> memref<1x80x128xf32, #tpu.memory_space<vmem>>
      %dma_start3A_564 = tpu.memref_squeeze %dma_start3A_563 : memref<1x80x128xf32, #tpu.memory_space<vmem>> -> memref<80x128xf32, #tpu.memory_space<vmem>>
      %dma_start3A_565 = arith.constant 480 : i32
      %dma_start3A_566 = tpu.memref_slice %arg5[%dma_start3A_565] : memref<640xi32, #tpu.memory_space<vmem>> -> memref<80xi32, #tpu.memory_space<vmem>>
      %dma_start3A_567 = arith.constant 0 : i32
      %dma_start3A_568 = arith.constant 0 : i32
      %dma_start3A_569 = tpu.memref_slice %arg2[%dma_start3A_567, %dma_start3A_568] : memref<65536x128xf32, #tpu.memory_space<hbm>> -> memref<65536x128xf32, #tpu.memory_space<hbm>>
      %dma_start3A_570 = tpu.memref_slice %arg9[%dma_start3A_560] : memref<2x!tpu.dma_semaphore, #tpu.memory_space<semaphore_mem>> -> memref<1x!tpu.dma_semaphore, #tpu.memory_space<semaphore_mem>>
      %dma_start3A_571 = tpu.memref_squeeze %dma_start3A_570 : memref<1x!tpu.dma_semaphore, #tpu.memory_space<semaphore_mem>> -> memref<!tpu.dma_semaphore, #tpu.memory_space<semaphore_mem>>
      tpu.enqueue_indirect_dma source(%dma_start3A_569 : memref<65536x128xf32, #tpu.memory_space<hbm>>) target(%dma_start3A_564 : memref<80x128xf32, #tpu.memory_space<vmem>>) offsets(%dma_start3A_566 : memref<80xi32, #tpu.memory_space<vmem>>) semaphore(%dma_start3A_571 : memref<!tpu.dma_semaphore, #tpu.memory_space<semaphore_mem>>)
      %dma_start3A_572 = arith.constant 1 : i32
      %dma_start3A_573 = arith.constant 1 : i32
      %dma_start3A_574 = arith.constant 240 : i32
      %dma_start3A_575 = arith.constant 0 : i32
      %dma_start3A_576 = tpu.memref_slice %arg6[%dma_start3A_572, %dma_start3A_574, %dma_start3A_575] : memref<2x320x128xf32, #tpu.memory_space<vmem>> -> memref<1x80x128xf32, #tpu.memory_space<vmem>>
      %dma_start3A_577 = tpu.memref_squeeze %dma_start3A_576 : memref<1x80x128xf32, #tpu.memory_space<vmem>> -> memref<80x128xf32, #tpu.memory_space<vmem>>
      %dma_start3A_578 = arith.constant 560 : i32
      %dma_start3A_579 = tpu.memref_slice %arg5[%dma_start3A_578] : memref<640xi32, #tpu.memory_space<vmem>> -> memref<80xi32, #tpu.memory_space<vmem>>
      %dma_start3A_580 = arith.constant 0 : i32
      %dma_start3A_581 = arith.constant 0 : i32
      %dma_start3A_582 = tpu.memref_slice %arg2[%dma_start3A_580, %dma_start3A_581] : memref<65536x128xf32, #tpu.memory_space<hbm>> -> memref<65536x128xf32, #tpu.memory_space<hbm>>
      %dma_start3A_583 = tpu.memref_slice %arg9[%dma_start3A_573] : memref<2x!tpu.dma_semaphore, #tpu.memory_space<semaphore_mem>> -> memref<1x!tpu.dma_semaphore, #tpu.memory_space<semaphore_mem>>
      %dma_start3A_584 = tpu.memref_squeeze %dma_start3A_583 : memref<1x!tpu.dma_semaphore, #tpu.memory_space<semaphore_mem>> -> memref<!tpu.dma_semaphore, #tpu.memory_space<semaphore_mem>>
      tpu.enqueue_indirect_dma source(%dma_start3A_582 : memref<65536x128xf32, #tpu.memory_space<hbm>>) target(%dma_start3A_577 : memref<80x128xf32, #tpu.memory_space<vmem>>) offsets(%dma_start3A_579 : memref<80xi32, #tpu.memory_space<vmem>>) semaphore(%dma_start3A_584 : memref<!tpu.dma_semaphore, #tpu.memory_space<semaphore_mem>>)
      %dma_wait3A_585 = arith.constant 0 : i32
      %dma_wait3A_586 = arith.constant 0 : i32
      %dma_wait3A_587 = arith.constant 0 : i32
      %dma_wait3A_588 = arith.constant 0 : i32
      %dma_wait3A_589 = tpu.memref_slice %arg6[%dma_wait3A_585, %dma_wait3A_587, %dma_wait3A_588] : memref<2x320x128xf32, #tpu.memory_space<vmem>> -> memref<1x80x128xf32, #tpu.memory_space<vmem>>
      %dma_wait3A_590 = tpu.memref_squeeze %dma_wait3A_589 : memref<1x80x128xf32, #tpu.memory_space<vmem>> -> memref<80x128xf32, #tpu.memory_space<vmem>>
      %dma_wait3A_591 = arith.constant 0 : i32
      %dma_wait3A_592 = tpu.memref_slice %arg5[%dma_wait3A_591] : memref<640xi32, #tpu.memory_space<vmem>> -> memref<80xi32, #tpu.memory_space<vmem>>
      %dma_wait3A_593 = arith.constant 0 : i32
      %dma_wait3A_594 = arith.constant 0 : i32
      %dma_wait3A_595 = tpu.memref_slice %arg2[%dma_wait3A_593, %dma_wait3A_594] : memref<65536x128xf32, #tpu.memory_space<hbm>> -> memref<65536x128xf32, #tpu.memory_space<hbm>>
      %dma_wait3A_596 = tpu.memref_slice %arg9[%dma_wait3A_586] : memref<2x!tpu.dma_semaphore, #tpu.memory_space<semaphore_mem>> -> memref<1x!tpu.dma_semaphore, #tpu.memory_space<semaphore_mem>>
      %dma_wait3A_597 = tpu.memref_squeeze %dma_wait3A_596 : memref<1x!tpu.dma_semaphore, #tpu.memory_space<semaphore_mem>> -> memref<!tpu.dma_semaphore, #tpu.memory_space<semaphore_mem>>
      tpu.wait_indirect_dma semaphore(%dma_wait3A_597 : memref<!tpu.dma_semaphore, #tpu.memory_space<semaphore_mem>>) src(%dma_wait3A_595 : memref<65536x128xf32, #tpu.memory_space<hbm>>) dst(%dma_wait3A_590 : memref<80x128xf32, #tpu.memory_space<vmem>>)
      %dma_wait3A_598 = arith.constant 0 : i32
      %dma_wait3A_599 = arith.constant 0 : i32
      %dma_wait3A_600 = arith.constant 80 : i32
      %dma_wait3A_601 = arith.constant 0 : i32
      %dma_wait3A_602 = tpu.memref_slice %arg6[%dma_wait3A_598, %dma_wait3A_600, %dma_wait3A_601] : memref<2x320x128xf32, #tpu.memory_space<vmem>> -> memref<1x80x128xf32, #tpu.memory_space<vmem>>
      %dma_wait3A_603 = tpu.memref_squeeze %dma_wait3A_602 : memref<1x80x128xf32, #tpu.memory_space<vmem>> -> memref<80x128xf32, #tpu.memory_space<vmem>>
      %dma_wait3A_604 = arith.constant 80 : i32
      %dma_wait3A_605 = tpu.memref_slice %arg5[%dma_wait3A_604] : memref<640xi32, #tpu.memory_space<vmem>> -> memref<80xi32, #tpu.memory_space<vmem>>
      %dma_wait3A_606 = arith.constant 0 : i32
      %dma_wait3A_607 = arith.constant 0 : i32
      %dma_wait3A_608 = tpu.memref_slice %arg2[%dma_wait3A_606, %dma_wait3A_607] : memref<65536x128xf32, #tpu.memory_space<hbm>> -> memref<65536x128xf32, #tpu.memory_space<hbm>>
      %dma_wait3A_609 = tpu.memref_slice %arg9[%dma_wait3A_599] : memref<2x!tpu.dma_semaphore, #tpu.memory_space<semaphore_mem>> -> memref<1x!tpu.dma_semaphore, #tpu.memory_space<semaphore_mem>>
      %dma_wait3A_610 = tpu.memref_squeeze %dma_wait3A_609 : memref<1x!tpu.dma_semaphore, #tpu.memory_space<semaphore_mem>> -> memref<!tpu.dma_semaphore, #tpu.memory_space<semaphore_mem>>
      tpu.wait_indirect_dma semaphore(%dma_wait3A_610 : memref<!tpu.dma_semaphore, #tpu.memory_space<semaphore_mem>>) src(%dma_wait3A_608 : memref<65536x128xf32, #tpu.memory_space<hbm>>) dst(%dma_wait3A_603 : memref<80x128xf32, #tpu.memory_space<vmem>>)
      %dma_wait3A_611 = arith.constant 0 : i32
      %dma_wait3A_612 = arith.constant 0 : i32
      %dma_wait3A_613 = arith.constant 160 : i32
      %dma_wait3A_614 = arith.constant 0 : i32
      %dma_wait3A_615 = tpu.memref_slice %arg6[%dma_wait3A_611, %dma_wait3A_613, %dma_wait3A_614] : memref<2x320x128xf32, #tpu.memory_space<vmem>> -> memref<1x80x128xf32, #tpu.memory_space<vmem>>
      %dma_wait3A_616 = tpu.memref_squeeze %dma_wait3A_615 : memref<1x80x128xf32, #tpu.memory_space<vmem>> -> memref<80x128xf32, #tpu.memory_space<vmem>>
      %dma_wait3A_617 = arith.constant 160 : i32
      %dma_wait3A_618 = tpu.memref_slice %arg5[%dma_wait3A_617] : memref<640xi32, #tpu.memory_space<vmem>> -> memref<80xi32, #tpu.memory_space<vmem>>
      %dma_wait3A_619 = arith.constant 0 : i32
      %dma_wait3A_620 = arith.constant 0 : i32
      %dma_wait3A_621 = tpu.memref_slice %arg2[%dma_wait3A_619, %dma_wait3A_620] : memref<65536x128xf32, #tpu.memory_space<hbm>> -> memref<65536x128xf32, #tpu.memory_space<hbm>>
      %dma_wait3A_622 = tpu.memref_slice %arg9[%dma_wait3A_612] : memref<2x!tpu.dma_semaphore, #tpu.memory_space<semaphore_mem>> -> memref<1x!tpu.dma_semaphore, #tpu.memory_space<semaphore_mem>>
      %dma_wait3A_623 = tpu.memref_squeeze %dma_wait3A_622 : memref<1x!tpu.dma_semaphore, #tpu.memory_space<semaphore_mem>> -> memref<!tpu.dma_semaphore, #tpu.memory_space<semaphore_mem>>
      tpu.wait_indirect_dma semaphore(%dma_wait3A_623 : memref<!tpu.dma_semaphore, #tpu.memory_space<semaphore_mem>>) src(%dma_wait3A_621 : memref<65536x128xf32, #tpu.memory_space<hbm>>) dst(%dma_wait3A_616 : memref<80x128xf32, #tpu.memory_space<vmem>>)
      %dma_wait3A_624 = arith.constant 0 : i32
      %dma_wait3A_625 = arith.constant 0 : i32
      %dma_wait3A_626 = arith.constant 240 : i32
      %dma_wait3A_627 = arith.constant 0 : i32
      %dma_wait3A_628 = tpu.memref_slice %arg6[%dma_wait3A_624, %dma_wait3A_626, %dma_wait3A_627] : memref<2x320x128xf32, #tpu.memory_space<vmem>> -> memref<1x80x128xf32, #tpu.memory_space<vmem>>
      %dma_wait3A_629 = tpu.memref_squeeze %dma_wait3A_628 : memref<1x80x128xf32, #tpu.memory_space<vmem>> -> memref<80x128xf32, #tpu.memory_space<vmem>>
      %dma_wait3A_630 = arith.constant 240 : i32
      %dma_wait3A_631 = tpu.memref_slice %arg5[%dma_wait3A_630] : memref<640xi32, #tpu.memory_space<vmem>> -> memref<80xi32, #tpu.memory_space<vmem>>
      %dma_wait3A_632 = arith.constant 0 : i32
      %dma_wait3A_633 = arith.constant 0 : i32
      %dma_wait3A_634 = tpu.memref_slice %arg2[%dma_wait3A_632, %dma_wait3A_633] : memref<65536x128xf32, #tpu.memory_space<hbm>> -> memref<65536x128xf32, #tpu.memory_space<hbm>>
      %dma_wait3A_635 = tpu.memref_slice %arg9[%dma_wait3A_625] : memref<2x!tpu.dma_semaphore, #tpu.memory_space<semaphore_mem>> -> memref<1x!tpu.dma_semaphore, #tpu.memory_space<semaphore_mem>>
      %dma_wait3A_636 = tpu.memref_squeeze %dma_wait3A_635 : memref<1x!tpu.dma_semaphore, #tpu.memory_space<semaphore_mem>> -> memref<!tpu.dma_semaphore, #tpu.memory_space<semaphore_mem>>
      tpu.wait_indirect_dma semaphore(%dma_wait3A_636 : memref<!tpu.dma_semaphore, #tpu.memory_space<semaphore_mem>>) src(%dma_wait3A_634 : memref<65536x128xf32, #tpu.memory_space<hbm>>) dst(%dma_wait3A_629 : memref<80x128xf32, #tpu.memory_space<vmem>>)
      %mul3A_637 = arith.constant 16 : i32
      %mul3A_638 = arith.muli %min3A_338, %mul3A_637 : i32
      %add3A_639 = arith.addi %mul3A_20, %mul3A_638 : i32
      %mul3A_640 = arith.constant 20 : i32
      %mul3A_641 = arith.muli %add3A_639, %mul3A_640 : i32
      %dma_start3A_642 = arith.constant 0 : i32
      %dma_start3A_643 = arith.constant 0 : i32
      %dma_start3A_644 = tpu.memref_slice %arg5[%dma_start3A_643] : memref<640xi32, #tpu.memory_space<vmem>> -> memref<320xi32, #tpu.memory_space<vmem>>
      %dma_start3A_645 = tpu.memref_slice %arg3[%mul3A_641] : memref<1310720xi32, #tpu.memory_space<hbm>> -> memref<320xi32, #tpu.memory_space<hbm>>
      %dma_start3A_646 = tpu.memref_slice %arg8[%dma_start3A_642] : memref<2x!tpu.dma_semaphore, #tpu.memory_space<semaphore_mem>> -> memref<1x!tpu.dma_semaphore, #tpu.memory_space<semaphore_mem>>
      %dma_start3A_647 = tpu.memref_squeeze %dma_start3A_646 : memref<1x!tpu.dma_semaphore, #tpu.memory_space<semaphore_mem>> -> memref<!tpu.dma_semaphore, #tpu.memory_space<semaphore_mem>>
      %dma_start3A_648 = arith.constant 0 : i32
      %dma_start3A_649 = tpu.memref_slice %arg5[%dma_start3A_648] : memref<640xi32, #tpu.memory_space<vmem>> -> memref<320xi32, #tpu.memory_space<vmem>>
      %dma_start3A_650 = tpu.memref_slice %arg3[%mul3A_641] : memref<1310720xi32, #tpu.memory_space<hbm>> -> memref<320xi32, #tpu.memory_space<hbm>>
      tpu.enqueue_dma source(%dma_start3A_650 : memref<320xi32, #tpu.memory_space<hbm>>) target(%dma_start3A_649 : memref<320xi32, #tpu.memory_space<vmem>>) target_semaphore(%dma_start3A_647 : memref<!tpu.dma_semaphore, #tpu.memory_space<semaphore_mem>>)
      %ge3A = arith.constant 2 : i32
      %ge3A_651 = arith.cmpi sge, %mul3A_331, %ge3A : i32
      %convert_element_type3A = arith.extui %ge3A_651 : i1 to i32
      %cond3A = arith.constant 0 : i32
      %cond3A_652 = arith.cmpi ne, %convert_element_type3A, %cond3A : i32
      scf.if %cond3A_652 {
        %sub3A_1032 = arith.constant 2 : i32
        %sub3A_1033 = arith.subi %mul3A_331, %sub3A_1032 : i32
        %mul3A_1034 = arith.constant 16 : i32
        %mul3A_1035 = arith.muli %sub3A_1033, %mul3A_1034 : i32
        %add3A_1036 = arith.addi %mul3A_20, %mul3A_1035 : i32
        %dma_wait3A_1037 = arith.constant 0 : i32
        %dma_wait3A_1038 = arith.constant 0 : i32
        %dma_wait3A_1039 = arith.constant 0 : i32
        %dma_wait3A_1040 = arith.constant 0 : i32
        %dma_wait3A_1041 = tpu.memref_slice %arg7[%dma_wait3A_1037, %dma_wait3A_1039, %dma_wait3A_1040] : memref<2x16x128xf32, #tpu.memory_space<vmem>> -> memref<1x16x128xf32, #tpu.memory_space<vmem>>
        %dma_wait3A_1042 = tpu.memref_squeeze %dma_wait3A_1041 : memref<1x16x128xf32, #tpu.memory_space<vmem>> -> memref<16x128xf32, #tpu.memory_space<vmem>>
        %dma_wait3A_1043 = arith.constant 0 : i32
        %dma_wait3A_1044 = tpu.memref_slice %arg4[%add3A_1036, %dma_wait3A_1043] : memref<65536x128xf32, #tpu.memory_space<hbm>> -> memref<16x128xf32, #tpu.memory_space<hbm>>
        %dma_wait3A_1045 = tpu.memref_slice %arg10[%dma_wait3A_1038] : memref<2x!tpu.dma_semaphore, #tpu.memory_space<semaphore_mem>> -> memref<1x!tpu.dma_semaphore, #tpu.memory_space<semaphore_mem>>
        %dma_wait3A_1046 = tpu.memref_squeeze %dma_wait3A_1045 : memref<1x!tpu.dma_semaphore, #tpu.memory_space<semaphore_mem>> -> memref<!tpu.dma_semaphore, #tpu.memory_space<semaphore_mem>>
        %dma_wait3A_1047 = arith.constant 0 : i32
        %dma_wait3A_1048 = tpu.memref_slice %arg4[%add3A_1036, %dma_wait3A_1047] : memref<65536x128xf32, #tpu.memory_space<hbm>> -> memref<16x128xf32, #tpu.memory_space<hbm>>
        %dma_wait3A_1049 = arith.constant 0 : i32
        %dma_wait3A_1050 = arith.constant 0 : i32
        %dma_wait3A_1051 = tpu.memref_slice %arg7[%dma_wait3A_1037, %dma_wait3A_1049, %dma_wait3A_1050] : memref<2x16x128xf32, #tpu.memory_space<vmem>> -> memref<1x16x128xf32, #tpu.memory_space<vmem>>
        %dma_wait3A_1052 = tpu.memref_squeeze %dma_wait3A_1051 : memref<1x16x128xf32, #tpu.memory_space<vmem>> -> memref<16x128xf32, #tpu.memory_space<vmem>>
        tpu.wait_dma2 semaphore(%dma_wait3A_1046 : memref<!tpu.dma_semaphore, #tpu.memory_space<semaphore_mem>>) src(%dma_wait3A_1052 : memref<16x128xf32, #tpu.memory_space<vmem>>) dst(%dma_wait3A_1048 : memref<16x128xf32, #tpu.memory_space<hbm>>)
      } else {
      }
      %scan3A_653 = arith.constant 0 : i32
      %scan3A_654 = arith.constant 0 : i32
      %scan3A_655 = arith.constant 16 : i32
      %scan3A_656 = arith.addi %scan3A_654, %scan3A_655 : i32
      %scan3A_657 = arith.constant 1 : i32
      scf.for %scan3A_1032 = %scan3A_654 to %scan3A_656 step %scan3A_657  : i32 {
        %mul3A_1033 = arith.constant 20 : i32
        %mul3A_1034 = arith.muli %scan3A_1032, %mul3A_1033 : i32
        %get3A_1035 = arith.constant 0 : i32
        %get3A_1036 = arith.index_cast %get3A_1035 : i32 to index
        %get3A_1037 = arith.index_cast %mul3A_1034 : i32 to index
        %get3A_1038 = arith.constant 0 : index
        %get3A_1039 = tpu.vector_load %arg6[%get3A_1036, %get3A_1037, %get3A_1038] {strides = array<i32>} : memref<2x320x128xf32, #tpu.memory_space<vmem>>, vector<1x1x16xf32>,
        %get3A_1040 = vector.shape_cast %get3A_1039 : vector<1x1x16xf32> to vector<16xf32>
        %add3A_1041 = arith.constant 1 : i32
        %add3A_1042 = arith.addi %mul3A_1034, %add3A_1041 : i32
        %get3A_1043 = arith.constant 0 : i32
        %get3A_1044 = arith.index_cast %get3A_1043 : i32 to index
        %get3A_1045 = arith.index_cast %add3A_1042 : i32 to index
        %get3A_1046 = arith.constant 0 : index
        %get3A_1047 = tpu.vector_load %arg6[%get3A_1044, %get3A_1045, %get3A_1046] {strides = array<i32>} : memref<2x320x128xf32, #tpu.memory_space<vmem>>, vector<1x1x16xf32>,
        %get3A_1048 = vector.shape_cast %get3A_1047 : vector<1x1x16xf32> to vector<16xf32>
        %max3A = arith.maximumf %get3A_1040, %get3A_1048 : vector<16xf32>
        %add3A_1049 = arith.constant 2 : i32
        %add3A_1050 = arith.addi %mul3A_1034, %add3A_1049 : i32
        %get3A_1051 = arith.constant 0 : i32
        %get3A_1052 = arith.index_cast %get3A_1051 : i32 to index
        %get3A_1053 = arith.index_cast %add3A_1050 : i32 to index
        %get3A_1054 = arith.constant 0 : index
        %get3A_1055 = tpu.vector_load %arg6[%get3A_1052, %get3A_1053, %get3A_1054] {strides = array<i32>} : memref<2x320x128xf32, #tpu.memory_space<vmem>>, vector<1x1x16xf32>,
        %get3A_1056 = vector.shape_cast %get3A_1055 : vector<1x1x16xf32> to vector<16xf32>
        %max3A_1057 = arith.maximumf %max3A, %get3A_1056 : vector<16xf32>
        %add3A_1058 = arith.constant 3 : i32
        %add3A_1059 = arith.addi %mul3A_1034, %add3A_1058 : i32
        %get3A_1060 = arith.constant 0 : i32
        %get3A_1061 = arith.index_cast %get3A_1060 : i32 to index
        %get3A_1062 = arith.index_cast %add3A_1059 : i32 to index
        %get3A_1063 = arith.constant 0 : index
        %get3A_1064 = tpu.vector_load %arg6[%get3A_1061, %get3A_1062, %get3A_1063] {strides = array<i32>} : memref<2x320x128xf32, #tpu.memory_space<vmem>>, vector<1x1x16xf32>,
        %get3A_1065 = vector.shape_cast %get3A_1064 : vector<1x1x16xf32> to vector<16xf32>
        %max3A_1066 = arith.maximumf %max3A_1057, %get3A_1065 : vector<16xf32>
        %add3A_1067 = arith.constant 4 : i32
        %add3A_1068 = arith.addi %mul3A_1034, %add3A_1067 : i32
        %get3A_1069 = arith.constant 0 : i32
        %get3A_1070 = arith.index_cast %get3A_1069 : i32 to index
        %get3A_1071 = arith.index_cast %add3A_1068 : i32 to index
        %get3A_1072 = arith.constant 0 : index
        %get3A_1073 = tpu.vector_load %arg6[%get3A_1070, %get3A_1071, %get3A_1072] {strides = array<i32>} : memref<2x320x128xf32, #tpu.memory_space<vmem>>, vector<1x1x16xf32>,
        %get3A_1074 = vector.shape_cast %get3A_1073 : vector<1x1x16xf32> to vector<16xf32>
        %max3A_1075 = arith.maximumf %max3A_1066, %get3A_1074 : vector<16xf32>
        %add3A_1076 = arith.constant 5 : i32
        %add3A_1077 = arith.addi %mul3A_1034, %add3A_1076 : i32
        %get3A_1078 = arith.constant 0 : i32
        %get3A_1079 = arith.index_cast %get3A_1078 : i32 to index
        %get3A_1080 = arith.index_cast %add3A_1077 : i32 to index
        %get3A_1081 = arith.constant 0 : index
        %get3A_1082 = tpu.vector_load %arg6[%get3A_1079, %get3A_1080, %get3A_1081] {strides = array<i32>} : memref<2x320x128xf32, #tpu.memory_space<vmem>>, vector<1x1x16xf32>,
        %get3A_1083 = vector.shape_cast %get3A_1082 : vector<1x1x16xf32> to vector<16xf32>
        %max3A_1084 = arith.maximumf %max3A_1075, %get3A_1083 : vector<16xf32>
        %add3A_1085 = arith.constant 6 : i32
        %add3A_1086 = arith.addi %mul3A_1034, %add3A_1085 : i32
        %get3A_1087 = arith.constant 0 : i32
        %get3A_1088 = arith.index_cast %get3A_1087 : i32 to index
        %get3A_1089 = arith.index_cast %add3A_1086 : i32 to index
        %get3A_1090 = arith.constant 0 : index
        %get3A_1091 = tpu.vector_load %arg6[%get3A_1088, %get3A_1089, %get3A_1090] {strides = array<i32>} : memref<2x320x128xf32, #tpu.memory_space<vmem>>, vector<1x1x16xf32>,
        %get3A_1092 = vector.shape_cast %get3A_1091 : vector<1x1x16xf32> to vector<16xf32>
        %max3A_1093 = arith.maximumf %max3A_1084, %get3A_1092 : vector<16xf32>
        %add3A_1094 = arith.constant 7 : i32
        %add3A_1095 = arith.addi %mul3A_1034, %add3A_1094 : i32
        %get3A_1096 = arith.constant 0 : i32
        %get3A_1097 = arith.index_cast %get3A_1096 : i32 to index
        %get3A_1098 = arith.index_cast %add3A_1095 : i32 to index
        %get3A_1099 = arith.constant 0 : index
        %get3A_1100 = tpu.vector_load %arg6[%get3A_1097, %get3A_1098, %get3A_1099] {strides = array<i32>} : memref<2x320x128xf32, #tpu.memory_space<vmem>>, vector<1x1x16xf32>,
        %get3A_1101 = vector.shape_cast %get3A_1100 : vector<1x1x16xf32> to vector<16xf32>
        %max3A_1102 = arith.maximumf %max3A_1093, %get3A_1101 : vector<16xf32>
        %add3A_1103 = arith.constant 8 : i32
        %add3A_1104 = arith.addi %mul3A_1034, %add3A_1103 : i32
        %get3A_1105 = arith.constant 0 : i32
        %get3A_1106 = arith.index_cast %get3A_1105 : i32 to index
        %get3A_1107 = arith.index_cast %add3A_1104 : i32 to index
        %get3A_1108 = arith.constant 0 : index
        %get3A_1109 = tpu.vector_load %arg6[%get3A_1106, %get3A_1107, %get3A_1108] {strides = array<i32>} : memref<2x320x128xf32, #tpu.memory_space<vmem>>, vector<1x1x16xf32>,
        %get3A_1110 = vector.shape_cast %get3A_1109 : vector<1x1x16xf32> to vector<16xf32>
        %max3A_1111 = arith.maximumf %max3A_1102, %get3A_1110 : vector<16xf32>
        %add3A_1112 = arith.constant 9 : i32
        %add3A_1113 = arith.addi %mul3A_1034, %add3A_1112 : i32
        %get3A_1114 = arith.constant 0 : i32
        %get3A_1115 = arith.index_cast %get3A_1114 : i32 to index
        %get3A_1116 = arith.index_cast %add3A_1113 : i32 to index
        %get3A_1117 = arith.constant 0 : index
        %get3A_1118 = tpu.vector_load %arg6[%get3A_1115, %get3A_1116, %get3A_1117] {strides = array<i32>} : memref<2x320x128xf32, #tpu.memory_space<vmem>>, vector<1x1x16xf32>,
        %get3A_1119 = vector.shape_cast %get3A_1118 : vector<1x1x16xf32> to vector<16xf32>
        %max3A_1120 = arith.maximumf %max3A_1111, %get3A_1119 : vector<16xf32>
        %add3A_1121 = arith.constant 10 : i32
        %add3A_1122 = arith.addi %mul3A_1034, %add3A_1121 : i32
        %get3A_1123 = arith.constant 0 : i32
        %get3A_1124 = arith.index_cast %get3A_1123 : i32 to index
        %get3A_1125 = arith.index_cast %add3A_1122 : i32 to index
        %get3A_1126 = arith.constant 0 : index
        %get3A_1127 = tpu.vector_load %arg6[%get3A_1124, %get3A_1125, %get3A_1126] {strides = array<i32>} : memref<2x320x128xf32, #tpu.memory_space<vmem>>, vector<1x1x16xf32>,
        %get3A_1128 = vector.shape_cast %get3A_1127 : vector<1x1x16xf32> to vector<16xf32>
        %max3A_1129 = arith.maximumf %max3A_1120, %get3A_1128 : vector<16xf32>
        %add3A_1130 = arith.constant 11 : i32
        %add3A_1131 = arith.addi %mul3A_1034, %add3A_1130 : i32
        %get3A_1132 = arith.constant 0 : i32
        %get3A_1133 = arith.index_cast %get3A_1132 : i32 to index
        %get3A_1134 = arith.index_cast %add3A_1131 : i32 to index
        %get3A_1135 = arith.constant 0 : index
        %get3A_1136 = tpu.vector_load %arg6[%get3A_1133, %get3A_1134, %get3A_1135] {strides = array<i32>} : memref<2x320x128xf32, #tpu.memory_space<vmem>>, vector<1x1x16xf32>,
        %get3A_1137 = vector.shape_cast %get3A_1136 : vector<1x1x16xf32> to vector<16xf32>
        %max3A_1138 = arith.maximumf %max3A_1129, %get3A_1137 : vector<16xf32>
        %add3A_1139 = arith.constant 12 : i32
        %add3A_1140 = arith.addi %mul3A_1034, %add3A_1139 : i32
        %get3A_1141 = arith.constant 0 : i32
        %get3A_1142 = arith.index_cast %get3A_1141 : i32 to index
        %get3A_1143 = arith.index_cast %add3A_1140 : i32 to index
        %get3A_1144 = arith.constant 0 : index
        %get3A_1145 = tpu.vector_load %arg6[%get3A_1142, %get3A_1143, %get3A_1144] {strides = array<i32>} : memref<2x320x128xf32, #tpu.memory_space<vmem>>, vector<1x1x16xf32>,
        %get3A_1146 = vector.shape_cast %get3A_1145 : vector<1x1x16xf32> to vector<16xf32>
        %max3A_1147 = arith.maximumf %max3A_1138, %get3A_1146 : vector<16xf32>
        %add3A_1148 = arith.constant 13 : i32
        %add3A_1149 = arith.addi %mul3A_1034, %add3A_1148 : i32
        %get3A_1150 = arith.constant 0 : i32
        %get3A_1151 = arith.index_cast %get3A_1150 : i32 to index
        %get3A_1152 = arith.index_cast %add3A_1149 : i32 to index
        %get3A_1153 = arith.constant 0 : index
        %get3A_1154 = tpu.vector_load %arg6[%get3A_1151, %get3A_1152, %get3A_1153] {strides = array<i32>} : memref<2x320x128xf32, #tpu.memory_space<vmem>>, vector<1x1x16xf32>,
        %get3A_1155 = vector.shape_cast %get3A_1154 : vector<1x1x16xf32> to vector<16xf32>
        %max3A_1156 = arith.maximumf %max3A_1147, %get3A_1155 : vector<16xf32>
        %add3A_1157 = arith.constant 14 : i32
        %add3A_1158 = arith.addi %mul3A_1034, %add3A_1157 : i32
        %get3A_1159 = arith.constant 0 : i32
        %get3A_1160 = arith.index_cast %get3A_1159 : i32 to index
        %get3A_1161 = arith.index_cast %add3A_1158 : i32 to index
        %get3A_1162 = arith.constant 0 : index
        %get3A_1163 = tpu.vector_load %arg6[%get3A_1160, %get3A_1161, %get3A_1162] {strides = array<i32>} : memref<2x320x128xf32, #tpu.memory_space<vmem>>, vector<1x1x16xf32>,
        %get3A_1164 = vector.shape_cast %get3A_1163 : vector<1x1x16xf32> to vector<16xf32>
        %max3A_1165 = arith.maximumf %max3A_1156, %get3A_1164 : vector<16xf32>
        %add3A_1166 = arith.constant 15 : i32
        %add3A_1167 = arith.addi %mul3A_1034, %add3A_1166 : i32
        %get3A_1168 = arith.constant 0 : i32
        %get3A_1169 = arith.index_cast %get3A_1168 : i32 to index
        %get3A_1170 = arith.index_cast %add3A_1167 : i32 to index
        %get3A_1171 = arith.constant 0 : index
        %get3A_1172 = tpu.vector_load %arg6[%get3A_1169, %get3A_1170, %get3A_1171] {strides = array<i32>} : memref<2x320x128xf32, #tpu.memory_space<vmem>>, vector<1x1x16xf32>,
        %get3A_1173 = vector.shape_cast %get3A_1172 : vector<1x1x16xf32> to vector<16xf32>
        %max3A_1174 = arith.maximumf %max3A_1165, %get3A_1173 : vector<16xf32>
        %add3A_1175 = arith.constant 16 : i32
        %add3A_1176 = arith.addi %mul3A_1034, %add3A_1175 : i32
        %get3A_1177 = arith.constant 0 : i32
        %get3A_1178 = arith.index_cast %get3A_1177 : i32 to index
        %get3A_1179 = arith.index_cast %add3A_1176 : i32 to index
        %get3A_1180 = arith.constant 0 : index
        %get3A_1181 = tpu.vector_load %arg6[%get3A_1178, %get3A_1179, %get3A_1180] {strides = array<i32>} : memref<2x320x128xf32, #tpu.memory_space<vmem>>, vector<1x1x16xf32>,
        %get3A_1182 = vector.shape_cast %get3A_1181 : vector<1x1x16xf32> to vector<16xf32>
        %max3A_1183 = arith.maximumf %max3A_1174, %get3A_1182 : vector<16xf32>
        %add3A_1184 = arith.constant 17 : i32
        %add3A_1185 = arith.addi %mul3A_1034, %add3A_1184 : i32
        %get3A_1186 = arith.constant 0 : i32
        %get3A_1187 = arith.index_cast %get3A_1186 : i32 to index
        %get3A_1188 = arith.index_cast %add3A_1185 : i32 to index
        %get3A_1189 = arith.constant 0 : index
        %get3A_1190 = tpu.vector_load %arg6[%get3A_1187, %get3A_1188, %get3A_1189] {strides = array<i32>} : memref<2x320x128xf32, #tpu.memory_space<vmem>>, vector<1x1x16xf32>,
        %get3A_1191 = vector.shape_cast %get3A_1190 : vector<1x1x16xf32> to vector<16xf32>
        %max3A_1192 = arith.maximumf %max3A_1183, %get3A_1191 : vector<16xf32>
        %add3A_1193 = arith.constant 18 : i32
        %add3A_1194 = arith.addi %mul3A_1034, %add3A_1193 : i32
        %get3A_1195 = arith.constant 0 : i32
        %get3A_1196 = arith.index_cast %get3A_1195 : i32 to index
        %get3A_1197 = arith.index_cast %add3A_1194 : i32 to index
        %get3A_1198 = arith.constant 0 : index
        %get3A_1199 = tpu.vector_load %arg6[%get3A_1196, %get3A_1197, %get3A_1198] {strides = array<i32>} : memref<2x320x128xf32, #tpu.memory_space<vmem>>, vector<1x1x16xf32>,
        %get3A_1200 = vector.shape_cast %get3A_1199 : vector<1x1x16xf32> to vector<16xf32>
        %max3A_1201 = arith.maximumf %max3A_1192, %get3A_1200 : vector<16xf32>
        %add3A_1202 = arith.constant 19 : i32
        %add3A_1203 = arith.addi %mul3A_1034, %add3A_1202 : i32
        %get3A_1204 = arith.constant 0 : i32
        %get3A_1205 = arith.index_cast %get3A_1204 : i32 to index
        %get3A_1206 = arith.index_cast %add3A_1203 : i32 to index
        %get3A_1207 = arith.constant 0 : index
        %get3A_1208 = tpu.vector_load %arg6[%get3A_1205, %get3A_1206, %get3A_1207] {strides = array<i32>} : memref<2x320x128xf32, #tpu.memory_space<vmem>>, vector<1x1x16xf32>,
        %get3A_1209 = vector.shape_cast %get3A_1208 : vector<1x1x16xf32> to vector<16xf32>
        %max3A_1210 = arith.maximumf %max3A_1201, %get3A_1209 : vector<16xf32>
        %swap3A_1211 = arith.constant 0 : i32
        %swap3A_1212 = arith.index_cast %swap3A_1211 : i32 to index
        %swap3A_1213 = arith.index_cast %scan3A_1032 : i32 to index
        %swap3A_1214 = arith.constant 0 : index
        %swap3A_1215 = tpu.vector_load %arg7[%swap3A_1212, %swap3A_1213, %swap3A_1214] {strides = array<i32>} : memref<2x16x128xf32, #tpu.memory_space<vmem>>, vector<1x1x16xf32>,
        %swap3A_1216 = vector.shape_cast %swap3A_1215 : vector<1x1x16xf32> to vector<16xf32>
        %swap3A_1217 = vector.shape_cast %max3A_1210 : vector<16xf32> to vector<1x1x16xf32>
        tpu.vector_store %arg7[%swap3A_1212, %swap3A_1213, %swap3A_1214], %swap3A_1217 {strides = array<i32>} : memref<2x16x128xf32, #tpu.memory_space<vmem>>, vector<1x1x16xf32>,
        %get3A_1218 = arith.constant 0 : i32
        %get3A_1219 = arith.index_cast %get3A_1218 : i32 to index
        %get3A_1220 = arith.index_cast %mul3A_1034 : i32 to index
        %get3A_1221 = arith.constant 16 : index
        %get3A_1222 = tpu.vector_load %arg6[%get3A_1219, %get3A_1220, %get3A_1221] {strides = array<i32>} : memref<2x320x128xf32, #tpu.memory_space<vmem>>, vector<1x1x16xf32>,
        %get3A_1223 = vector.shape_cast %get3A_1222 : vector<1x1x16xf32> to vector<16xf32>
        %add3A_1224 = arith.constant 1 : i32
        %add3A_1225 = arith.addi %mul3A_1034, %add3A_1224 : i32
        %get3A_1226 = arith.constant 0 : i32
        %get3A_1227 = arith.index_cast %get3A_1226 : i32 to index
        %get3A_1228 = arith.index_cast %add3A_1225 : i32 to index
        %get3A_1229 = arith.constant 16 : index
        %get3A_1230 = tpu.vector_load %arg6[%get3A_1227, %get3A_1228, %get3A_1229] {strides = array<i32>} : memref<2x320x128xf32, #tpu.memory_space<vmem>>, vector<1x1x16xf32>,
        %get3A_1231 = vector.shape_cast %get3A_1230 : vector<1x1x16xf32> to vector<16xf32>
        %max3A_1232 = arith.maximumf %get3A_1223, %get3A_1231 : vector<16xf32>
        %add3A_1233 = arith.constant 2 : i32
        %add3A_1234 = arith.addi %mul3A_1034, %add3A_1233 : i32
        %get3A_1235 = arith.constant 0 : i32
        %get3A_1236 = arith.index_cast %get3A_1235 : i32 to index
        %get3A_1237 = arith.index_cast %add3A_1234 : i32 to index
        %get3A_1238 = arith.constant 16 : index
        %get3A_1239 = tpu.vector_load %arg6[%get3A_1236, %get3A_1237, %get3A_1238] {strides = array<i32>} : memref<2x320x128xf32, #tpu.memory_space<vmem>>, vector<1x1x16xf32>,
        %get3A_1240 = vector.shape_cast %get3A_1239 : vector<1x1x16xf32> to vector<16xf32>
        %max3A_1241 = arith.maximumf %max3A_1232, %get3A_1240 : vector<16xf32>
        %add3A_1242 = arith.constant 3 : i32
        %add3A_1243 = arith.addi %mul3A_1034, %add3A_1242 : i32
        %get3A_1244 = arith.constant 0 : i32
        %get3A_1245 = arith.index_cast %get3A_1244 : i32 to index
        %get3A_1246 = arith.index_cast %add3A_1243 : i32 to index
        %get3A_1247 = arith.constant 16 : index
        %get3A_1248 = tpu.vector_load %arg6[%get3A_1245, %get3A_1246, %get3A_1247] {strides = array<i32>} : memref<2x320x128xf32, #tpu.memory_space<vmem>>, vector<1x1x16xf32>,
        %get3A_1249 = vector.shape_cast %get3A_1248 : vector<1x1x16xf32> to vector<16xf32>
        %max3A_1250 = arith.maximumf %max3A_1241, %get3A_1249 : vector<16xf32>
        %add3A_1251 = arith.constant 4 : i32
        %add3A_1252 = arith.addi %mul3A_1034, %add3A_1251 : i32
        %get3A_1253 = arith.constant 0 : i32
        %get3A_1254 = arith.index_cast %get3A_1253 : i32 to index
        %get3A_1255 = arith.index_cast %add3A_1252 : i32 to index
        %get3A_1256 = arith.constant 16 : index
        %get3A_1257 = tpu.vector_load %arg6[%get3A_1254, %get3A_1255, %get3A_1256] {strides = array<i32>} : memref<2x320x128xf32, #tpu.memory_space<vmem>>, vector<1x1x16xf32>,
        %get3A_1258 = vector.shape_cast %get3A_1257 : vector<1x1x16xf32> to vector<16xf32>
        %max3A_1259 = arith.maximumf %max3A_1250, %get3A_1258 : vector<16xf32>
        %add3A_1260 = arith.constant 5 : i32
        %add3A_1261 = arith.addi %mul3A_1034, %add3A_1260 : i32
        %get3A_1262 = arith.constant 0 : i32
        %get3A_1263 = arith.index_cast %get3A_1262 : i32 to index
        %get3A_1264 = arith.index_cast %add3A_1261 : i32 to index
        %get3A_1265 = arith.constant 16 : index
        %get3A_1266 = tpu.vector_load %arg6[%get3A_1263, %get3A_1264, %get3A_1265] {strides = array<i32>} : memref<2x320x128xf32, #tpu.memory_space<vmem>>, vector<1x1x16xf32>,
        %get3A_1267 = vector.shape_cast %get3A_1266 : vector<1x1x16xf32> to vector<16xf32>
        %max3A_1268 = arith.maximumf %max3A_1259, %get3A_1267 : vector<16xf32>
        %add3A_1269 = arith.constant 6 : i32
        %add3A_1270 = arith.addi %mul3A_1034, %add3A_1269 : i32
        %get3A_1271 = arith.constant 0 : i32
        %get3A_1272 = arith.index_cast %get3A_1271 : i32 to index
        %get3A_1273 = arith.index_cast %add3A_1270 : i32 to index
        %get3A_1274 = arith.constant 16 : index
        %get3A_1275 = tpu.vector_load %arg6[%get3A_1272, %get3A_1273, %get3A_1274] {strides = array<i32>} : memref<2x320x128xf32, #tpu.memory_space<vmem>>, vector<1x1x16xf32>,
        %get3A_1276 = vector.shape_cast %get3A_1275 : vector<1x1x16xf32> to vector<16xf32>
        %max3A_1277 = arith.maximumf %max3A_1268, %get3A_1276 : vector<16xf32>
        %add3A_1278 = arith.constant 7 : i32
        %add3A_1279 = arith.addi %mul3A_1034, %add3A_1278 : i32
        %get3A_1280 = arith.constant 0 : i32
        %get3A_1281 = arith.index_cast %get3A_1280 : i32 to index
        %get3A_1282 = arith.index_cast %add3A_1279 : i32 to index
        %get3A_1283 = arith.constant 16 : index
        %get3A_1284 = tpu.vector_load %arg6[%get3A_1281, %get3A_1282, %get3A_1283] {strides = array<i32>} : memref<2x320x128xf32, #tpu.memory_space<vmem>>, vector<1x1x16xf32>,
        %get3A_1285 = vector.shape_cast %get3A_1284 : vector<1x1x16xf32> to vector<16xf32>
        %max3A_1286 = arith.maximumf %max3A_1277, %get3A_1285 : vector<16xf32>
        %add3A_1287 = arith.constant 8 : i32
        %add3A_1288 = arith.addi %mul3A_1034, %add3A_1287 : i32
        %get3A_1289 = arith.constant 0 : i32
        %get3A_1290 = arith.index_cast %get3A_1289 : i32 to index
        %get3A_1291 = arith.index_cast %add3A_1288 : i32 to index
        %get3A_1292 = arith.constant 16 : index
        %get3A_1293 = tpu.vector_load %arg6[%get3A_1290, %get3A_1291, %get3A_1292] {strides = array<i32>} : memref<2x320x128xf32, #tpu.memory_space<vmem>>, vector<1x1x16xf32>,
        %get3A_1294 = vector.shape_cast %get3A_1293 : vector<1x1x16xf32> to vector<16xf32>
        %max3A_1295 = arith.maximumf %max3A_1286, %get3A_1294 : vector<16xf32>
        %add3A_1296 = arith.constant 9 : i32
        %add3A_1297 = arith.addi %mul3A_1034, %add3A_1296 : i32
        %get3A_1298 = arith.constant 0 : i32
        %get3A_1299 = arith.index_cast %get3A_1298 : i32 to index
        %get3A_1300 = arith.index_cast %add3A_1297 : i32 to index
        %get3A_1301 = arith.constant 16 : index
        %get3A_1302 = tpu.vector_load %arg6[%get3A_1299, %get3A_1300, %get3A_1301] {strides = array<i32>} : memref<2x320x128xf32, #tpu.memory_space<vmem>>, vector<1x1x16xf32>,
        %get3A_1303 = vector.shape_cast %get3A_1302 : vector<1x1x16xf32> to vector<16xf32>
        %max3A_1304 = arith.maximumf %max3A_1295, %get3A_1303 : vector<16xf32>
        %add3A_1305 = arith.constant 10 : i32
        %add3A_1306 = arith.addi %mul3A_1034, %add3A_1305 : i32
        %get3A_1307 = arith.constant 0 : i32
        %get3A_1308 = arith.index_cast %get3A_1307 : i32 to index
        %get3A_1309 = arith.index_cast %add3A_1306 : i32 to index
        %get3A_1310 = arith.constant 16 : index
        %get3A_1311 = tpu.vector_load %arg6[%get3A_1308, %get3A_1309, %get3A_1310] {strides = array<i32>} : memref<2x320x128xf32, #tpu.memory_space<vmem>>, vector<1x1x16xf32>,
        %get3A_1312 = vector.shape_cast %get3A_1311 : vector<1x1x16xf32> to vector<16xf32>
        %max3A_1313 = arith.maximumf %max3A_1304, %get3A_1312 : vector<16xf32>
        %add3A_1314 = arith.constant 11 : i32
        %add3A_1315 = arith.addi %mul3A_1034, %add3A_1314 : i32
        %get3A_1316 = arith.constant 0 : i32
        %get3A_1317 = arith.index_cast %get3A_1316 : i32 to index
        %get3A_1318 = arith.index_cast %add3A_1315 : i32 to index
        %get3A_1319 = arith.constant 16 : index
        %get3A_1320 = tpu.vector_load %arg6[%get3A_1317, %get3A_1318, %get3A_1319] {strides = array<i32>} : memref<2x320x128xf32, #tpu.memory_space<vmem>>, vector<1x1x16xf32>,
        %get3A_1321 = vector.shape_cast %get3A_1320 : vector<1x1x16xf32> to vector<16xf32>
        %max3A_1322 = arith.maximumf %max3A_1313, %get3A_1321 : vector<16xf32>
        %add3A_1323 = arith.constant 12 : i32
        %add3A_1324 = arith.addi %mul3A_1034, %add3A_1323 : i32
        %get3A_1325 = arith.constant 0 : i32
        %get3A_1326 = arith.index_cast %get3A_1325 : i32 to index
        %get3A_1327 = arith.index_cast %add3A_1324 : i32 to index
        %get3A_1328 = arith.constant 16 : index
        %get3A_1329 = tpu.vector_load %arg6[%get3A_1326, %get3A_1327, %get3A_1328] {strides = array<i32>} : memref<2x320x128xf32, #tpu.memory_space<vmem>>, vector<1x1x16xf32>,
        %get3A_1330 = vector.shape_cast %get3A_1329 : vector<1x1x16xf32> to vector<16xf32>
        %max3A_1331 = arith.maximumf %max3A_1322, %get3A_1330 : vector<16xf32>
        %add3A_1332 = arith.constant 13 : i32
        %add3A_1333 = arith.addi %mul3A_1034, %add3A_1332 : i32
        %get3A_1334 = arith.constant 0 : i32
        %get3A_1335 = arith.index_cast %get3A_1334 : i32 to index
        %get3A_1336 = arith.index_cast %add3A_1333 : i32 to index
        %get3A_1337 = arith.constant 16 : index
        %get3A_1338 = tpu.vector_load %arg6[%get3A_1335, %get3A_1336, %get3A_1337] {strides = array<i32>} : memref<2x320x128xf32, #tpu.memory_space<vmem>>, vector<1x1x16xf32>,
        %get3A_1339 = vector.shape_cast %get3A_1338 : vector<1x1x16xf32> to vector<16xf32>
        %max3A_1340 = arith.maximumf %max3A_1331, %get3A_1339 : vector<16xf32>
        %add3A_1341 = arith.constant 14 : i32
        %add3A_1342 = arith.addi %mul3A_1034, %add3A_1341 : i32
        %get3A_1343 = arith.constant 0 : i32
        %get3A_1344 = arith.index_cast %get3A_1343 : i32 to index
        %get3A_1345 = arith.index_cast %add3A_1342 : i32 to index
        %get3A_1346 = arith.constant 16 : index
        %get3A_1347 = tpu.vector_load %arg6[%get3A_1344, %get3A_1345, %get3A_1346] {strides = array<i32>} : memref<2x320x128xf32, #tpu.memory_space<vmem>>, vector<1x1x16xf32>,
        %get3A_1348 = vector.shape_cast %get3A_1347 : vector<1x1x16xf32> to vector<16xf32>
        %max3A_1349 = arith.maximumf %max3A_1340, %get3A_1348 : vector<16xf32>
        %add3A_1350 = arith.constant 15 : i32
        %add3A_1351 = arith.addi %mul3A_1034, %add3A_1350 : i32
        %get3A_1352 = arith.constant 0 : i32
        %get3A_1353 = arith.index_cast %get3A_1352 : i32 to index
        %get3A_1354 = arith.index_cast %add3A_1351 : i32 to index
        %get3A_1355 = arith.constant 16 : index
        %get3A_1356 = tpu.vector_load %arg6[%get3A_1353, %get3A_1354, %get3A_1355] {strides = array<i32>} : memref<2x320x128xf32, #tpu.memory_space<vmem>>, vector<1x1x16xf32>,
        %get3A_1357 = vector.shape_cast %get3A_1356 : vector<1x1x16xf32> to vector<16xf32>
        %max3A_1358 = arith.maximumf %max3A_1349, %get3A_1357 : vector<16xf32>
        %add3A_1359 = arith.constant 16 : i32
        %add3A_1360 = arith.addi %mul3A_1034, %add3A_1359 : i32
        %get3A_1361 = arith.constant 0 : i32
        %get3A_1362 = arith.index_cast %get3A_1361 : i32 to index
        %get3A_1363 = arith.index_cast %add3A_1360 : i32 to index
        %get3A_1364 = arith.constant 16 : index
        %get3A_1365 = tpu.vector_load %arg6[%get3A_1362, %get3A_1363, %get3A_1364] {strides = array<i32>} : memref<2x320x128xf32, #tpu.memory_space<vmem>>, vector<1x1x16xf32>,
        %get3A_1366 = vector.shape_cast %get3A_1365 : vector<1x1x16xf32> to vector<16xf32>
        %max3A_1367 = arith.maximumf %max3A_1358, %get3A_1366 : vector<16xf32>
        %add3A_1368 = arith.constant 17 : i32
        %add3A_1369 = arith.addi %mul3A_1034, %add3A_1368 : i32
        %get3A_1370 = arith.constant 0 : i32
        %get3A_1371 = arith.index_cast %get3A_1370 : i32 to index
        %get3A_1372 = arith.index_cast %add3A_1369 : i32 to index
        %get3A_1373 = arith.constant 16 : index
        %get3A_1374 = tpu.vector_load %arg6[%get3A_1371, %get3A_1372, %get3A_1373] {strides = array<i32>} : memref<2x320x128xf32, #tpu.memory_space<vmem>>, vector<1x1x16xf32>,
        %get3A_1375 = vector.shape_cast %get3A_1374 : vector<1x1x16xf32> to vector<16xf32>
        %max3A_1376 = arith.maximumf %max3A_1367, %get3A_1375 : vector<16xf32>
        %add3A_1377 = arith.constant 18 : i32
        %add3A_1378 = arith.addi %mul3A_1034, %add3A_1377 : i32
        %get3A_1379 = arith.constant 0 : i32
        %get3A_1380 = arith.index_cast %get3A_1379 : i32 to index
        %get3A_1381 = arith.index_cast %add3A_1378 : i32 to index
        %get3A_1382 = arith.constant 16 : index
        %get3A_1383 = tpu.vector_load %arg6[%get3A_1380, %get3A_1381, %get3A_1382] {strides = array<i32>} : memref<2x320x128xf32, #tpu.memory_space<vmem>>, vector<1x1x16xf32>,
        %get3A_1384 = vector.shape_cast %get3A_1383 : vector<1x1x16xf32> to vector<16xf32>
        %max3A_1385 = arith.maximumf %max3A_1376, %get3A_1384 : vector<16xf32>
        %add3A_1386 = arith.constant 19 : i32
        %add3A_1387 = arith.addi %mul3A_1034, %add3A_1386 : i32
        %get3A_1388 = arith.constant 0 : i32
        %get3A_1389 = arith.index_cast %get3A_1388 : i32 to index
        %get3A_1390 = arith.index_cast %add3A_1387 : i32 to index
        %get3A_1391 = arith.constant 16 : index
        %get3A_1392 = tpu.vector_load %arg6[%get3A_1389, %get3A_1390, %get3A_1391] {strides = array<i32>} : memref<2x320x128xf32, #tpu.memory_space<vmem>>, vector<1x1x16xf32>,
        %get3A_1393 = vector.shape_cast %get3A_1392 : vector<1x1x16xf32> to vector<16xf32>
        %max3A_1394 = arith.maximumf %max3A_1385, %get3A_1393 : vector<16xf32>
        %swap3A_1395 = arith.constant 0 : i32
        %swap3A_1396 = arith.index_cast %swap3A_1395 : i32 to index
        %swap3A_1397 = arith.index_cast %scan3A_1032 : i32 to index
        %swap3A_1398 = arith.constant 16 : index
        %swap3A_1399 = tpu.vector_load %arg7[%swap3A_1396, %swap3A_1397, %swap3A_1398] {strides = array<i32>} : memref<2x16x128xf32, #tpu.memory_space<vmem>>, vector<1x1x16xf32>,
        %swap3A_1400 = vector.shape_cast %swap3A_1399 : vector<1x1x16xf32> to vector<16xf32>
        %swap3A_1401 = vector.shape_cast %max3A_1394 : vector<16xf32> to vector<1x1x16xf32>
        tpu.vector_store %arg7[%swap3A_1396, %swap3A_1397, %swap3A_1398], %swap3A_1401 {strides = array<i32>} : memref<2x16x128xf32, #tpu.memory_space<vmem>>, vector<1x1x16xf32>,
        %get3A_1402 = arith.constant 0 : i32
        %get3A_1403 = arith.index_cast %get3A_1402 : i32 to index
        %get3A_1404 = arith.index_cast %mul3A_1034 : i32 to index
        %get3A_1405 = arith.constant 32 : index
        %get3A_1406 = tpu.vector_load %arg6[%get3A_1403, %get3A_1404, %get3A_1405] {strides = array<i32>} : memref<2x320x128xf32, #tpu.memory_space<vmem>>, vector<1x1x16xf32>,
        %get3A_1407 = vector.shape_cast %get3A_1406 : vector<1x1x16xf32> to vector<16xf32>
        %add3A_1408 = arith.constant 1 : i32
        %add3A_1409 = arith.addi %mul3A_1034, %add3A_1408 : i32
        %get3A_1410 = arith.constant 0 : i32
        %get3A_1411 = arith.index_cast %get3A_1410 : i32 to index
        %get3A_1412 = arith.index_cast %add3A_1409 : i32 to index
        %get3A_1413 = arith.constant 32 : index
        %get3A_1414 = tpu.vector_load %arg6[%get3A_1411, %get3A_1412, %get3A_1413] {strides = array<i32>} : memref<2x320x128xf32, #tpu.memory_space<vmem>>, vector<1x1x16xf32>,
        %get3A_1415 = vector.shape_cast %get3A_1414 : vector<1x1x16xf32> to vector<16xf32>
        %max3A_1416 = arith.maximumf %get3A_1407, %get3A_1415 : vector<16xf32>
        %add3A_1417 = arith.constant 2 : i32
        %add3A_1418 = arith.addi %mul3A_1034, %add3A_1417 : i32
        %get3A_1419 = arith.constant 0 : i32
        %get3A_1420 = arith.index_cast %get3A_1419 : i32 to index
        %get3A_1421 = arith.index_cast %add3A_1418 : i32 to index
        %get3A_1422 = arith.constant 32 : index
        %get3A_1423 = tpu.vector_load %arg6[%get3A_1420, %get3A_1421, %get3A_1422] {strides = array<i32>} : memref<2x320x128xf32, #tpu.memory_space<vmem>>, vector<1x1x16xf32>,
        %get3A_1424 = vector.shape_cast %get3A_1423 : vector<1x1x16xf32> to vector<16xf32>
        %max3A_1425 = arith.maximumf %max3A_1416, %get3A_1424 : vector<16xf32>
        %add3A_1426 = arith.constant 3 : i32
        %add3A_1427 = arith.addi %mul3A_1034, %add3A_1426 : i32
        %get3A_1428 = arith.constant 0 : i32
        %get3A_1429 = arith.index_cast %get3A_1428 : i32 to index
        %get3A_1430 = arith.index_cast %add3A_1427 : i32 to index
        %get3A_1431 = arith.constant 32 : index
        %get3A_1432 = tpu.vector_load %arg6[%get3A_1429, %get3A_1430, %get3A_1431] {strides = array<i32>} : memref<2x320x128xf32, #tpu.memory_space<vmem>>, vector<1x1x16xf32>,
        %get3A_1433 = vector.shape_cast %get3A_1432 : vector<1x1x16xf32> to vector<16xf32>
        %max3A_1434 = arith.maximumf %max3A_1425, %get3A_1433 : vector<16xf32>
        %add3A_1435 = arith.constant 4 : i32
        %add3A_1436 = arith.addi %mul3A_1034, %add3A_1435 : i32
        %get3A_1437 = arith.constant 0 : i32
        %get3A_1438 = arith.index_cast %get3A_1437 : i32 to index
        %get3A_1439 = arith.index_cast %add3A_1436 : i32 to index
        %get3A_1440 = arith.constant 32 : index
        %get3A_1441 = tpu.vector_load %arg6[%get3A_1438, %get3A_1439, %get3A_1440] {strides = array<i32>} : memref<2x320x128xf32, #tpu.memory_space<vmem>>, vector<1x1x16xf32>,
        %get3A_1442 = vector.shape_cast %get3A_1441 : vector<1x1x16xf32> to vector<16xf32>
        %max3A_1443 = arith.maximumf %max3A_1434, %get3A_1442 : vector<16xf32>
        %add3A_1444 = arith.constant 5 : i32
        %add3A_1445 = arith.addi %mul3A_1034, %add3A_1444 : i32
        %get3A_1446 = arith.constant 0 : i32
        %get3A_1447 = arith.index_cast %get3A_1446 : i32 to index
        %get3A_1448 = arith.index_cast %add3A_1445 : i32 to index
        %get3A_1449 = arith.constant 32 : index
        %get3A_1450 = tpu.vector_load %arg6[%get3A_1447, %get3A_1448, %get3A_1449] {strides = array<i32>} : memref<2x320x128xf32, #tpu.memory_space<vmem>>, vector<1x1x16xf32>,
        %get3A_1451 = vector.shape_cast %get3A_1450 : vector<1x1x16xf32> to vector<16xf32>
        %max3A_1452 = arith.maximumf %max3A_1443, %get3A_1451 : vector<16xf32>
        %add3A_1453 = arith.constant 6 : i32
        %add3A_1454 = arith.addi %mul3A_1034, %add3A_1453 : i32
        %get3A_1455 = arith.constant 0 : i32
        %get3A_1456 = arith.index_cast %get3A_1455 : i32 to index
        %get3A_1457 = arith.index_cast %add3A_1454 : i32 to index
        %get3A_1458 = arith.constant 32 : index
        %get3A_1459 = tpu.vector_load %arg6[%get3A_1456, %get3A_1457, %get3A_1458] {strides = array<i32>} : memref<2x320x128xf32, #tpu.memory_space<vmem>>, vector<1x1x16xf32>,
        %get3A_1460 = vector.shape_cast %get3A_1459 : vector<1x1x16xf32> to vector<16xf32>
        %max3A_1461 = arith.maximumf %max3A_1452, %get3A_1460 : vector<16xf32>
        %add3A_1462 = arith.constant 7 : i32
        %add3A_1463 = arith.addi %mul3A_1034, %add3A_1462 : i32
        %get3A_1464 = arith.constant 0 : i32
        %get3A_1465 = arith.index_cast %get3A_1464 : i32 to index
        %get3A_1466 = arith.index_cast %add3A_1463 : i32 to index
        %get3A_1467 = arith.constant 32 : index
        %get3A_1468 = tpu.vector_load %arg6[%get3A_1465, %get3A_1466, %get3A_1467] {strides = array<i32>} : memref<2x320x128xf32, #tpu.memory_space<vmem>>, vector<1x1x16xf32>,
        %get3A_1469 = vector.shape_cast %get3A_1468 : vector<1x1x16xf32> to vector<16xf32>
        %max3A_1470 = arith.maximumf %max3A_1461, %get3A_1469 : vector<16xf32>
        %add3A_1471 = arith.constant 8 : i32
        %add3A_1472 = arith.addi %mul3A_1034, %add3A_1471 : i32
        %get3A_1473 = arith.constant 0 : i32
        %get3A_1474 = arith.index_cast %get3A_1473 : i32 to index
        %get3A_1475 = arith.index_cast %add3A_1472 : i32 to index
        %get3A_1476 = arith.constant 32 : index
        %get3A_1477 = tpu.vector_load %arg6[%get3A_1474, %get3A_1475, %get3A_1476] {strides = array<i32>} : memref<2x320x128xf32, #tpu.memory_space<vmem>>, vector<1x1x16xf32>,
        %get3A_1478 = vector.shape_cast %get3A_1477 : vector<1x1x16xf32> to vector<16xf32>
        %max3A_1479 = arith.maximumf %max3A_1470, %get3A_1478 : vector<16xf32>
        %add3A_1480 = arith.constant 9 : i32
        %add3A_1481 = arith.addi %mul3A_1034, %add3A_1480 : i32
        %get3A_1482 = arith.constant 0 : i32
        %get3A_1483 = arith.index_cast %get3A_1482 : i32 to index
        %get3A_1484 = arith.index_cast %add3A_1481 : i32 to index
        %get3A_1485 = arith.constant 32 : index
        %get3A_1486 = tpu.vector_load %arg6[%get3A_1483, %get3A_1484, %get3A_1485] {strides = array<i32>} : memref<2x320x128xf32, #tpu.memory_space<vmem>>, vector<1x1x16xf32>,
        %get3A_1487 = vector.shape_cast %get3A_1486 : vector<1x1x16xf32> to vector<16xf32>
        %max3A_1488 = arith.maximumf %max3A_1479, %get3A_1487 : vector<16xf32>
        %add3A_1489 = arith.constant 10 : i32
        %add3A_1490 = arith.addi %mul3A_1034, %add3A_1489 : i32
        %get3A_1491 = arith.constant 0 : i32
        %get3A_1492 = arith.index_cast %get3A_1491 : i32 to index
        %get3A_1493 = arith.index_cast %add3A_1490 : i32 to index
        %get3A_1494 = arith.constant 32 : index
        %get3A_1495 = tpu.vector_load %arg6[%get3A_1492, %get3A_1493, %get3A_1494] {strides = array<i32>} : memref<2x320x128xf32, #tpu.memory_space<vmem>>, vector<1x1x16xf32>,
        %get3A_1496 = vector.shape_cast %get3A_1495 : vector<1x1x16xf32> to vector<16xf32>
        %max3A_1497 = arith.maximumf %max3A_1488, %get3A_1496 : vector<16xf32>
        %add3A_1498 = arith.constant 11 : i32
        %add3A_1499 = arith.addi %mul3A_1034, %add3A_1498 : i32
        %get3A_1500 = arith.constant 0 : i32
        %get3A_1501 = arith.index_cast %get3A_1500 : i32 to index
        %get3A_1502 = arith.index_cast %add3A_1499 : i32 to index
        %get3A_1503 = arith.constant 32 : index
        %get3A_1504 = tpu.vector_load %arg6[%get3A_1501, %get3A_1502, %get3A_1503] {strides = array<i32>} : memref<2x320x128xf32, #tpu.memory_space<vmem>>, vector<1x1x16xf32>,
        %get3A_1505 = vector.shape_cast %get3A_1504 : vector<1x1x16xf32> to vector<16xf32>
        %max3A_1506 = arith.maximumf %max3A_1497, %get3A_1505 : vector<16xf32>
        %add3A_1507 = arith.constant 12 : i32
        %add3A_1508 = arith.addi %mul3A_1034, %add3A_1507 : i32
        %get3A_1509 = arith.constant 0 : i32
        %get3A_1510 = arith.index_cast %get3A_1509 : i32 to index
        %get3A_1511 = arith.index_cast %add3A_1508 : i32 to index
        %get3A_1512 = arith.constant 32 : index
        %get3A_1513 = tpu.vector_load %arg6[%get3A_1510, %get3A_1511, %get3A_1512] {strides = array<i32>} : memref<2x320x128xf32, #tpu.memory_space<vmem>>, vector<1x1x16xf32>,
        %get3A_1514 = vector.shape_cast %get3A_1513 : vector<1x1x16xf32> to vector<16xf32>
        %max3A_1515 = arith.maximumf %max3A_1506, %get3A_1514 : vector<16xf32>
        %add3A_1516 = arith.constant 13 : i32
        %add3A_1517 = arith.addi %mul3A_1034, %add3A_1516 : i32
        %get3A_1518 = arith.constant 0 : i32
        %get3A_1519 = arith.index_cast %get3A_1518 : i32 to index
        %get3A_1520 = arith.index_cast %add3A_1517 : i32 to index
        %get3A_1521 = arith.constant 32 : index
        %get3A_1522 = tpu.vector_load %arg6[%get3A_1519, %get3A_1520, %get3A_1521] {strides = array<i32>} : memref<2x320x128xf32, #tpu.memory_space<vmem>>, vector<1x1x16xf32>,
        %get3A_1523 = vector.shape_cast %get3A_1522 : vector<1x1x16xf32> to vector<16xf32>
        %max3A_1524 = arith.maximumf %max3A_1515, %get3A_1523 : vector<16xf32>
        %add3A_1525 = arith.constant 14 : i32
        %add3A_1526 = arith.addi %mul3A_1034, %add3A_1525 : i32
        %get3A_1527 = arith.constant 0 : i32
        %get3A_1528 = arith.index_cast %get3A_1527 : i32 to index
        %get3A_1529 = arith.index_cast %add3A_1526 : i32 to index
        %get3A_1530 = arith.constant 32 : index
        %get3A_1531 = tpu.vector_load %arg6[%get3A_1528, %get3A_1529, %get3A_1530] {strides = array<i32>} : memref<2x320x128xf32, #tpu.memory_space<vmem>>, vector<1x1x16xf32>,
        %get3A_1532 = vector.shape_cast %get3A_1531 : vector<1x1x16xf32> to vector<16xf32>
        %max3A_1533 = arith.maximumf %max3A_1524, %get3A_1532 : vector<16xf32>
        %add3A_1534 = arith.constant 15 : i32
        %add3A_1535 = arith.addi %mul3A_1034, %add3A_1534 : i32
        %get3A_1536 = arith.constant 0 : i32
        %get3A_1537 = arith.index_cast %get3A_1536 : i32 to index
        %get3A_1538 = arith.index_cast %add3A_1535 : i32 to index
        %get3A_1539 = arith.constant 32 : index
        %get3A_1540 = tpu.vector_load %arg6[%get3A_1537, %get3A_1538, %get3A_1539] {strides = array<i32>} : memref<2x320x128xf32, #tpu.memory_space<vmem>>, vector<1x1x16xf32>,
        %get3A_1541 = vector.shape_cast %get3A_1540 : vector<1x1x16xf32> to vector<16xf32>
        %max3A_1542 = arith.maximumf %max3A_1533, %get3A_1541 : vector<16xf32>
        %add3A_1543 = arith.constant 16 : i32
        %add3A_1544 = arith.addi %mul3A_1034, %add3A_1543 : i32
        %get3A_1545 = arith.constant 0 : i32
        %get3A_1546 = arith.index_cast %get3A_1545 : i32 to index
        %get3A_1547 = arith.index_cast %add3A_1544 : i32 to index
        %get3A_1548 = arith.constant 32 : index
        %get3A_1549 = tpu.vector_load %arg6[%get3A_1546, %get3A_1547, %get3A_1548] {strides = array<i32>} : memref<2x320x128xf32, #tpu.memory_space<vmem>>, vector<1x1x16xf32>,
        %get3A_1550 = vector.shape_cast %get3A_1549 : vector<1x1x16xf32> to vector<16xf32>
        %max3A_1551 = arith.maximumf %max3A_1542, %get3A_1550 : vector<16xf32>
        %add3A_1552 = arith.constant 17 : i32
        %add3A_1553 = arith.addi %mul3A_1034, %add3A_1552 : i32
        %get3A_1554 = arith.constant 0 : i32
        %get3A_1555 = arith.index_cast %get3A_1554 : i32 to index
        %get3A_1556 = arith.index_cast %add3A_1553 : i32 to index
        %get3A_1557 = arith.constant 32 : index
        %get3A_1558 = tpu.vector_load %arg6[%get3A_1555, %get3A_1556, %get3A_1557] {strides = array<i32>} : memref<2x320x128xf32, #tpu.memory_space<vmem>>, vector<1x1x16xf32>,
        %get3A_1559 = vector.shape_cast %get3A_1558 : vector<1x1x16xf32> to vector<16xf32>
        %max3A_1560 = arith.maximumf %max3A_1551, %get3A_1559 : vector<16xf32>
        %add3A_1561 = arith.constant 18 : i32
        %add3A_1562 = arith.addi %mul3A_1034, %add3A_1561 : i32
        %get3A_1563 = arith.constant 0 : i32
        %get3A_1564 = arith.index_cast %get3A_1563 : i32 to index
        %get3A_1565 = arith.index_cast %add3A_1562 : i32 to index
        %get3A_1566 = arith.constant 32 : index
        %get3A_1567 = tpu.vector_load %arg6[%get3A_1564, %get3A_1565, %get3A_1566] {strides = array<i32>} : memref<2x320x128xf32, #tpu.memory_space<vmem>>, vector<1x1x16xf32>,
        %get3A_1568 = vector.shape_cast %get3A_1567 : vector<1x1x16xf32> to vector<16xf32>
        %max3A_1569 = arith.maximumf %max3A_1560, %get3A_1568 : vector<16xf32>
        %add3A_1570 = arith.constant 19 : i32
        %add3A_1571 = arith.addi %mul3A_1034, %add3A_1570 : i32
        %get3A_1572 = arith.constant 0 : i32
        %get3A_1573 = arith.index_cast %get3A_1572 : i32 to index
        %get3A_1574 = arith.index_cast %add3A_1571 : i32 to index
        %get3A_1575 = arith.constant 32 : index
        %get3A_1576 = tpu.vector_load %arg6[%get3A_1573, %get3A_1574, %get3A_1575] {strides = array<i32>} : memref<2x320x128xf32, #tpu.memory_space<vmem>>, vector<1x1x16xf32>,
        %get3A_1577 = vector.shape_cast %get3A_1576 : vector<1x1x16xf32> to vector<16xf32>
        %max3A_1578 = arith.maximumf %max3A_1569, %get3A_1577 : vector<16xf32>
        %swap3A_1579 = arith.constant 0 : i32
        %swap3A_1580 = arith.index_cast %swap3A_1579 : i32 to index
        %swap3A_1581 = arith.index_cast %scan3A_1032 : i32 to index
        %swap3A_1582 = arith.constant 32 : index
        %swap3A_1583 = tpu.vector_load %arg7[%swap3A_1580, %swap3A_1581, %swap3A_1582] {strides = array<i32>} : memref<2x16x128xf32, #tpu.memory_space<vmem>>, vector<1x1x16xf32>,
        %swap3A_1584 = vector.shape_cast %swap3A_1583 : vector<1x1x16xf32> to vector<16xf32>
        %swap3A_1585 = vector.shape_cast %max3A_1578 : vector<16xf32> to vector<1x1x16xf32>
        tpu.vector_store %arg7[%swap3A_1580, %swap3A_1581, %swap3A_1582], %swap3A_1585 {strides = array<i32>} : memref<2x16x128xf32, #tpu.memory_space<vmem>>, vector<1x1x16xf32>,
        %get3A_1586 = arith.constant 0 : i32
        %get3A_1587 = arith.index_cast %get3A_1586 : i32 to index
        %get3A_1588 = arith.index_cast %mul3A_1034 : i32 to index
        %get3A_1589 = arith.constant 48 : index
        %get3A_1590 = tpu.vector_load %arg6[%get3A_1587, %get3A_1588, %get3A_1589] {strides = array<i32>} : memref<2x320x128xf32, #tpu.memory_space<vmem>>, vector<1x1x16xf32>,
        %get3A_1591 = vector.shape_cast %get3A_1590 : vector<1x1x16xf32> to vector<16xf32>
        %add3A_1592 = arith.constant 1 : i32
        %add3A_1593 = arith.addi %mul3A_1034, %add3A_1592 : i32
        %get3A_1594 = arith.constant 0 : i32
        %get3A_1595 = arith.index_cast %get3A_1594 : i32 to index
        %get3A_1596 = arith.index_cast %add3A_1593 : i32 to index
        %get3A_1597 = arith.constant 48 : index
        %get3A_1598 = tpu.vector_load %arg6[%get3A_1595, %get3A_1596, %get3A_1597] {strides = array<i32>} : memref<2x320x128xf32, #tpu.memory_space<vmem>>, vector<1x1x16xf32>,
        %get3A_1599 = vector.shape_cast %get3A_1598 : vector<1x1x16xf32> to vector<16xf32>
        %max3A_1600 = arith.maximumf %get3A_1591, %get3A_1599 : vector<16xf32>
        %add3A_1601 = arith.constant 2 : i32
        %add3A_1602 = arith.addi %mul3A_1034, %add3A_1601 : i32
        %get3A_1603 = arith.constant 0 : i32
        %get3A_1604 = arith.index_cast %get3A_1603 : i32 to index
        %get3A_1605 = arith.index_cast %add3A_1602 : i32 to index
        %get3A_1606 = arith.constant 48 : index
        %get3A_1607 = tpu.vector_load %arg6[%get3A_1604, %get3A_1605, %get3A_1606] {strides = array<i32>} : memref<2x320x128xf32, #tpu.memory_space<vmem>>, vector<1x1x16xf32>,
        %get3A_1608 = vector.shape_cast %get3A_1607 : vector<1x1x16xf32> to vector<16xf32>
        %max3A_1609 = arith.maximumf %max3A_1600, %get3A_1608 : vector<16xf32>
        %add3A_1610 = arith.constant 3 : i32
        %add3A_1611 = arith.addi %mul3A_1034, %add3A_1610 : i32
        %get3A_1612 = arith.constant 0 : i32
        %get3A_1613 = arith.index_cast %get3A_1612 : i32 to index
        %get3A_1614 = arith.index_cast %add3A_1611 : i32 to index
        %get3A_1615 = arith.constant 48 : index
        %get3A_1616 = tpu.vector_load %arg6[%get3A_1613, %get3A_1614, %get3A_1615] {strides = array<i32>} : memref<2x320x128xf32, #tpu.memory_space<vmem>>, vector<1x1x16xf32>,
        %get3A_1617 = vector.shape_cast %get3A_1616 : vector<1x1x16xf32> to vector<16xf32>
        %max3A_1618 = arith.maximumf %max3A_1609, %get3A_1617 : vector<16xf32>
        %add3A_1619 = arith.constant 4 : i32
        %add3A_1620 = arith.addi %mul3A_1034, %add3A_1619 : i32
        %get3A_1621 = arith.constant 0 : i32
        %get3A_1622 = arith.index_cast %get3A_1621 : i32 to index
        %get3A_1623 = arith.index_cast %add3A_1620 : i32 to index
        %get3A_1624 = arith.constant 48 : index
        %get3A_1625 = tpu.vector_load %arg6[%get3A_1622, %get3A_1623, %get3A_1624] {strides = array<i32>} : memref<2x320x128xf32, #tpu.memory_space<vmem>>, vector<1x1x16xf32>,
        %get3A_1626 = vector.shape_cast %get3A_1625 : vector<1x1x16xf32> to vector<16xf32>
        %max3A_1627 = arith.maximumf %max3A_1618, %get3A_1626 : vector<16xf32>
        %add3A_1628 = arith.constant 5 : i32
        %add3A_1629 = arith.addi %mul3A_1034, %add3A_1628 : i32
        %get3A_1630 = arith.constant 0 : i32
        %get3A_1631 = arith.index_cast %get3A_1630 : i32 to index
        %get3A_1632 = arith.index_cast %add3A_1629 : i32 to index
        %get3A_1633 = arith.constant 48 : index
        %get3A_1634 = tpu.vector_load %arg6[%get3A_1631, %get3A_1632, %get3A_1633] {strides = array<i32>} : memref<2x320x128xf32, #tpu.memory_space<vmem>>, vector<1x1x16xf32>,
        %get3A_1635 = vector.shape_cast %get3A_1634 : vector<1x1x16xf32> to vector<16xf32>
        %max3A_1636 = arith.maximumf %max3A_1627, %get3A_1635 : vector<16xf32>
        %add3A_1637 = arith.constant 6 : i32
        %add3A_1638 = arith.addi %mul3A_1034, %add3A_1637 : i32
        %get3A_1639 = arith.constant 0 : i32
        %get3A_1640 = arith.index_cast %get3A_1639 : i32 to index
        %get3A_1641 = arith.index_cast %add3A_1638 : i32 to index
        %get3A_1642 = arith.constant 48 : index
        %get3A_1643 = tpu.vector_load %arg6[%get3A_1640, %get3A_1641, %get3A_1642] {strides = array<i32>} : memref<2x320x128xf32, #tpu.memory_space<vmem>>, vector<1x1x16xf32>,
        %get3A_1644 = vector.shape_cast %get3A_1643 : vector<1x1x16xf32> to vector<16xf32>
        %max3A_1645 = arith.maximumf %max3A_1636, %get3A_1644 : vector<16xf32>
        %add3A_1646 = arith.constant 7 : i32
        %add3A_1647 = arith.addi %mul3A_1034, %add3A_1646 : i32
        %get3A_1648 = arith.constant 0 : i32
        %get3A_1649 = arith.index_cast %get3A_1648 : i32 to index
        %get3A_1650 = arith.index_cast %add3A_1647 : i32 to index
        %get3A_1651 = arith.constant 48 : index
        %get3A_1652 = tpu.vector_load %arg6[%get3A_1649, %get3A_1650, %get3A_1651] {strides = array<i32>} : memref<2x320x128xf32, #tpu.memory_space<vmem>>, vector<1x1x16xf32>,
        %get3A_1653 = vector.shape_cast %get3A_1652 : vector<1x1x16xf32> to vector<16xf32>
        %max3A_1654 = arith.maximumf %max3A_1645, %get3A_1653 : vector<16xf32>
        %add3A_1655 = arith.constant 8 : i32
        %add3A_1656 = arith.addi %mul3A_1034, %add3A_1655 : i32
        %get3A_1657 = arith.constant 0 : i32
        %get3A_1658 = arith.index_cast %get3A_1657 : i32 to index
        %get3A_1659 = arith.index_cast %add3A_1656 : i32 to index
        %get3A_1660 = arith.constant 48 : index
        %get3A_1661 = tpu.vector_load %arg6[%get3A_1658, %get3A_1659, %get3A_1660] {strides = array<i32>} : memref<2x320x128xf32, #tpu.memory_space<vmem>>, vector<1x1x16xf32>,
        %get3A_1662 = vector.shape_cast %get3A_1661 : vector<1x1x16xf32> to vector<16xf32>
        %max3A_1663 = arith.maximumf %max3A_1654, %get3A_1662 : vector<16xf32>
        %add3A_1664 = arith.constant 9 : i32
        %add3A_1665 = arith.addi %mul3A_1034, %add3A_1664 : i32
        %get3A_1666 = arith.constant 0 : i32
        %get3A_1667 = arith.index_cast %get3A_1666 : i32 to index
        %get3A_1668 = arith.index_cast %add3A_1665 : i32 to index
        %get3A_1669 = arith.constant 48 : index
        %get3A_1670 = tpu.vector_load %arg6[%get3A_1667, %get3A_1668, %get3A_1669] {strides = array<i32>} : memref<2x320x128xf32, #tpu.memory_space<vmem>>, vector<1x1x16xf32>,
        %get3A_1671 = vector.shape_cast %get3A_1670 : vector<1x1x16xf32> to vector<16xf32>
        %max3A_1672 = arith.maximumf %max3A_1663, %get3A_1671 : vector<16xf32>
        %add3A_1673 = arith.constant 10 : i32
        %add3A_1674 = arith.addi %mul3A_1034, %add3A_1673 : i32
        %get3A_1675 = arith.constant 0 : i32
        %get3A_1676 = arith.index_cast %get3A_1675 : i32 to index
        %get3A_1677 = arith.index_cast %add3A_1674 : i32 to index
        %get3A_1678 = arith.constant 48 : index
        %get3A_1679 = tpu.vector_load %arg6[%get3A_1676, %get3A_1677, %get3A_1678] {strides = array<i32>} : memref<2x320x128xf32, #tpu.memory_space<vmem>>, vector<1x1x16xf32>,
        %get3A_1680 = vector.shape_cast %get3A_1679 : vector<1x1x16xf32> to vector<16xf32>
        %max3A_1681 = arith.maximumf %max3A_1672, %get3A_1680 : vector<16xf32>
        %add3A_1682 = arith.constant 11 : i32
        %add3A_1683 = arith.addi %mul3A_1034, %add3A_1682 : i32
        %get3A_1684 = arith.constant 0 : i32
        %get3A_1685 = arith.index_cast %get3A_1684 : i32 to index
        %get3A_1686 = arith.index_cast %add3A_1683 : i32 to index
        %get3A_1687 = arith.constant 48 : index
        %get3A_1688 = tpu.vector_load %arg6[%get3A_1685, %get3A_1686, %get3A_1687] {strides = array<i32>} : memref<2x320x128xf32, #tpu.memory_space<vmem>>, vector<1x1x16xf32>,
        %get3A_1689 = vector.shape_cast %get3A_1688 : vector<1x1x16xf32> to vector<16xf32>
        %max3A_1690 = arith.maximumf %max3A_1681, %get3A_1689 : vector<16xf32>
        %add3A_1691 = arith.constant 12 : i32
        %add3A_1692 = arith.addi %mul3A_1034, %add3A_1691 : i32
        %get3A_1693 = arith.constant 0 : i32
        %get3A_1694 = arith.index_cast %get3A_1693 : i32 to index
        %get3A_1695 = arith.index_cast %add3A_1692 : i32 to index
        %get3A_1696 = arith.constant 48 : index
        %get3A_1697 = tpu.vector_load %arg6[%get3A_1694, %get3A_1695, %get3A_1696] {strides = array<i32>} : memref<2x320x128xf32, #tpu.memory_space<vmem>>, vector<1x1x16xf32>,
        %get3A_1698 = vector.shape_cast %get3A_1697 : vector<1x1x16xf32> to vector<16xf32>
        %max3A_1699 = arith.maximumf %max3A_1690, %get3A_1698 : vector<16xf32>
        %add3A_1700 = arith.constant 13 : i32
        %add3A_1701 = arith.addi %mul3A_1034, %add3A_1700 : i32
        %get3A_1702 = arith.constant 0 : i32
        %get3A_1703 = arith.index_cast %get3A_1702 : i32 to index
        %get3A_1704 = arith.index_cast %add3A_1701 : i32 to index
        %get3A_1705 = arith.constant 48 : index
        %get3A_1706 = tpu.vector_load %arg6[%get3A_1703, %get3A_1704, %get3A_1705] {strides = array<i32>} : memref<2x320x128xf32, #tpu.memory_space<vmem>>, vector<1x1x16xf32>,
        %get3A_1707 = vector.shape_cast %get3A_1706 : vector<1x1x16xf32> to vector<16xf32>
        %max3A_1708 = arith.maximumf %max3A_1699, %get3A_1707 : vector<16xf32>
        %add3A_1709 = arith.constant 14 : i32
        %add3A_1710 = arith.addi %mul3A_1034, %add3A_1709 : i32
        %get3A_1711 = arith.constant 0 : i32
        %get3A_1712 = arith.index_cast %get3A_1711 : i32 to index
        %get3A_1713 = arith.index_cast %add3A_1710 : i32 to index
        %get3A_1714 = arith.constant 48 : index
        %get3A_1715 = tpu.vector_load %arg6[%get3A_1712, %get3A_1713, %get3A_1714] {strides = array<i32>} : memref<2x320x128xf32, #tpu.memory_space<vmem>>, vector<1x1x16xf32>,
        %get3A_1716 = vector.shape_cast %get3A_1715 : vector<1x1x16xf32> to vector<16xf32>
        %max3A_1717 = arith.maximumf %max3A_1708, %get3A_1716 : vector<16xf32>
        %add3A_1718 = arith.constant 15 : i32
        %add3A_1719 = arith.addi %mul3A_1034, %add3A_1718 : i32
        %get3A_1720 = arith.constant 0 : i32
        %get3A_1721 = arith.index_cast %get3A_1720 : i32 to index
        %get3A_1722 = arith.index_cast %add3A_1719 : i32 to index
        %get3A_1723 = arith.constant 48 : index
        %get3A_1724 = tpu.vector_load %arg6[%get3A_1721, %get3A_1722, %get3A_1723] {strides = array<i32>} : memref<2x320x128xf32, #tpu.memory_space<vmem>>, vector<1x1x16xf32>,
        %get3A_1725 = vector.shape_cast %get3A_1724 : vector<1x1x16xf32> to vector<16xf32>
        %max3A_1726 = arith.maximumf %max3A_1717, %get3A_1725 : vector<16xf32>
        %add3A_1727 = arith.constant 16 : i32
        %add3A_1728 = arith.addi %mul3A_1034, %add3A_1727 : i32
        %get3A_1729 = arith.constant 0 : i32
        %get3A_1730 = arith.index_cast %get3A_1729 : i32 to index
        %get3A_1731 = arith.index_cast %add3A_1728 : i32 to index
        %get3A_1732 = arith.constant 48 : index
        %get3A_1733 = tpu.vector_load %arg6[%get3A_1730, %get3A_1731, %get3A_1732] {strides = array<i32>} : memref<2x320x128xf32, #tpu.memory_space<vmem>>, vector<1x1x16xf32>,
        %get3A_1734 = vector.shape_cast %get3A_1733 : vector<1x1x16xf32> to vector<16xf32>
        %max3A_1735 = arith.maximumf %max3A_1726, %get3A_1734 : vector<16xf32>
        %add3A_1736 = arith.constant 17 : i32
        %add3A_1737 = arith.addi %mul3A_1034, %add3A_1736 : i32
        %get3A_1738 = arith.constant 0 : i32
        %get3A_1739 = arith.index_cast %get3A_1738 : i32 to index
        %get3A_1740 = arith.index_cast %add3A_1737 : i32 to index
        %get3A_1741 = arith.constant 48 : index
        %get3A_1742 = tpu.vector_load %arg6[%get3A_1739, %get3A_1740, %get3A_1741] {strides = array<i32>} : memref<2x320x128xf32, #tpu.memory_space<vmem>>, vector<1x1x16xf32>,
        %get3A_1743 = vector.shape_cast %get3A_1742 : vector<1x1x16xf32> to vector<16xf32>
        %max3A_1744 = arith.maximumf %max3A_1735, %get3A_1743 : vector<16xf32>
        %add3A_1745 = arith.constant 18 : i32
        %add3A_1746 = arith.addi %mul3A_1034, %add3A_1745 : i32
        %get3A_1747 = arith.constant 0 : i32
        %get3A_1748 = arith.index_cast %get3A_1747 : i32 to index
        %get3A_1749 = arith.index_cast %add3A_1746 : i32 to index
        %get3A_1750 = arith.constant 48 : index
        %get3A_1751 = tpu.vector_load %arg6[%get3A_1748, %get3A_1749, %get3A_1750] {strides = array<i32>} : memref<2x320x128xf32, #tpu.memory_space<vmem>>, vector<1x1x16xf32>,
        %get3A_1752 = vector.shape_cast %get3A_1751 : vector<1x1x16xf32> to vector<16xf32>
        %max3A_1753 = arith.maximumf %max3A_1744, %get3A_1752 : vector<16xf32>
        %add3A_1754 = arith.constant 19 : i32
        %add3A_1755 = arith.addi %mul3A_1034, %add3A_1754 : i32
        %get3A_1756 = arith.constant 0 : i32
        %get3A_1757 = arith.index_cast %get3A_1756 : i32 to index
        %get3A_1758 = arith.index_cast %add3A_1755 : i32 to index
        %get3A_1759 = arith.constant 48 : index
        %get3A_1760 = tpu.vector_load %arg6[%get3A_1757, %get3A_1758, %get3A_1759] {strides = array<i32>} : memref<2x320x128xf32, #tpu.memory_space<vmem>>, vector<1x1x16xf32>,
        %get3A_1761 = vector.shape_cast %get3A_1760 : vector<1x1x16xf32> to vector<16xf32>
        %max3A_1762 = arith.maximumf %max3A_1753, %get3A_1761 : vector<16xf32>
        %swap3A_1763 = arith.constant 0 : i32
        %swap3A_1764 = arith.index_cast %swap3A_1763 : i32 to index
        %swap3A_1765 = arith.index_cast %scan3A_1032 : i32 to index
        %swap3A_1766 = arith.constant 48 : index
        %swap3A_1767 = tpu.vector_load %arg7[%swap3A_1764, %swap3A_1765, %swap3A_1766] {strides = array<i32>} : memref<2x16x128xf32, #tpu.memory_space<vmem>>, vector<1x1x16xf32>,
        %swap3A_1768 = vector.shape_cast %swap3A_1767 : vector<1x1x16xf32> to vector<16xf32>
        %swap3A_1769 = vector.shape_cast %max3A_1762 : vector<16xf32> to vector<1x1x16xf32>
        tpu.vector_store %arg7[%swap3A_1764, %swap3A_1765, %swap3A_1766], %swap3A_1769 {strides = array<i32>} : memref<2x16x128xf32, #tpu.memory_space<vmem>>, vector<1x1x16xf32>,
        %get3A_1770 = arith.constant 0 : i32
        %get3A_1771 = arith.index_cast %get3A_1770 : i32 to index
        %get3A_1772 = arith.index_cast %mul3A_1034 : i32 to index
        %get3A_1773 = arith.constant 64 : index
        %get3A_1774 = tpu.vector_load %arg6[%get3A_1771, %get3A_1772, %get3A_1773] {strides = array<i32>} : memref<2x320x128xf32, #tpu.memory_space<vmem>>, vector<1x1x16xf32>,
        %get3A_1775 = vector.shape_cast %get3A_1774 : vector<1x1x16xf32> to vector<16xf32>
        %add3A_1776 = arith.constant 1 : i32
        %add3A_1777 = arith.addi %mul3A_1034, %add3A_1776 : i32
        %get3A_1778 = arith.constant 0 : i32
        %get3A_1779 = arith.index_cast %get3A_1778 : i32 to index
        %get3A_1780 = arith.index_cast %add3A_1777 : i32 to index
        %get3A_1781 = arith.constant 64 : index
        %get3A_1782 = tpu.vector_load %arg6[%get3A_1779, %get3A_1780, %get3A_1781] {strides = array<i32>} : memref<2x320x128xf32, #tpu.memory_space<vmem>>, vector<1x1x16xf32>,
        %get3A_1783 = vector.shape_cast %get3A_1782 : vector<1x1x16xf32> to vector<16xf32>
        %max3A_1784 = arith.maximumf %get3A_1775, %get3A_1783 : vector<16xf32>
        %add3A_1785 = arith.constant 2 : i32
        %add3A_1786 = arith.addi %mul3A_1034, %add3A_1785 : i32
        %get3A_1787 = arith.constant 0 : i32
        %get3A_1788 = arith.index_cast %get3A_1787 : i32 to index
        %get3A_1789 = arith.index_cast %add3A_1786 : i32 to index
        %get3A_1790 = arith.constant 64 : index
        %get3A_1791 = tpu.vector_load %arg6[%get3A_1788, %get3A_1789, %get3A_1790] {strides = array<i32>} : memref<2x320x128xf32, #tpu.memory_space<vmem>>, vector<1x1x16xf32>,
        %get3A_1792 = vector.shape_cast %get3A_1791 : vector<1x1x16xf32> to vector<16xf32>
        %max3A_1793 = arith.maximumf %max3A_1784, %get3A_1792 : vector<16xf32>
        %add3A_1794 = arith.constant 3 : i32
        %add3A_1795 = arith.addi %mul3A_1034, %add3A_1794 : i32
        %get3A_1796 = arith.constant 0 : i32
        %get3A_1797 = arith.index_cast %get3A_1796 : i32 to index
        %get3A_1798 = arith.index_cast %add3A_1795 : i32 to index
        %get3A_1799 = arith.constant 64 : index
        %get3A_1800 = tpu.vector_load %arg6[%get3A_1797, %get3A_1798, %get3A_1799] {strides = array<i32>} : memref<2x320x128xf32, #tpu.memory_space<vmem>>, vector<1x1x16xf32>,
        %get3A_1801 = vector.shape_cast %get3A_1800 : vector<1x1x16xf32> to vector<16xf32>
        %max3A_1802 = arith.maximumf %max3A_1793, %get3A_1801 : vector<16xf32>
        %add3A_1803 = arith.constant 4 : i32
        %add3A_1804 = arith.addi %mul3A_1034, %add3A_1803 : i32
        %get3A_1805 = arith.constant 0 : i32
        %get3A_1806 = arith.index_cast %get3A_1805 : i32 to index
        %get3A_1807 = arith.index_cast %add3A_1804 : i32 to index
        %get3A_1808 = arith.constant 64 : index
        %get3A_1809 = tpu.vector_load %arg6[%get3A_1806, %get3A_1807, %get3A_1808] {strides = array<i32>} : memref<2x320x128xf32, #tpu.memory_space<vmem>>, vector<1x1x16xf32>,
        %get3A_1810 = vector.shape_cast %get3A_1809 : vector<1x1x16xf32> to vector<16xf32>
        %max3A_1811 = arith.maximumf %max3A_1802, %get3A_1810 : vector<16xf32>
        %add3A_1812 = arith.constant 5 : i32
        %add3A_1813 = arith.addi %mul3A_1034, %add3A_1812 : i32
        %get3A_1814 = arith.constant 0 : i32
        %get3A_1815 = arith.index_cast %get3A_1814 : i32 to index
        %get3A_1816 = arith.index_cast %add3A_1813 : i32 to index
        %get3A_1817 = arith.constant 64 : index
        %get3A_1818 = tpu.vector_load %arg6[%get3A_1815, %get3A_1816, %get3A_1817] {strides = array<i32>} : memref<2x320x128xf32, #tpu.memory_space<vmem>>, vector<1x1x16xf32>,
        %get3A_1819 = vector.shape_cast %get3A_1818 : vector<1x1x16xf32> to vector<16xf32>
        %max3A_1820 = arith.maximumf %max3A_1811, %get3A_1819 : vector<16xf32>
        %add3A_1821 = arith.constant 6 : i32
        %add3A_1822 = arith.addi %mul3A_1034, %add3A_1821 : i32
        %get3A_1823 = arith.constant 0 : i32
        %get3A_1824 = arith.index_cast %get3A_1823 : i32 to index
        %get3A_1825 = arith.index_cast %add3A_1822 : i32 to index
        %get3A_1826 = arith.constant 64 : index
        %get3A_1827 = tpu.vector_load %arg6[%get3A_1824, %get3A_1825, %get3A_1826] {strides = array<i32>} : memref<2x320x128xf32, #tpu.memory_space<vmem>>, vector<1x1x16xf32>,
        %get3A_1828 = vector.shape_cast %get3A_1827 : vector<1x1x16xf32> to vector<16xf32>
        %max3A_1829 = arith.maximumf %max3A_1820, %get3A_1828 : vector<16xf32>
        %add3A_1830 = arith.constant 7 : i32
        %add3A_1831 = arith.addi %mul3A_1034, %add3A_1830 : i32
        %get3A_1832 = arith.constant 0 : i32
        %get3A_1833 = arith.index_cast %get3A_1832 : i32 to index
        %get3A_1834 = arith.index_cast %add3A_1831 : i32 to index
        %get3A_1835 = arith.constant 64 : index
        %get3A_1836 = tpu.vector_load %arg6[%get3A_1833, %get3A_1834, %get3A_1835] {strides = array<i32>} : memref<2x320x128xf32, #tpu.memory_space<vmem>>, vector<1x1x16xf32>,
        %get3A_1837 = vector.shape_cast %get3A_1836 : vector<1x1x16xf32> to vector<16xf32>
        %max3A_1838 = arith.maximumf %max3A_1829, %get3A_1837 : vector<16xf32>
        %add3A_1839 = arith.constant 8 : i32
        %add3A_1840 = arith.addi %mul3A_1034, %add3A_1839 : i32
        %get3A_1841 = arith.constant 0 : i32
        %get3A_1842 = arith.index_cast %get3A_1841 : i32 to index
        %get3A_1843 = arith.index_cast %add3A_1840 : i32 to index
        %get3A_1844 = arith.constant 64 : index
        %get3A_1845 = tpu.vector_load %arg6[%get3A_1842, %get3A_1843, %get3A_1844] {strides = array<i32>} : memref<2x320x128xf32, #tpu.memory_space<vmem>>, vector<1x1x16xf32>,
        %get3A_1846 = vector.shape_cast %get3A_1845 : vector<1x1x16xf32> to vector<16xf32>
        %max3A_1847 = arith.maximumf %max3A_1838, %get3A_1846 : vector<16xf32>
        %add3A_1848 = arith.constant 9 : i32
        %add3A_1849 = arith.addi %mul3A_1034, %add3A_1848 : i32
        %get3A_1850 = arith.constant 0 : i32
        %get3A_1851 = arith.index_cast %get3A_1850 : i32 to index
        %get3A_1852 = arith.index_cast %add3A_1849 : i32 to index
        %get3A_1853 = arith.constant 64 : index
        %get3A_1854 = tpu.vector_load %arg6[%get3A_1851, %get3A_1852, %get3A_1853] {strides = array<i32>} : memref<2x320x128xf32, #tpu.memory_space<vmem>>, vector<1x1x16xf32>,
        %get3A_1855 = vector.shape_cast %get3A_1854 : vector<1x1x16xf32> to vector<16xf32>
        %max3A_1856 = arith.maximumf %max3A_1847, %get3A_1855 : vector<16xf32>
        %add3A_1857 = arith.constant 10 : i32
        %add3A_1858 = arith.addi %mul3A_1034, %add3A_1857 : i32
        %get3A_1859 = arith.constant 0 : i32
        %get3A_1860 = arith.index_cast %get3A_1859 : i32 to index
        %get3A_1861 = arith.index_cast %add3A_1858 : i32 to index
        %get3A_1862 = arith.constant 64 : index
        %get3A_1863 = tpu.vector_load %arg6[%get3A_1860, %get3A_1861, %get3A_1862] {strides = array<i32>} : memref<2x320x128xf32, #tpu.memory_space<vmem>>, vector<1x1x16xf32>,
        %get3A_1864 = vector.shape_cast %get3A_1863 : vector<1x1x16xf32> to vector<16xf32>
        %max3A_1865 = arith.maximumf %max3A_1856, %get3A_1864 : vector<16xf32>
        %add3A_1866 = arith.constant 11 : i32
        %add3A_1867 = arith.addi %mul3A_1034, %add3A_1866 : i32
        %get3A_1868 = arith.constant 0 : i32
        %get3A_1869 = arith.index_cast %get3A_1868 : i32 to index
        %get3A_1870 = arith.index_cast %add3A_1867 : i32 to index
        %get3A_1871 = arith.constant 64 : index
        %get3A_1872 = tpu.vector_load %arg6[%get3A_1869, %get3A_1870, %get3A_1871] {strides = array<i32>} : memref<2x320x128xf32, #tpu.memory_space<vmem>>, vector<1x1x16xf32>,
        %get3A_1873 = vector.shape_cast %get3A_1872 : vector<1x1x16xf32> to vector<16xf32>
        %max3A_1874 = arith.maximumf %max3A_1865, %get3A_1873 : vector<16xf32>
        %add3A_1875 = arith.constant 12 : i32
        %add3A_1876 = arith.addi %mul3A_1034, %add3A_1875 : i32
        %get3A_1877 = arith.constant 0 : i32
        %get3A_1878 = arith.index_cast %get3A_1877 : i32 to index
        %get3A_1879 = arith.index_cast %add3A_1876 : i32 to index
        %get3A_1880 = arith.constant 64 : index
        %get3A_1881 = tpu.vector_load %arg6[%get3A_1878, %get3A_1879, %get3A_1880] {strides = array<i32>} : memref<2x320x128xf32, #tpu.memory_space<vmem>>, vector<1x1x16xf32>,
        %get3A_1882 = vector.shape_cast %get3A_1881 : vector<1x1x16xf32> to vector<16xf32>
        %max3A_1883 = arith.maximumf %max3A_1874, %get3A_1882 : vector<16xf32>
        %add3A_1884 = arith.constant 13 : i32
        %add3A_1885 = arith.addi %mul3A_1034, %add3A_1884 : i32
        %get3A_1886 = arith.constant 0 : i32
        %get3A_1887 = arith.index_cast %get3A_1886 : i32 to index
        %get3A_1888 = arith.index_cast %add3A_1885 : i32 to index
        %get3A_1889 = arith.constant 64 : index
        %get3A_1890 = tpu.vector_load %arg6[%get3A_1887, %get3A_1888, %get3A_1889] {strides = array<i32>} : memref<2x320x128xf32, #tpu.memory_space<vmem>>, vector<1x1x16xf32>,
        %get3A_1891 = vector.shape_cast %get3A_1890 : vector<1x1x16xf32> to vector<16xf32>
        %max3A_1892 = arith.maximumf %max3A_1883, %get3A_1891 : vector<16xf32>
        %add3A_1893 = arith.constant 14 : i32
        %add3A_1894 = arith.addi %mul3A_1034, %add3A_1893 : i32
        %get3A_1895 = arith.constant 0 : i32
        %get3A_1896 = arith.index_cast %get3A_1895 : i32 to index
        %get3A_1897 = arith.index_cast %add3A_1894 : i32 to index
        %get3A_1898 = arith.constant 64 : index
        %get3A_1899 = tpu.vector_load %arg6[%get3A_1896, %get3A_1897, %get3A_1898] {strides = array<i32>} : memref<2x320x128xf32, #tpu.memory_space<vmem>>, vector<1x1x16xf32>,
        %get3A_1900 = vector.shape_cast %get3A_1899 : vector<1x1x16xf32> to vector<16xf32>
        %max3A_1901 = arith.maximumf %max3A_1892, %get3A_1900 : vector<16xf32>
        %add3A_1902 = arith.constant 15 : i32
        %add3A_1903 = arith.addi %mul3A_1034, %add3A_1902 : i32
        %get3A_1904 = arith.constant 0 : i32
        %get3A_1905 = arith.index_cast %get3A_1904 : i32 to index
        %get3A_1906 = arith.index_cast %add3A_1903 : i32 to index
        %get3A_1907 = arith.constant 64 : index
        %get3A_1908 = tpu.vector_load %arg6[%get3A_1905, %get3A_1906, %get3A_1907] {strides = array<i32>} : memref<2x320x128xf32, #tpu.memory_space<vmem>>, vector<1x1x16xf32>,
        %get3A_1909 = vector.shape_cast %get3A_1908 : vector<1x1x16xf32> to vector<16xf32>
        %max3A_1910 = arith.maximumf %max3A_1901, %get3A_1909 : vector<16xf32>
        %add3A_1911 = arith.constant 16 : i32
        %add3A_1912 = arith.addi %mul3A_1034, %add3A_1911 : i32
        %get3A_1913 = arith.constant 0 : i32
        %get3A_1914 = arith.index_cast %get3A_1913 : i32 to index
        %get3A_1915 = arith.index_cast %add3A_1912 : i32 to index
        %get3A_1916 = arith.constant 64 : index
        %get3A_1917 = tpu.vector_load %arg6[%get3A_1914, %get3A_1915, %get3A_1916] {strides = array<i32>} : memref<2x320x128xf32, #tpu.memory_space<vmem>>, vector<1x1x16xf32>,
        %get3A_1918 = vector.shape_cast %get3A_1917 : vector<1x1x16xf32> to vector<16xf32>
        %max3A_1919 = arith.maximumf %max3A_1910, %get3A_1918 : vector<16xf32>
        %add3A_1920 = arith.constant 17 : i32
        %add3A_1921 = arith.addi %mul3A_1034, %add3A_1920 : i32
        %get3A_1922 = arith.constant 0 : i32
        %get3A_1923 = arith.index_cast %get3A_1922 : i32 to index
        %get3A_1924 = arith.index_cast %add3A_1921 : i32 to index
        %get3A_1925 = arith.constant 64 : index
        %get3A_1926 = tpu.vector_load %arg6[%get3A_1923, %get3A_1924, %get3A_1925] {strides = array<i32>} : memref<2x320x128xf32, #tpu.memory_space<vmem>>, vector<1x1x16xf32>,
        %get3A_1927 = vector.shape_cast %get3A_1926 : vector<1x1x16xf32> to vector<16xf32>
        %max3A_1928 = arith.maximumf %max3A_1919, %get3A_1927 : vector<16xf32>
        %add3A_1929 = arith.constant 18 : i32
        %add3A_1930 = arith.addi %mul3A_1034, %add3A_1929 : i32
        %get3A_1931 = arith.constant 0 : i32
        %get3A_1932 = arith.index_cast %get3A_1931 : i32 to index
        %get3A_1933 = arith.index_cast %add3A_1930 : i32 to index
        %get3A_1934 = arith.constant 64 : index
        %get3A_1935 = tpu.vector_load %arg6[%get3A_1932, %get3A_1933, %get3A_1934] {strides = array<i32>} : memref<2x320x128xf32, #tpu.memory_space<vmem>>, vector<1x1x16xf32>,
        %get3A_1936 = vector.shape_cast %get3A_1935 : vector<1x1x16xf32> to vector<16xf32>
        %max3A_1937 = arith.maximumf %max3A_1928, %get3A_1936 : vector<16xf32>
        %add3A_1938 = arith.constant 19 : i32
        %add3A_1939 = arith.addi %mul3A_1034, %add3A_1938 : i32
        %get3A_1940 = arith.constant 0 : i32
        %get3A_1941 = arith.index_cast %get3A_1940 : i32 to index
        %get3A_1942 = arith.index_cast %add3A_1939 : i32 to index
        %get3A_1943 = arith.constant 64 : index
        %get3A_1944 = tpu.vector_load %arg6[%get3A_1941, %get3A_1942, %get3A_1943] {strides = array<i32>} : memref<2x320x128xf32, #tpu.memory_space<vmem>>, vector<1x1x16xf32>,
        %get3A_1945 = vector.shape_cast %get3A_1944 : vector<1x1x16xf32> to vector<16xf32>
        %max3A_1946 = arith.maximumf %max3A_1937, %get3A_1945 : vector<16xf32>
        %swap3A_1947 = arith.constant 0 : i32
        %swap3A_1948 = arith.index_cast %swap3A_1947 : i32 to index
        %swap3A_1949 = arith.index_cast %scan3A_1032 : i32 to index
        %swap3A_1950 = arith.constant 64 : index
        %swap3A_1951 = tpu.vector_load %arg7[%swap3A_1948, %swap3A_1949, %swap3A_1950] {strides = array<i32>} : memref<2x16x128xf32, #tpu.memory_space<vmem>>, vector<1x1x16xf32>,
        %swap3A_1952 = vector.shape_cast %swap3A_1951 : vector<1x1x16xf32> to vector<16xf32>
        %swap3A_1953 = vector.shape_cast %max3A_1946 : vector<16xf32> to vector<1x1x16xf32>
        tpu.vector_store %arg7[%swap3A_1948, %swap3A_1949, %swap3A_1950], %swap3A_1953 {strides = array<i32>} : memref<2x16x128xf32, #tpu.memory_space<vmem>>, vector<1x1x16xf32>,
        %get3A_1954 = arith.constant 0 : i32
        %get3A_1955 = arith.index_cast %get3A_1954 : i32 to index
        %get3A_1956 = arith.index_cast %mul3A_1034 : i32 to index
        %get3A_1957 = arith.constant 80 : index
        %get3A_1958 = tpu.vector_load %arg6[%get3A_1955, %get3A_1956, %get3A_1957] {strides = array<i32>} : memref<2x320x128xf32, #tpu.memory_space<vmem>>, vector<1x1x16xf32>,
        %get3A_1959 = vector.shape_cast %get3A_1958 : vector<1x1x16xf32> to vector<16xf32>
        %add3A_1960 = arith.constant 1 : i32
        %add3A_1961 = arith.addi %mul3A_1034, %add3A_1960 : i32
        %get3A_1962 = arith.constant 0 : i32
        %get3A_1963 = arith.index_cast %get3A_1962 : i32 to index
        %get3A_1964 = arith.index_cast %add3A_1961 : i32 to index
        %get3A_1965 = arith.constant 80 : index
        %get3A_1966 = tpu.vector_load %arg6[%get3A_1963, %get3A_1964, %get3A_1965] {strides = array<i32>} : memref<2x320x128xf32, #tpu.memory_space<vmem>>, vector<1x1x16xf32>,
        %get3A_1967 = vector.shape_cast %get3A_1966 : vector<1x1x16xf32> to vector<16xf32>
        %max3A_1968 = arith.maximumf %get3A_1959, %get3A_1967 : vector<16xf32>
        %add3A_1969 = arith.constant 2 : i32
        %add3A_1970 = arith.addi %mul3A_1034, %add3A_1969 : i32
        %get3A_1971 = arith.constant 0 : i32
        %get3A_1972 = arith.index_cast %get3A_1971 : i32 to index
        %get3A_1973 = arith.index_cast %add3A_1970 : i32 to index
        %get3A_1974 = arith.constant 80 : index
        %get3A_1975 = tpu.vector_load %arg6[%get3A_1972, %get3A_1973, %get3A_1974] {strides = array<i32>} : memref<2x320x128xf32, #tpu.memory_space<vmem>>, vector<1x1x16xf32>,
        %get3A_1976 = vector.shape_cast %get3A_1975 : vector<1x1x16xf32> to vector<16xf32>
        %max3A_1977 = arith.maximumf %max3A_1968, %get3A_1976 : vector<16xf32>
        %add3A_1978 = arith.constant 3 : i32
        %add3A_1979 = arith.addi %mul3A_1034, %add3A_1978 : i32
        %get3A_1980 = arith.constant 0 : i32
        %get3A_1981 = arith.index_cast %get3A_1980 : i32 to index
        %get3A_1982 = arith.index_cast %add3A_1979 : i32 to index
        %get3A_1983 = arith.constant 80 : index
        %get3A_1984 = tpu.vector_load %arg6[%get3A_1981, %get3A_1982, %get3A_1983] {strides = array<i32>} : memref<2x320x128xf32, #tpu.memory_space<vmem>>, vector<1x1x16xf32>,
        %get3A_1985 = vector.shape_cast %get3A_1984 : vector<1x1x16xf32> to vector<16xf32>
        %max3A_1986 = arith.maximumf %max3A_1977, %get3A_1985 : vector<16xf32>
        %add3A_1987 = arith.constant 4 : i32
        %add3A_1988 = arith.addi %mul3A_1034, %add3A_1987 : i32
        %get3A_1989 = arith.constant 0 : i32
        %get3A_1990 = arith.index_cast %get3A_1989 : i32 to index
        %get3A_1991 = arith.index_cast %add3A_1988 : i32 to index
        %get3A_1992 = arith.constant 80 : index
        %get3A_1993 = tpu.vector_load %arg6[%get3A_1990, %get3A_1991, %get3A_1992] {strides = array<i32>} : memref<2x320x128xf32, #tpu.memory_space<vmem>>, vector<1x1x16xf32>,
        %get3A_1994 = vector.shape_cast %get3A_1993 : vector<1x1x16xf32> to vector<16xf32>
        %max3A_1995 = arith.maximumf %max3A_1986, %get3A_1994 : vector<16xf32>
        %add3A_1996 = arith.constant 5 : i32
        %add3A_1997 = arith.addi %mul3A_1034, %add3A_1996 : i32
        %get3A_1998 = arith.constant 0 : i32
        %get3A_1999 = arith.index_cast %get3A_1998 : i32 to index
        %get3A_2000 = arith.index_cast %add3A_1997 : i32 to index
        %get3A_2001 = arith.constant 80 : index
        %get3A_2002 = tpu.vector_load %arg6[%get3A_1999, %get3A_2000, %get3A_2001] {strides = array<i32>} : memref<2x320x128xf32, #tpu.memory_space<vmem>>, vector<1x1x16xf32>,
        %get3A_2003 = vector.shape_cast %get3A_2002 : vector<1x1x16xf32> to vector<16xf32>
        %max3A_2004 = arith.maximumf %max3A_1995, %get3A_2003 : vector<16xf32>
        %add3A_2005 = arith.constant 6 : i32
        %add3A_2006 = arith.addi %mul3A_1034, %add3A_2005 : i32
        %get3A_2007 = arith.constant 0 : i32
        %get3A_2008 = arith.index_cast %get3A_2007 : i32 to index
        %get3A_2009 = arith.index_cast %add3A_2006 : i32 to index
        %get3A_2010 = arith.constant 80 : index
        %get3A_2011 = tpu.vector_load %arg6[%get3A_2008, %get3A_2009, %get3A_2010] {strides = array<i32>} : memref<2x320x128xf32, #tpu.memory_space<vmem>>, vector<1x1x16xf32>,
        %get3A_2012 = vector.shape_cast %get3A_2011 : vector<1x1x16xf32> to vector<16xf32>
        %max3A_2013 = arith.maximumf %max3A_2004, %get3A_2012 : vector<16xf32>
        %add3A_2014 = arith.constant 7 : i32
        %add3A_2015 = arith.addi %mul3A_1034, %add3A_2014 : i32
        %get3A_2016 = arith.constant 0 : i32
        %get3A_2017 = arith.index_cast %get3A_2016 : i32 to index
        %get3A_2018 = arith.index_cast %add3A_2015 : i32 to index
        %get3A_2019 = arith.constant 80 : index
        %get3A_2020 = tpu.vector_load %arg6[%get3A_2017, %get3A_2018, %get3A_2019] {strides = array<i32>} : memref<2x320x128xf32, #tpu.memory_space<vmem>>, vector<1x1x16xf32>,
        %get3A_2021 = vector.shape_cast %get3A_2020 : vector<1x1x16xf32> to vector<16xf32>
        %max3A_2022 = arith.maximumf %max3A_2013, %get3A_2021 : vector<16xf32>
        %add3A_2023 = arith.constant 8 : i32
        %add3A_2024 = arith.addi %mul3A_1034, %add3A_2023 : i32
        %get3A_2025 = arith.constant 0 : i32
        %get3A_2026 = arith.index_cast %get3A_2025 : i32 to index
        %get3A_2027 = arith.index_cast %add3A_2024 : i32 to index
        %get3A_2028 = arith.constant 80 : index
        %get3A_2029 = tpu.vector_load %arg6[%get3A_2026, %get3A_2027, %get3A_2028] {strides = array<i32>} : memref<2x320x128xf32, #tpu.memory_space<vmem>>, vector<1x1x16xf32>,
        %get3A_2030 = vector.shape_cast %get3A_2029 : vector<1x1x16xf32> to vector<16xf32>
        %max3A_2031 = arith.maximumf %max3A_2022, %get3A_2030 : vector<16xf32>
        %add3A_2032 = arith.constant 9 : i32
        %add3A_2033 = arith.addi %mul3A_1034, %add3A_2032 : i32
        %get3A_2034 = arith.constant 0 : i32
        %get3A_2035 = arith.index_cast %get3A_2034 : i32 to index
        %get3A_2036 = arith.index_cast %add3A_2033 : i32 to index
        %get3A_2037 = arith.constant 80 : index
        %get3A_2038 = tpu.vector_load %arg6[%get3A_2035, %get3A_2036, %get3A_2037] {strides = array<i32>} : memref<2x320x128xf32, #tpu.memory_space<vmem>>, vector<1x1x16xf32>,
        %get3A_2039 = vector.shape_cast %get3A_2038 : vector<1x1x16xf32> to vector<16xf32>
        %max3A_2040 = arith.maximumf %max3A_2031, %get3A_2039 : vector<16xf32>
        %add3A_2041 = arith.constant 10 : i32
        %add3A_2042 = arith.addi %mul3A_1034, %add3A_2041 : i32
        %get3A_2043 = arith.constant 0 : i32
        %get3A_2044 = arith.index_cast %get3A_2043 : i32 to index
        %get3A_2045 = arith.index_cast %add3A_2042 : i32 to index
        %get3A_2046 = arith.constant 80 : index
        %get3A_2047 = tpu.vector_load %arg6[%get3A_2044, %get3A_2045, %get3A_2046] {strides = array<i32>} : memref<2x320x128xf32, #tpu.memory_space<vmem>>, vector<1x1x16xf32>,
        %get3A_2048 = vector.shape_cast %get3A_2047 : vector<1x1x16xf32> to vector<16xf32>
        %max3A_2049 = arith.maximumf %max3A_2040, %get3A_2048 : vector<16xf32>
        %add3A_2050 = arith.constant 11 : i32
        %add3A_2051 = arith.addi %mul3A_1034, %add3A_2050 : i32
        %get3A_2052 = arith.constant 0 : i32
        %get3A_2053 = arith.index_cast %get3A_2052 : i32 to index
        %get3A_2054 = arith.index_cast %add3A_2051 : i32 to index
        %get3A_2055 = arith.constant 80 : index
        %get3A_2056 = tpu.vector_load %arg6[%get3A_2053, %get3A_2054, %get3A_2055] {strides = array<i32>} : memref<2x320x128xf32, #tpu.memory_space<vmem>>, vector<1x1x16xf32>,
        %get3A_2057 = vector.shape_cast %get3A_2056 : vector<1x1x16xf32> to vector<16xf32>
        %max3A_2058 = arith.maximumf %max3A_2049, %get3A_2057 : vector<16xf32>
        %add3A_2059 = arith.constant 12 : i32
        %add3A_2060 = arith.addi %mul3A_1034, %add3A_2059 : i32
        %get3A_2061 = arith.constant 0 : i32
        %get3A_2062 = arith.index_cast %get3A_2061 : i32 to index
        %get3A_2063 = arith.index_cast %add3A_2060 : i32 to index
        %get3A_2064 = arith.constant 80 : index
        %get3A_2065 = tpu.vector_load %arg6[%get3A_2062, %get3A_2063, %get3A_2064] {strides = array<i32>} : memref<2x320x128xf32, #tpu.memory_space<vmem>>, vector<1x1x16xf32>,
        %get3A_2066 = vector.shape_cast %get3A_2065 : vector<1x1x16xf32> to vector<16xf32>
        %max3A_2067 = arith.maximumf %max3A_2058, %get3A_2066 : vector<16xf32>
        %add3A_2068 = arith.constant 13 : i32
        %add3A_2069 = arith.addi %mul3A_1034, %add3A_2068 : i32
        %get3A_2070 = arith.constant 0 : i32
        %get3A_2071 = arith.index_cast %get3A_2070 : i32 to index
        %get3A_2072 = arith.index_cast %add3A_2069 : i32 to index
        %get3A_2073 = arith.constant 80 : index
        %get3A_2074 = tpu.vector_load %arg6[%get3A_2071, %get3A_2072, %get3A_2073] {strides = array<i32>} : memref<2x320x128xf32, #tpu.memory_space<vmem>>, vector<1x1x16xf32>,
        %get3A_2075 = vector.shape_cast %get3A_2074 : vector<1x1x16xf32> to vector<16xf32>
        %max3A_2076 = arith.maximumf %max3A_2067, %get3A_2075 : vector<16xf32>
        %add3A_2077 = arith.constant 14 : i32
        %add3A_2078 = arith.addi %mul3A_1034, %add3A_2077 : i32
        %get3A_2079 = arith.constant 0 : i32
        %get3A_2080 = arith.index_cast %get3A_2079 : i32 to index
        %get3A_2081 = arith.index_cast %add3A_2078 : i32 to index
        %get3A_2082 = arith.constant 80 : index
        %get3A_2083 = tpu.vector_load %arg6[%get3A_2080, %get3A_2081, %get3A_2082] {strides = array<i32>} : memref<2x320x128xf32, #tpu.memory_space<vmem>>, vector<1x1x16xf32>,
        %get3A_2084 = vector.shape_cast %get3A_2083 : vector<1x1x16xf32> to vector<16xf32>
        %max3A_2085 = arith.maximumf %max3A_2076, %get3A_2084 : vector<16xf32>
        %add3A_2086 = arith.constant 15 : i32
        %add3A_2087 = arith.addi %mul3A_1034, %add3A_2086 : i32
        %get3A_2088 = arith.constant 0 : i32
        %get3A_2089 = arith.index_cast %get3A_2088 : i32 to index
        %get3A_2090 = arith.index_cast %add3A_2087 : i32 to index
        %get3A_2091 = arith.constant 80 : index
        %get3A_2092 = tpu.vector_load %arg6[%get3A_2089, %get3A_2090, %get3A_2091] {strides = array<i32>} : memref<2x320x128xf32, #tpu.memory_space<vmem>>, vector<1x1x16xf32>,
        %get3A_2093 = vector.shape_cast %get3A_2092 : vector<1x1x16xf32> to vector<16xf32>
        %max3A_2094 = arith.maximumf %max3A_2085, %get3A_2093 : vector<16xf32>
        %add3A_2095 = arith.constant 16 : i32
        %add3A_2096 = arith.addi %mul3A_1034, %add3A_2095 : i32
        %get3A_2097 = arith.constant 0 : i32
        %get3A_2098 = arith.index_cast %get3A_2097 : i32 to index
        %get3A_2099 = arith.index_cast %add3A_2096 : i32 to index
        %get3A_2100 = arith.constant 80 : index
        %get3A_2101 = tpu.vector_load %arg6[%get3A_2098, %get3A_2099, %get3A_2100] {strides = array<i32>} : memref<2x320x128xf32, #tpu.memory_space<vmem>>, vector<1x1x16xf32>,
        %get3A_2102 = vector.shape_cast %get3A_2101 : vector<1x1x16xf32> to vector<16xf32>
        %max3A_2103 = arith.maximumf %max3A_2094, %get3A_2102 : vector<16xf32>
        %add3A_2104 = arith.constant 17 : i32
        %add3A_2105 = arith.addi %mul3A_1034, %add3A_2104 : i32
        %get3A_2106 = arith.constant 0 : i32
        %get3A_2107 = arith.index_cast %get3A_2106 : i32 to index
        %get3A_2108 = arith.index_cast %add3A_2105 : i32 to index
        %get3A_2109 = arith.constant 80 : index
        %get3A_2110 = tpu.vector_load %arg6[%get3A_2107, %get3A_2108, %get3A_2109] {strides = array<i32>} : memref<2x320x128xf32, #tpu.memory_space<vmem>>, vector<1x1x16xf32>,
        %get3A_2111 = vector.shape_cast %get3A_2110 : vector<1x1x16xf32> to vector<16xf32>
        %max3A_2112 = arith.maximumf %max3A_2103, %get3A_2111 : vector<16xf32>
        %add3A_2113 = arith.constant 18 : i32
        %add3A_2114 = arith.addi %mul3A_1034, %add3A_2113 : i32
        %get3A_2115 = arith.constant 0 : i32
        %get3A_2116 = arith.index_cast %get3A_2115 : i32 to index
        %get3A_2117 = arith.index_cast %add3A_2114 : i32 to index
        %get3A_2118 = arith.constant 80 : index
        %get3A_2119 = tpu.vector_load %arg6[%get3A_2116, %get3A_2117, %get3A_2118] {strides = array<i32>} : memref<2x320x128xf32, #tpu.memory_space<vmem>>, vector<1x1x16xf32>,
        %get3A_2120 = vector.shape_cast %get3A_2119 : vector<1x1x16xf32> to vector<16xf32>
        %max3A_2121 = arith.maximumf %max3A_2112, %get3A_2120 : vector<16xf32>
        %add3A_2122 = arith.constant 19 : i32
        %add3A_2123 = arith.addi %mul3A_1034, %add3A_2122 : i32
        %get3A_2124 = arith.constant 0 : i32
        %get3A_2125 = arith.index_cast %get3A_2124 : i32 to index
        %get3A_2126 = arith.index_cast %add3A_2123 : i32 to index
        %get3A_2127 = arith.constant 80 : index
        %get3A_2128 = tpu.vector_load %arg6[%get3A_2125, %get3A_2126, %get3A_2127] {strides = array<i32>} : memref<2x320x128xf32, #tpu.memory_space<vmem>>, vector<1x1x16xf32>,
        %get3A_2129 = vector.shape_cast %get3A_2128 : vector<1x1x16xf32> to vector<16xf32>
        %max3A_2130 = arith.maximumf %max3A_2121, %get3A_2129 : vector<16xf32>
        %swap3A_2131 = arith.constant 0 : i32
        %swap3A_2132 = arith.index_cast %swap3A_2131 : i32 to index
        %swap3A_2133 = arith.index_cast %scan3A_1032 : i32 to index
        %swap3A_2134 = arith.constant 80 : index
        %swap3A_2135 = tpu.vector_load %arg7[%swap3A_2132, %swap3A_2133, %swap3A_2134] {strides = array<i32>} : memref<2x16x128xf32, #tpu.memory_space<vmem>>, vector<1x1x16xf32>,
        %swap3A_2136 = vector.shape_cast %swap3A_2135 : vector<1x1x16xf32> to vector<16xf32>
        %swap3A_2137 = vector.shape_cast %max3A_2130 : vector<16xf32> to vector<1x1x16xf32>
        tpu.vector_store %arg7[%swap3A_2132, %swap3A_2133, %swap3A_2134], %swap3A_2137 {strides = array<i32>} : memref<2x16x128xf32, #tpu.memory_space<vmem>>, vector<1x1x16xf32>,
        %get3A_2138 = arith.constant 0 : i32
        %get3A_2139 = arith.index_cast %get3A_2138 : i32 to index
        %get3A_2140 = arith.index_cast %mul3A_1034 : i32 to index
        %get3A_2141 = arith.constant 96 : index
        %get3A_2142 = tpu.vector_load %arg6[%get3A_2139, %get3A_2140, %get3A_2141] {strides = array<i32>} : memref<2x320x128xf32, #tpu.memory_space<vmem>>, vector<1x1x16xf32>,
        %get3A_2143 = vector.shape_cast %get3A_2142 : vector<1x1x16xf32> to vector<16xf32>
        %add3A_2144 = arith.constant 1 : i32
        %add3A_2145 = arith.addi %mul3A_1034, %add3A_2144 : i32
        %get3A_2146 = arith.constant 0 : i32
        %get3A_2147 = arith.index_cast %get3A_2146 : i32 to index
        %get3A_2148 = arith.index_cast %add3A_2145 : i32 to index
        %get3A_2149 = arith.constant 96 : index
        %get3A_2150 = tpu.vector_load %arg6[%get3A_2147, %get3A_2148, %get3A_2149] {strides = array<i32>} : memref<2x320x128xf32, #tpu.memory_space<vmem>>, vector<1x1x16xf32>,
        %get3A_2151 = vector.shape_cast %get3A_2150 : vector<1x1x16xf32> to vector<16xf32>
        %max3A_2152 = arith.maximumf %get3A_2143, %get3A_2151 : vector<16xf32>
        %add3A_2153 = arith.constant 2 : i32
        %add3A_2154 = arith.addi %mul3A_1034, %add3A_2153 : i32
        %get3A_2155 = arith.constant 0 : i32
        %get3A_2156 = arith.index_cast %get3A_2155 : i32 to index
        %get3A_2157 = arith.index_cast %add3A_2154 : i32 to index
        %get3A_2158 = arith.constant 96 : index
        %get3A_2159 = tpu.vector_load %arg6[%get3A_2156, %get3A_2157, %get3A_2158] {strides = array<i32>} : memref<2x320x128xf32, #tpu.memory_space<vmem>>, vector<1x1x16xf32>,
        %get3A_2160 = vector.shape_cast %get3A_2159 : vector<1x1x16xf32> to vector<16xf32>
        %max3A_2161 = arith.maximumf %max3A_2152, %get3A_2160 : vector<16xf32>
        %add3A_2162 = arith.constant 3 : i32
        %add3A_2163 = arith.addi %mul3A_1034, %add3A_2162 : i32
        %get3A_2164 = arith.constant 0 : i32
        %get3A_2165 = arith.index_cast %get3A_2164 : i32 to index
        %get3A_2166 = arith.index_cast %add3A_2163 : i32 to index
        %get3A_2167 = arith.constant 96 : index
        %get3A_2168 = tpu.vector_load %arg6[%get3A_2165, %get3A_2166, %get3A_2167] {strides = array<i32>} : memref<2x320x128xf32, #tpu.memory_space<vmem>>, vector<1x1x16xf32>,
        %get3A_2169 = vector.shape_cast %get3A_2168 : vector<1x1x16xf32> to vector<16xf32>
        %max3A_2170 = arith.maximumf %max3A_2161, %get3A_2169 : vector<16xf32>
        %add3A_2171 = arith.constant 4 : i32
        %add3A_2172 = arith.addi %mul3A_1034, %add3A_2171 : i32
        %get3A_2173 = arith.constant 0 : i32
        %get3A_2174 = arith.index_cast %get3A_2173 : i32 to index
        %get3A_2175 = arith.index_cast %add3A_2172 : i32 to index
        %get3A_2176 = arith.constant 96 : index
        %get3A_2177 = tpu.vector_load %arg6[%get3A_2174, %get3A_2175, %get3A_2176] {strides = array<i32>} : memref<2x320x128xf32, #tpu.memory_space<vmem>>, vector<1x1x16xf32>,
        %get3A_2178 = vector.shape_cast %get3A_2177 : vector<1x1x16xf32> to vector<16xf32>
        %max3A_2179 = arith.maximumf %max3A_2170, %get3A_2178 : vector<16xf32>
        %add3A_2180 = arith.constant 5 : i32
        %add3A_2181 = arith.addi %mul3A_1034, %add3A_2180 : i32
        %get3A_2182 = arith.constant 0 : i32
        %get3A_2183 = arith.index_cast %get3A_2182 : i32 to index
        %get3A_2184 = arith.index_cast %add3A_2181 : i32 to index
        %get3A_2185 = arith.constant 96 : index
        %get3A_2186 = tpu.vector_load %arg6[%get3A_2183, %get3A_2184, %get3A_2185] {strides = array<i32>} : memref<2x320x128xf32, #tpu.memory_space<vmem>>, vector<1x1x16xf32>,
        %get3A_2187 = vector.shape_cast %get3A_2186 : vector<1x1x16xf32> to vector<16xf32>
        %max3A_2188 = arith.maximumf %max3A_2179, %get3A_2187 : vector<16xf32>
        %add3A_2189 = arith.constant 6 : i32
        %add3A_2190 = arith.addi %mul3A_1034, %add3A_2189 : i32
        %get3A_2191 = arith.constant 0 : i32
        %get3A_2192 = arith.index_cast %get3A_2191 : i32 to index
        %get3A_2193 = arith.index_cast %add3A_2190 : i32 to index
        %get3A_2194 = arith.constant 96 : index
        %get3A_2195 = tpu.vector_load %arg6[%get3A_2192, %get3A_2193, %get3A_2194] {strides = array<i32>} : memref<2x320x128xf32, #tpu.memory_space<vmem>>, vector<1x1x16xf32>,
        %get3A_2196 = vector.shape_cast %get3A_2195 : vector<1x1x16xf32> to vector<16xf32>
        %max3A_2197 = arith.maximumf %max3A_2188, %get3A_2196 : vector<16xf32>
        %add3A_2198 = arith.constant 7 : i32
        %add3A_2199 = arith.addi %mul3A_1034, %add3A_2198 : i32
        %get3A_2200 = arith.constant 0 : i32
        %get3A_2201 = arith.index_cast %get3A_2200 : i32 to index
        %get3A_2202 = arith.index_cast %add3A_2199 : i32 to index
        %get3A_2203 = arith.constant 96 : index
        %get3A_2204 = tpu.vector_load %arg6[%get3A_2201, %get3A_2202, %get3A_2203] {strides = array<i32>} : memref<2x320x128xf32, #tpu.memory_space<vmem>>, vector<1x1x16xf32>,
        %get3A_2205 = vector.shape_cast %get3A_2204 : vector<1x1x16xf32> to vector<16xf32>
        %max3A_2206 = arith.maximumf %max3A_2197, %get3A_2205 : vector<16xf32>
        %add3A_2207 = arith.constant 8 : i32
        %add3A_2208 = arith.addi %mul3A_1034, %add3A_2207 : i32
        %get3A_2209 = arith.constant 0 : i32
        %get3A_2210 = arith.index_cast %get3A_2209 : i32 to index
        %get3A_2211 = arith.index_cast %add3A_2208 : i32 to index
        %get3A_2212 = arith.constant 96 : index
        %get3A_2213 = tpu.vector_load %arg6[%get3A_2210, %get3A_2211, %get3A_2212] {strides = array<i32>} : memref<2x320x128xf32, #tpu.memory_space<vmem>>, vector<1x1x16xf32>,
        %get3A_2214 = vector.shape_cast %get3A_2213 : vector<1x1x16xf32> to vector<16xf32>
        %max3A_2215 = arith.maximumf %max3A_2206, %get3A_2214 : vector<16xf32>
        %add3A_2216 = arith.constant 9 : i32
        %add3A_2217 = arith.addi %mul3A_1034, %add3A_2216 : i32
        %get3A_2218 = arith.constant 0 : i32
        %get3A_2219 = arith.index_cast %get3A_2218 : i32 to index
        %get3A_2220 = arith.index_cast %add3A_2217 : i32 to index
        %get3A_2221 = arith.constant 96 : index
        %get3A_2222 = tpu.vector_load %arg6[%get3A_2219, %get3A_2220, %get3A_2221] {strides = array<i32>} : memref<2x320x128xf32, #tpu.memory_space<vmem>>, vector<1x1x16xf32>,
        %get3A_2223 = vector.shape_cast %get3A_2222 : vector<1x1x16xf32> to vector<16xf32>
        %max3A_2224 = arith.maximumf %max3A_2215, %get3A_2223 : vector<16xf32>
        %add3A_2225 = arith.constant 10 : i32
        %add3A_2226 = arith.addi %mul3A_1034, %add3A_2225 : i32
        %get3A_2227 = arith.constant 0 : i32
        %get3A_2228 = arith.index_cast %get3A_2227 : i32 to index
        %get3A_2229 = arith.index_cast %add3A_2226 : i32 to index
        %get3A_2230 = arith.constant 96 : index
        %get3A_2231 = tpu.vector_load %arg6[%get3A_2228, %get3A_2229, %get3A_2230] {strides = array<i32>} : memref<2x320x128xf32, #tpu.memory_space<vmem>>, vector<1x1x16xf32>,
        %get3A_2232 = vector.shape_cast %get3A_2231 : vector<1x1x16xf32> to vector<16xf32>
        %max3A_2233 = arith.maximumf %max3A_2224, %get3A_2232 : vector<16xf32>
        %add3A_2234 = arith.constant 11 : i32
        %add3A_2235 = arith.addi %mul3A_1034, %add3A_2234 : i32
        %get3A_2236 = arith.constant 0 : i32
        %get3A_2237 = arith.index_cast %get3A_2236 : i32 to index
        %get3A_2238 = arith.index_cast %add3A_2235 : i32 to index
        %get3A_2239 = arith.constant 96 : index
        %get3A_2240 = tpu.vector_load %arg6[%get3A_2237, %get3A_2238, %get3A_2239] {strides = array<i32>} : memref<2x320x128xf32, #tpu.memory_space<vmem>>, vector<1x1x16xf32>,
        %get3A_2241 = vector.shape_cast %get3A_2240 : vector<1x1x16xf32> to vector<16xf32>
        %max3A_2242 = arith.maximumf %max3A_2233, %get3A_2241 : vector<16xf32>
        %add3A_2243 = arith.constant 12 : i32
        %add3A_2244 = arith.addi %mul3A_1034, %add3A_2243 : i32
        %get3A_2245 = arith.constant 0 : i32
        %get3A_2246 = arith.index_cast %get3A_2245 : i32 to index
        %get3A_2247 = arith.index_cast %add3A_2244 : i32 to index
        %get3A_2248 = arith.constant 96 : index
        %get3A_2249 = tpu.vector_load %arg6[%get3A_2246, %get3A_2247, %get3A_2248] {strides = array<i32>} : memref<2x320x128xf32, #tpu.memory_space<vmem>>, vector<1x1x16xf32>,
        %get3A_2250 = vector.shape_cast %get3A_2249 : vector<1x1x16xf32> to vector<16xf32>
        %max3A_2251 = arith.maximumf %max3A_2242, %get3A_2250 : vector<16xf32>
        %add3A_2252 = arith.constant 13 : i32
        %add3A_2253 = arith.addi %mul3A_1034, %add3A_2252 : i32
        %get3A_2254 = arith.constant 0 : i32
        %get3A_2255 = arith.index_cast %get3A_2254 : i32 to index
        %get3A_2256 = arith.index_cast %add3A_2253 : i32 to index
        %get3A_2257 = arith.constant 96 : index
        %get3A_2258 = tpu.vector_load %arg6[%get3A_2255, %get3A_2256, %get3A_2257] {strides = array<i32>} : memref<2x320x128xf32, #tpu.memory_space<vmem>>, vector<1x1x16xf32>,
        %get3A_2259 = vector.shape_cast %get3A_2258 : vector<1x1x16xf32> to vector<16xf32>
        %max3A_2260 = arith.maximumf %max3A_2251, %get3A_2259 : vector<16xf32>
        %add3A_2261 = arith.constant 14 : i32
        %add3A_2262 = arith.addi %mul3A_1034, %add3A_2261 : i32
        %get3A_2263 = arith.constant 0 : i32
        %get3A_2264 = arith.index_cast %get3A_2263 : i32 to index
        %get3A_2265 = arith.index_cast %add3A_2262 : i32 to index
        %get3A_2266 = arith.constant 96 : index
        %get3A_2267 = tpu.vector_load %arg6[%get3A_2264, %get3A_2265, %get3A_2266] {strides = array<i32>} : memref<2x320x128xf32, #tpu.memory_space<vmem>>, vector<1x1x16xf32>,
        %get3A_2268 = vector.shape_cast %get3A_2267 : vector<1x1x16xf32> to vector<16xf32>
        %max3A_2269 = arith.maximumf %max3A_2260, %get3A_2268 : vector<16xf32>
        %add3A_2270 = arith.constant 15 : i32
        %add3A_2271 = arith.addi %mul3A_1034, %add3A_2270 : i32
        %get3A_2272 = arith.constant 0 : i32
        %get3A_2273 = arith.index_cast %get3A_2272 : i32 to index
        %get3A_2274 = arith.index_cast %add3A_2271 : i32 to index
        %get3A_2275 = arith.constant 96 : index
        %get3A_2276 = tpu.vector_load %arg6[%get3A_2273, %get3A_2274, %get3A_2275] {strides = array<i32>} : memref<2x320x128xf32, #tpu.memory_space<vmem>>, vector<1x1x16xf32>,
        %get3A_2277 = vector.shape_cast %get3A_2276 : vector<1x1x16xf32> to vector<16xf32>
        %max3A_2278 = arith.maximumf %max3A_2269, %get3A_2277 : vector<16xf32>
        %add3A_2279 = arith.constant 16 : i32
        %add3A_2280 = arith.addi %mul3A_1034, %add3A_2279 : i32
        %get3A_2281 = arith.constant 0 : i32
        %get3A_2282 = arith.index_cast %get3A_2281 : i32 to index
        %get3A_2283 = arith.index_cast %add3A_2280 : i32 to index
        %get3A_2284 = arith.constant 96 : index
        %get3A_2285 = tpu.vector_load %arg6[%get3A_2282, %get3A_2283, %get3A_2284] {strides = array<i32>} : memref<2x320x128xf32, #tpu.memory_space<vmem>>, vector<1x1x16xf32>,
        %get3A_2286 = vector.shape_cast %get3A_2285 : vector<1x1x16xf32> to vector<16xf32>
        %max3A_2287 = arith.maximumf %max3A_2278, %get3A_2286 : vector<16xf32>
        %add3A_2288 = arith.constant 17 : i32
        %add3A_2289 = arith.addi %mul3A_1034, %add3A_2288 : i32
        %get3A_2290 = arith.constant 0 : i32
        %get3A_2291 = arith.index_cast %get3A_2290 : i32 to index
        %get3A_2292 = arith.index_cast %add3A_2289 : i32 to index
        %get3A_2293 = arith.constant 96 : index
        %get3A_2294 = tpu.vector_load %arg6[%get3A_2291, %get3A_2292, %get3A_2293] {strides = array<i32>} : memref<2x320x128xf32, #tpu.memory_space<vmem>>, vector<1x1x16xf32>,
        %get3A_2295 = vector.shape_cast %get3A_2294 : vector<1x1x16xf32> to vector<16xf32>
        %max3A_2296 = arith.maximumf %max3A_2287, %get3A_2295 : vector<16xf32>
        %add3A_2297 = arith.constant 18 : i32
        %add3A_2298 = arith.addi %mul3A_1034, %add3A_2297 : i32
        %get3A_2299 = arith.constant 0 : i32
        %get3A_2300 = arith.index_cast %get3A_2299 : i32 to index
        %get3A_2301 = arith.index_cast %add3A_2298 : i32 to index
        %get3A_2302 = arith.constant 96 : index
        %get3A_2303 = tpu.vector_load %arg6[%get3A_2300, %get3A_2301, %get3A_2302] {strides = array<i32>} : memref<2x320x128xf32, #tpu.memory_space<vmem>>, vector<1x1x16xf32>,
        %get3A_2304 = vector.shape_cast %get3A_2303 : vector<1x1x16xf32> to vector<16xf32>
        %max3A_2305 = arith.maximumf %max3A_2296, %get3A_2304 : vector<16xf32>
        %add3A_2306 = arith.constant 19 : i32
        %add3A_2307 = arith.addi %mul3A_1034, %add3A_2306 : i32
        %get3A_2308 = arith.constant 0 : i32
        %get3A_2309 = arith.index_cast %get3A_2308 : i32 to index
        %get3A_2310 = arith.index_cast %add3A_2307 : i32 to index
        %get3A_2311 = arith.constant 96 : index
        %get3A_2312 = tpu.vector_load %arg6[%get3A_2309, %get3A_2310, %get3A_2311] {strides = array<i32>} : memref<2x320x128xf32, #tpu.memory_space<vmem>>, vector<1x1x16xf32>,
        %get3A_2313 = vector.shape_cast %get3A_2312 : vector<1x1x16xf32> to vector<16xf32>
        %max3A_2314 = arith.maximumf %max3A_2305, %get3A_2313 : vector<16xf32>
        %swap3A_2315 = arith.constant 0 : i32
        %swap3A_2316 = arith.index_cast %swap3A_2315 : i32 to index
        %swap3A_2317 = arith.index_cast %scan3A_1032 : i32 to index
        %swap3A_2318 = arith.constant 96 : index
        %swap3A_2319 = tpu.vector_load %arg7[%swap3A_2316, %swap3A_2317, %swap3A_2318] {strides = array<i32>} : memref<2x16x128xf32, #tpu.memory_space<vmem>>, vector<1x1x16xf32>,
        %swap3A_2320 = vector.shape_cast %swap3A_2319 : vector<1x1x16xf32> to vector<16xf32>
        %swap3A_2321 = vector.shape_cast %max3A_2314 : vector<16xf32> to vector<1x1x16xf32>
        tpu.vector_store %arg7[%swap3A_2316, %swap3A_2317, %swap3A_2318], %swap3A_2321 {strides = array<i32>} : memref<2x16x128xf32, #tpu.memory_space<vmem>>, vector<1x1x16xf32>,
        %get3A_2322 = arith.constant 0 : i32
        %get3A_2323 = arith.index_cast %get3A_2322 : i32 to index
        %get3A_2324 = arith.index_cast %mul3A_1034 : i32 to index
        %get3A_2325 = arith.constant 112 : index
        %get3A_2326 = tpu.vector_load %arg6[%get3A_2323, %get3A_2324, %get3A_2325] {strides = array<i32>} : memref<2x320x128xf32, #tpu.memory_space<vmem>>, vector<1x1x16xf32>,
        %get3A_2327 = vector.shape_cast %get3A_2326 : vector<1x1x16xf32> to vector<16xf32>
        %add3A_2328 = arith.constant 1 : i32
        %add3A_2329 = arith.addi %mul3A_1034, %add3A_2328 : i32
        %get3A_2330 = arith.constant 0 : i32
        %get3A_2331 = arith.index_cast %get3A_2330 : i32 to index
        %get3A_2332 = arith.index_cast %add3A_2329 : i32 to index
        %get3A_2333 = arith.constant 112 : index
        %get3A_2334 = tpu.vector_load %arg6[%get3A_2331, %get3A_2332, %get3A_2333] {strides = array<i32>} : memref<2x320x128xf32, #tpu.memory_space<vmem>>, vector<1x1x16xf32>,
        %get3A_2335 = vector.shape_cast %get3A_2334 : vector<1x1x16xf32> to vector<16xf32>
        %max3A_2336 = arith.maximumf %get3A_2327, %get3A_2335 : vector<16xf32>
        %add3A_2337 = arith.constant 2 : i32
        %add3A_2338 = arith.addi %mul3A_1034, %add3A_2337 : i32
        %get3A_2339 = arith.constant 0 : i32
        %get3A_2340 = arith.index_cast %get3A_2339 : i32 to index
        %get3A_2341 = arith.index_cast %add3A_2338 : i32 to index
        %get3A_2342 = arith.constant 112 : index
        %get3A_2343 = tpu.vector_load %arg6[%get3A_2340, %get3A_2341, %get3A_2342] {strides = array<i32>} : memref<2x320x128xf32, #tpu.memory_space<vmem>>, vector<1x1x16xf32>,
        %get3A_2344 = vector.shape_cast %get3A_2343 : vector<1x1x16xf32> to vector<16xf32>
        %max3A_2345 = arith.maximumf %max3A_2336, %get3A_2344 : vector<16xf32>
        %add3A_2346 = arith.constant 3 : i32
        %add3A_2347 = arith.addi %mul3A_1034, %add3A_2346 : i32
        %get3A_2348 = arith.constant 0 : i32
        %get3A_2349 = arith.index_cast %get3A_2348 : i32 to index
        %get3A_2350 = arith.index_cast %add3A_2347 : i32 to index
        %get3A_2351 = arith.constant 112 : index
        %get3A_2352 = tpu.vector_load %arg6[%get3A_2349, %get3A_2350, %get3A_2351] {strides = array<i32>} : memref<2x320x128xf32, #tpu.memory_space<vmem>>, vector<1x1x16xf32>,
        %get3A_2353 = vector.shape_cast %get3A_2352 : vector<1x1x16xf32> to vector<16xf32>
        %max3A_2354 = arith.maximumf %max3A_2345, %get3A_2353 : vector<16xf32>
        %add3A_2355 = arith.constant 4 : i32
        %add3A_2356 = arith.addi %mul3A_1034, %add3A_2355 : i32
        %get3A_2357 = arith.constant 0 : i32
        %get3A_2358 = arith.index_cast %get3A_2357 : i32 to index
        %get3A_2359 = arith.index_cast %add3A_2356 : i32 to index
        %get3A_2360 = arith.constant 112 : index
        %get3A_2361 = tpu.vector_load %arg6[%get3A_2358, %get3A_2359, %get3A_2360] {strides = array<i32>} : memref<2x320x128xf32, #tpu.memory_space<vmem>>, vector<1x1x16xf32>,
        %get3A_2362 = vector.shape_cast %get3A_2361 : vector<1x1x16xf32> to vector<16xf32>
        %max3A_2363 = arith.maximumf %max3A_2354, %get3A_2362 : vector<16xf32>
        %add3A_2364 = arith.constant 5 : i32
        %add3A_2365 = arith.addi %mul3A_1034, %add3A_2364 : i32
        %get3A_2366 = arith.constant 0 : i32
        %get3A_2367 = arith.index_cast %get3A_2366 : i32 to index
        %get3A_2368 = arith.index_cast %add3A_2365 : i32 to index
        %get3A_2369 = arith.constant 112 : index
        %get3A_2370 = tpu.vector_load %arg6[%get3A_2367, %get3A_2368, %get3A_2369] {strides = array<i32>} : memref<2x320x128xf32, #tpu.memory_space<vmem>>, vector<1x1x16xf32>,
        %get3A_2371 = vector.shape_cast %get3A_2370 : vector<1x1x16xf32> to vector<16xf32>
        %max3A_2372 = arith.maximumf %max3A_2363, %get3A_2371 : vector<16xf32>
        %add3A_2373 = arith.constant 6 : i32
        %add3A_2374 = arith.addi %mul3A_1034, %add3A_2373 : i32
        %get3A_2375 = arith.constant 0 : i32
        %get3A_2376 = arith.index_cast %get3A_2375 : i32 to index
        %get3A_2377 = arith.index_cast %add3A_2374 : i32 to index
        %get3A_2378 = arith.constant 112 : index
        %get3A_2379 = tpu.vector_load %arg6[%get3A_2376, %get3A_2377, %get3A_2378] {strides = array<i32>} : memref<2x320x128xf32, #tpu.memory_space<vmem>>, vector<1x1x16xf32>,
        %get3A_2380 = vector.shape_cast %get3A_2379 : vector<1x1x16xf32> to vector<16xf32>
        %max3A_2381 = arith.maximumf %max3A_2372, %get3A_2380 : vector<16xf32>
        %add3A_2382 = arith.constant 7 : i32
        %add3A_2383 = arith.addi %mul3A_1034, %add3A_2382 : i32
        %get3A_2384 = arith.constant 0 : i32
        %get3A_2385 = arith.index_cast %get3A_2384 : i32 to index
        %get3A_2386 = arith.index_cast %add3A_2383 : i32 to index
        %get3A_2387 = arith.constant 112 : index
        %get3A_2388 = tpu.vector_load %arg6[%get3A_2385, %get3A_2386, %get3A_2387] {strides = array<i32>} : memref<2x320x128xf32, #tpu.memory_space<vmem>>, vector<1x1x16xf32>,
        %get3A_2389 = vector.shape_cast %get3A_2388 : vector<1x1x16xf32> to vector<16xf32>
        %max3A_2390 = arith.maximumf %max3A_2381, %get3A_2389 : vector<16xf32>
        %add3A_2391 = arith.constant 8 : i32
        %add3A_2392 = arith.addi %mul3A_1034, %add3A_2391 : i32
        %get3A_2393 = arith.constant 0 : i32
        %get3A_2394 = arith.index_cast %get3A_2393 : i32 to index
        %get3A_2395 = arith.index_cast %add3A_2392 : i32 to index
        %get3A_2396 = arith.constant 112 : index
        %get3A_2397 = tpu.vector_load %arg6[%get3A_2394, %get3A_2395, %get3A_2396] {strides = array<i32>} : memref<2x320x128xf32, #tpu.memory_space<vmem>>, vector<1x1x16xf32>,
        %get3A_2398 = vector.shape_cast %get3A_2397 : vector<1x1x16xf32> to vector<16xf32>
        %max3A_2399 = arith.maximumf %max3A_2390, %get3A_2398 : vector<16xf32>
        %add3A_2400 = arith.constant 9 : i32
        %add3A_2401 = arith.addi %mul3A_1034, %add3A_2400 : i32
        %get3A_2402 = arith.constant 0 : i32
        %get3A_2403 = arith.index_cast %get3A_2402 : i32 to index
        %get3A_2404 = arith.index_cast %add3A_2401 : i32 to index
        %get3A_2405 = arith.constant 112 : index
        %get3A_2406 = tpu.vector_load %arg6[%get3A_2403, %get3A_2404, %get3A_2405] {strides = array<i32>} : memref<2x320x128xf32, #tpu.memory_space<vmem>>, vector<1x1x16xf32>,
        %get3A_2407 = vector.shape_cast %get3A_2406 : vector<1x1x16xf32> to vector<16xf32>
        %max3A_2408 = arith.maximumf %max3A_2399, %get3A_2407 : vector<16xf32>
        %add3A_2409 = arith.constant 10 : i32
        %add3A_2410 = arith.addi %mul3A_1034, %add3A_2409 : i32
        %get3A_2411 = arith.constant 0 : i32
        %get3A_2412 = arith.index_cast %get3A_2411 : i32 to index
        %get3A_2413 = arith.index_cast %add3A_2410 : i32 to index
        %get3A_2414 = arith.constant 112 : index
        %get3A_2415 = tpu.vector_load %arg6[%get3A_2412, %get3A_2413, %get3A_2414] {strides = array<i32>} : memref<2x320x128xf32, #tpu.memory_space<vmem>>, vector<1x1x16xf32>,
        %get3A_2416 = vector.shape_cast %get3A_2415 : vector<1x1x16xf32> to vector<16xf32>
        %max3A_2417 = arith.maximumf %max3A_2408, %get3A_2416 : vector<16xf32>
        %add3A_2418 = arith.constant 11 : i32
        %add3A_2419 = arith.addi %mul3A_1034, %add3A_2418 : i32
        %get3A_2420 = arith.constant 0 : i32
        %get3A_2421 = arith.index_cast %get3A_2420 : i32 to index
        %get3A_2422 = arith.index_cast %add3A_2419 : i32 to index
        %get3A_2423 = arith.constant 112 : index
        %get3A_2424 = tpu.vector_load %arg6[%get3A_2421, %get3A_2422, %get3A_2423] {strides = array<i32>} : memref<2x320x128xf32, #tpu.memory_space<vmem>>, vector<1x1x16xf32>,
        %get3A_2425 = vector.shape_cast %get3A_2424 : vector<1x1x16xf32> to vector<16xf32>
        %max3A_2426 = arith.maximumf %max3A_2417, %get3A_2425 : vector<16xf32>
        %add3A_2427 = arith.constant 12 : i32
        %add3A_2428 = arith.addi %mul3A_1034, %add3A_2427 : i32
        %get3A_2429 = arith.constant 0 : i32
        %get3A_2430 = arith.index_cast %get3A_2429 : i32 to index
        %get3A_2431 = arith.index_cast %add3A_2428 : i32 to index
        %get3A_2432 = arith.constant 112 : index
        %get3A_2433 = tpu.vector_load %arg6[%get3A_2430, %get3A_2431, %get3A_2432] {strides = array<i32>} : memref<2x320x128xf32, #tpu.memory_space<vmem>>, vector<1x1x16xf32>,
        %get3A_2434 = vector.shape_cast %get3A_2433 : vector<1x1x16xf32> to vector<16xf32>
        %max3A_2435 = arith.maximumf %max3A_2426, %get3A_2434 : vector<16xf32>
        %add3A_2436 = arith.constant 13 : i32
        %add3A_2437 = arith.addi %mul3A_1034, %add3A_2436 : i32
        %get3A_2438 = arith.constant 0 : i32
        %get3A_2439 = arith.index_cast %get3A_2438 : i32 to index
        %get3A_2440 = arith.index_cast %add3A_2437 : i32 to index
        %get3A_2441 = arith.constant 112 : index
        %get3A_2442 = tpu.vector_load %arg6[%get3A_2439, %get3A_2440, %get3A_2441] {strides = array<i32>} : memref<2x320x128xf32, #tpu.memory_space<vmem>>, vector<1x1x16xf32>,
        %get3A_2443 = vector.shape_cast %get3A_2442 : vector<1x1x16xf32> to vector<16xf32>
        %max3A_2444 = arith.maximumf %max3A_2435, %get3A_2443 : vector<16xf32>
        %add3A_2445 = arith.constant 14 : i32
        %add3A_2446 = arith.addi %mul3A_1034, %add3A_2445 : i32
        %get3A_2447 = arith.constant 0 : i32
        %get3A_2448 = arith.index_cast %get3A_2447 : i32 to index
        %get3A_2449 = arith.index_cast %add3A_2446 : i32 to index
        %get3A_2450 = arith.constant 112 : index
        %get3A_2451 = tpu.vector_load %arg6[%get3A_2448, %get3A_2449, %get3A_2450] {strides = array<i32>} : memref<2x320x128xf32, #tpu.memory_space<vmem>>, vector<1x1x16xf32>,
        %get3A_2452 = vector.shape_cast %get3A_2451 : vector<1x1x16xf32> to vector<16xf32>
        %max3A_2453 = arith.maximumf %max3A_2444, %get3A_2452 : vector<16xf32>
        %add3A_2454 = arith.constant 15 : i32
        %add3A_2455 = arith.addi %mul3A_1034, %add3A_2454 : i32
        %get3A_2456 = arith.constant 0 : i32
        %get3A_2457 = arith.index_cast %get3A_2456 : i32 to index
        %get3A_2458 = arith.index_cast %add3A_2455 : i32 to index
        %get3A_2459 = arith.constant 112 : index
        %get3A_2460 = tpu.vector_load %arg6[%get3A_2457, %get3A_2458, %get3A_2459] {strides = array<i32>} : memref<2x320x128xf32, #tpu.memory_space<vmem>>, vector<1x1x16xf32>,
        %get3A_2461 = vector.shape_cast %get3A_2460 : vector<1x1x16xf32> to vector<16xf32>
        %max3A_2462 = arith.maximumf %max3A_2453, %get3A_2461 : vector<16xf32>
        %add3A_2463 = arith.constant 16 : i32
        %add3A_2464 = arith.addi %mul3A_1034, %add3A_2463 : i32
        %get3A_2465 = arith.constant 0 : i32
        %get3A_2466 = arith.index_cast %get3A_2465 : i32 to index
        %get3A_2467 = arith.index_cast %add3A_2464 : i32 to index
        %get3A_2468 = arith.constant 112 : index
        %get3A_2469 = tpu.vector_load %arg6[%get3A_2466, %get3A_2467, %get3A_2468] {strides = array<i32>} : memref<2x320x128xf32, #tpu.memory_space<vmem>>, vector<1x1x16xf32>,
        %get3A_2470 = vector.shape_cast %get3A_2469 : vector<1x1x16xf32> to vector<16xf32>
        %max3A_2471 = arith.maximumf %max3A_2462, %get3A_2470 : vector<16xf32>
        %add3A_2472 = arith.constant 17 : i32
        %add3A_2473 = arith.addi %mul3A_1034, %add3A_2472 : i32
        %get3A_2474 = arith.constant 0 : i32
        %get3A_2475 = arith.index_cast %get3A_2474 : i32 to index
        %get3A_2476 = arith.index_cast %add3A_2473 : i32 to index
        %get3A_2477 = arith.constant 112 : index
        %get3A_2478 = tpu.vector_load %arg6[%get3A_2475, %get3A_2476, %get3A_2477] {strides = array<i32>} : memref<2x320x128xf32, #tpu.memory_space<vmem>>, vector<1x1x16xf32>,
        %get3A_2479 = vector.shape_cast %get3A_2478 : vector<1x1x16xf32> to vector<16xf32>
        %max3A_2480 = arith.maximumf %max3A_2471, %get3A_2479 : vector<16xf32>
        %add3A_2481 = arith.constant 18 : i32
        %add3A_2482 = arith.addi %mul3A_1034, %add3A_2481 : i32
        %get3A_2483 = arith.constant 0 : i32
        %get3A_2484 = arith.index_cast %get3A_2483 : i32 to index
        %get3A_2485 = arith.index_cast %add3A_2482 : i32 to index
        %get3A_2486 = arith.constant 112 : index
        %get3A_2487 = tpu.vector_load %arg6[%get3A_2484, %get3A_2485, %get3A_2486] {strides = array<i32>} : memref<2x320x128xf32, #tpu.memory_space<vmem>>, vector<1x1x16xf32>,
        %get3A_2488 = vector.shape_cast %get3A_2487 : vector<1x1x16xf32> to vector<16xf32>
        %max3A_2489 = arith.maximumf %max3A_2480, %get3A_2488 : vector<16xf32>
        %add3A_2490 = arith.constant 19 : i32
        %add3A_2491 = arith.addi %mul3A_1034, %add3A_2490 : i32
        %get3A_2492 = arith.constant 0 : i32
        %get3A_2493 = arith.index_cast %get3A_2492 : i32 to index
        %get3A_2494 = arith.index_cast %add3A_2491 : i32 to index
        %get3A_2495 = arith.constant 112 : index
        %get3A_2496 = tpu.vector_load %arg6[%get3A_2493, %get3A_2494, %get3A_2495] {strides = array<i32>} : memref<2x320x128xf32, #tpu.memory_space<vmem>>, vector<1x1x16xf32>,
        %get3A_2497 = vector.shape_cast %get3A_2496 : vector<1x1x16xf32> to vector<16xf32>
        %max3A_2498 = arith.maximumf %max3A_2489, %get3A_2497 : vector<16xf32>
        %swap3A_2499 = arith.constant 0 : i32
        %swap3A_2500 = arith.index_cast %swap3A_2499 : i32 to index
        %swap3A_2501 = arith.index_cast %scan3A_1032 : i32 to index
        %swap3A_2502 = arith.constant 112 : index
        %swap3A_2503 = tpu.vector_load %arg7[%swap3A_2500, %swap3A_2501, %swap3A_2502] {strides = array<i32>} : memref<2x16x128xf32, #tpu.memory_space<vmem>>, vector<1x1x16xf32>,
        %swap3A_2504 = vector.shape_cast %swap3A_2503 : vector<1x1x16xf32> to vector<16xf32>
        %swap3A_2505 = vector.shape_cast %max3A_2498 : vector<16xf32> to vector<1x1x16xf32>
        tpu.vector_store %arg7[%swap3A_2500, %swap3A_2501, %swap3A_2502], %swap3A_2505 {strides = array<i32>} : memref<2x16x128xf32, #tpu.memory_space<vmem>>, vector<1x1x16xf32>,
      }
      %scan3A_658 = arith.constant 16 : i32
      %mul3A_659 = arith.constant 16 : i32
      %mul3A_660 = arith.muli %mul3A_331, %mul3A_659 : i32
      %add3A_661 = arith.addi %mul3A_20, %mul3A_660 : i32
      %dma_start3A_662 = arith.constant 0 : i32
      %dma_start3A_663 = arith.constant 0 : i32
      %dma_start3A_664 = arith.constant 0 : i32
      %dma_start3A_665 = arith.constant 0 : i32
      %dma_start3A_666 = tpu.memref_slice %arg7[%dma_start3A_662, %dma_start3A_664, %dma_start3A_665] : memref<2x16x128xf32, #tpu.memory_space<vmem>> -> memref<1x16x128xf32, #tpu.memory_space<vmem>>
      %dma_start3A_667 = tpu.memref_squeeze %dma_start3A_666 : memref<1x16x128xf32, #tpu.memory_space<vmem>> -> memref<16x128xf32, #tpu.memory_space<vmem>>
      %dma_start3A_668 = arith.constant 0 : i32
      %dma_start3A_669 = tpu.memref_slice %arg4[%add3A_661, %dma_start3A_668] : memref<65536x128xf32, #tpu.memory_space<hbm>> -> memref<16x128xf32, #tpu.memory_space<hbm>>
      %dma_start3A_670 = tpu.memref_slice %arg10[%dma_start3A_663] : memref<2x!tpu.dma_semaphore, #tpu.memory_space<semaphore_mem>> -> memref<1x!tpu.dma_semaphore, #tpu.memory_space<semaphore_mem>>
      %dma_start3A_671 = tpu.memref_squeeze %dma_start3A_670 : memref<1x!tpu.dma_semaphore, #tpu.memory_space<semaphore_mem>> -> memref<!tpu.dma_semaphore, #tpu.memory_space<semaphore_mem>>
      %dma_start3A_672 = arith.constant 0 : i32
      %dma_start3A_673 = tpu.memref_slice %arg4[%add3A_661, %dma_start3A_672] : memref<65536x128xf32, #tpu.memory_space<hbm>> -> memref<16x128xf32, #tpu.memory_space<hbm>>
      %dma_start3A_674 = arith.constant 0 : i32
      %dma_start3A_675 = arith.constant 0 : i32
      %dma_start3A_676 = tpu.memref_slice %arg7[%dma_start3A_662, %dma_start3A_674, %dma_start3A_675] : memref<2x16x128xf32, #tpu.memory_space<vmem>> -> memref<1x16x128xf32, #tpu.memory_space<vmem>>
      %dma_start3A_677 = tpu.memref_squeeze %dma_start3A_676 : memref<1x16x128xf32, #tpu.memory_space<vmem>> -> memref<16x128xf32, #tpu.memory_space<vmem>>
      tpu.enqueue_dma source(%dma_start3A_677 : memref<16x128xf32, #tpu.memory_space<vmem>>) target(%dma_start3A_673 : memref<16x128xf32, #tpu.memory_space<hbm>>) target_semaphore(%dma_start3A_671 : memref<!tpu.dma_semaphore, #tpu.memory_space<semaphore_mem>>)
      %mul3A_678 = arith.constant 2 : i32
      %mul3A_679 = arith.muli %mul3A_678, %scan3A_329 : i32
      %add3A_680 = arith.constant 1 : i32
      %add3A_681 = arith.addi %mul3A_679, %add3A_680 : i32
      %add3A_682 = arith.constant 1 : i32
      %add3A_683 = arith.addi %add3A_681, %add3A_682 : i32
      %min3A_684 = arith.constant 127 : i32
      %min3A_685 = arith.minsi %add3A_683, %min3A_684 : i32
      %add3A_686 = arith.constant 2 : i32
      %add3A_687 = arith.addi %add3A_681, %add3A_686 : i32
      %min3A_688 = arith.constant 127 : i32
      %min3A_689 = arith.minsi %add3A_687, %min3A_688 : i32
      %mul3A_690 = arith.constant 16 : i32
      %mul3A_691 = arith.muli %min3A_685, %mul3A_690 : i32
      %add3A_692 = arith.addi %mul3A_20, %mul3A_691 : i32
      %mul3A_693 = arith.constant 20 : i32
      %mul3A_694 = arith.muli %add3A_692, %mul3A_693 : i32
      %dma_wait3A_695 = arith.constant 0 : i32
      %dma_wait3A_696 = arith.constant 0 : i32
      %dma_wait3A_697 = tpu.memref_slice %arg5[%dma_wait3A_696] : memref<640xi32, #tpu.memory_space<vmem>> -> memref<320xi32, #tpu.memory_space<vmem>>
      %dma_wait3A_698 = tpu.memref_slice %arg3[%mul3A_694] : memref<1310720xi32, #tpu.memory_space<hbm>> -> memref<320xi32, #tpu.memory_space<hbm>>
      %dma_wait3A_699 = tpu.memref_slice %arg8[%dma_wait3A_695] : memref<2x!tpu.dma_semaphore, #tpu.memory_space<semaphore_mem>> -> memref<1x!tpu.dma_semaphore, #tpu.memory_space<semaphore_mem>>
      %dma_wait3A_700 = tpu.memref_squeeze %dma_wait3A_699 : memref<1x!tpu.dma_semaphore, #tpu.memory_space<semaphore_mem>> -> memref<!tpu.dma_semaphore, #tpu.memory_space<semaphore_mem>>
      %dma_wait3A_701 = arith.constant 0 : i32
      %dma_wait3A_702 = tpu.memref_slice %arg5[%dma_wait3A_701] : memref<640xi32, #tpu.memory_space<vmem>> -> memref<320xi32, #tpu.memory_space<vmem>>
      %dma_wait3A_703 = tpu.memref_slice %arg3[%mul3A_694] : memref<1310720xi32, #tpu.memory_space<hbm>> -> memref<320xi32, #tpu.memory_space<hbm>>
      tpu.wait_dma2 semaphore(%dma_wait3A_700 : memref<!tpu.dma_semaphore, #tpu.memory_space<semaphore_mem>>) src(%dma_wait3A_703 : memref<320xi32, #tpu.memory_space<hbm>>) dst(%dma_wait3A_702 : memref<320xi32, #tpu.memory_space<vmem>>)
      %get3A_704 = arith.constant 0 : index
      %get3A_705 = tpu.vector_load %arg5[%get3A_704] {strides = array<i32>} : memref<640xi32, #tpu.memory_space<vmem>>, vector<16xi32>,
      %get3A_706 = vector.shape_cast %get3A_705 : vector<16xi32> to vector<16xi32>
      %add3A_707 = vector.broadcast %mul3A_18 : i32 to vector<16xi32>
      %add3A_708 = arith.addi %get3A_706, %add3A_707 : vector<16xi32>
      %swap3A_709 = arith.constant 0 : index
      %swap3A_710 = tpu.vector_load %arg5[%swap3A_709] {strides = array<i32>} : memref<640xi32, #tpu.memory_space<vmem>>, vector<16xi32>,
      %swap3A_711 = vector.shape_cast %swap3A_710 : vector<16xi32> to vector<16xi32>
      %swap3A_712 = vector.shape_cast %add3A_708 : vector<16xi32> to vector<16xi32>
      tpu.vector_store %arg5[%swap3A_709], %swap3A_712 {strides = array<i32>} : memref<640xi32, #tpu.memory_space<vmem>>, vector<16xi32>,
      %get3A_713 = arith.constant 16 : index
      %get3A_714 = tpu.vector_load %arg5[%get3A_713] {strides = array<i32>} : memref<640xi32, #tpu.memory_space<vmem>>, vector<16xi32>,
      %get3A_715 = vector.shape_cast %get3A_714 : vector<16xi32> to vector<16xi32>
      %add3A_716 = vector.broadcast %mul3A_18 : i32 to vector<16xi32>
      %add3A_717 = arith.addi %get3A_715, %add3A_716 : vector<16xi32>
      %swap3A_718 = arith.constant 16 : index
      %swap3A_719 = tpu.vector_load %arg5[%swap3A_718] {strides = array<i32>} : memref<640xi32, #tpu.memory_space<vmem>>, vector<16xi32>,
      %swap3A_720 = vector.shape_cast %swap3A_719 : vector<16xi32> to vector<16xi32>
      %swap3A_721 = vector.shape_cast %add3A_717 : vector<16xi32> to vector<16xi32>
      tpu.vector_store %arg5[%swap3A_718], %swap3A_721 {strides = array<i32>} : memref<640xi32, #tpu.memory_space<vmem>>, vector<16xi32>,
      %get3A_722 = arith.constant 32 : index
      %get3A_723 = tpu.vector_load %arg5[%get3A_722] {strides = array<i32>} : memref<640xi32, #tpu.memory_space<vmem>>, vector<16xi32>,
      %get3A_724 = vector.shape_cast %get3A_723 : vector<16xi32> to vector<16xi32>
      %add3A_725 = vector.broadcast %mul3A_18 : i32 to vector<16xi32>
      %add3A_726 = arith.addi %get3A_724, %add3A_725 : vector<16xi32>
      %swap3A_727 = arith.constant 32 : index
      %swap3A_728 = tpu.vector_load %arg5[%swap3A_727] {strides = array<i32>} : memref<640xi32, #tpu.memory_space<vmem>>, vector<16xi32>,
      %swap3A_729 = vector.shape_cast %swap3A_728 : vector<16xi32> to vector<16xi32>
      %swap3A_730 = vector.shape_cast %add3A_726 : vector<16xi32> to vector<16xi32>
      tpu.vector_store %arg5[%swap3A_727], %swap3A_730 {strides = array<i32>} : memref<640xi32, #tpu.memory_space<vmem>>, vector<16xi32>,
      %get3A_731 = arith.constant 48 : index
      %get3A_732 = tpu.vector_load %arg5[%get3A_731] {strides = array<i32>} : memref<640xi32, #tpu.memory_space<vmem>>, vector<16xi32>,
      %get3A_733 = vector.shape_cast %get3A_732 : vector<16xi32> to vector<16xi32>
      %add3A_734 = vector.broadcast %mul3A_18 : i32 to vector<16xi32>
      %add3A_735 = arith.addi %get3A_733, %add3A_734 : vector<16xi32>
      %swap3A_736 = arith.constant 48 : index
      %swap3A_737 = tpu.vector_load %arg5[%swap3A_736] {strides = array<i32>} : memref<640xi32, #tpu.memory_space<vmem>>, vector<16xi32>,
      %swap3A_738 = vector.shape_cast %swap3A_737 : vector<16xi32> to vector<16xi32>
      %swap3A_739 = vector.shape_cast %add3A_735 : vector<16xi32> to vector<16xi32>
      tpu.vector_store %arg5[%swap3A_736], %swap3A_739 {strides = array<i32>} : memref<640xi32, #tpu.memory_space<vmem>>, vector<16xi32>,
      %get3A_740 = arith.constant 64 : index
      %get3A_741 = tpu.vector_load %arg5[%get3A_740] {strides = array<i32>} : memref<640xi32, #tpu.memory_space<vmem>>, vector<16xi32>,
      %get3A_742 = vector.shape_cast %get3A_741 : vector<16xi32> to vector<16xi32>
      %add3A_743 = vector.broadcast %mul3A_18 : i32 to vector<16xi32>
      %add3A_744 = arith.addi %get3A_742, %add3A_743 : vector<16xi32>
      %swap3A_745 = arith.constant 64 : index
      %swap3A_746 = tpu.vector_load %arg5[%swap3A_745] {strides = array<i32>} : memref<640xi32, #tpu.memory_space<vmem>>, vector<16xi32>,
      %swap3A_747 = vector.shape_cast %swap3A_746 : vector<16xi32> to vector<16xi32>
      %swap3A_748 = vector.shape_cast %add3A_744 : vector<16xi32> to vector<16xi32>
      tpu.vector_store %arg5[%swap3A_745], %swap3A_748 {strides = array<i32>} : memref<640xi32, #tpu.memory_space<vmem>>, vector<16xi32>,
      %get3A_749 = arith.constant 80 : index
      %get3A_750 = tpu.vector_load %arg5[%get3A_749] {strides = array<i32>} : memref<640xi32, #tpu.memory_space<vmem>>, vector<16xi32>,
      %get3A_751 = vector.shape_cast %get3A_750 : vector<16xi32> to vector<16xi32>
      %add3A_752 = vector.broadcast %mul3A_18 : i32 to vector<16xi32>
      %add3A_753 = arith.addi %get3A_751, %add3A_752 : vector<16xi32>
      %swap3A_754 = arith.constant 80 : index
      %swap3A_755 = tpu.vector_load %arg5[%swap3A_754] {strides = array<i32>} : memref<640xi32, #tpu.memory_space<vmem>>, vector<16xi32>,
      %swap3A_756 = vector.shape_cast %swap3A_755 : vector<16xi32> to vector<16xi32>
      %swap3A_757 = vector.shape_cast %add3A_753 : vector<16xi32> to vector<16xi32>
      tpu.vector_store %arg5[%swap3A_754], %swap3A_757 {strides = array<i32>} : memref<640xi32, #tpu.memory_space<vmem>>, vector<16xi32>,
      %get3A_758 = arith.constant 96 : index
      %get3A_759 = tpu.vector_load %arg5[%get3A_758] {strides = array<i32>} : memref<640xi32, #tpu.memory_space<vmem>>, vector<16xi32>,
      %get3A_760 = vector.shape_cast %get3A_759 : vector<16xi32> to vector<16xi32>
      %add3A_761 = vector.broadcast %mul3A_18 : i32 to vector<16xi32>
      %add3A_762 = arith.addi %get3A_760, %add3A_761 : vector<16xi32>
      %swap3A_763 = arith.constant 96 : index
      %swap3A_764 = tpu.vector_load %arg5[%swap3A_763] {strides = array<i32>} : memref<640xi32, #tpu.memory_space<vmem>>, vector<16xi32>,
      %swap3A_765 = vector.shape_cast %swap3A_764 : vector<16xi32> to vector<16xi32>
      %swap3A_766 = vector.shape_cast %add3A_762 : vector<16xi32> to vector<16xi32>
      tpu.vector_store %arg5[%swap3A_763], %swap3A_766 {strides = array<i32>} : memref<640xi32, #tpu.memory_space<vmem>>, vector<16xi32>,
      %get3A_767 = arith.constant 112 : index
      %get3A_768 = tpu.vector_load %arg5[%get3A_767] {strides = array<i32>} : memref<640xi32, #tpu.memory_space<vmem>>, vector<16xi32>,
      %get3A_769 = vector.shape_cast %get3A_768 : vector<16xi32> to vector<16xi32>
      %add3A_770 = vector.broadcast %mul3A_18 : i32 to vector<16xi32>
      %add3A_771 = arith.addi %get3A_769, %add3A_770 : vector<16xi32>
      %swap3A_772 = arith.constant 112 : index
      %swap3A_773 = tpu.vector_load %arg5[%swap3A_772] {strides = array<i32>} : memref<640xi32, #tpu.memory_space<vmem>>, vector<16xi32>,
      %swap3A_774 = vector.shape_cast %swap3A_773 : vector<16xi32> to vector<16xi32>
      %swap3A_775 = vector.shape_cast %add3A_771 : vector<16xi32> to vector<16xi32>
      tpu.vector_store %arg5[%swap3A_772], %swap3A_775 {strides = array<i32>} : memref<640xi32, #tpu.memory_space<vmem>>, vector<16xi32>,
      %get3A_776 = arith.constant 128 : index
      %get3A_777 = tpu.vector_load %arg5[%get3A_776] {strides = array<i32>} : memref<640xi32, #tpu.memory_space<vmem>>, vector<16xi32>,
      %get3A_778 = vector.shape_cast %get3A_777 : vector<16xi32> to vector<16xi32>
      %add3A_779 = vector.broadcast %mul3A_18 : i32 to vector<16xi32>
      %add3A_780 = arith.addi %get3A_778, %add3A_779 : vector<16xi32>
      %swap3A_781 = arith.constant 128 : index
      %swap3A_782 = tpu.vector_load %arg5[%swap3A_781] {strides = array<i32>} : memref<640xi32, #tpu.memory_space<vmem>>, vector<16xi32>,
      %swap3A_783 = vector.shape_cast %swap3A_782 : vector<16xi32> to vector<16xi32>
      %swap3A_784 = vector.shape_cast %add3A_780 : vector<16xi32> to vector<16xi32>
      tpu.vector_store %arg5[%swap3A_781], %swap3A_784 {strides = array<i32>} : memref<640xi32, #tpu.memory_space<vmem>>, vector<16xi32>,
      %get3A_785 = arith.constant 144 : index
      %get3A_786 = tpu.vector_load %arg5[%get3A_785] {strides = array<i32>} : memref<640xi32, #tpu.memory_space<vmem>>, vector<16xi32>,
      %get3A_787 = vector.shape_cast %get3A_786 : vector<16xi32> to vector<16xi32>
      %add3A_788 = vector.broadcast %mul3A_18 : i32 to vector<16xi32>
      %add3A_789 = arith.addi %get3A_787, %add3A_788 : vector<16xi32>
      %swap3A_790 = arith.constant 144 : index
      %swap3A_791 = tpu.vector_load %arg5[%swap3A_790] {strides = array<i32>} : memref<640xi32, #tpu.memory_space<vmem>>, vector<16xi32>,
      %swap3A_792 = vector.shape_cast %swap3A_791 : vector<16xi32> to vector<16xi32>
      %swap3A_793 = vector.shape_cast %add3A_789 : vector<16xi32> to vector<16xi32>
      tpu.vector_store %arg5[%swap3A_790], %swap3A_793 {strides = array<i32>} : memref<640xi32, #tpu.memory_space<vmem>>, vector<16xi32>,
      %get3A_794 = arith.constant 160 : index
      %get3A_795 = tpu.vector_load %arg5[%get3A_794] {strides = array<i32>} : memref<640xi32, #tpu.memory_space<vmem>>, vector<16xi32>,
      %get3A_796 = vector.shape_cast %get3A_795 : vector<16xi32> to vector<16xi32>
      %add3A_797 = vector.broadcast %mul3A_18 : i32 to vector<16xi32>
      %add3A_798 = arith.addi %get3A_796, %add3A_797 : vector<16xi32>
      %swap3A_799 = arith.constant 160 : index
      %swap3A_800 = tpu.vector_load %arg5[%swap3A_799] {strides = array<i32>} : memref<640xi32, #tpu.memory_space<vmem>>, vector<16xi32>,
      %swap3A_801 = vector.shape_cast %swap3A_800 : vector<16xi32> to vector<16xi32>
      %swap3A_802 = vector.shape_cast %add3A_798 : vector<16xi32> to vector<16xi32>
      tpu.vector_store %arg5[%swap3A_799], %swap3A_802 {strides = array<i32>} : memref<640xi32, #tpu.memory_space<vmem>>, vector<16xi32>,
      %get3A_803 = arith.constant 176 : index
      %get3A_804 = tpu.vector_load %arg5[%get3A_803] {strides = array<i32>} : memref<640xi32, #tpu.memory_space<vmem>>, vector<16xi32>,
      %get3A_805 = vector.shape_cast %get3A_804 : vector<16xi32> to vector<16xi32>
      %add3A_806 = vector.broadcast %mul3A_18 : i32 to vector<16xi32>
      %add3A_807 = arith.addi %get3A_805, %add3A_806 : vector<16xi32>
      %swap3A_808 = arith.constant 176 : index
      %swap3A_809 = tpu.vector_load %arg5[%swap3A_808] {strides = array<i32>} : memref<640xi32, #tpu.memory_space<vmem>>, vector<16xi32>,
      %swap3A_810 = vector.shape_cast %swap3A_809 : vector<16xi32> to vector<16xi32>
      %swap3A_811 = vector.shape_cast %add3A_807 : vector<16xi32> to vector<16xi32>
      tpu.vector_store %arg5[%swap3A_808], %swap3A_811 {strides = array<i32>} : memref<640xi32, #tpu.memory_space<vmem>>, vector<16xi32>,
      %get3A_812 = arith.constant 192 : index
      %get3A_813 = tpu.vector_load %arg5[%get3A_812] {strides = array<i32>} : memref<640xi32, #tpu.memory_space<vmem>>, vector<16xi32>,
      %get3A_814 = vector.shape_cast %get3A_813 : vector<16xi32> to vector<16xi32>
      %add3A_815 = vector.broadcast %mul3A_18 : i32 to vector<16xi32>
      %add3A_816 = arith.addi %get3A_814, %add3A_815 : vector<16xi32>
      %swap3A_817 = arith.constant 192 : index
      %swap3A_818 = tpu.vector_load %arg5[%swap3A_817] {strides = array<i32>} : memref<640xi32, #tpu.memory_space<vmem>>, vector<16xi32>,
      %swap3A_819 = vector.shape_cast %swap3A_818 : vector<16xi32> to vector<16xi32>
      %swap3A_820 = vector.shape_cast %add3A_816 : vector<16xi32> to vector<16xi32>
      tpu.vector_store %arg5[%swap3A_817], %swap3A_820 {strides = array<i32>} : memref<640xi32, #tpu.memory_space<vmem>>, vector<16xi32>,
      %get3A_821 = arith.constant 208 : index
      %get3A_822 = tpu.vector_load %arg5[%get3A_821] {strides = array<i32>} : memref<640xi32, #tpu.memory_space<vmem>>, vector<16xi32>,
      %get3A_823 = vector.shape_cast %get3A_822 : vector<16xi32> to vector<16xi32>
      %add3A_824 = vector.broadcast %mul3A_18 : i32 to vector<16xi32>
      %add3A_825 = arith.addi %get3A_823, %add3A_824 : vector<16xi32>
      %swap3A_826 = arith.constant 208 : index
      %swap3A_827 = tpu.vector_load %arg5[%swap3A_826] {strides = array<i32>} : memref<640xi32, #tpu.memory_space<vmem>>, vector<16xi32>,
      %swap3A_828 = vector.shape_cast %swap3A_827 : vector<16xi32> to vector<16xi32>
      %swap3A_829 = vector.shape_cast %add3A_825 : vector<16xi32> to vector<16xi32>
      tpu.vector_store %arg5[%swap3A_826], %swap3A_829 {strides = array<i32>} : memref<640xi32, #tpu.memory_space<vmem>>, vector<16xi32>,
      %get3A_830 = arith.constant 224 : index
      %get3A_831 = tpu.vector_load %arg5[%get3A_830] {strides = array<i32>} : memref<640xi32, #tpu.memory_space<vmem>>, vector<16xi32>,
      %get3A_832 = vector.shape_cast %get3A_831 : vector<16xi32> to vector<16xi32>
      %add3A_833 = vector.broadcast %mul3A_18 : i32 to vector<16xi32>
      %add3A_834 = arith.addi %get3A_832, %add3A_833 : vector<16xi32>
      %swap3A_835 = arith.constant 224 : index
      %swap3A_836 = tpu.vector_load %arg5[%swap3A_835] {strides = array<i32>} : memref<640xi32, #tpu.memory_space<vmem>>, vector<16xi32>,
      %swap3A_837 = vector.shape_cast %swap3A_836 : vector<16xi32> to vector<16xi32>
      %swap3A_838 = vector.shape_cast %add3A_834 : vector<16xi32> to vector<16xi32>
      tpu.vector_store %arg5[%swap3A_835], %swap3A_838 {strides = array<i32>} : memref<640xi32, #tpu.memory_space<vmem>>, vector<16xi32>,
      %get3A_839 = arith.constant 240 : index
      %get3A_840 = tpu.vector_load %arg5[%get3A_839] {strides = array<i32>} : memref<640xi32, #tpu.memory_space<vmem>>, vector<16xi32>,
      %get3A_841 = vector.shape_cast %get3A_840 : vector<16xi32> to vector<16xi32>
      %add3A_842 = vector.broadcast %mul3A_18 : i32 to vector<16xi32>
      %add3A_843 = arith.addi %get3A_841, %add3A_842 : vector<16xi32>
      %swap3A_844 = arith.constant 240 : index
      %swap3A_845 = tpu.vector_load %arg5[%swap3A_844] {strides = array<i32>} : memref<640xi32, #tpu.memory_space<vmem>>, vector<16xi32>,
      %swap3A_846 = vector.shape_cast %swap3A_845 : vector<16xi32> to vector<16xi32>
      %swap3A_847 = vector.shape_cast %add3A_843 : vector<16xi32> to vector<16xi32>
      tpu.vector_store %arg5[%swap3A_844], %swap3A_847 {strides = array<i32>} : memref<640xi32, #tpu.memory_space<vmem>>, vector<16xi32>,
      %get3A_848 = arith.constant 256 : index
      %get3A_849 = tpu.vector_load %arg5[%get3A_848] {strides = array<i32>} : memref<640xi32, #tpu.memory_space<vmem>>, vector<16xi32>,
      %get3A_850 = vector.shape_cast %get3A_849 : vector<16xi32> to vector<16xi32>
      %add3A_851 = vector.broadcast %mul3A_18 : i32 to vector<16xi32>
      %add3A_852 = arith.addi %get3A_850, %add3A_851 : vector<16xi32>
      %swap3A_853 = arith.constant 256 : index
      %swap3A_854 = tpu.vector_load %arg5[%swap3A_853] {strides = array<i32>} : memref<640xi32, #tpu.memory_space<vmem>>, vector<16xi32>,
      %swap3A_855 = vector.shape_cast %swap3A_854 : vector<16xi32> to vector<16xi32>
      %swap3A_856 = vector.shape_cast %add3A_852 : vector<16xi32> to vector<16xi32>
      tpu.vector_store %arg5[%swap3A_853], %swap3A_856 {strides = array<i32>} : memref<640xi32, #tpu.memory_space<vmem>>, vector<16xi32>,
      %get3A_857 = arith.constant 272 : index
      %get3A_858 = tpu.vector_load %arg5[%get3A_857] {strides = array<i32>} : memref<640xi32, #tpu.memory_space<vmem>>, vector<16xi32>,
      %get3A_859 = vector.shape_cast %get3A_858 : vector<16xi32> to vector<16xi32>
      %add3A_860 = vector.broadcast %mul3A_18 : i32 to vector<16xi32>
      %add3A_861 = arith.addi %get3A_859, %add3A_860 : vector<16xi32>
      %swap3A_862 = arith.constant 272 : index
      %swap3A_863 = tpu.vector_load %arg5[%swap3A_862] {strides = array<i32>} : memref<640xi32, #tpu.memory_space<vmem>>, vector<16xi32>,
      %swap3A_864 = vector.shape_cast %swap3A_863 : vector<16xi32> to vector<16xi32>
      %swap3A_865 = vector.shape_cast %add3A_861 : vector<16xi32> to vector<16xi32>
      tpu.vector_store %arg5[%swap3A_862], %swap3A_865 {strides = array<i32>} : memref<640xi32, #tpu.memory_space<vmem>>, vector<16xi32>,
      %get3A_866 = arith.constant 288 : index
      %get3A_867 = tpu.vector_load %arg5[%get3A_866] {strides = array<i32>} : memref<640xi32, #tpu.memory_space<vmem>>, vector<16xi32>,
      %get3A_868 = vector.shape_cast %get3A_867 : vector<16xi32> to vector<16xi32>
      %add3A_869 = vector.broadcast %mul3A_18 : i32 to vector<16xi32>
      %add3A_870 = arith.addi %get3A_868, %add3A_869 : vector<16xi32>
      %swap3A_871 = arith.constant 288 : index
      %swap3A_872 = tpu.vector_load %arg5[%swap3A_871] {strides = array<i32>} : memref<640xi32, #tpu.memory_space<vmem>>, vector<16xi32>,
      %swap3A_873 = vector.shape_cast %swap3A_872 : vector<16xi32> to vector<16xi32>
      %swap3A_874 = vector.shape_cast %add3A_870 : vector<16xi32> to vector<16xi32>
      tpu.vector_store %arg5[%swap3A_871], %swap3A_874 {strides = array<i32>} : memref<640xi32, #tpu.memory_space<vmem>>, vector<16xi32>,
      %get3A_875 = arith.constant 304 : index
      %get3A_876 = tpu.vector_load %arg5[%get3A_875] {strides = array<i32>} : memref<640xi32, #tpu.memory_space<vmem>>, vector<16xi32>,
      %get3A_877 = vector.shape_cast %get3A_876 : vector<16xi32> to vector<16xi32>
      %add3A_878 = vector.broadcast %mul3A_18 : i32 to vector<16xi32>
      %add3A_879 = arith.addi %get3A_877, %add3A_878 : vector<16xi32>
      %swap3A_880 = arith.constant 304 : index
      %swap3A_881 = tpu.vector_load %arg5[%swap3A_880] {strides = array<i32>} : memref<640xi32, #tpu.memory_space<vmem>>, vector<16xi32>,
      %swap3A_882 = vector.shape_cast %swap3A_881 : vector<16xi32> to vector<16xi32>
      %swap3A_883 = vector.shape_cast %add3A_879 : vector<16xi32> to vector<16xi32>
      tpu.vector_store %arg5[%swap3A_880], %swap3A_883 {strides = array<i32>} : memref<640xi32, #tpu.memory_space<vmem>>, vector<16xi32>,
      %dma_start3A_884 = arith.constant 0 : i32
      %dma_start3A_885 = arith.constant 0 : i32
      %dma_start3A_886 = arith.constant 0 : i32
      %dma_start3A_887 = arith.constant 0 : i32
      %dma_start3A_888 = tpu.memref_slice %arg6[%dma_start3A_884, %dma_start3A_886, %dma_start3A_887] : memref<2x320x128xf32, #tpu.memory_space<vmem>> -> memref<1x80x128xf32, #tpu.memory_space<vmem>>
      %dma_start3A_889 = tpu.memref_squeeze %dma_start3A_888 : memref<1x80x128xf32, #tpu.memory_space<vmem>> -> memref<80x128xf32, #tpu.memory_space<vmem>>
      %dma_start3A_890 = arith.constant 0 : i32
      %dma_start3A_891 = tpu.memref_slice %arg5[%dma_start3A_890] : memref<640xi32, #tpu.memory_space<vmem>> -> memref<80xi32, #tpu.memory_space<vmem>>
      %dma_start3A_892 = arith.constant 0 : i32
      %dma_start3A_893 = arith.constant 0 : i32
      %dma_start3A_894 = tpu.memref_slice %arg2[%dma_start3A_892, %dma_start3A_893] : memref<65536x128xf32, #tpu.memory_space<hbm>> -> memref<65536x128xf32, #tpu.memory_space<hbm>>
      %dma_start3A_895 = tpu.memref_slice %arg9[%dma_start3A_885] : memref<2x!tpu.dma_semaphore, #tpu.memory_space<semaphore_mem>> -> memref<1x!tpu.dma_semaphore, #tpu.memory_space<semaphore_mem>>
      %dma_start3A_896 = tpu.memref_squeeze %dma_start3A_895 : memref<1x!tpu.dma_semaphore, #tpu.memory_space<semaphore_mem>> -> memref<!tpu.dma_semaphore, #tpu.memory_space<semaphore_mem>>
      tpu.enqueue_indirect_dma source(%dma_start3A_894 : memref<65536x128xf32, #tpu.memory_space<hbm>>) target(%dma_start3A_889 : memref<80x128xf32, #tpu.memory_space<vmem>>) offsets(%dma_start3A_891 : memref<80xi32, #tpu.memory_space<vmem>>) semaphore(%dma_start3A_896 : memref<!tpu.dma_semaphore, #tpu.memory_space<semaphore_mem>>)
      %dma_start3A_897 = arith.constant 0 : i32
      %dma_start3A_898 = arith.constant 0 : i32
      %dma_start3A_899 = arith.constant 80 : i32
      %dma_start3A_900 = arith.constant 0 : i32
      %dma_start3A_901 = tpu.memref_slice %arg6[%dma_start3A_897, %dma_start3A_899, %dma_start3A_900] : memref<2x320x128xf32, #tpu.memory_space<vmem>> -> memref<1x80x128xf32, #tpu.memory_space<vmem>>
      %dma_start3A_902 = tpu.memref_squeeze %dma_start3A_901 : memref<1x80x128xf32, #tpu.memory_space<vmem>> -> memref<80x128xf32, #tpu.memory_space<vmem>>
      %dma_start3A_903 = arith.constant 80 : i32
      %dma_start3A_904 = tpu.memref_slice %arg5[%dma_start3A_903] : memref<640xi32, #tpu.memory_space<vmem>> -> memref<80xi32, #tpu.memory_space<vmem>>
      %dma_start3A_905 = arith.constant 0 : i32
      %dma_start3A_906 = arith.constant 0 : i32
      %dma_start3A_907 = tpu.memref_slice %arg2[%dma_start3A_905, %dma_start3A_906] : memref<65536x128xf32, #tpu.memory_space<hbm>> -> memref<65536x128xf32, #tpu.memory_space<hbm>>
      %dma_start3A_908 = tpu.memref_slice %arg9[%dma_start3A_898] : memref<2x!tpu.dma_semaphore, #tpu.memory_space<semaphore_mem>> -> memref<1x!tpu.dma_semaphore, #tpu.memory_space<semaphore_mem>>
      %dma_start3A_909 = tpu.memref_squeeze %dma_start3A_908 : memref<1x!tpu.dma_semaphore, #tpu.memory_space<semaphore_mem>> -> memref<!tpu.dma_semaphore, #tpu.memory_space<semaphore_mem>>
      tpu.enqueue_indirect_dma source(%dma_start3A_907 : memref<65536x128xf32, #tpu.memory_space<hbm>>) target(%dma_start3A_902 : memref<80x128xf32, #tpu.memory_space<vmem>>) offsets(%dma_start3A_904 : memref<80xi32, #tpu.memory_space<vmem>>) semaphore(%dma_start3A_909 : memref<!tpu.dma_semaphore, #tpu.memory_space<semaphore_mem>>)
      %dma_start3A_910 = arith.constant 0 : i32
      %dma_start3A_911 = arith.constant 0 : i32
      %dma_start3A_912 = arith.constant 160 : i32
      %dma_start3A_913 = arith.constant 0 : i32
      %dma_start3A_914 = tpu.memref_slice %arg6[%dma_start3A_910, %dma_start3A_912, %dma_start3A_913] : memref<2x320x128xf32, #tpu.memory_space<vmem>> -> memref<1x80x128xf32, #tpu.memory_space<vmem>>
      %dma_start3A_915 = tpu.memref_squeeze %dma_start3A_914 : memref<1x80x128xf32, #tpu.memory_space<vmem>> -> memref<80x128xf32, #tpu.memory_space<vmem>>
      %dma_start3A_916 = arith.constant 160 : i32
      %dma_start3A_917 = tpu.memref_slice %arg5[%dma_start3A_916] : memref<640xi32, #tpu.memory_space<vmem>> -> memref<80xi32, #tpu.memory_space<vmem>>
      %dma_start3A_918 = arith.constant 0 : i32
      %dma_start3A_919 = arith.constant 0 : i32
      %dma_start3A_920 = tpu.memref_slice %arg2[%dma_start3A_918, %dma_start3A_919] : memref<65536x128xf32, #tpu.memory_space<hbm>> -> memref<65536x128xf32, #tpu.memory_space<hbm>>
      %dma_start3A_921 = tpu.memref_slice %arg9[%dma_start3A_911] : memref<2x!tpu.dma_semaphore, #tpu.memory_space<semaphore_mem>> -> memref<1x!tpu.dma_semaphore, #tpu.memory_space<semaphore_mem>>
      %dma_start3A_922 = tpu.memref_squeeze %dma_start3A_921 : memref<1x!tpu.dma_semaphore, #tpu.memory_space<semaphore_mem>> -> memref<!tpu.dma_semaphore, #tpu.memory_space<semaphore_mem>>
      tpu.enqueue_indirect_dma source(%dma_start3A_920 : memref<65536x128xf32, #tpu.memory_space<hbm>>) target(%dma_start3A_915 : memref<80x128xf32, #tpu.memory_space<vmem>>) offsets(%dma_start3A_917 : memref<80xi32, #tpu.memory_space<vmem>>) semaphore(%dma_start3A_922 : memref<!tpu.dma_semaphore, #tpu.memory_space<semaphore_mem>>)
      %dma_start3A_923 = arith.constant 0 : i32
      %dma_start3A_924 = arith.constant 0 : i32
      %dma_start3A_925 = arith.constant 240 : i32
      %dma_start3A_926 = arith.constant 0 : i32
      %dma_start3A_927 = tpu.memref_slice %arg6[%dma_start3A_923, %dma_start3A_925, %dma_start3A_926] : memref<2x320x128xf32, #tpu.memory_space<vmem>> -> memref<1x80x128xf32, #tpu.memory_space<vmem>>
      %dma_start3A_928 = tpu.memref_squeeze %dma_start3A_927 : memref<1x80x128xf32, #tpu.memory_space<vmem>> -> memref<80x128xf32, #tpu.memory_space<vmem>>
      %dma_start3A_929 = arith.constant 240 : i32
      %dma_start3A_930 = tpu.memref_slice %arg5[%dma_start3A_929] : memref<640xi32, #tpu.memory_space<vmem>> -> memref<80xi32, #tpu.memory_space<vmem>>
      %dma_start3A_931 = arith.constant 0 : i32
      %dma_start3A_932 = arith.constant 0 : i32
      %dma_start3A_933 = tpu.memref_slice %arg2[%dma_start3A_931, %dma_start3A_932] : memref<65536x128xf32, #tpu.memory_space<hbm>> -> memref<65536x128xf32, #tpu.memory_space<hbm>>
      %dma_start3A_934 = tpu.memref_slice %arg9[%dma_start3A_924] : memref<2x!tpu.dma_semaphore, #tpu.memory_space<semaphore_mem>> -> memref<1x!tpu.dma_semaphore, #tpu.memory_space<semaphore_mem>>
      %dma_start3A_935 = tpu.memref_squeeze %dma_start3A_934 : memref<1x!tpu.dma_semaphore, #tpu.memory_space<semaphore_mem>> -> memref<!tpu.dma_semaphore, #tpu.memory_space<semaphore_mem>>
      tpu.enqueue_indirect_dma source(%dma_start3A_933 : memref<65536x128xf32, #tpu.memory_space<hbm>>) target(%dma_start3A_928 : memref<80x128xf32, #tpu.memory_space<vmem>>) offsets(%dma_start3A_930 : memref<80xi32, #tpu.memory_space<vmem>>) semaphore(%dma_start3A_935 : memref<!tpu.dma_semaphore, #tpu.memory_space<semaphore_mem>>)
      %dma_wait3A_936 = arith.constant 1 : i32
      %dma_wait3A_937 = arith.constant 1 : i32
      %dma_wait3A_938 = arith.constant 0 : i32
      %dma_wait3A_939 = arith.constant 0 : i32
      %dma_wait3A_940 = tpu.memref_slice %arg6[%dma_wait3A_936, %dma_wait3A_938, %dma_wait3A_939] : memref<2x320x128xf32, #tpu.memory_space<vmem>> -> memref<1x80x128xf32, #tpu.memory_space<vmem>>
      %dma_wait3A_941 = tpu.memref_squeeze %dma_wait3A_940 : memref<1x80x128xf32, #tpu.memory_space<vmem>> -> memref<80x128xf32, #tpu.memory_space<vmem>>
      %dma_wait3A_942 = arith.constant 320 : i32
      %dma_wait3A_943 = tpu.memref_slice %arg5[%dma_wait3A_942] : memref<640xi32, #tpu.memory_space<vmem>> -> memref<80xi32, #tpu.memory_space<vmem>>
      %dma_wait3A_944 = arith.constant 0 : i32
      %dma_wait3A_945 = arith.constant 0 : i32
      %dma_wait3A_946 = tpu.memref_slice %arg2[%dma_wait3A_944, %dma_wait3A_945] : memref<65536x128xf32, #tpu.memory_space<hbm>> -> memref<65536x128xf32, #tpu.memory_space<hbm>>
      %dma_wait3A_947 = tpu.memref_slice %arg9[%dma_wait3A_937] : memref<2x!tpu.dma_semaphore, #tpu.memory_space<semaphore_mem>> -> memref<1x!tpu.dma_semaphore, #tpu.memory_space<semaphore_mem>>
      %dma_wait3A_948 = tpu.memref_squeeze %dma_wait3A_947 : memref<1x!tpu.dma_semaphore, #tpu.memory_space<semaphore_mem>> -> memref<!tpu.dma_semaphore, #tpu.memory_space<semaphore_mem>>
      tpu.wait_indirect_dma semaphore(%dma_wait3A_948 : memref<!tpu.dma_semaphore, #tpu.memory_space<semaphore_mem>>) src(%dma_wait3A_946 : memref<65536x128xf32, #tpu.memory_space<hbm>>) dst(%dma_wait3A_941 : memref<80x128xf32, #tpu.memory_space<vmem>>)
      %dma_wait3A_949 = arith.constant 1 : i32
      %dma_wait3A_950 = arith.constant 1 : i32
      %dma_wait3A_951 = arith.constant 80 : i32
      %dma_wait3A_952 = arith.constant 0 : i32
      %dma_wait3A_953 = tpu.memref_slice %arg6[%dma_wait3A_949, %dma_wait3A_951, %dma_wait3A_952] : memref<2x320x128xf32, #tpu.memory_space<vmem>> -> memref<1x80x128xf32, #tpu.memory_space<vmem>>
      %dma_wait3A_954 = tpu.memref_squeeze %dma_wait3A_953 : memref<1x80x128xf32, #tpu.memory_space<vmem>> -> memref<80x128xf32, #tpu.memory_space<vmem>>
      %dma_wait3A_955 = arith.constant 400 : i32
      %dma_wait3A_956 = tpu.memref_slice %arg5[%dma_wait3A_955] : memref<640xi32, #tpu.memory_space<vmem>> -> memref<80xi32, #tpu.memory_space<vmem>>
      %dma_wait3A_957 = arith.constant 0 : i32
      %dma_wait3A_958 = arith.constant 0 : i32
      %dma_wait3A_959 = tpu.memref_slice %arg2[%dma_wait3A_957, %dma_wait3A_958] : memref<65536x128xf32, #tpu.memory_space<hbm>> -> memref<65536x128xf32, #tpu.memory_space<hbm>>
      %dma_wait3A_960 = tpu.memref_slice %arg9[%dma_wait3A_950] : memref<2x!tpu.dma_semaphore, #tpu.memory_space<semaphore_mem>> -> memref<1x!tpu.dma_semaphore, #tpu.memory_space<semaphore_mem>>
      %dma_wait3A_961 = tpu.memref_squeeze %dma_wait3A_960 : memref<1x!tpu.dma_semaphore, #tpu.memory_space<semaphore_mem>> -> memref<!tpu.dma_semaphore, #tpu.memory_space<semaphore_mem>>
      tpu.wait_indirect_dma semaphore(%dma_wait3A_961 : memref<!tpu.dma_semaphore, #tpu.memory_space<semaphore_mem>>) src(%dma_wait3A_959 : memref<65536x128xf32, #tpu.memory_space<hbm>>) dst(%dma_wait3A_954 : memref<80x128xf32, #tpu.memory_space<vmem>>)
      %dma_wait3A_962 = arith.constant 1 : i32
      %dma_wait3A_963 = arith.constant 1 : i32
      %dma_wait3A_964 = arith.constant 160 : i32
      %dma_wait3A_965 = arith.constant 0 : i32
      %dma_wait3A_966 = tpu.memref_slice %arg6[%dma_wait3A_962, %dma_wait3A_964, %dma_wait3A_965] : memref<2x320x128xf32, #tpu.memory_space<vmem>> -> memref<1x80x128xf32, #tpu.memory_space<vmem>>
      %dma_wait3A_967 = tpu.memref_squeeze %dma_wait3A_966 : memref<1x80x128xf32, #tpu.memory_space<vmem>> -> memref<80x128xf32, #tpu.memory_space<vmem>>
      %dma_wait3A_968 = arith.constant 480 : i32
      %dma_wait3A_969 = tpu.memref_slice %arg5[%dma_wait3A_968] : memref<640xi32, #tpu.memory_space<vmem>> -> memref<80xi32, #tpu.memory_space<vmem>>
      %dma_wait3A_970 = arith.constant 0 : i32
      %dma_wait3A_971 = arith.constant 0 : i32
      %dma_wait3A_972 = tpu.memref_slice %arg2[%dma_wait3A_970, %dma_wait3A_971] : memref<65536x128xf32, #tpu.memory_space<hbm>> -> memref<65536x128xf32, #tpu.memory_space<hbm>>
      %dma_wait3A_973 = tpu.memref_slice %arg9[%dma_wait3A_963] : memref<2x!tpu.dma_semaphore, #tpu.memory_space<semaphore_mem>> -> memref<1x!tpu.dma_semaphore, #tpu.memory_space<semaphore_mem>>
      %dma_wait3A_974 = tpu.memref_squeeze %dma_wait3A_973 : memref<1x!tpu.dma_semaphore, #tpu.memory_space<semaphore_mem>> -> memref<!tpu.dma_semaphore, #tpu.memory_space<semaphore_mem>>
      tpu.wait_indirect_dma semaphore(%dma_wait3A_974 : memref<!tpu.dma_semaphore, #tpu.memory_space<semaphore_mem>>) src(%dma_wait3A_972 : memref<65536x128xf32, #tpu.memory_space<hbm>>) dst(%dma_wait3A_967 : memref<80x128xf32, #tpu.memory_space<vmem>>)
      %dma_wait3A_975 = arith.constant 1 : i32
      %dma_wait3A_976 = arith.constant 1 : i32
      %dma_wait3A_977 = arith.constant 240 : i32
      %dma_wait3A_978 = arith.constant 0 : i32
      %dma_wait3A_979 = tpu.memref_slice %arg6[%dma_wait3A_975, %dma_wait3A_977, %dma_wait3A_978] : memref<2x320x128xf32, #tpu.memory_space<vmem>> -> memref<1x80x128xf32, #tpu.memory_space<vmem>>
      %dma_wait3A_980 = tpu.memref_squeeze %dma_wait3A_979 : memref<1x80x128xf32, #tpu.memory_space<vmem>> -> memref<80x128xf32, #tpu.memory_space<vmem>>
      %dma_wait3A_981 = arith.constant 560 : i32
      %dma_wait3A_982 = tpu.memref_slice %arg5[%dma_wait3A_981] : memref<640xi32, #tpu.memory_space<vmem>> -> memref<80xi32, #tpu.memory_space<vmem>>
      %dma_wait3A_983 = arith.constant 0 : i32
      %dma_wait3A_984 = arith.constant 0 : i32
      %dma_wait3A_985 = tpu.memref_slice %arg2[%dma_wait3A_983, %dma_wait3A_984] : memref<65536x128xf32, #tpu.memory_space<hbm>> -> memref<65536x128xf32, #tpu.memory_space<hbm>>
      %dma_wait3A_986 = tpu.memref_slice %arg9[%dma_wait3A_976] : memref<2x!tpu.dma_semaphore, #tpu.memory_space<semaphore_mem>> -> memref<1x!tpu.dma_semaphore, #tpu.memory_space<semaphore_mem>>
      %dma_wait3A_987 = tpu.memref_squeeze %dma_wait3A_986 : memref<1x!tpu.dma_semaphore, #tpu.memory_space<semaphore_mem>> -> memref<!tpu.dma_semaphore, #tpu.memory_space<semaphore_mem>>
      tpu.wait_indirect_dma semaphore(%dma_wait3A_987 : memref<!tpu.dma_semaphore, #tpu.memory_space<semaphore_mem>>) src(%dma_wait3A_985 : memref<65536x128xf32, #tpu.memory_space<hbm>>) dst(%dma_wait3A_980 : memref<80x128xf32, #tpu.memory_space<vmem>>)
      %mul3A_988 = arith.constant 16 : i32
      %mul3A_989 = arith.muli %min3A_689, %mul3A_988 : i32
      %add3A_990 = arith.addi %mul3A_20, %mul3A_989 : i32
      %mul3A_991 = arith.constant 20 : i32
      %mul3A_992 = arith.muli %add3A_990, %mul3A_991 : i32
      %dma_start3A_993 = arith.constant 1 : i32
      %dma_start3A_994 = arith.constant 320 : i32
      %dma_start3A_995 = tpu.memref_slice %arg5[%dma_start3A_994] : memref<640xi32, #tpu.memory_space<vmem>> -> memref<320xi32, #tpu.memory_space<vmem>>
      %dma_start3A_996 = tpu.memref_slice %arg3[%mul3A_992] : memref<1310720xi32, #tpu.memory_space<hbm>> -> memref<320xi32, #tpu.memory_space<hbm>>
      %dma_start3A_997 = tpu.memref_slice %arg8[%dma_start3A_993] : memref<2x!tpu.dma_semaphore, #tpu.memory_space<semaphore_mem>> -> memref<1x!tpu.dma_semaphore, #tpu.memory_space<semaphore_mem>>
      %dma_start3A_998 = tpu.memref_squeeze %dma_start3A_997 : memref<1x!tpu.dma_semaphore, #tpu.memory_space<semaphore_mem>> -> memref<!tpu.dma_semaphore, #tpu.memory_space<semaphore_mem>>
      %dma_start3A_999 = arith.constant 320 : i32
      %dma_start3A_1000 = tpu.memref_slice %arg5[%dma_start3A_999] : memref<640xi32, #tpu.memory_space<vmem>> -> memref<320xi32, #tpu.memory_space<vmem>>
      %dma_start3A_1001 = tpu.memref_slice %arg3[%mul3A_992] : memref<1310720xi32, #tpu.memory_space<hbm>> -> memref<320xi32, #tpu.memory_space<hbm>>
      tpu.enqueue_dma source(%dma_start3A_1001 : memref<320xi32, #tpu.memory_space<hbm>>) target(%dma_start3A_1000 : memref<320xi32, #tpu.memory_space<vmem>>) target_semaphore(%dma_start3A_998 : memref<!tpu.dma_semaphore, #tpu.memory_space<semaphore_mem>>)
      %ge3A_1002 = arith.constant 2 : i32
      %ge3A_1003 = arith.cmpi sge, %add3A_681, %ge3A_1002 : i32
      %convert_element_type3A_1004 = arith.extui %ge3A_1003 : i1 to i32
      %cond3A_1005 = arith.constant 0 : i32
      %cond3A_1006 = arith.cmpi ne, %convert_element_type3A_1004, %cond3A_1005 : i32
      scf.if %cond3A_1006 {
        %sub3A_1032 = arith.constant 2 : i32
        %sub3A_1033 = arith.subi %add3A_681, %sub3A_1032 : i32
        %mul3A_1034 = arith.constant 16 : i32
        %mul3A_1035 = arith.muli %sub3A_1033, %mul3A_1034 : i32
        %add3A_1036 = arith.addi %mul3A_20, %mul3A_1035 : i32
        %dma_wait3A_1037 = arith.constant 1 : i32
        %dma_wait3A_1038 = arith.constant 1 : i32
        %dma_wait3A_1039 = arith.constant 0 : i32
        %dma_wait3A_1040 = arith.constant 0 : i32
        %dma_wait3A_1041 = tpu.memref_slice %arg7[%dma_wait3A_1037, %dma_wait3A_1039, %dma_wait3A_1040] : memref<2x16x128xf32, #tpu.memory_space<vmem>> -> memref<1x16x128xf32, #tpu.memory_space<vmem>>
        %dma_wait3A_1042 = tpu.memref_squeeze %dma_wait3A_1041 : memref<1x16x128xf32, #tpu.memory_space<vmem>> -> memref<16x128xf32, #tpu.memory_space<vmem>>
        %dma_wait3A_1043 = arith.constant 0 : i32
        %dma_wait3A_1044 = tpu.memref_slice %arg4[%add3A_1036, %dma_wait3A_1043] : memref<65536x128xf32, #tpu.memory_space<hbm>> -> memref<16x128xf32, #tpu.memory_space<hbm>>
        %dma_wait3A_1045 = tpu.memref_slice %arg10[%dma_wait3A_1038] : memref<2x!tpu.dma_semaphore, #tpu.memory_space<semaphore_mem>> -> memref<1x!tpu.dma_semaphore, #tpu.memory_space<semaphore_mem>>
        %dma_wait3A_1046 = tpu.memref_squeeze %dma_wait3A_1045 : memref<1x!tpu.dma_semaphore, #tpu.memory_space<semaphore_mem>> -> memref<!tpu.dma_semaphore, #tpu.memory_space<semaphore_mem>>
        %dma_wait3A_1047 = arith.constant 0 : i32
        %dma_wait3A_1048 = tpu.memref_slice %arg4[%add3A_1036, %dma_wait3A_1047] : memref<65536x128xf32, #tpu.memory_space<hbm>> -> memref<16x128xf32, #tpu.memory_space<hbm>>
        %dma_wait3A_1049 = arith.constant 0 : i32
        %dma_wait3A_1050 = arith.constant 0 : i32
        %dma_wait3A_1051 = tpu.memref_slice %arg7[%dma_wait3A_1037, %dma_wait3A_1049, %dma_wait3A_1050] : memref<2x16x128xf32, #tpu.memory_space<vmem>> -> memref<1x16x128xf32, #tpu.memory_space<vmem>>
        %dma_wait3A_1052 = tpu.memref_squeeze %dma_wait3A_1051 : memref<1x16x128xf32, #tpu.memory_space<vmem>> -> memref<16x128xf32, #tpu.memory_space<vmem>>
        tpu.wait_dma2 semaphore(%dma_wait3A_1046 : memref<!tpu.dma_semaphore, #tpu.memory_space<semaphore_mem>>) src(%dma_wait3A_1052 : memref<16x128xf32, #tpu.memory_space<vmem>>) dst(%dma_wait3A_1048 : memref<16x128xf32, #tpu.memory_space<hbm>>)
      } else {
      }
      %scan3A_1007 = arith.constant 0 : i32
      %scan3A_1008 = arith.constant 0 : i32
      %scan3A_1009 = arith.constant 16 : i32
      %scan3A_1010 = arith.addi %scan3A_1008, %scan3A_1009 : i32
      %scan3A_1011 = arith.constant 1 : i32
      scf.for %scan3A_1032 = %scan3A_1008 to %scan3A_1010 step %scan3A_1011  : i32 {
        %mul3A_1033 = arith.constant 20 : i32
        %mul3A_1034 = arith.muli %scan3A_1032, %mul3A_1033 : i32
        %get3A_1035 = arith.constant 1 : i32
        %get3A_1036 = arith.index_cast %get3A_1035 : i32 to index
        %get3A_1037 = arith.index_cast %mul3A_1034 : i32 to index
        %get3A_1038 = arith.constant 0 : index
        %get3A_1039 = tpu.vector_load %arg6[%get3A_1036, %get3A_1037, %get3A_1038] {strides = array<i32>} : memref<2x320x128xf32, #tpu.memory_space<vmem>>, vector<1x1x16xf32>,
        %get3A_1040 = vector.shape_cast %get3A_1039 : vector<1x1x16xf32> to vector<16xf32>
        %add3A_1041 = arith.constant 1 : i32
        %add3A_1042 = arith.addi %mul3A_1034, %add3A_1041 : i32
        %get3A_1043 = arith.constant 1 : i32
        %get3A_1044 = arith.index_cast %get3A_1043 : i32 to index
        %get3A_1045 = arith.index_cast %add3A_1042 : i32 to index
        %get3A_1046 = arith.constant 0 : index
        %get3A_1047 = tpu.vector_load %arg6[%get3A_1044, %get3A_1045, %get3A_1046] {strides = array<i32>} : memref<2x320x128xf32, #tpu.memory_space<vmem>>, vector<1x1x16xf32>,
        %get3A_1048 = vector.shape_cast %get3A_1047 : vector<1x1x16xf32> to vector<16xf32>
        %max3A = arith.maximumf %get3A_1040, %get3A_1048 : vector<16xf32>
        %add3A_1049 = arith.constant 2 : i32
        %add3A_1050 = arith.addi %mul3A_1034, %add3A_1049 : i32
        %get3A_1051 = arith.constant 1 : i32
        %get3A_1052 = arith.index_cast %get3A_1051 : i32 to index
        %get3A_1053 = arith.index_cast %add3A_1050 : i32 to index
        %get3A_1054 = arith.constant 0 : index
        %get3A_1055 = tpu.vector_load %arg6[%get3A_1052, %get3A_1053, %get3A_1054] {strides = array<i32>} : memref<2x320x128xf32, #tpu.memory_space<vmem>>, vector<1x1x16xf32>,
        %get3A_1056 = vector.shape_cast %get3A_1055 : vector<1x1x16xf32> to vector<16xf32>
        %max3A_1057 = arith.maximumf %max3A, %get3A_1056 : vector<16xf32>
        %add3A_1058 = arith.constant 3 : i32
        %add3A_1059 = arith.addi %mul3A_1034, %add3A_1058 : i32
        %get3A_1060 = arith.constant 1 : i32
        %get3A_1061 = arith.index_cast %get3A_1060 : i32 to index
        %get3A_1062 = arith.index_cast %add3A_1059 : i32 to index
        %get3A_1063 = arith.constant 0 : index
        %get3A_1064 = tpu.vector_load %arg6[%get3A_1061, %get3A_1062, %get3A_1063] {strides = array<i32>} : memref<2x320x128xf32, #tpu.memory_space<vmem>>, vector<1x1x16xf32>,
        %get3A_1065 = vector.shape_cast %get3A_1064 : vector<1x1x16xf32> to vector<16xf32>
        %max3A_1066 = arith.maximumf %max3A_1057, %get3A_1065 : vector<16xf32>
        %add3A_1067 = arith.constant 4 : i32
        %add3A_1068 = arith.addi %mul3A_1034, %add3A_1067 : i32
        %get3A_1069 = arith.constant 1 : i32
        %get3A_1070 = arith.index_cast %get3A_1069 : i32 to index
        %get3A_1071 = arith.index_cast %add3A_1068 : i32 to index
        %get3A_1072 = arith.constant 0 : index
        %get3A_1073 = tpu.vector_load %arg6[%get3A_1070, %get3A_1071, %get3A_1072] {strides = array<i32>} : memref<2x320x128xf32, #tpu.memory_space<vmem>>, vector<1x1x16xf32>,
        %get3A_1074 = vector.shape_cast %get3A_1073 : vector<1x1x16xf32> to vector<16xf32>
        %max3A_1075 = arith.maximumf %max3A_1066, %get3A_1074 : vector<16xf32>
        %add3A_1076 = arith.constant 5 : i32
        %add3A_1077 = arith.addi %mul3A_1034, %add3A_1076 : i32
        %get3A_1078 = arith.constant 1 : i32
        %get3A_1079 = arith.index_cast %get3A_1078 : i32 to index
        %get3A_1080 = arith.index_cast %add3A_1077 : i32 to index
        %get3A_1081 = arith.constant 0 : index
        %get3A_1082 = tpu.vector_load %arg6[%get3A_1079, %get3A_1080, %get3A_1081] {strides = array<i32>} : memref<2x320x128xf32, #tpu.memory_space<vmem>>, vector<1x1x16xf32>,
        %get3A_1083 = vector.shape_cast %get3A_1082 : vector<1x1x16xf32> to vector<16xf32>
        %max3A_1084 = arith.maximumf %max3A_1075, %get3A_1083 : vector<16xf32>
        %add3A_1085 = arith.constant 6 : i32
        %add3A_1086 = arith.addi %mul3A_1034, %add3A_1085 : i32
        %get3A_1087 = arith.constant 1 : i32
        %get3A_1088 = arith.index_cast %get3A_1087 : i32 to index
        %get3A_1089 = arith.index_cast %add3A_1086 : i32 to index
        %get3A_1090 = arith.constant 0 : index
        %get3A_1091 = tpu.vector_load %arg6[%get3A_1088, %get3A_1089, %get3A_1090] {strides = array<i32>} : memref<2x320x128xf32, #tpu.memory_space<vmem>>, vector<1x1x16xf32>,
        %get3A_1092 = vector.shape_cast %get3A_1091 : vector<1x1x16xf32> to vector<16xf32>
        %max3A_1093 = arith.maximumf %max3A_1084, %get3A_1092 : vector<16xf32>
        %add3A_1094 = arith.constant 7 : i32
        %add3A_1095 = arith.addi %mul3A_1034, %add3A_1094 : i32
        %get3A_1096 = arith.constant 1 : i32
        %get3A_1097 = arith.index_cast %get3A_1096 : i32 to index
        %get3A_1098 = arith.index_cast %add3A_1095 : i32 to index
        %get3A_1099 = arith.constant 0 : index
        %get3A_1100 = tpu.vector_load %arg6[%get3A_1097, %get3A_1098, %get3A_1099] {strides = array<i32>} : memref<2x320x128xf32, #tpu.memory_space<vmem>>, vector<1x1x16xf32>,
        %get3A_1101 = vector.shape_cast %get3A_1100 : vector<1x1x16xf32> to vector<16xf32>
        %max3A_1102 = arith.maximumf %max3A_1093, %get3A_1101 : vector<16xf32>
        %add3A_1103 = arith.constant 8 : i32
        %add3A_1104 = arith.addi %mul3A_1034, %add3A_1103 : i32
        %get3A_1105 = arith.constant 1 : i32
        %get3A_1106 = arith.index_cast %get3A_1105 : i32 to index
        %get3A_1107 = arith.index_cast %add3A_1104 : i32 to index
        %get3A_1108 = arith.constant 0 : index
        %get3A_1109 = tpu.vector_load %arg6[%get3A_1106, %get3A_1107, %get3A_1108] {strides = array<i32>} : memref<2x320x128xf32, #tpu.memory_space<vmem>>, vector<1x1x16xf32>,
        %get3A_1110 = vector.shape_cast %get3A_1109 : vector<1x1x16xf32> to vector<16xf32>
        %max3A_1111 = arith.maximumf %max3A_1102, %get3A_1110 : vector<16xf32>
        %add3A_1112 = arith.constant 9 : i32
        %add3A_1113 = arith.addi %mul3A_1034, %add3A_1112 : i32
        %get3A_1114 = arith.constant 1 : i32
        %get3A_1115 = arith.index_cast %get3A_1114 : i32 to index
        %get3A_1116 = arith.index_cast %add3A_1113 : i32 to index
        %get3A_1117 = arith.constant 0 : index
        %get3A_1118 = tpu.vector_load %arg6[%get3A_1115, %get3A_1116, %get3A_1117] {strides = array<i32>} : memref<2x320x128xf32, #tpu.memory_space<vmem>>, vector<1x1x16xf32>,
        %get3A_1119 = vector.shape_cast %get3A_1118 : vector<1x1x16xf32> to vector<16xf32>
        %max3A_1120 = arith.maximumf %max3A_1111, %get3A_1119 : vector<16xf32>
        %add3A_1121 = arith.constant 10 : i32
        %add3A_1122 = arith.addi %mul3A_1034, %add3A_1121 : i32
        %get3A_1123 = arith.constant 1 : i32
        %get3A_1124 = arith.index_cast %get3A_1123 : i32 to index
        %get3A_1125 = arith.index_cast %add3A_1122 : i32 to index
        %get3A_1126 = arith.constant 0 : index
        %get3A_1127 = tpu.vector_load %arg6[%get3A_1124, %get3A_1125, %get3A_1126] {strides = array<i32>} : memref<2x320x128xf32, #tpu.memory_space<vmem>>, vector<1x1x16xf32>,
        %get3A_1128 = vector.shape_cast %get3A_1127 : vector<1x1x16xf32> to vector<16xf32>
        %max3A_1129 = arith.maximumf %max3A_1120, %get3A_1128 : vector<16xf32>
        %add3A_1130 = arith.constant 11 : i32
        %add3A_1131 = arith.addi %mul3A_1034, %add3A_1130 : i32
        %get3A_1132 = arith.constant 1 : i32
        %get3A_1133 = arith.index_cast %get3A_1132 : i32 to index
        %get3A_1134 = arith.index_cast %add3A_1131 : i32 to index
        %get3A_1135 = arith.constant 0 : index
        %get3A_1136 = tpu.vector_load %arg6[%get3A_1133, %get3A_1134, %get3A_1135] {strides = array<i32>} : memref<2x320x128xf32, #tpu.memory_space<vmem>>, vector<1x1x16xf32>,
        %get3A_1137 = vector.shape_cast %get3A_1136 : vector<1x1x16xf32> to vector<16xf32>
        %max3A_1138 = arith.maximumf %max3A_1129, %get3A_1137 : vector<16xf32>
        %add3A_1139 = arith.constant 12 : i32
        %add3A_1140 = arith.addi %mul3A_1034, %add3A_1139 : i32
        %get3A_1141 = arith.constant 1 : i32
        %get3A_1142 = arith.index_cast %get3A_1141 : i32 to index
        %get3A_1143 = arith.index_cast %add3A_1140 : i32 to index
        %get3A_1144 = arith.constant 0 : index
        %get3A_1145 = tpu.vector_load %arg6[%get3A_1142, %get3A_1143, %get3A_1144] {strides = array<i32>} : memref<2x320x128xf32, #tpu.memory_space<vmem>>, vector<1x1x16xf32>,
        %get3A_1146 = vector.shape_cast %get3A_1145 : vector<1x1x16xf32> to vector<16xf32>
        %max3A_1147 = arith.maximumf %max3A_1138, %get3A_1146 : vector<16xf32>
        %add3A_1148 = arith.constant 13 : i32
        %add3A_1149 = arith.addi %mul3A_1034, %add3A_1148 : i32
        %get3A_1150 = arith.constant 1 : i32
        %get3A_1151 = arith.index_cast %get3A_1150 : i32 to index
        %get3A_1152 = arith.index_cast %add3A_1149 : i32 to index
        %get3A_1153 = arith.constant 0 : index
        %get3A_1154 = tpu.vector_load %arg6[%get3A_1151, %get3A_1152, %get3A_1153] {strides = array<i32>} : memref<2x320x128xf32, #tpu.memory_space<vmem>>, vector<1x1x16xf32>,
        %get3A_1155 = vector.shape_cast %get3A_1154 : vector<1x1x16xf32> to vector<16xf32>
        %max3A_1156 = arith.maximumf %max3A_1147, %get3A_1155 : vector<16xf32>
        %add3A_1157 = arith.constant 14 : i32
        %add3A_1158 = arith.addi %mul3A_1034, %add3A_1157 : i32
        %get3A_1159 = arith.constant 1 : i32
        %get3A_1160 = arith.index_cast %get3A_1159 : i32 to index
        %get3A_1161 = arith.index_cast %add3A_1158 : i32 to index
        %get3A_1162 = arith.constant 0 : index
        %get3A_1163 = tpu.vector_load %arg6[%get3A_1160, %get3A_1161, %get3A_1162] {strides = array<i32>} : memref<2x320x128xf32, #tpu.memory_space<vmem>>, vector<1x1x16xf32>,
        %get3A_1164 = vector.shape_cast %get3A_1163 : vector<1x1x16xf32> to vector<16xf32>
        %max3A_1165 = arith.maximumf %max3A_1156, %get3A_1164 : vector<16xf32>
        %add3A_1166 = arith.constant 15 : i32
        %add3A_1167 = arith.addi %mul3A_1034, %add3A_1166 : i32
        %get3A_1168 = arith.constant 1 : i32
        %get3A_1169 = arith.index_cast %get3A_1168 : i32 to index
        %get3A_1170 = arith.index_cast %add3A_1167 : i32 to index
        %get3A_1171 = arith.constant 0 : index
        %get3A_1172 = tpu.vector_load %arg6[%get3A_1169, %get3A_1170, %get3A_1171] {strides = array<i32>} : memref<2x320x128xf32, #tpu.memory_space<vmem>>, vector<1x1x16xf32>,
        %get3A_1173 = vector.shape_cast %get3A_1172 : vector<1x1x16xf32> to vector<16xf32>
        %max3A_1174 = arith.maximumf %max3A_1165, %get3A_1173 : vector<16xf32>
        %add3A_1175 = arith.constant 16 : i32
        %add3A_1176 = arith.addi %mul3A_1034, %add3A_1175 : i32
        %get3A_1177 = arith.constant 1 : i32
        %get3A_1178 = arith.index_cast %get3A_1177 : i32 to index
        %get3A_1179 = arith.index_cast %add3A_1176 : i32 to index
        %get3A_1180 = arith.constant 0 : index
        %get3A_1181 = tpu.vector_load %arg6[%get3A_1178, %get3A_1179, %get3A_1180] {strides = array<i32>} : memref<2x320x128xf32, #tpu.memory_space<vmem>>, vector<1x1x16xf32>,
        %get3A_1182 = vector.shape_cast %get3A_1181 : vector<1x1x16xf32> to vector<16xf32>
        %max3A_1183 = arith.maximumf %max3A_1174, %get3A_1182 : vector<16xf32>
        %add3A_1184 = arith.constant 17 : i32
        %add3A_1185 = arith.addi %mul3A_1034, %add3A_1184 : i32
        %get3A_1186 = arith.constant 1 : i32
        %get3A_1187 = arith.index_cast %get3A_1186 : i32 to index
        %get3A_1188 = arith.index_cast %add3A_1185 : i32 to index
        %get3A_1189 = arith.constant 0 : index
        %get3A_1190 = tpu.vector_load %arg6[%get3A_1187, %get3A_1188, %get3A_1189] {strides = array<i32>} : memref<2x320x128xf32, #tpu.memory_space<vmem>>, vector<1x1x16xf32>,
        %get3A_1191 = vector.shape_cast %get3A_1190 : vector<1x1x16xf32> to vector<16xf32>
        %max3A_1192 = arith.maximumf %max3A_1183, %get3A_1191 : vector<16xf32>
        %add3A_1193 = arith.constant 18 : i32
        %add3A_1194 = arith.addi %mul3A_1034, %add3A_1193 : i32
        %get3A_1195 = arith.constant 1 : i32
        %get3A_1196 = arith.index_cast %get3A_1195 : i32 to index
        %get3A_1197 = arith.index_cast %add3A_1194 : i32 to index
        %get3A_1198 = arith.constant 0 : index
        %get3A_1199 = tpu.vector_load %arg6[%get3A_1196, %get3A_1197, %get3A_1198] {strides = array<i32>} : memref<2x320x128xf32, #tpu.memory_space<vmem>>, vector<1x1x16xf32>,
        %get3A_1200 = vector.shape_cast %get3A_1199 : vector<1x1x16xf32> to vector<16xf32>
        %max3A_1201 = arith.maximumf %max3A_1192, %get3A_1200 : vector<16xf32>
        %add3A_1202 = arith.constant 19 : i32
        %add3A_1203 = arith.addi %mul3A_1034, %add3A_1202 : i32
        %get3A_1204 = arith.constant 1 : i32
        %get3A_1205 = arith.index_cast %get3A_1204 : i32 to index
        %get3A_1206 = arith.index_cast %add3A_1203 : i32 to index
        %get3A_1207 = arith.constant 0 : index
        %get3A_1208 = tpu.vector_load %arg6[%get3A_1205, %get3A_1206, %get3A_1207] {strides = array<i32>} : memref<2x320x128xf32, #tpu.memory_space<vmem>>, vector<1x1x16xf32>,
        %get3A_1209 = vector.shape_cast %get3A_1208 : vector<1x1x16xf32> to vector<16xf32>
        %max3A_1210 = arith.maximumf %max3A_1201, %get3A_1209 : vector<16xf32>
        %swap3A_1211 = arith.constant 1 : i32
        %swap3A_1212 = arith.index_cast %swap3A_1211 : i32 to index
        %swap3A_1213 = arith.index_cast %scan3A_1032 : i32 to index
        %swap3A_1214 = arith.constant 0 : index
        %swap3A_1215 = tpu.vector_load %arg7[%swap3A_1212, %swap3A_1213, %swap3A_1214] {strides = array<i32>} : memref<2x16x128xf32, #tpu.memory_space<vmem>>, vector<1x1x16xf32>,
        %swap3A_1216 = vector.shape_cast %swap3A_1215 : vector<1x1x16xf32> to vector<16xf32>
        %swap3A_1217 = vector.shape_cast %max3A_1210 : vector<16xf32> to vector<1x1x16xf32>
        tpu.vector_store %arg7[%swap3A_1212, %swap3A_1213, %swap3A_1214], %swap3A_1217 {strides = array<i32>} : memref<2x16x128xf32, #tpu.memory_space<vmem>>, vector<1x1x16xf32>,
        %get3A_1218 = arith.constant 1 : i32
        %get3A_1219 = arith.index_cast %get3A_1218 : i32 to index
        %get3A_1220 = arith.index_cast %mul3A_1034 : i32 to index
        %get3A_1221 = arith.constant 16 : index
        %get3A_1222 = tpu.vector_load %arg6[%get3A_1219, %get3A_1220, %get3A_1221] {strides = array<i32>} : memref<2x320x128xf32, #tpu.memory_space<vmem>>, vector<1x1x16xf32>,
        %get3A_1223 = vector.shape_cast %get3A_1222 : vector<1x1x16xf32> to vector<16xf32>
        %add3A_1224 = arith.constant 1 : i32
        %add3A_1225 = arith.addi %mul3A_1034, %add3A_1224 : i32
        %get3A_1226 = arith.constant 1 : i32
        %get3A_1227 = arith.index_cast %get3A_1226 : i32 to index
        %get3A_1228 = arith.index_cast %add3A_1225 : i32 to index
        %get3A_1229 = arith.constant 16 : index
        %get3A_1230 = tpu.vector_load %arg6[%get3A_1227, %get3A_1228, %get3A_1229] {strides = array<i32>} : memref<2x320x128xf32, #tpu.memory_space<vmem>>, vector<1x1x16xf32>,
        %get3A_1231 = vector.shape_cast %get3A_1230 : vector<1x1x16xf32> to vector<16xf32>
        %max3A_1232 = arith.maximumf %get3A_1223, %get3A_1231 : vector<16xf32>
        %add3A_1233 = arith.constant 2 : i32
        %add3A_1234 = arith.addi %mul3A_1034, %add3A_1233 : i32
        %get3A_1235 = arith.constant 1 : i32
        %get3A_1236 = arith.index_cast %get3A_1235 : i32 to index
        %get3A_1237 = arith.index_cast %add3A_1234 : i32 to index
        %get3A_1238 = arith.constant 16 : index
        %get3A_1239 = tpu.vector_load %arg6[%get3A_1236, %get3A_1237, %get3A_1238] {strides = array<i32>} : memref<2x320x128xf32, #tpu.memory_space<vmem>>, vector<1x1x16xf32>,
        %get3A_1240 = vector.shape_cast %get3A_1239 : vector<1x1x16xf32> to vector<16xf32>
        %max3A_1241 = arith.maximumf %max3A_1232, %get3A_1240 : vector<16xf32>
        %add3A_1242 = arith.constant 3 : i32
        %add3A_1243 = arith.addi %mul3A_1034, %add3A_1242 : i32
        %get3A_1244 = arith.constant 1 : i32
        %get3A_1245 = arith.index_cast %get3A_1244 : i32 to index
        %get3A_1246 = arith.index_cast %add3A_1243 : i32 to index
        %get3A_1247 = arith.constant 16 : index
        %get3A_1248 = tpu.vector_load %arg6[%get3A_1245, %get3A_1246, %get3A_1247] {strides = array<i32>} : memref<2x320x128xf32, #tpu.memory_space<vmem>>, vector<1x1x16xf32>,
        %get3A_1249 = vector.shape_cast %get3A_1248 : vector<1x1x16xf32> to vector<16xf32>
        %max3A_1250 = arith.maximumf %max3A_1241, %get3A_1249 : vector<16xf32>
        %add3A_1251 = arith.constant 4 : i32
        %add3A_1252 = arith.addi %mul3A_1034, %add3A_1251 : i32
        %get3A_1253 = arith.constant 1 : i32
        %get3A_1254 = arith.index_cast %get3A_1253 : i32 to index
        %get3A_1255 = arith.index_cast %add3A_1252 : i32 to index
        %get3A_1256 = arith.constant 16 : index
        %get3A_1257 = tpu.vector_load %arg6[%get3A_1254, %get3A_1255, %get3A_1256] {strides = array<i32>} : memref<2x320x128xf32, #tpu.memory_space<vmem>>, vector<1x1x16xf32>,
        %get3A_1258 = vector.shape_cast %get3A_1257 : vector<1x1x16xf32> to vector<16xf32>
        %max3A_1259 = arith.maximumf %max3A_1250, %get3A_1258 : vector<16xf32>
        %add3A_1260 = arith.constant 5 : i32
        %add3A_1261 = arith.addi %mul3A_1034, %add3A_1260 : i32
        %get3A_1262 = arith.constant 1 : i32
        %get3A_1263 = arith.index_cast %get3A_1262 : i32 to index
        %get3A_1264 = arith.index_cast %add3A_1261 : i32 to index
        %get3A_1265 = arith.constant 16 : index
        %get3A_1266 = tpu.vector_load %arg6[%get3A_1263, %get3A_1264, %get3A_1265] {strides = array<i32>} : memref<2x320x128xf32, #tpu.memory_space<vmem>>, vector<1x1x16xf32>,
        %get3A_1267 = vector.shape_cast %get3A_1266 : vector<1x1x16xf32> to vector<16xf32>
        %max3A_1268 = arith.maximumf %max3A_1259, %get3A_1267 : vector<16xf32>
        %add3A_1269 = arith.constant 6 : i32
        %add3A_1270 = arith.addi %mul3A_1034, %add3A_1269 : i32
        %get3A_1271 = arith.constant 1 : i32
        %get3A_1272 = arith.index_cast %get3A_1271 : i32 to index
        %get3A_1273 = arith.index_cast %add3A_1270 : i32 to index
        %get3A_1274 = arith.constant 16 : index
        %get3A_1275 = tpu.vector_load %arg6[%get3A_1272, %get3A_1273, %get3A_1274] {strides = array<i32>} : memref<2x320x128xf32, #tpu.memory_space<vmem>>, vector<1x1x16xf32>,
        %get3A_1276 = vector.shape_cast %get3A_1275 : vector<1x1x16xf32> to vector<16xf32>
        %max3A_1277 = arith.maximumf %max3A_1268, %get3A_1276 : vector<16xf32>
        %add3A_1278 = arith.constant 7 : i32
        %add3A_1279 = arith.addi %mul3A_1034, %add3A_1278 : i32
        %get3A_1280 = arith.constant 1 : i32
        %get3A_1281 = arith.index_cast %get3A_1280 : i32 to index
        %get3A_1282 = arith.index_cast %add3A_1279 : i32 to index
        %get3A_1283 = arith.constant 16 : index
        %get3A_1284 = tpu.vector_load %arg6[%get3A_1281, %get3A_1282, %get3A_1283] {strides = array<i32>} : memref<2x320x128xf32, #tpu.memory_space<vmem>>, vector<1x1x16xf32>,
        %get3A_1285 = vector.shape_cast %get3A_1284 : vector<1x1x16xf32> to vector<16xf32>
        %max3A_1286 = arith.maximumf %max3A_1277, %get3A_1285 : vector<16xf32>
        %add3A_1287 = arith.constant 8 : i32
        %add3A_1288 = arith.addi %mul3A_1034, %add3A_1287 : i32
        %get3A_1289 = arith.constant 1 : i32
        %get3A_1290 = arith.index_cast %get3A_1289 : i32 to index
        %get3A_1291 = arith.index_cast %add3A_1288 : i32 to index
        %get3A_1292 = arith.constant 16 : index
        %get3A_1293 = tpu.vector_load %arg6[%get3A_1290, %get3A_1291, %get3A_1292] {strides = array<i32>} : memref<2x320x128xf32, #tpu.memory_space<vmem>>, vector<1x1x16xf32>,
        %get3A_1294 = vector.shape_cast %get3A_1293 : vector<1x1x16xf32> to vector<16xf32>
        %max3A_1295 = arith.maximumf %max3A_1286, %get3A_1294 : vector<16xf32>
        %add3A_1296 = arith.constant 9 : i32
        %add3A_1297 = arith.addi %mul3A_1034, %add3A_1296 : i32
        %get3A_1298 = arith.constant 1 : i32
        %get3A_1299 = arith.index_cast %get3A_1298 : i32 to index
        %get3A_1300 = arith.index_cast %add3A_1297 : i32 to index
        %get3A_1301 = arith.constant 16 : index
        %get3A_1302 = tpu.vector_load %arg6[%get3A_1299, %get3A_1300, %get3A_1301] {strides = array<i32>} : memref<2x320x128xf32, #tpu.memory_space<vmem>>, vector<1x1x16xf32>,
        %get3A_1303 = vector.shape_cast %get3A_1302 : vector<1x1x16xf32> to vector<16xf32>
        %max3A_1304 = arith.maximumf %max3A_1295, %get3A_1303 : vector<16xf32>
        %add3A_1305 = arith.constant 10 : i32
        %add3A_1306 = arith.addi %mul3A_1034, %add3A_1305 : i32
        %get3A_1307 = arith.constant 1 : i32
        %get3A_1308 = arith.index_cast %get3A_1307 : i32 to index
        %get3A_1309 = arith.index_cast %add3A_1306 : i32 to index
        %get3A_1310 = arith.constant 16 : index
        %get3A_1311 = tpu.vector_load %arg6[%get3A_1308, %get3A_1309, %get3A_1310] {strides = array<i32>} : memref<2x320x128xf32, #tpu.memory_space<vmem>>, vector<1x1x16xf32>,
        %get3A_1312 = vector.shape_cast %get3A_1311 : vector<1x1x16xf32> to vector<16xf32>
        %max3A_1313 = arith.maximumf %max3A_1304, %get3A_1312 : vector<16xf32>
        %add3A_1314 = arith.constant 11 : i32
        %add3A_1315 = arith.addi %mul3A_1034, %add3A_1314 : i32
        %get3A_1316 = arith.constant 1 : i32
        %get3A_1317 = arith.index_cast %get3A_1316 : i32 to index
        %get3A_1318 = arith.index_cast %add3A_1315 : i32 to index
        %get3A_1319 = arith.constant 16 : index
        %get3A_1320 = tpu.vector_load %arg6[%get3A_1317, %get3A_1318, %get3A_1319] {strides = array<i32>} : memref<2x320x128xf32, #tpu.memory_space<vmem>>, vector<1x1x16xf32>,
        %get3A_1321 = vector.shape_cast %get3A_1320 : vector<1x1x16xf32> to vector<16xf32>
        %max3A_1322 = arith.maximumf %max3A_1313, %get3A_1321 : vector<16xf32>
        %add3A_1323 = arith.constant 12 : i32
        %add3A_1324 = arith.addi %mul3A_1034, %add3A_1323 : i32
        %get3A_1325 = arith.constant 1 : i32
        %get3A_1326 = arith.index_cast %get3A_1325 : i32 to index
        %get3A_1327 = arith.index_cast %add3A_1324 : i32 to index
        %get3A_1328 = arith.constant 16 : index
        %get3A_1329 = tpu.vector_load %arg6[%get3A_1326, %get3A_1327, %get3A_1328] {strides = array<i32>} : memref<2x320x128xf32, #tpu.memory_space<vmem>>, vector<1x1x16xf32>,
        %get3A_1330 = vector.shape_cast %get3A_1329 : vector<1x1x16xf32> to vector<16xf32>
        %max3A_1331 = arith.maximumf %max3A_1322, %get3A_1330 : vector<16xf32>
        %add3A_1332 = arith.constant 13 : i32
        %add3A_1333 = arith.addi %mul3A_1034, %add3A_1332 : i32
        %get3A_1334 = arith.constant 1 : i32
        %get3A_1335 = arith.index_cast %get3A_1334 : i32 to index
        %get3A_1336 = arith.index_cast %add3A_1333 : i32 to index
        %get3A_1337 = arith.constant 16 : index
        %get3A_1338 = tpu.vector_load %arg6[%get3A_1335, %get3A_1336, %get3A_1337] {strides = array<i32>} : memref<2x320x128xf32, #tpu.memory_space<vmem>>, vector<1x1x16xf32>,
        %get3A_1339 = vector.shape_cast %get3A_1338 : vector<1x1x16xf32> to vector<16xf32>
        %max3A_1340 = arith.maximumf %max3A_1331, %get3A_1339 : vector<16xf32>
        %add3A_1341 = arith.constant 14 : i32
        %add3A_1342 = arith.addi %mul3A_1034, %add3A_1341 : i32
        %get3A_1343 = arith.constant 1 : i32
        %get3A_1344 = arith.index_cast %get3A_1343 : i32 to index
        %get3A_1345 = arith.index_cast %add3A_1342 : i32 to index
        %get3A_1346 = arith.constant 16 : index
        %get3A_1347 = tpu.vector_load %arg6[%get3A_1344, %get3A_1345, %get3A_1346] {strides = array<i32>} : memref<2x320x128xf32, #tpu.memory_space<vmem>>, vector<1x1x16xf32>,
        %get3A_1348 = vector.shape_cast %get3A_1347 : vector<1x1x16xf32> to vector<16xf32>
        %max3A_1349 = arith.maximumf %max3A_1340, %get3A_1348 : vector<16xf32>
        %add3A_1350 = arith.constant 15 : i32
        %add3A_1351 = arith.addi %mul3A_1034, %add3A_1350 : i32
        %get3A_1352 = arith.constant 1 : i32
        %get3A_1353 = arith.index_cast %get3A_1352 : i32 to index
        %get3A_1354 = arith.index_cast %add3A_1351 : i32 to index
        %get3A_1355 = arith.constant 16 : index
        %get3A_1356 = tpu.vector_load %arg6[%get3A_1353, %get3A_1354, %get3A_1355] {strides = array<i32>} : memref<2x320x128xf32, #tpu.memory_space<vmem>>, vector<1x1x16xf32>,
        %get3A_1357 = vector.shape_cast %get3A_1356 : vector<1x1x16xf32> to vector<16xf32>
        %max3A_1358 = arith.maximumf %max3A_1349, %get3A_1357 : vector<16xf32>
        %add3A_1359 = arith.constant 16 : i32
        %add3A_1360 = arith.addi %mul3A_1034, %add3A_1359 : i32
        %get3A_1361 = arith.constant 1 : i32
        %get3A_1362 = arith.index_cast %get3A_1361 : i32 to index
        %get3A_1363 = arith.index_cast %add3A_1360 : i32 to index
        %get3A_1364 = arith.constant 16 : index
        %get3A_1365 = tpu.vector_load %arg6[%get3A_1362, %get3A_1363, %get3A_1364] {strides = array<i32>} : memref<2x320x128xf32, #tpu.memory_space<vmem>>, vector<1x1x16xf32>,
        %get3A_1366 = vector.shape_cast %get3A_1365 : vector<1x1x16xf32> to vector<16xf32>
        %max3A_1367 = arith.maximumf %max3A_1358, %get3A_1366 : vector<16xf32>
        %add3A_1368 = arith.constant 17 : i32
        %add3A_1369 = arith.addi %mul3A_1034, %add3A_1368 : i32
        %get3A_1370 = arith.constant 1 : i32
        %get3A_1371 = arith.index_cast %get3A_1370 : i32 to index
        %get3A_1372 = arith.index_cast %add3A_1369 : i32 to index
        %get3A_1373 = arith.constant 16 : index
        %get3A_1374 = tpu.vector_load %arg6[%get3A_1371, %get3A_1372, %get3A_1373] {strides = array<i32>} : memref<2x320x128xf32, #tpu.memory_space<vmem>>, vector<1x1x16xf32>,
        %get3A_1375 = vector.shape_cast %get3A_1374 : vector<1x1x16xf32> to vector<16xf32>
        %max3A_1376 = arith.maximumf %max3A_1367, %get3A_1375 : vector<16xf32>
        %add3A_1377 = arith.constant 18 : i32
        %add3A_1378 = arith.addi %mul3A_1034, %add3A_1377 : i32
        %get3A_1379 = arith.constant 1 : i32
        %get3A_1380 = arith.index_cast %get3A_1379 : i32 to index
        %get3A_1381 = arith.index_cast %add3A_1378 : i32 to index
        %get3A_1382 = arith.constant 16 : index
        %get3A_1383 = tpu.vector_load %arg6[%get3A_1380, %get3A_1381, %get3A_1382] {strides = array<i32>} : memref<2x320x128xf32, #tpu.memory_space<vmem>>, vector<1x1x16xf32>,
        %get3A_1384 = vector.shape_cast %get3A_1383 : vector<1x1x16xf32> to vector<16xf32>
        %max3A_1385 = arith.maximumf %max3A_1376, %get3A_1384 : vector<16xf32>
        %add3A_1386 = arith.constant 19 : i32
        %add3A_1387 = arith.addi %mul3A_1034, %add3A_1386 : i32
        %get3A_1388 = arith.constant 1 : i32
        %get3A_1389 = arith.index_cast %get3A_1388 : i32 to index
        %get3A_1390 = arith.index_cast %add3A_1387 : i32 to index
        %get3A_1391 = arith.constant 16 : index
        %get3A_1392 = tpu.vector_load %arg6[%get3A_1389, %get3A_1390, %get3A_1391] {strides = array<i32>} : memref<2x320x128xf32, #tpu.memory_space<vmem>>, vector<1x1x16xf32>,
        %get3A_1393 = vector.shape_cast %get3A_1392 : vector<1x1x16xf32> to vector<16xf32>
        %max3A_1394 = arith.maximumf %max3A_1385, %get3A_1393 : vector<16xf32>
        %swap3A_1395 = arith.constant 1 : i32
        %swap3A_1396 = arith.index_cast %swap3A_1395 : i32 to index
        %swap3A_1397 = arith.index_cast %scan3A_1032 : i32 to index
        %swap3A_1398 = arith.constant 16 : index
        %swap3A_1399 = tpu.vector_load %arg7[%swap3A_1396, %swap3A_1397, %swap3A_1398] {strides = array<i32>} : memref<2x16x128xf32, #tpu.memory_space<vmem>>, vector<1x1x16xf32>,
        %swap3A_1400 = vector.shape_cast %swap3A_1399 : vector<1x1x16xf32> to vector<16xf32>
        %swap3A_1401 = vector.shape_cast %max3A_1394 : vector<16xf32> to vector<1x1x16xf32>
        tpu.vector_store %arg7[%swap3A_1396, %swap3A_1397, %swap3A_1398], %swap3A_1401 {strides = array<i32>} : memref<2x16x128xf32, #tpu.memory_space<vmem>>, vector<1x1x16xf32>,
        %get3A_1402 = arith.constant 1 : i32
        %get3A_1403 = arith.index_cast %get3A_1402 : i32 to index
        %get3A_1404 = arith.index_cast %mul3A_1034 : i32 to index
        %get3A_1405 = arith.constant 32 : index
        %get3A_1406 = tpu.vector_load %arg6[%get3A_1403, %get3A_1404, %get3A_1405] {strides = array<i32>} : memref<2x320x128xf32, #tpu.memory_space<vmem>>, vector<1x1x16xf32>,
        %get3A_1407 = vector.shape_cast %get3A_1406 : vector<1x1x16xf32> to vector<16xf32>
        %add3A_1408 = arith.constant 1 : i32
        %add3A_1409 = arith.addi %mul3A_1034, %add3A_1408 : i32
        %get3A_1410 = arith.constant 1 : i32
        %get3A_1411 = arith.index_cast %get3A_1410 : i32 to index
        %get3A_1412 = arith.index_cast %add3A_1409 : i32 to index
        %get3A_1413 = arith.constant 32 : index
        %get3A_1414 = tpu.vector_load %arg6[%get3A_1411, %get3A_1412, %get3A_1413] {strides = array<i32>} : memref<2x320x128xf32, #tpu.memory_space<vmem>>, vector<1x1x16xf32>,
        %get3A_1415 = vector.shape_cast %get3A_1414 : vector<1x1x16xf32> to vector<16xf32>
        %max3A_1416 = arith.maximumf %get3A_1407, %get3A_1415 : vector<16xf32>
        %add3A_1417 = arith.constant 2 : i32
        %add3A_1418 = arith.addi %mul3A_1034, %add3A_1417 : i32
        %get3A_1419 = arith.constant 1 : i32
        %get3A_1420 = arith.index_cast %get3A_1419 : i32 to index
        %get3A_1421 = arith.index_cast %add3A_1418 : i32 to index
        %get3A_1422 = arith.constant 32 : index
        %get3A_1423 = tpu.vector_load %arg6[%get3A_1420, %get3A_1421, %get3A_1422] {strides = array<i32>} : memref<2x320x128xf32, #tpu.memory_space<vmem>>, vector<1x1x16xf32>,
        %get3A_1424 = vector.shape_cast %get3A_1423 : vector<1x1x16xf32> to vector<16xf32>
        %max3A_1425 = arith.maximumf %max3A_1416, %get3A_1424 : vector<16xf32>
        %add3A_1426 = arith.constant 3 : i32
        %add3A_1427 = arith.addi %mul3A_1034, %add3A_1426 : i32
        %get3A_1428 = arith.constant 1 : i32
        %get3A_1429 = arith.index_cast %get3A_1428 : i32 to index
        %get3A_1430 = arith.index_cast %add3A_1427 : i32 to index
        %get3A_1431 = arith.constant 32 : index
        %get3A_1432 = tpu.vector_load %arg6[%get3A_1429, %get3A_1430, %get3A_1431] {strides = array<i32>} : memref<2x320x128xf32, #tpu.memory_space<vmem>>, vector<1x1x16xf32>,
        %get3A_1433 = vector.shape_cast %get3A_1432 : vector<1x1x16xf32> to vector<16xf32>
        %max3A_1434 = arith.maximumf %max3A_1425, %get3A_1433 : vector<16xf32>
        %add3A_1435 = arith.constant 4 : i32
        %add3A_1436 = arith.addi %mul3A_1034, %add3A_1435 : i32
        %get3A_1437 = arith.constant 1 : i32
        %get3A_1438 = arith.index_cast %get3A_1437 : i32 to index
        %get3A_1439 = arith.index_cast %add3A_1436 : i32 to index
        %get3A_1440 = arith.constant 32 : index
        %get3A_1441 = tpu.vector_load %arg6[%get3A_1438, %get3A_1439, %get3A_1440] {strides = array<i32>} : memref<2x320x128xf32, #tpu.memory_space<vmem>>, vector<1x1x16xf32>,
        %get3A_1442 = vector.shape_cast %get3A_1441 : vector<1x1x16xf32> to vector<16xf32>
        %max3A_1443 = arith.maximumf %max3A_1434, %get3A_1442 : vector<16xf32>
        %add3A_1444 = arith.constant 5 : i32
        %add3A_1445 = arith.addi %mul3A_1034, %add3A_1444 : i32
        %get3A_1446 = arith.constant 1 : i32
        %get3A_1447 = arith.index_cast %get3A_1446 : i32 to index
        %get3A_1448 = arith.index_cast %add3A_1445 : i32 to index
        %get3A_1449 = arith.constant 32 : index
        %get3A_1450 = tpu.vector_load %arg6[%get3A_1447, %get3A_1448, %get3A_1449] {strides = array<i32>} : memref<2x320x128xf32, #tpu.memory_space<vmem>>, vector<1x1x16xf32>,
        %get3A_1451 = vector.shape_cast %get3A_1450 : vector<1x1x16xf32> to vector<16xf32>
        %max3A_1452 = arith.maximumf %max3A_1443, %get3A_1451 : vector<16xf32>
        %add3A_1453 = arith.constant 6 : i32
        %add3A_1454 = arith.addi %mul3A_1034, %add3A_1453 : i32
        %get3A_1455 = arith.constant 1 : i32
        %get3A_1456 = arith.index_cast %get3A_1455 : i32 to index
        %get3A_1457 = arith.index_cast %add3A_1454 : i32 to index
        %get3A_1458 = arith.constant 32 : index
        %get3A_1459 = tpu.vector_load %arg6[%get3A_1456, %get3A_1457, %get3A_1458] {strides = array<i32>} : memref<2x320x128xf32, #tpu.memory_space<vmem>>, vector<1x1x16xf32>,
        %get3A_1460 = vector.shape_cast %get3A_1459 : vector<1x1x16xf32> to vector<16xf32>
        %max3A_1461 = arith.maximumf %max3A_1452, %get3A_1460 : vector<16xf32>
        %add3A_1462 = arith.constant 7 : i32
        %add3A_1463 = arith.addi %mul3A_1034, %add3A_1462 : i32
        %get3A_1464 = arith.constant 1 : i32
        %get3A_1465 = arith.index_cast %get3A_1464 : i32 to index
        %get3A_1466 = arith.index_cast %add3A_1463 : i32 to index
        %get3A_1467 = arith.constant 32 : index
        %get3A_1468 = tpu.vector_load %arg6[%get3A_1465, %get3A_1466, %get3A_1467] {strides = array<i32>} : memref<2x320x128xf32, #tpu.memory_space<vmem>>, vector<1x1x16xf32>,
        %get3A_1469 = vector.shape_cast %get3A_1468 : vector<1x1x16xf32> to vector<16xf32>
        %max3A_1470 = arith.maximumf %max3A_1461, %get3A_1469 : vector<16xf32>
        %add3A_1471 = arith.constant 8 : i32
        %add3A_1472 = arith.addi %mul3A_1034, %add3A_1471 : i32
        %get3A_1473 = arith.constant 1 : i32
        %get3A_1474 = arith.index_cast %get3A_1473 : i32 to index
        %get3A_1475 = arith.index_cast %add3A_1472 : i32 to index
        %get3A_1476 = arith.constant 32 : index
        %get3A_1477 = tpu.vector_load %arg6[%get3A_1474, %get3A_1475, %get3A_1476] {strides = array<i32>} : memref<2x320x128xf32, #tpu.memory_space<vmem>>, vector<1x1x16xf32>,
        %get3A_1478 = vector.shape_cast %get3A_1477 : vector<1x1x16xf32> to vector<16xf32>
        %max3A_1479 = arith.maximumf %max3A_1470, %get3A_1478 : vector<16xf32>
        %add3A_1480 = arith.constant 9 : i32
        %add3A_1481 = arith.addi %mul3A_1034, %add3A_1480 : i32
        %get3A_1482 = arith.constant 1 : i32
        %get3A_1483 = arith.index_cast %get3A_1482 : i32 to index
        %get3A_1484 = arith.index_cast %add3A_1481 : i32 to index
        %get3A_1485 = arith.constant 32 : index
        %get3A_1486 = tpu.vector_load %arg6[%get3A_1483, %get3A_1484, %get3A_1485] {strides = array<i32>} : memref<2x320x128xf32, #tpu.memory_space<vmem>>, vector<1x1x16xf32>,
        %get3A_1487 = vector.shape_cast %get3A_1486 : vector<1x1x16xf32> to vector<16xf32>
        %max3A_1488 = arith.maximumf %max3A_1479, %get3A_1487 : vector<16xf32>
        %add3A_1489 = arith.constant 10 : i32
        %add3A_1490 = arith.addi %mul3A_1034, %add3A_1489 : i32
        %get3A_1491 = arith.constant 1 : i32
        %get3A_1492 = arith.index_cast %get3A_1491 : i32 to index
        %get3A_1493 = arith.index_cast %add3A_1490 : i32 to index
        %get3A_1494 = arith.constant 32 : index
        %get3A_1495 = tpu.vector_load %arg6[%get3A_1492, %get3A_1493, %get3A_1494] {strides = array<i32>} : memref<2x320x128xf32, #tpu.memory_space<vmem>>, vector<1x1x16xf32>,
        %get3A_1496 = vector.shape_cast %get3A_1495 : vector<1x1x16xf32> to vector<16xf32>
        %max3A_1497 = arith.maximumf %max3A_1488, %get3A_1496 : vector<16xf32>
        %add3A_1498 = arith.constant 11 : i32
        %add3A_1499 = arith.addi %mul3A_1034, %add3A_1498 : i32
        %get3A_1500 = arith.constant 1 : i32
        %get3A_1501 = arith.index_cast %get3A_1500 : i32 to index
        %get3A_1502 = arith.index_cast %add3A_1499 : i32 to index
        %get3A_1503 = arith.constant 32 : index
        %get3A_1504 = tpu.vector_load %arg6[%get3A_1501, %get3A_1502, %get3A_1503] {strides = array<i32>} : memref<2x320x128xf32, #tpu.memory_space<vmem>>, vector<1x1x16xf32>,
        %get3A_1505 = vector.shape_cast %get3A_1504 : vector<1x1x16xf32> to vector<16xf32>
        %max3A_1506 = arith.maximumf %max3A_1497, %get3A_1505 : vector<16xf32>
        %add3A_1507 = arith.constant 12 : i32
        %add3A_1508 = arith.addi %mul3A_1034, %add3A_1507 : i32
        %get3A_1509 = arith.constant 1 : i32
        %get3A_1510 = arith.index_cast %get3A_1509 : i32 to index
        %get3A_1511 = arith.index_cast %add3A_1508 : i32 to index
        %get3A_1512 = arith.constant 32 : index
        %get3A_1513 = tpu.vector_load %arg6[%get3A_1510, %get3A_1511, %get3A_1512] {strides = array<i32>} : memref<2x320x128xf32, #tpu.memory_space<vmem>>, vector<1x1x16xf32>,
        %get3A_1514 = vector.shape_cast %get3A_1513 : vector<1x1x16xf32> to vector<16xf32>
        %max3A_1515 = arith.maximumf %max3A_1506, %get3A_1514 : vector<16xf32>
        %add3A_1516 = arith.constant 13 : i32
        %add3A_1517 = arith.addi %mul3A_1034, %add3A_1516 : i32
        %get3A_1518 = arith.constant 1 : i32
        %get3A_1519 = arith.index_cast %get3A_1518 : i32 to index
        %get3A_1520 = arith.index_cast %add3A_1517 : i32 to index
        %get3A_1521 = arith.constant 32 : index
        %get3A_1522 = tpu.vector_load %arg6[%get3A_1519, %get3A_1520, %get3A_1521] {strides = array<i32>} : memref<2x320x128xf32, #tpu.memory_space<vmem>>, vector<1x1x16xf32>,
        %get3A_1523 = vector.shape_cast %get3A_1522 : vector<1x1x16xf32> to vector<16xf32>
        %max3A_1524 = arith.maximumf %max3A_1515, %get3A_1523 : vector<16xf32>
        %add3A_1525 = arith.constant 14 : i32
        %add3A_1526 = arith.addi %mul3A_1034, %add3A_1525 : i32
        %get3A_1527 = arith.constant 1 : i32
        %get3A_1528 = arith.index_cast %get3A_1527 : i32 to index
        %get3A_1529 = arith.index_cast %add3A_1526 : i32 to index
        %get3A_1530 = arith.constant 32 : index
        %get3A_1531 = tpu.vector_load %arg6[%get3A_1528, %get3A_1529, %get3A_1530] {strides = array<i32>} : memref<2x320x128xf32, #tpu.memory_space<vmem>>, vector<1x1x16xf32>,
        %get3A_1532 = vector.shape_cast %get3A_1531 : vector<1x1x16xf32> to vector<16xf32>
        %max3A_1533 = arith.maximumf %max3A_1524, %get3A_1532 : vector<16xf32>
        %add3A_1534 = arith.constant 15 : i32
        %add3A_1535 = arith.addi %mul3A_1034, %add3A_1534 : i32
        %get3A_1536 = arith.constant 1 : i32
        %get3A_1537 = arith.index_cast %get3A_1536 : i32 to index
        %get3A_1538 = arith.index_cast %add3A_1535 : i32 to index
        %get3A_1539 = arith.constant 32 : index
        %get3A_1540 = tpu.vector_load %arg6[%get3A_1537, %get3A_1538, %get3A_1539] {strides = array<i32>} : memref<2x320x128xf32, #tpu.memory_space<vmem>>, vector<1x1x16xf32>,
        %get3A_1541 = vector.shape_cast %get3A_1540 : vector<1x1x16xf32> to vector<16xf32>
        %max3A_1542 = arith.maximumf %max3A_1533, %get3A_1541 : vector<16xf32>
        %add3A_1543 = arith.constant 16 : i32
        %add3A_1544 = arith.addi %mul3A_1034, %add3A_1543 : i32
        %get3A_1545 = arith.constant 1 : i32
        %get3A_1546 = arith.index_cast %get3A_1545 : i32 to index
        %get3A_1547 = arith.index_cast %add3A_1544 : i32 to index
        %get3A_1548 = arith.constant 32 : index
        %get3A_1549 = tpu.vector_load %arg6[%get3A_1546, %get3A_1547, %get3A_1548] {strides = array<i32>} : memref<2x320x128xf32, #tpu.memory_space<vmem>>, vector<1x1x16xf32>,
        %get3A_1550 = vector.shape_cast %get3A_1549 : vector<1x1x16xf32> to vector<16xf32>
        %max3A_1551 = arith.maximumf %max3A_1542, %get3A_1550 : vector<16xf32>
        %add3A_1552 = arith.constant 17 : i32
        %add3A_1553 = arith.addi %mul3A_1034, %add3A_1552 : i32
        %get3A_1554 = arith.constant 1 : i32
        %get3A_1555 = arith.index_cast %get3A_1554 : i32 to index
        %get3A_1556 = arith.index_cast %add3A_1553 : i32 to index
        %get3A_1557 = arith.constant 32 : index
        %get3A_1558 = tpu.vector_load %arg6[%get3A_1555, %get3A_1556, %get3A_1557] {strides = array<i32>} : memref<2x320x128xf32, #tpu.memory_space<vmem>>, vector<1x1x16xf32>,
        %get3A_1559 = vector.shape_cast %get3A_1558 : vector<1x1x16xf32> to vector<16xf32>
        %max3A_1560 = arith.maximumf %max3A_1551, %get3A_1559 : vector<16xf32>
        %add3A_1561 = arith.constant 18 : i32
        %add3A_1562 = arith.addi %mul3A_1034, %add3A_1561 : i32
        %get3A_1563 = arith.constant 1 : i32
        %get3A_1564 = arith.index_cast %get3A_1563 : i32 to index
        %get3A_1565 = arith.index_cast %add3A_1562 : i32 to index
        %get3A_1566 = arith.constant 32 : index
        %get3A_1567 = tpu.vector_load %arg6[%get3A_1564, %get3A_1565, %get3A_1566] {strides = array<i32>} : memref<2x320x128xf32, #tpu.memory_space<vmem>>, vector<1x1x16xf32>,
        %get3A_1568 = vector.shape_cast %get3A_1567 : vector<1x1x16xf32> to vector<16xf32>
        %max3A_1569 = arith.maximumf %max3A_1560, %get3A_1568 : vector<16xf32>
        %add3A_1570 = arith.constant 19 : i32
        %add3A_1571 = arith.addi %mul3A_1034, %add3A_1570 : i32
        %get3A_1572 = arith.constant 1 : i32
        %get3A_1573 = arith.index_cast %get3A_1572 : i32 to index
        %get3A_1574 = arith.index_cast %add3A_1571 : i32 to index
        %get3A_1575 = arith.constant 32 : index
        %get3A_1576 = tpu.vector_load %arg6[%get3A_1573, %get3A_1574, %get3A_1575] {strides = array<i32>} : memref<2x320x128xf32, #tpu.memory_space<vmem>>, vector<1x1x16xf32>,
        %get3A_1577 = vector.shape_cast %get3A_1576 : vector<1x1x16xf32> to vector<16xf32>
        %max3A_1578 = arith.maximumf %max3A_1569, %get3A_1577 : vector<16xf32>
        %swap3A_1579 = arith.constant 1 : i32
        %swap3A_1580 = arith.index_cast %swap3A_1579 : i32 to index
        %swap3A_1581 = arith.index_cast %scan3A_1032 : i32 to index
        %swap3A_1582 = arith.constant 32 : index
        %swap3A_1583 = tpu.vector_load %arg7[%swap3A_1580, %swap3A_1581, %swap3A_1582] {strides = array<i32>} : memref<2x16x128xf32, #tpu.memory_space<vmem>>, vector<1x1x16xf32>,
        %swap3A_1584 = vector.shape_cast %swap3A_1583 : vector<1x1x16xf32> to vector<16xf32>
        %swap3A_1585 = vector.shape_cast %max3A_1578 : vector<16xf32> to vector<1x1x16xf32>
        tpu.vector_store %arg7[%swap3A_1580, %swap3A_1581, %swap3A_1582], %swap3A_1585 {strides = array<i32>} : memref<2x16x128xf32, #tpu.memory_space<vmem>>, vector<1x1x16xf32>,
        %get3A_1586 = arith.constant 1 : i32
        %get3A_1587 = arith.index_cast %get3A_1586 : i32 to index
        %get3A_1588 = arith.index_cast %mul3A_1034 : i32 to index
        %get3A_1589 = arith.constant 48 : index
        %get3A_1590 = tpu.vector_load %arg6[%get3A_1587, %get3A_1588, %get3A_1589] {strides = array<i32>} : memref<2x320x128xf32, #tpu.memory_space<vmem>>, vector<1x1x16xf32>,
        %get3A_1591 = vector.shape_cast %get3A_1590 : vector<1x1x16xf32> to vector<16xf32>
        %add3A_1592 = arith.constant 1 : i32
        %add3A_1593 = arith.addi %mul3A_1034, %add3A_1592 : i32
        %get3A_1594 = arith.constant 1 : i32
        %get3A_1595 = arith.index_cast %get3A_1594 : i32 to index
        %get3A_1596 = arith.index_cast %add3A_1593 : i32 to index
        %get3A_1597 = arith.constant 48 : index
        %get3A_1598 = tpu.vector_load %arg6[%get3A_1595, %get3A_1596, %get3A_1597] {strides = array<i32>} : memref<2x320x128xf32, #tpu.memory_space<vmem>>, vector<1x1x16xf32>,
        %get3A_1599 = vector.shape_cast %get3A_1598 : vector<1x1x16xf32> to vector<16xf32>
        %max3A_1600 = arith.maximumf %get3A_1591, %get3A_1599 : vector<16xf32>
        %add3A_1601 = arith.constant 2 : i32
        %add3A_1602 = arith.addi %mul3A_1034, %add3A_1601 : i32
        %get3A_1603 = arith.constant 1 : i32
        %get3A_1604 = arith.index_cast %get3A_1603 : i32 to index
        %get3A_1605 = arith.index_cast %add3A_1602 : i32 to index
        %get3A_1606 = arith.constant 48 : index
        %get3A_1607 = tpu.vector_load %arg6[%get3A_1604, %get3A_1605, %get3A_1606] {strides = array<i32>} : memref<2x320x128xf32, #tpu.memory_space<vmem>>, vector<1x1x16xf32>,
        %get3A_1608 = vector.shape_cast %get3A_1607 : vector<1x1x16xf32> to vector<16xf32>
        %max3A_1609 = arith.maximumf %max3A_1600, %get3A_1608 : vector<16xf32>
        %add3A_1610 = arith.constant 3 : i32
        %add3A_1611 = arith.addi %mul3A_1034, %add3A_1610 : i32
        %get3A_1612 = arith.constant 1 : i32
        %get3A_1613 = arith.index_cast %get3A_1612 : i32 to index
        %get3A_1614 = arith.index_cast %add3A_1611 : i32 to index
        %get3A_1615 = arith.constant 48 : index
        %get3A_1616 = tpu.vector_load %arg6[%get3A_1613, %get3A_1614, %get3A_1615] {strides = array<i32>} : memref<2x320x128xf32, #tpu.memory_space<vmem>>, vector<1x1x16xf32>,
        %get3A_1617 = vector.shape_cast %get3A_1616 : vector<1x1x16xf32> to vector<16xf32>
        %max3A_1618 = arith.maximumf %max3A_1609, %get3A_1617 : vector<16xf32>
        %add3A_1619 = arith.constant 4 : i32
        %add3A_1620 = arith.addi %mul3A_1034, %add3A_1619 : i32
        %get3A_1621 = arith.constant 1 : i32
        %get3A_1622 = arith.index_cast %get3A_1621 : i32 to index
        %get3A_1623 = arith.index_cast %add3A_1620 : i32 to index
        %get3A_1624 = arith.constant 48 : index
        %get3A_1625 = tpu.vector_load %arg6[%get3A_1622, %get3A_1623, %get3A_1624] {strides = array<i32>} : memref<2x320x128xf32, #tpu.memory_space<vmem>>, vector<1x1x16xf32>,
        %get3A_1626 = vector.shape_cast %get3A_1625 : vector<1x1x16xf32> to vector<16xf32>
        %max3A_1627 = arith.maximumf %max3A_1618, %get3A_1626 : vector<16xf32>
        %add3A_1628 = arith.constant 5 : i32
        %add3A_1629 = arith.addi %mul3A_1034, %add3A_1628 : i32
        %get3A_1630 = arith.constant 1 : i32
        %get3A_1631 = arith.index_cast %get3A_1630 : i32 to index
        %get3A_1632 = arith.index_cast %add3A_1629 : i32 to index
        %get3A_1633 = arith.constant 48 : index
        %get3A_1634 = tpu.vector_load %arg6[%get3A_1631, %get3A_1632, %get3A_1633] {strides = array<i32>} : memref<2x320x128xf32, #tpu.memory_space<vmem>>, vector<1x1x16xf32>,
        %get3A_1635 = vector.shape_cast %get3A_1634 : vector<1x1x16xf32> to vector<16xf32>
        %max3A_1636 = arith.maximumf %max3A_1627, %get3A_1635 : vector<16xf32>
        %add3A_1637 = arith.constant 6 : i32
        %add3A_1638 = arith.addi %mul3A_1034, %add3A_1637 : i32
        %get3A_1639 = arith.constant 1 : i32
        %get3A_1640 = arith.index_cast %get3A_1639 : i32 to index
        %get3A_1641 = arith.index_cast %add3A_1638 : i32 to index
        %get3A_1642 = arith.constant 48 : index
        %get3A_1643 = tpu.vector_load %arg6[%get3A_1640, %get3A_1641, %get3A_1642] {strides = array<i32>} : memref<2x320x128xf32, #tpu.memory_space<vmem>>, vector<1x1x16xf32>,
        %get3A_1644 = vector.shape_cast %get3A_1643 : vector<1x1x16xf32> to vector<16xf32>
        %max3A_1645 = arith.maximumf %max3A_1636, %get3A_1644 : vector<16xf32>
        %add3A_1646 = arith.constant 7 : i32
        %add3A_1647 = arith.addi %mul3A_1034, %add3A_1646 : i32
        %get3A_1648 = arith.constant 1 : i32
        %get3A_1649 = arith.index_cast %get3A_1648 : i32 to index
        %get3A_1650 = arith.index_cast %add3A_1647 : i32 to index
        %get3A_1651 = arith.constant 48 : index
        %get3A_1652 = tpu.vector_load %arg6[%get3A_1649, %get3A_1650, %get3A_1651] {strides = array<i32>} : memref<2x320x128xf32, #tpu.memory_space<vmem>>, vector<1x1x16xf32>,
        %get3A_1653 = vector.shape_cast %get3A_1652 : vector<1x1x16xf32> to vector<16xf32>
        %max3A_1654 = arith.maximumf %max3A_1645, %get3A_1653 : vector<16xf32>
        %add3A_1655 = arith.constant 8 : i32
        %add3A_1656 = arith.addi %mul3A_1034, %add3A_1655 : i32
        %get3A_1657 = arith.constant 1 : i32
        %get3A_1658 = arith.index_cast %get3A_1657 : i32 to index
        %get3A_1659 = arith.index_cast %add3A_1656 : i32 to index
        %get3A_1660 = arith.constant 48 : index
        %get3A_1661 = tpu.vector_load %arg6[%get3A_1658, %get3A_1659, %get3A_1660] {strides = array<i32>} : memref<2x320x128xf32, #tpu.memory_space<vmem>>, vector<1x1x16xf32>,
        %get3A_1662 = vector.shape_cast %get3A_1661 : vector<1x1x16xf32> to vector<16xf32>
        %max3A_1663 = arith.maximumf %max3A_1654, %get3A_1662 : vector<16xf32>
        %add3A_1664 = arith.constant 9 : i32
        %add3A_1665 = arith.addi %mul3A_1034, %add3A_1664 : i32
        %get3A_1666 = arith.constant 1 : i32
        %get3A_1667 = arith.index_cast %get3A_1666 : i32 to index
        %get3A_1668 = arith.index_cast %add3A_1665 : i32 to index
        %get3A_1669 = arith.constant 48 : index
        %get3A_1670 = tpu.vector_load %arg6[%get3A_1667, %get3A_1668, %get3A_1669] {strides = array<i32>} : memref<2x320x128xf32, #tpu.memory_space<vmem>>, vector<1x1x16xf32>,
        %get3A_1671 = vector.shape_cast %get3A_1670 : vector<1x1x16xf32> to vector<16xf32>
        %max3A_1672 = arith.maximumf %max3A_1663, %get3A_1671 : vector<16xf32>
        %add3A_1673 = arith.constant 10 : i32
        %add3A_1674 = arith.addi %mul3A_1034, %add3A_1673 : i32
        %get3A_1675 = arith.constant 1 : i32
        %get3A_1676 = arith.index_cast %get3A_1675 : i32 to index
        %get3A_1677 = arith.index_cast %add3A_1674 : i32 to index
        %get3A_1678 = arith.constant 48 : index
        %get3A_1679 = tpu.vector_load %arg6[%get3A_1676, %get3A_1677, %get3A_1678] {strides = array<i32>} : memref<2x320x128xf32, #tpu.memory_space<vmem>>, vector<1x1x16xf32>,
        %get3A_1680 = vector.shape_cast %get3A_1679 : vector<1x1x16xf32> to vector<16xf32>
        %max3A_1681 = arith.maximumf %max3A_1672, %get3A_1680 : vector<16xf32>
        %add3A_1682 = arith.constant 11 : i32
        %add3A_1683 = arith.addi %mul3A_1034, %add3A_1682 : i32
        %get3A_1684 = arith.constant 1 : i32
        %get3A_1685 = arith.index_cast %get3A_1684 : i32 to index
        %get3A_1686 = arith.index_cast %add3A_1683 : i32 to index
        %get3A_1687 = arith.constant 48 : index
        %get3A_1688 = tpu.vector_load %arg6[%get3A_1685, %get3A_1686, %get3A_1687] {strides = array<i32>} : memref<2x320x128xf32, #tpu.memory_space<vmem>>, vector<1x1x16xf32>,
        %get3A_1689 = vector.shape_cast %get3A_1688 : vector<1x1x16xf32> to vector<16xf32>
        %max3A_1690 = arith.maximumf %max3A_1681, %get3A_1689 : vector<16xf32>
        %add3A_1691 = arith.constant 12 : i32
        %add3A_1692 = arith.addi %mul3A_1034, %add3A_1691 : i32
        %get3A_1693 = arith.constant 1 : i32
        %get3A_1694 = arith.index_cast %get3A_1693 : i32 to index
        %get3A_1695 = arith.index_cast %add3A_1692 : i32 to index
        %get3A_1696 = arith.constant 48 : index
        %get3A_1697 = tpu.vector_load %arg6[%get3A_1694, %get3A_1695, %get3A_1696] {strides = array<i32>} : memref<2x320x128xf32, #tpu.memory_space<vmem>>, vector<1x1x16xf32>,
        %get3A_1698 = vector.shape_cast %get3A_1697 : vector<1x1x16xf32> to vector<16xf32>
        %max3A_1699 = arith.maximumf %max3A_1690, %get3A_1698 : vector<16xf32>
        %add3A_1700 = arith.constant 13 : i32
        %add3A_1701 = arith.addi %mul3A_1034, %add3A_1700 : i32
        %get3A_1702 = arith.constant 1 : i32
        %get3A_1703 = arith.index_cast %get3A_1702 : i32 to index
        %get3A_1704 = arith.index_cast %add3A_1701 : i32 to index
        %get3A_1705 = arith.constant 48 : index
        %get3A_1706 = tpu.vector_load %arg6[%get3A_1703, %get3A_1704, %get3A_1705] {strides = array<i32>} : memref<2x320x128xf32, #tpu.memory_space<vmem>>, vector<1x1x16xf32>,
        %get3A_1707 = vector.shape_cast %get3A_1706 : vector<1x1x16xf32> to vector<16xf32>
        %max3A_1708 = arith.maximumf %max3A_1699, %get3A_1707 : vector<16xf32>
        %add3A_1709 = arith.constant 14 : i32
        %add3A_1710 = arith.addi %mul3A_1034, %add3A_1709 : i32
        %get3A_1711 = arith.constant 1 : i32
        %get3A_1712 = arith.index_cast %get3A_1711 : i32 to index
        %get3A_1713 = arith.index_cast %add3A_1710 : i32 to index
        %get3A_1714 = arith.constant 48 : index
        %get3A_1715 = tpu.vector_load %arg6[%get3A_1712, %get3A_1713, %get3A_1714] {strides = array<i32>} : memref<2x320x128xf32, #tpu.memory_space<vmem>>, vector<1x1x16xf32>,
        %get3A_1716 = vector.shape_cast %get3A_1715 : vector<1x1x16xf32> to vector<16xf32>
        %max3A_1717 = arith.maximumf %max3A_1708, %get3A_1716 : vector<16xf32>
        %add3A_1718 = arith.constant 15 : i32
        %add3A_1719 = arith.addi %mul3A_1034, %add3A_1718 : i32
        %get3A_1720 = arith.constant 1 : i32
        %get3A_1721 = arith.index_cast %get3A_1720 : i32 to index
        %get3A_1722 = arith.index_cast %add3A_1719 : i32 to index
        %get3A_1723 = arith.constant 48 : index
        %get3A_1724 = tpu.vector_load %arg6[%get3A_1721, %get3A_1722, %get3A_1723] {strides = array<i32>} : memref<2x320x128xf32, #tpu.memory_space<vmem>>, vector<1x1x16xf32>,
        %get3A_1725 = vector.shape_cast %get3A_1724 : vector<1x1x16xf32> to vector<16xf32>
        %max3A_1726 = arith.maximumf %max3A_1717, %get3A_1725 : vector<16xf32>
        %add3A_1727 = arith.constant 16 : i32
        %add3A_1728 = arith.addi %mul3A_1034, %add3A_1727 : i32
        %get3A_1729 = arith.constant 1 : i32
        %get3A_1730 = arith.index_cast %get3A_1729 : i32 to index
        %get3A_1731 = arith.index_cast %add3A_1728 : i32 to index
        %get3A_1732 = arith.constant 48 : index
        %get3A_1733 = tpu.vector_load %arg6[%get3A_1730, %get3A_1731, %get3A_1732] {strides = array<i32>} : memref<2x320x128xf32, #tpu.memory_space<vmem>>, vector<1x1x16xf32>,
        %get3A_1734 = vector.shape_cast %get3A_1733 : vector<1x1x16xf32> to vector<16xf32>
        %max3A_1735 = arith.maximumf %max3A_1726, %get3A_1734 : vector<16xf32>
        %add3A_1736 = arith.constant 17 : i32
        %add3A_1737 = arith.addi %mul3A_1034, %add3A_1736 : i32
        %get3A_1738 = arith.constant 1 : i32
        %get3A_1739 = arith.index_cast %get3A_1738 : i32 to index
        %get3A_1740 = arith.index_cast %add3A_1737 : i32 to index
        %get3A_1741 = arith.constant 48 : index
        %get3A_1742 = tpu.vector_load %arg6[%get3A_1739, %get3A_1740, %get3A_1741] {strides = array<i32>} : memref<2x320x128xf32, #tpu.memory_space<vmem>>, vector<1x1x16xf32>,
        %get3A_1743 = vector.shape_cast %get3A_1742 : vector<1x1x16xf32> to vector<16xf32>
        %max3A_1744 = arith.maximumf %max3A_1735, %get3A_1743 : vector<16xf32>
        %add3A_1745 = arith.constant 18 : i32
        %add3A_1746 = arith.addi %mul3A_1034, %add3A_1745 : i32
        %get3A_1747 = arith.constant 1 : i32
        %get3A_1748 = arith.index_cast %get3A_1747 : i32 to index
        %get3A_1749 = arith.index_cast %add3A_1746 : i32 to index
        %get3A_1750 = arith.constant 48 : index
        %get3A_1751 = tpu.vector_load %arg6[%get3A_1748, %get3A_1749, %get3A_1750] {strides = array<i32>} : memref<2x320x128xf32, #tpu.memory_space<vmem>>, vector<1x1x16xf32>,
        %get3A_1752 = vector.shape_cast %get3A_1751 : vector<1x1x16xf32> to vector<16xf32>
        %max3A_1753 = arith.maximumf %max3A_1744, %get3A_1752 : vector<16xf32>
        %add3A_1754 = arith.constant 19 : i32
        %add3A_1755 = arith.addi %mul3A_1034, %add3A_1754 : i32
        %get3A_1756 = arith.constant 1 : i32
        %get3A_1757 = arith.index_cast %get3A_1756 : i32 to index
        %get3A_1758 = arith.index_cast %add3A_1755 : i32 to index
        %get3A_1759 = arith.constant 48 : index
        %get3A_1760 = tpu.vector_load %arg6[%get3A_1757, %get3A_1758, %get3A_1759] {strides = array<i32>} : memref<2x320x128xf32, #tpu.memory_space<vmem>>, vector<1x1x16xf32>,
        %get3A_1761 = vector.shape_cast %get3A_1760 : vector<1x1x16xf32> to vector<16xf32>
        %max3A_1762 = arith.maximumf %max3A_1753, %get3A_1761 : vector<16xf32>
        %swap3A_1763 = arith.constant 1 : i32
        %swap3A_1764 = arith.index_cast %swap3A_1763 : i32 to index
        %swap3A_1765 = arith.index_cast %scan3A_1032 : i32 to index
        %swap3A_1766 = arith.constant 48 : index
        %swap3A_1767 = tpu.vector_load %arg7[%swap3A_1764, %swap3A_1765, %swap3A_1766] {strides = array<i32>} : memref<2x16x128xf32, #tpu.memory_space<vmem>>, vector<1x1x16xf32>,
        %swap3A_1768 = vector.shape_cast %swap3A_1767 : vector<1x1x16xf32> to vector<16xf32>
        %swap3A_1769 = vector.shape_cast %max3A_1762 : vector<16xf32> to vector<1x1x16xf32>
        tpu.vector_store %arg7[%swap3A_1764, %swap3A_1765, %swap3A_1766], %swap3A_1769 {strides = array<i32>} : memref<2x16x128xf32, #tpu.memory_space<vmem>>, vector<1x1x16xf32>,
        %get3A_1770 = arith.constant 1 : i32
        %get3A_1771 = arith.index_cast %get3A_1770 : i32 to index
        %get3A_1772 = arith.index_cast %mul3A_1034 : i32 to index
        %get3A_1773 = arith.constant 64 : index
        %get3A_1774 = tpu.vector_load %arg6[%get3A_1771, %get3A_1772, %get3A_1773] {strides = array<i32>} : memref<2x320x128xf32, #tpu.memory_space<vmem>>, vector<1x1x16xf32>,
        %get3A_1775 = vector.shape_cast %get3A_1774 : vector<1x1x16xf32> to vector<16xf32>
        %add3A_1776 = arith.constant 1 : i32
        %add3A_1777 = arith.addi %mul3A_1034, %add3A_1776 : i32
        %get3A_1778 = arith.constant 1 : i32
        %get3A_1779 = arith.index_cast %get3A_1778 : i32 to index
        %get3A_1780 = arith.index_cast %add3A_1777 : i32 to index
        %get3A_1781 = arith.constant 64 : index
        %get3A_1782 = tpu.vector_load %arg6[%get3A_1779, %get3A_1780, %get3A_1781] {strides = array<i32>} : memref<2x320x128xf32, #tpu.memory_space<vmem>>, vector<1x1x16xf32>,
        %get3A_1783 = vector.shape_cast %get3A_1782 : vector<1x1x16xf32> to vector<16xf32>
        %max3A_1784 = arith.maximumf %get3A_1775, %get3A_1783 : vector<16xf32>
        %add3A_1785 = arith.constant 2 : i32
        %add3A_1786 = arith.addi %mul3A_1034, %add3A_1785 : i32
        %get3A_1787 = arith.constant 1 : i32
        %get3A_1788 = arith.index_cast %get3A_1787 : i32 to index
        %get3A_1789 = arith.index_cast %add3A_1786 : i32 to index
        %get3A_1790 = arith.constant 64 : index
        %get3A_1791 = tpu.vector_load %arg6[%get3A_1788, %get3A_1789, %get3A_1790] {strides = array<i32>} : memref<2x320x128xf32, #tpu.memory_space<vmem>>, vector<1x1x16xf32>,
        %get3A_1792 = vector.shape_cast %get3A_1791 : vector<1x1x16xf32> to vector<16xf32>
        %max3A_1793 = arith.maximumf %max3A_1784, %get3A_1792 : vector<16xf32>
        %add3A_1794 = arith.constant 3 : i32
        %add3A_1795 = arith.addi %mul3A_1034, %add3A_1794 : i32
        %get3A_1796 = arith.constant 1 : i32
        %get3A_1797 = arith.index_cast %get3A_1796 : i32 to index
        %get3A_1798 = arith.index_cast %add3A_1795 : i32 to index
        %get3A_1799 = arith.constant 64 : index
        %get3A_1800 = tpu.vector_load %arg6[%get3A_1797, %get3A_1798, %get3A_1799] {strides = array<i32>} : memref<2x320x128xf32, #tpu.memory_space<vmem>>, vector<1x1x16xf32>,
        %get3A_1801 = vector.shape_cast %get3A_1800 : vector<1x1x16xf32> to vector<16xf32>
        %max3A_1802 = arith.maximumf %max3A_1793, %get3A_1801 : vector<16xf32>
        %add3A_1803 = arith.constant 4 : i32
        %add3A_1804 = arith.addi %mul3A_1034, %add3A_1803 : i32
        %get3A_1805 = arith.constant 1 : i32
        %get3A_1806 = arith.index_cast %get3A_1805 : i32 to index
        %get3A_1807 = arith.index_cast %add3A_1804 : i32 to index
        %get3A_1808 = arith.constant 64 : index
        %get3A_1809 = tpu.vector_load %arg6[%get3A_1806, %get3A_1807, %get3A_1808] {strides = array<i32>} : memref<2x320x128xf32, #tpu.memory_space<vmem>>, vector<1x1x16xf32>,
        %get3A_1810 = vector.shape_cast %get3A_1809 : vector<1x1x16xf32> to vector<16xf32>
        %max3A_1811 = arith.maximumf %max3A_1802, %get3A_1810 : vector<16xf32>
        %add3A_1812 = arith.constant 5 : i32
        %add3A_1813 = arith.addi %mul3A_1034, %add3A_1812 : i32
        %get3A_1814 = arith.constant 1 : i32
        %get3A_1815 = arith.index_cast %get3A_1814 : i32 to index
        %get3A_1816 = arith.index_cast %add3A_1813 : i32 to index
        %get3A_1817 = arith.constant 64 : index
        %get3A_1818 = tpu.vector_load %arg6[%get3A_1815, %get3A_1816, %get3A_1817] {strides = array<i32>} : memref<2x320x128xf32, #tpu.memory_space<vmem>>, vector<1x1x16xf32>,
        %get3A_1819 = vector.shape_cast %get3A_1818 : vector<1x1x16xf32> to vector<16xf32>
        %max3A_1820 = arith.maximumf %max3A_1811, %get3A_1819 : vector<16xf32>
        %add3A_1821 = arith.constant 6 : i32
        %add3A_1822 = arith.addi %mul3A_1034, %add3A_1821 : i32
        %get3A_1823 = arith.constant 1 : i32
        %get3A_1824 = arith.index_cast %get3A_1823 : i32 to index
        %get3A_1825 = arith.index_cast %add3A_1822 : i32 to index
        %get3A_1826 = arith.constant 64 : index
        %get3A_1827 = tpu.vector_load %arg6[%get3A_1824, %get3A_1825, %get3A_1826] {strides = array<i32>} : memref<2x320x128xf32, #tpu.memory_space<vmem>>, vector<1x1x16xf32>,
        %get3A_1828 = vector.shape_cast %get3A_1827 : vector<1x1x16xf32> to vector<16xf32>
        %max3A_1829 = arith.maximumf %max3A_1820, %get3A_1828 : vector<16xf32>
        %add3A_1830 = arith.constant 7 : i32
        %add3A_1831 = arith.addi %mul3A_1034, %add3A_1830 : i32
        %get3A_1832 = arith.constant 1 : i32
        %get3A_1833 = arith.index_cast %get3A_1832 : i32 to index
        %get3A_1834 = arith.index_cast %add3A_1831 : i32 to index
        %get3A_1835 = arith.constant 64 : index
        %get3A_1836 = tpu.vector_load %arg6[%get3A_1833, %get3A_1834, %get3A_1835] {strides = array<i32>} : memref<2x320x128xf32, #tpu.memory_space<vmem>>, vector<1x1x16xf32>,
        %get3A_1837 = vector.shape_cast %get3A_1836 : vector<1x1x16xf32> to vector<16xf32>
        %max3A_1838 = arith.maximumf %max3A_1829, %get3A_1837 : vector<16xf32>
        %add3A_1839 = arith.constant 8 : i32
        %add3A_1840 = arith.addi %mul3A_1034, %add3A_1839 : i32
        %get3A_1841 = arith.constant 1 : i32
        %get3A_1842 = arith.index_cast %get3A_1841 : i32 to index
        %get3A_1843 = arith.index_cast %add3A_1840 : i32 to index
        %get3A_1844 = arith.constant 64 : index
        %get3A_1845 = tpu.vector_load %arg6[%get3A_1842, %get3A_1843, %get3A_1844] {strides = array<i32>} : memref<2x320x128xf32, #tpu.memory_space<vmem>>, vector<1x1x16xf32>,
        %get3A_1846 = vector.shape_cast %get3A_1845 : vector<1x1x16xf32> to vector<16xf32>
        %max3A_1847 = arith.maximumf %max3A_1838, %get3A_1846 : vector<16xf32>
        %add3A_1848 = arith.constant 9 : i32
        %add3A_1849 = arith.addi %mul3A_1034, %add3A_1848 : i32
        %get3A_1850 = arith.constant 1 : i32
        %get3A_1851 = arith.index_cast %get3A_1850 : i32 to index
        %get3A_1852 = arith.index_cast %add3A_1849 : i32 to index
        %get3A_1853 = arith.constant 64 : index
        %get3A_1854 = tpu.vector_load %arg6[%get3A_1851, %get3A_1852, %get3A_1853] {strides = array<i32>} : memref<2x320x128xf32, #tpu.memory_space<vmem>>, vector<1x1x16xf32>,
        %get3A_1855 = vector.shape_cast %get3A_1854 : vector<1x1x16xf32> to vector<16xf32>
        %max3A_1856 = arith.maximumf %max3A_1847, %get3A_1855 : vector<16xf32>
        %add3A_1857 = arith.constant 10 : i32
        %add3A_1858 = arith.addi %mul3A_1034, %add3A_1857 : i32
        %get3A_1859 = arith.constant 1 : i32
        %get3A_1860 = arith.index_cast %get3A_1859 : i32 to index
        %get3A_1861 = arith.index_cast %add3A_1858 : i32 to index
        %get3A_1862 = arith.constant 64 : index
        %get3A_1863 = tpu.vector_load %arg6[%get3A_1860, %get3A_1861, %get3A_1862] {strides = array<i32>} : memref<2x320x128xf32, #tpu.memory_space<vmem>>, vector<1x1x16xf32>,
        %get3A_1864 = vector.shape_cast %get3A_1863 : vector<1x1x16xf32> to vector<16xf32>
        %max3A_1865 = arith.maximumf %max3A_1856, %get3A_1864 : vector<16xf32>
        %add3A_1866 = arith.constant 11 : i32
        %add3A_1867 = arith.addi %mul3A_1034, %add3A_1866 : i32
        %get3A_1868 = arith.constant 1 : i32
        %get3A_1869 = arith.index_cast %get3A_1868 : i32 to index
        %get3A_1870 = arith.index_cast %add3A_1867 : i32 to index
        %get3A_1871 = arith.constant 64 : index
        %get3A_1872 = tpu.vector_load %arg6[%get3A_1869, %get3A_1870, %get3A_1871] {strides = array<i32>} : memref<2x320x128xf32, #tpu.memory_space<vmem>>, vector<1x1x16xf32>,
        %get3A_1873 = vector.shape_cast %get3A_1872 : vector<1x1x16xf32> to vector<16xf32>
        %max3A_1874 = arith.maximumf %max3A_1865, %get3A_1873 : vector<16xf32>
        %add3A_1875 = arith.constant 12 : i32
        %add3A_1876 = arith.addi %mul3A_1034, %add3A_1875 : i32
        %get3A_1877 = arith.constant 1 : i32
        %get3A_1878 = arith.index_cast %get3A_1877 : i32 to index
        %get3A_1879 = arith.index_cast %add3A_1876 : i32 to index
        %get3A_1880 = arith.constant 64 : index
        %get3A_1881 = tpu.vector_load %arg6[%get3A_1878, %get3A_1879, %get3A_1880] {strides = array<i32>} : memref<2x320x128xf32, #tpu.memory_space<vmem>>, vector<1x1x16xf32>,
        %get3A_1882 = vector.shape_cast %get3A_1881 : vector<1x1x16xf32> to vector<16xf32>
        %max3A_1883 = arith.maximumf %max3A_1874, %get3A_1882 : vector<16xf32>
        %add3A_1884 = arith.constant 13 : i32
        %add3A_1885 = arith.addi %mul3A_1034, %add3A_1884 : i32
        %get3A_1886 = arith.constant 1 : i32
        %get3A_1887 = arith.index_cast %get3A_1886 : i32 to index
        %get3A_1888 = arith.index_cast %add3A_1885 : i32 to index
        %get3A_1889 = arith.constant 64 : index
        %get3A_1890 = tpu.vector_load %arg6[%get3A_1887, %get3A_1888, %get3A_1889] {strides = array<i32>} : memref<2x320x128xf32, #tpu.memory_space<vmem>>, vector<1x1x16xf32>,
        %get3A_1891 = vector.shape_cast %get3A_1890 : vector<1x1x16xf32> to vector<16xf32>
        %max3A_1892 = arith.maximumf %max3A_1883, %get3A_1891 : vector<16xf32>
        %add3A_1893 = arith.constant 14 : i32
        %add3A_1894 = arith.addi %mul3A_1034, %add3A_1893 : i32
        %get3A_1895 = arith.constant 1 : i32
        %get3A_1896 = arith.index_cast %get3A_1895 : i32 to index
        %get3A_1897 = arith.index_cast %add3A_1894 : i32 to index
        %get3A_1898 = arith.constant 64 : index
        %get3A_1899 = tpu.vector_load %arg6[%get3A_1896, %get3A_1897, %get3A_1898] {strides = array<i32>} : memref<2x320x128xf32, #tpu.memory_space<vmem>>, vector<1x1x16xf32>,
        %get3A_1900 = vector.shape_cast %get3A_1899 : vector<1x1x16xf32> to vector<16xf32>
        %max3A_1901 = arith.maximumf %max3A_1892, %get3A_1900 : vector<16xf32>
        %add3A_1902 = arith.constant 15 : i32
        %add3A_1903 = arith.addi %mul3A_1034, %add3A_1902 : i32
        %get3A_1904 = arith.constant 1 : i32
        %get3A_1905 = arith.index_cast %get3A_1904 : i32 to index
        %get3A_1906 = arith.index_cast %add3A_1903 : i32 to index
        %get3A_1907 = arith.constant 64 : index
        %get3A_1908 = tpu.vector_load %arg6[%get3A_1905, %get3A_1906, %get3A_1907] {strides = array<i32>} : memref<2x320x128xf32, #tpu.memory_space<vmem>>, vector<1x1x16xf32>,
        %get3A_1909 = vector.shape_cast %get3A_1908 : vector<1x1x16xf32> to vector<16xf32>
        %max3A_1910 = arith.maximumf %max3A_1901, %get3A_1909 : vector<16xf32>
        %add3A_1911 = arith.constant 16 : i32
        %add3A_1912 = arith.addi %mul3A_1034, %add3A_1911 : i32
        %get3A_1913 = arith.constant 1 : i32
        %get3A_1914 = arith.index_cast %get3A_1913 : i32 to index
        %get3A_1915 = arith.index_cast %add3A_1912 : i32 to index
        %get3A_1916 = arith.constant 64 : index
        %get3A_1917 = tpu.vector_load %arg6[%get3A_1914, %get3A_1915, %get3A_1916] {strides = array<i32>} : memref<2x320x128xf32, #tpu.memory_space<vmem>>, vector<1x1x16xf32>,
        %get3A_1918 = vector.shape_cast %get3A_1917 : vector<1x1x16xf32> to vector<16xf32>
        %max3A_1919 = arith.maximumf %max3A_1910, %get3A_1918 : vector<16xf32>
        %add3A_1920 = arith.constant 17 : i32
        %add3A_1921 = arith.addi %mul3A_1034, %add3A_1920 : i32
        %get3A_1922 = arith.constant 1 : i32
        %get3A_1923 = arith.index_cast %get3A_1922 : i32 to index
        %get3A_1924 = arith.index_cast %add3A_1921 : i32 to index
        %get3A_1925 = arith.constant 64 : index
        %get3A_1926 = tpu.vector_load %arg6[%get3A_1923, %get3A_1924, %get3A_1925] {strides = array<i32>} : memref<2x320x128xf32, #tpu.memory_space<vmem>>, vector<1x1x16xf32>,
        %get3A_1927 = vector.shape_cast %get3A_1926 : vector<1x1x16xf32> to vector<16xf32>
        %max3A_1928 = arith.maximumf %max3A_1919, %get3A_1927 : vector<16xf32>
        %add3A_1929 = arith.constant 18 : i32
        %add3A_1930 = arith.addi %mul3A_1034, %add3A_1929 : i32
        %get3A_1931 = arith.constant 1 : i32
        %get3A_1932 = arith.index_cast %get3A_1931 : i32 to index
        %get3A_1933 = arith.index_cast %add3A_1930 : i32 to index
        %get3A_1934 = arith.constant 64 : index
        %get3A_1935 = tpu.vector_load %arg6[%get3A_1932, %get3A_1933, %get3A_1934] {strides = array<i32>} : memref<2x320x128xf32, #tpu.memory_space<vmem>>, vector<1x1x16xf32>,
        %get3A_1936 = vector.shape_cast %get3A_1935 : vector<1x1x16xf32> to vector<16xf32>
        %max3A_1937 = arith.maximumf %max3A_1928, %get3A_1936 : vector<16xf32>
        %add3A_1938 = arith.constant 19 : i32
        %add3A_1939 = arith.addi %mul3A_1034, %add3A_1938 : i32
        %get3A_1940 = arith.constant 1 : i32
        %get3A_1941 = arith.index_cast %get3A_1940 : i32 to index
        %get3A_1942 = arith.index_cast %add3A_1939 : i32 to index
        %get3A_1943 = arith.constant 64 : index
        %get3A_1944 = tpu.vector_load %arg6[%get3A_1941, %get3A_1942, %get3A_1943] {strides = array<i32>} : memref<2x320x128xf32, #tpu.memory_space<vmem>>, vector<1x1x16xf32>,
        %get3A_1945 = vector.shape_cast %get3A_1944 : vector<1x1x16xf32> to vector<16xf32>
        %max3A_1946 = arith.maximumf %max3A_1937, %get3A_1945 : vector<16xf32>
        %swap3A_1947 = arith.constant 1 : i32
        %swap3A_1948 = arith.index_cast %swap3A_1947 : i32 to index
        %swap3A_1949 = arith.index_cast %scan3A_1032 : i32 to index
        %swap3A_1950 = arith.constant 64 : index
        %swap3A_1951 = tpu.vector_load %arg7[%swap3A_1948, %swap3A_1949, %swap3A_1950] {strides = array<i32>} : memref<2x16x128xf32, #tpu.memory_space<vmem>>, vector<1x1x16xf32>,
        %swap3A_1952 = vector.shape_cast %swap3A_1951 : vector<1x1x16xf32> to vector<16xf32>
        %swap3A_1953 = vector.shape_cast %max3A_1946 : vector<16xf32> to vector<1x1x16xf32>
        tpu.vector_store %arg7[%swap3A_1948, %swap3A_1949, %swap3A_1950], %swap3A_1953 {strides = array<i32>} : memref<2x16x128xf32, #tpu.memory_space<vmem>>, vector<1x1x16xf32>,
        %get3A_1954 = arith.constant 1 : i32
        %get3A_1955 = arith.index_cast %get3A_1954 : i32 to index
        %get3A_1956 = arith.index_cast %mul3A_1034 : i32 to index
        %get3A_1957 = arith.constant 80 : index
        %get3A_1958 = tpu.vector_load %arg6[%get3A_1955, %get3A_1956, %get3A_1957] {strides = array<i32>} : memref<2x320x128xf32, #tpu.memory_space<vmem>>, vector<1x1x16xf32>,
        %get3A_1959 = vector.shape_cast %get3A_1958 : vector<1x1x16xf32> to vector<16xf32>
        %add3A_1960 = arith.constant 1 : i32
        %add3A_1961 = arith.addi %mul3A_1034, %add3A_1960 : i32
        %get3A_1962 = arith.constant 1 : i32
        %get3A_1963 = arith.index_cast %get3A_1962 : i32 to index
        %get3A_1964 = arith.index_cast %add3A_1961 : i32 to index
        %get3A_1965 = arith.constant 80 : index
        %get3A_1966 = tpu.vector_load %arg6[%get3A_1963, %get3A_1964, %get3A_1965] {strides = array<i32>} : memref<2x320x128xf32, #tpu.memory_space<vmem>>, vector<1x1x16xf32>,
        %get3A_1967 = vector.shape_cast %get3A_1966 : vector<1x1x16xf32> to vector<16xf32>
        %max3A_1968 = arith.maximumf %get3A_1959, %get3A_1967 : vector<16xf32>
        %add3A_1969 = arith.constant 2 : i32
        %add3A_1970 = arith.addi %mul3A_1034, %add3A_1969 : i32
        %get3A_1971 = arith.constant 1 : i32
        %get3A_1972 = arith.index_cast %get3A_1971 : i32 to index
        %get3A_1973 = arith.index_cast %add3A_1970 : i32 to index
        %get3A_1974 = arith.constant 80 : index
        %get3A_1975 = tpu.vector_load %arg6[%get3A_1972, %get3A_1973, %get3A_1974] {strides = array<i32>} : memref<2x320x128xf32, #tpu.memory_space<vmem>>, vector<1x1x16xf32>,
        %get3A_1976 = vector.shape_cast %get3A_1975 : vector<1x1x16xf32> to vector<16xf32>
        %max3A_1977 = arith.maximumf %max3A_1968, %get3A_1976 : vector<16xf32>
        %add3A_1978 = arith.constant 3 : i32
        %add3A_1979 = arith.addi %mul3A_1034, %add3A_1978 : i32
        %get3A_1980 = arith.constant 1 : i32
        %get3A_1981 = arith.index_cast %get3A_1980 : i32 to index
        %get3A_1982 = arith.index_cast %add3A_1979 : i32 to index
        %get3A_1983 = arith.constant 80 : index
        %get3A_1984 = tpu.vector_load %arg6[%get3A_1981, %get3A_1982, %get3A_1983] {strides = array<i32>} : memref<2x320x128xf32, #tpu.memory_space<vmem>>, vector<1x1x16xf32>,
        %get3A_1985 = vector.shape_cast %get3A_1984 : vector<1x1x16xf32> to vector<16xf32>
        %max3A_1986 = arith.maximumf %max3A_1977, %get3A_1985 : vector<16xf32>
        %add3A_1987 = arith.constant 4 : i32
        %add3A_1988 = arith.addi %mul3A_1034, %add3A_1987 : i32
        %get3A_1989 = arith.constant 1 : i32
        %get3A_1990 = arith.index_cast %get3A_1989 : i32 to index
        %get3A_1991 = arith.index_cast %add3A_1988 : i32 to index
        %get3A_1992 = arith.constant 80 : index
        %get3A_1993 = tpu.vector_load %arg6[%get3A_1990, %get3A_1991, %get3A_1992] {strides = array<i32>} : memref<2x320x128xf32, #tpu.memory_space<vmem>>, vector<1x1x16xf32>,
        %get3A_1994 = vector.shape_cast %get3A_1993 : vector<1x1x16xf32> to vector<16xf32>
        %max3A_1995 = arith.maximumf %max3A_1986, %get3A_1994 : vector<16xf32>
        %add3A_1996 = arith.constant 5 : i32
        %add3A_1997 = arith.addi %mul3A_1034, %add3A_1996 : i32
        %get3A_1998 = arith.constant 1 : i32
        %get3A_1999 = arith.index_cast %get3A_1998 : i32 to index
        %get3A_2000 = arith.index_cast %add3A_1997 : i32 to index
        %get3A_2001 = arith.constant 80 : index
        %get3A_2002 = tpu.vector_load %arg6[%get3A_1999, %get3A_2000, %get3A_2001] {strides = array<i32>} : memref<2x320x128xf32, #tpu.memory_space<vmem>>, vector<1x1x16xf32>,
        %get3A_2003 = vector.shape_cast %get3A_2002 : vector<1x1x16xf32> to vector<16xf32>
        %max3A_2004 = arith.maximumf %max3A_1995, %get3A_2003 : vector<16xf32>
        %add3A_2005 = arith.constant 6 : i32
        %add3A_2006 = arith.addi %mul3A_1034, %add3A_2005 : i32
        %get3A_2007 = arith.constant 1 : i32
        %get3A_2008 = arith.index_cast %get3A_2007 : i32 to index
        %get3A_2009 = arith.index_cast %add3A_2006 : i32 to index
        %get3A_2010 = arith.constant 80 : index
        %get3A_2011 = tpu.vector_load %arg6[%get3A_2008, %get3A_2009, %get3A_2010] {strides = array<i32>} : memref<2x320x128xf32, #tpu.memory_space<vmem>>, vector<1x1x16xf32>,
        %get3A_2012 = vector.shape_cast %get3A_2011 : vector<1x1x16xf32> to vector<16xf32>
        %max3A_2013 = arith.maximumf %max3A_2004, %get3A_2012 : vector<16xf32>
        %add3A_2014 = arith.constant 7 : i32
        %add3A_2015 = arith.addi %mul3A_1034, %add3A_2014 : i32
        %get3A_2016 = arith.constant 1 : i32
        %get3A_2017 = arith.index_cast %get3A_2016 : i32 to index
        %get3A_2018 = arith.index_cast %add3A_2015 : i32 to index
        %get3A_2019 = arith.constant 80 : index
        %get3A_2020 = tpu.vector_load %arg6[%get3A_2017, %get3A_2018, %get3A_2019] {strides = array<i32>} : memref<2x320x128xf32, #tpu.memory_space<vmem>>, vector<1x1x16xf32>,
        %get3A_2021 = vector.shape_cast %get3A_2020 : vector<1x1x16xf32> to vector<16xf32>
        %max3A_2022 = arith.maximumf %max3A_2013, %get3A_2021 : vector<16xf32>
        %add3A_2023 = arith.constant 8 : i32
        %add3A_2024 = arith.addi %mul3A_1034, %add3A_2023 : i32
        %get3A_2025 = arith.constant 1 : i32
        %get3A_2026 = arith.index_cast %get3A_2025 : i32 to index
        %get3A_2027 = arith.index_cast %add3A_2024 : i32 to index
        %get3A_2028 = arith.constant 80 : index
        %get3A_2029 = tpu.vector_load %arg6[%get3A_2026, %get3A_2027, %get3A_2028] {strides = array<i32>} : memref<2x320x128xf32, #tpu.memory_space<vmem>>, vector<1x1x16xf32>,
        %get3A_2030 = vector.shape_cast %get3A_2029 : vector<1x1x16xf32> to vector<16xf32>
        %max3A_2031 = arith.maximumf %max3A_2022, %get3A_2030 : vector<16xf32>
        %add3A_2032 = arith.constant 9 : i32
        %add3A_2033 = arith.addi %mul3A_1034, %add3A_2032 : i32
        %get3A_2034 = arith.constant 1 : i32
        %get3A_2035 = arith.index_cast %get3A_2034 : i32 to index
        %get3A_2036 = arith.index_cast %add3A_2033 : i32 to index
        %get3A_2037 = arith.constant 80 : index
        %get3A_2038 = tpu.vector_load %arg6[%get3A_2035, %get3A_2036, %get3A_2037] {strides = array<i32>} : memref<2x320x128xf32, #tpu.memory_space<vmem>>, vector<1x1x16xf32>,
        %get3A_2039 = vector.shape_cast %get3A_2038 : vector<1x1x16xf32> to vector<16xf32>
        %max3A_2040 = arith.maximumf %max3A_2031, %get3A_2039 : vector<16xf32>
        %add3A_2041 = arith.constant 10 : i32
        %add3A_2042 = arith.addi %mul3A_1034, %add3A_2041 : i32
        %get3A_2043 = arith.constant 1 : i32
        %get3A_2044 = arith.index_cast %get3A_2043 : i32 to index
        %get3A_2045 = arith.index_cast %add3A_2042 : i32 to index
        %get3A_2046 = arith.constant 80 : index
        %get3A_2047 = tpu.vector_load %arg6[%get3A_2044, %get3A_2045, %get3A_2046] {strides = array<i32>} : memref<2x320x128xf32, #tpu.memory_space<vmem>>, vector<1x1x16xf32>,
        %get3A_2048 = vector.shape_cast %get3A_2047 : vector<1x1x16xf32> to vector<16xf32>
        %max3A_2049 = arith.maximumf %max3A_2040, %get3A_2048 : vector<16xf32>
        %add3A_2050 = arith.constant 11 : i32
        %add3A_2051 = arith.addi %mul3A_1034, %add3A_2050 : i32
        %get3A_2052 = arith.constant 1 : i32
        %get3A_2053 = arith.index_cast %get3A_2052 : i32 to index
        %get3A_2054 = arith.index_cast %add3A_2051 : i32 to index
        %get3A_2055 = arith.constant 80 : index
        %get3A_2056 = tpu.vector_load %arg6[%get3A_2053, %get3A_2054, %get3A_2055] {strides = array<i32>} : memref<2x320x128xf32, #tpu.memory_space<vmem>>, vector<1x1x16xf32>,
        %get3A_2057 = vector.shape_cast %get3A_2056 : vector<1x1x16xf32> to vector<16xf32>
        %max3A_2058 = arith.maximumf %max3A_2049, %get3A_2057 : vector<16xf32>
        %add3A_2059 = arith.constant 12 : i32
        %add3A_2060 = arith.addi %mul3A_1034, %add3A_2059 : i32
        %get3A_2061 = arith.constant 1 : i32
        %get3A_2062 = arith.index_cast %get3A_2061 : i32 to index
        %get3A_2063 = arith.index_cast %add3A_2060 : i32 to index
        %get3A_2064 = arith.constant 80 : index
        %get3A_2065 = tpu.vector_load %arg6[%get3A_2062, %get3A_2063, %get3A_2064] {strides = array<i32>} : memref<2x320x128xf32, #tpu.memory_space<vmem>>, vector<1x1x16xf32>,
        %get3A_2066 = vector.shape_cast %get3A_2065 : vector<1x1x16xf32> to vector<16xf32>
        %max3A_2067 = arith.maximumf %max3A_2058, %get3A_2066 : vector<16xf32>
        %add3A_2068 = arith.constant 13 : i32
        %add3A_2069 = arith.addi %mul3A_1034, %add3A_2068 : i32
        %get3A_2070 = arith.constant 1 : i32
        %get3A_2071 = arith.index_cast %get3A_2070 : i32 to index
        %get3A_2072 = arith.index_cast %add3A_2069 : i32 to index
        %get3A_2073 = arith.constant 80 : index
        %get3A_2074 = tpu.vector_load %arg6[%get3A_2071, %get3A_2072, %get3A_2073] {strides = array<i32>} : memref<2x320x128xf32, #tpu.memory_space<vmem>>, vector<1x1x16xf32>,
        %get3A_2075 = vector.shape_cast %get3A_2074 : vector<1x1x16xf32> to vector<16xf32>
        %max3A_2076 = arith.maximumf %max3A_2067, %get3A_2075 : vector<16xf32>
        %add3A_2077 = arith.constant 14 : i32
        %add3A_2078 = arith.addi %mul3A_1034, %add3A_2077 : i32
        %get3A_2079 = arith.constant 1 : i32
        %get3A_2080 = arith.index_cast %get3A_2079 : i32 to index
        %get3A_2081 = arith.index_cast %add3A_2078 : i32 to index
        %get3A_2082 = arith.constant 80 : index
        %get3A_2083 = tpu.vector_load %arg6[%get3A_2080, %get3A_2081, %get3A_2082] {strides = array<i32>} : memref<2x320x128xf32, #tpu.memory_space<vmem>>, vector<1x1x16xf32>,
        %get3A_2084 = vector.shape_cast %get3A_2083 : vector<1x1x16xf32> to vector<16xf32>
        %max3A_2085 = arith.maximumf %max3A_2076, %get3A_2084 : vector<16xf32>
        %add3A_2086 = arith.constant 15 : i32
        %add3A_2087 = arith.addi %mul3A_1034, %add3A_2086 : i32
        %get3A_2088 = arith.constant 1 : i32
        %get3A_2089 = arith.index_cast %get3A_2088 : i32 to index
        %get3A_2090 = arith.index_cast %add3A_2087 : i32 to index
        %get3A_2091 = arith.constant 80 : index
        %get3A_2092 = tpu.vector_load %arg6[%get3A_2089, %get3A_2090, %get3A_2091] {strides = array<i32>} : memref<2x320x128xf32, #tpu.memory_space<vmem>>, vector<1x1x16xf32>,
        %get3A_2093 = vector.shape_cast %get3A_2092 : vector<1x1x16xf32> to vector<16xf32>
        %max3A_2094 = arith.maximumf %max3A_2085, %get3A_2093 : vector<16xf32>
        %add3A_2095 = arith.constant 16 : i32
        %add3A_2096 = arith.addi %mul3A_1034, %add3A_2095 : i32
        %get3A_2097 = arith.constant 1 : i32
        %get3A_2098 = arith.index_cast %get3A_2097 : i32 to index
        %get3A_2099 = arith.index_cast %add3A_2096 : i32 to index
        %get3A_2100 = arith.constant 80 : index
        %get3A_2101 = tpu.vector_load %arg6[%get3A_2098, %get3A_2099, %get3A_2100] {strides = array<i32>} : memref<2x320x128xf32, #tpu.memory_space<vmem>>, vector<1x1x16xf32>,
        %get3A_2102 = vector.shape_cast %get3A_2101 : vector<1x1x16xf32> to vector<16xf32>
        %max3A_2103 = arith.maximumf %max3A_2094, %get3A_2102 : vector<16xf32>
        %add3A_2104 = arith.constant 17 : i32
        %add3A_2105 = arith.addi %mul3A_1034, %add3A_2104 : i32
        %get3A_2106 = arith.constant 1 : i32
        %get3A_2107 = arith.index_cast %get3A_2106 : i32 to index
        %get3A_2108 = arith.index_cast %add3A_2105 : i32 to index
        %get3A_2109 = arith.constant 80 : index
        %get3A_2110 = tpu.vector_load %arg6[%get3A_2107, %get3A_2108, %get3A_2109] {strides = array<i32>} : memref<2x320x128xf32, #tpu.memory_space<vmem>>, vector<1x1x16xf32>,
        %get3A_2111 = vector.shape_cast %get3A_2110 : vector<1x1x16xf32> to vector<16xf32>
        %max3A_2112 = arith.maximumf %max3A_2103, %get3A_2111 : vector<16xf32>
        %add3A_2113 = arith.constant 18 : i32
        %add3A_2114 = arith.addi %mul3A_1034, %add3A_2113 : i32
        %get3A_2115 = arith.constant 1 : i32
        %get3A_2116 = arith.index_cast %get3A_2115 : i32 to index
        %get3A_2117 = arith.index_cast %add3A_2114 : i32 to index
        %get3A_2118 = arith.constant 80 : index
        %get3A_2119 = tpu.vector_load %arg6[%get3A_2116, %get3A_2117, %get3A_2118] {strides = array<i32>} : memref<2x320x128xf32, #tpu.memory_space<vmem>>, vector<1x1x16xf32>,
        %get3A_2120 = vector.shape_cast %get3A_2119 : vector<1x1x16xf32> to vector<16xf32>
        %max3A_2121 = arith.maximumf %max3A_2112, %get3A_2120 : vector<16xf32>
        %add3A_2122 = arith.constant 19 : i32
        %add3A_2123 = arith.addi %mul3A_1034, %add3A_2122 : i32
        %get3A_2124 = arith.constant 1 : i32
        %get3A_2125 = arith.index_cast %get3A_2124 : i32 to index
        %get3A_2126 = arith.index_cast %add3A_2123 : i32 to index
        %get3A_2127 = arith.constant 80 : index
        %get3A_2128 = tpu.vector_load %arg6[%get3A_2125, %get3A_2126, %get3A_2127] {strides = array<i32>} : memref<2x320x128xf32, #tpu.memory_space<vmem>>, vector<1x1x16xf32>,
        %get3A_2129 = vector.shape_cast %get3A_2128 : vector<1x1x16xf32> to vector<16xf32>
        %max3A_2130 = arith.maximumf %max3A_2121, %get3A_2129 : vector<16xf32>
        %swap3A_2131 = arith.constant 1 : i32
        %swap3A_2132 = arith.index_cast %swap3A_2131 : i32 to index
        %swap3A_2133 = arith.index_cast %scan3A_1032 : i32 to index
        %swap3A_2134 = arith.constant 80 : index
        %swap3A_2135 = tpu.vector_load %arg7[%swap3A_2132, %swap3A_2133, %swap3A_2134] {strides = array<i32>} : memref<2x16x128xf32, #tpu.memory_space<vmem>>, vector<1x1x16xf32>,
        %swap3A_2136 = vector.shape_cast %swap3A_2135 : vector<1x1x16xf32> to vector<16xf32>
        %swap3A_2137 = vector.shape_cast %max3A_2130 : vector<16xf32> to vector<1x1x16xf32>
        tpu.vector_store %arg7[%swap3A_2132, %swap3A_2133, %swap3A_2134], %swap3A_2137 {strides = array<i32>} : memref<2x16x128xf32, #tpu.memory_space<vmem>>, vector<1x1x16xf32>,
        %get3A_2138 = arith.constant 1 : i32
        %get3A_2139 = arith.index_cast %get3A_2138 : i32 to index
        %get3A_2140 = arith.index_cast %mul3A_1034 : i32 to index
        %get3A_2141 = arith.constant 96 : index
        %get3A_2142 = tpu.vector_load %arg6[%get3A_2139, %get3A_2140, %get3A_2141] {strides = array<i32>} : memref<2x320x128xf32, #tpu.memory_space<vmem>>, vector<1x1x16xf32>,
        %get3A_2143 = vector.shape_cast %get3A_2142 : vector<1x1x16xf32> to vector<16xf32>
        %add3A_2144 = arith.constant 1 : i32
        %add3A_2145 = arith.addi %mul3A_1034, %add3A_2144 : i32
        %get3A_2146 = arith.constant 1 : i32
        %get3A_2147 = arith.index_cast %get3A_2146 : i32 to index
        %get3A_2148 = arith.index_cast %add3A_2145 : i32 to index
        %get3A_2149 = arith.constant 96 : index
        %get3A_2150 = tpu.vector_load %arg6[%get3A_2147, %get3A_2148, %get3A_2149] {strides = array<i32>} : memref<2x320x128xf32, #tpu.memory_space<vmem>>, vector<1x1x16xf32>,
        %get3A_2151 = vector.shape_cast %get3A_2150 : vector<1x1x16xf32> to vector<16xf32>
        %max3A_2152 = arith.maximumf %get3A_2143, %get3A_2151 : vector<16xf32>
        %add3A_2153 = arith.constant 2 : i32
        %add3A_2154 = arith.addi %mul3A_1034, %add3A_2153 : i32
        %get3A_2155 = arith.constant 1 : i32
        %get3A_2156 = arith.index_cast %get3A_2155 : i32 to index
        %get3A_2157 = arith.index_cast %add3A_2154 : i32 to index
        %get3A_2158 = arith.constant 96 : index
        %get3A_2159 = tpu.vector_load %arg6[%get3A_2156, %get3A_2157, %get3A_2158] {strides = array<i32>} : memref<2x320x128xf32, #tpu.memory_space<vmem>>, vector<1x1x16xf32>,
        %get3A_2160 = vector.shape_cast %get3A_2159 : vector<1x1x16xf32> to vector<16xf32>
        %max3A_2161 = arith.maximumf %max3A_2152, %get3A_2160 : vector<16xf32>
        %add3A_2162 = arith.constant 3 : i32
        %add3A_2163 = arith.addi %mul3A_1034, %add3A_2162 : i32
        %get3A_2164 = arith.constant 1 : i32
        %get3A_2165 = arith.index_cast %get3A_2164 : i32 to index
        %get3A_2166 = arith.index_cast %add3A_2163 : i32 to index
        %get3A_2167 = arith.constant 96 : index
        %get3A_2168 = tpu.vector_load %arg6[%get3A_2165, %get3A_2166, %get3A_2167] {strides = array<i32>} : memref<2x320x128xf32, #tpu.memory_space<vmem>>, vector<1x1x16xf32>,
        %get3A_2169 = vector.shape_cast %get3A_2168 : vector<1x1x16xf32> to vector<16xf32>
        %max3A_2170 = arith.maximumf %max3A_2161, %get3A_2169 : vector<16xf32>
        %add3A_2171 = arith.constant 4 : i32
        %add3A_2172 = arith.addi %mul3A_1034, %add3A_2171 : i32
        %get3A_2173 = arith.constant 1 : i32
        %get3A_2174 = arith.index_cast %get3A_2173 : i32 to index
        %get3A_2175 = arith.index_cast %add3A_2172 : i32 to index
        %get3A_2176 = arith.constant 96 : index
        %get3A_2177 = tpu.vector_load %arg6[%get3A_2174, %get3A_2175, %get3A_2176] {strides = array<i32>} : memref<2x320x128xf32, #tpu.memory_space<vmem>>, vector<1x1x16xf32>,
        %get3A_2178 = vector.shape_cast %get3A_2177 : vector<1x1x16xf32> to vector<16xf32>
        %max3A_2179 = arith.maximumf %max3A_2170, %get3A_2178 : vector<16xf32>
        %add3A_2180 = arith.constant 5 : i32
        %add3A_2181 = arith.addi %mul3A_1034, %add3A_2180 : i32
        %get3A_2182 = arith.constant 1 : i32
        %get3A_2183 = arith.index_cast %get3A_2182 : i32 to index
        %get3A_2184 = arith.index_cast %add3A_2181 : i32 to index
        %get3A_2185 = arith.constant 96 : index
        %get3A_2186 = tpu.vector_load %arg6[%get3A_2183, %get3A_2184, %get3A_2185] {strides = array<i32>} : memref<2x320x128xf32, #tpu.memory_space<vmem>>, vector<1x1x16xf32>,
        %get3A_2187 = vector.shape_cast %get3A_2186 : vector<1x1x16xf32> to vector<16xf32>
        %max3A_2188 = arith.maximumf %max3A_2179, %get3A_2187 : vector<16xf32>
        %add3A_2189 = arith.constant 6 : i32
        %add3A_2190 = arith.addi %mul3A_1034, %add3A_2189 : i32
        %get3A_2191 = arith.constant 1 : i32
        %get3A_2192 = arith.index_cast %get3A_2191 : i32 to index
        %get3A_2193 = arith.index_cast %add3A_2190 : i32 to index
        %get3A_2194 = arith.constant 96 : index
        %get3A_2195 = tpu.vector_load %arg6[%get3A_2192, %get3A_2193, %get3A_2194] {strides = array<i32>} : memref<2x320x128xf32, #tpu.memory_space<vmem>>, vector<1x1x16xf32>,
        %get3A_2196 = vector.shape_cast %get3A_2195 : vector<1x1x16xf32> to vector<16xf32>
        %max3A_2197 = arith.maximumf %max3A_2188, %get3A_2196 : vector<16xf32>
        %add3A_2198 = arith.constant 7 : i32
        %add3A_2199 = arith.addi %mul3A_1034, %add3A_2198 : i32
        %get3A_2200 = arith.constant 1 : i32
        %get3A_2201 = arith.index_cast %get3A_2200 : i32 to index
        %get3A_2202 = arith.index_cast %add3A_2199 : i32 to index
        %get3A_2203 = arith.constant 96 : index
        %get3A_2204 = tpu.vector_load %arg6[%get3A_2201, %get3A_2202, %get3A_2203] {strides = array<i32>} : memref<2x320x128xf32, #tpu.memory_space<vmem>>, vector<1x1x16xf32>,
        %get3A_2205 = vector.shape_cast %get3A_2204 : vector<1x1x16xf32> to vector<16xf32>
        %max3A_2206 = arith.maximumf %max3A_2197, %get3A_2205 : vector<16xf32>
        %add3A_2207 = arith.constant 8 : i32
        %add3A_2208 = arith.addi %mul3A_1034, %add3A_2207 : i32
        %get3A_2209 = arith.constant 1 : i32
        %get3A_2210 = arith.index_cast %get3A_2209 : i32 to index
        %get3A_2211 = arith.index_cast %add3A_2208 : i32 to index
        %get3A_2212 = arith.constant 96 : index
        %get3A_2213 = tpu.vector_load %arg6[%get3A_2210, %get3A_2211, %get3A_2212] {strides = array<i32>} : memref<2x320x128xf32, #tpu.memory_space<vmem>>, vector<1x1x16xf32>,
        %get3A_2214 = vector.shape_cast %get3A_2213 : vector<1x1x16xf32> to vector<16xf32>
        %max3A_2215 = arith.maximumf %max3A_2206, %get3A_2214 : vector<16xf32>
        %add3A_2216 = arith.constant 9 : i32
        %add3A_2217 = arith.addi %mul3A_1034, %add3A_2216 : i32
        %get3A_2218 = arith.constant 1 : i32
        %get3A_2219 = arith.index_cast %get3A_2218 : i32 to index
        %get3A_2220 = arith.index_cast %add3A_2217 : i32 to index
        %get3A_2221 = arith.constant 96 : index
        %get3A_2222 = tpu.vector_load %arg6[%get3A_2219, %get3A_2220, %get3A_2221] {strides = array<i32>} : memref<2x320x128xf32, #tpu.memory_space<vmem>>, vector<1x1x16xf32>,
        %get3A_2223 = vector.shape_cast %get3A_2222 : vector<1x1x16xf32> to vector<16xf32>
        %max3A_2224 = arith.maximumf %max3A_2215, %get3A_2223 : vector<16xf32>
        %add3A_2225 = arith.constant 10 : i32
        %add3A_2226 = arith.addi %mul3A_1034, %add3A_2225 : i32
        %get3A_2227 = arith.constant 1 : i32
        %get3A_2228 = arith.index_cast %get3A_2227 : i32 to index
        %get3A_2229 = arith.index_cast %add3A_2226 : i32 to index
        %get3A_2230 = arith.constant 96 : index
        %get3A_2231 = tpu.vector_load %arg6[%get3A_2228, %get3A_2229, %get3A_2230] {strides = array<i32>} : memref<2x320x128xf32, #tpu.memory_space<vmem>>, vector<1x1x16xf32>,
        %get3A_2232 = vector.shape_cast %get3A_2231 : vector<1x1x16xf32> to vector<16xf32>
        %max3A_2233 = arith.maximumf %max3A_2224, %get3A_2232 : vector<16xf32>
        %add3A_2234 = arith.constant 11 : i32
        %add3A_2235 = arith.addi %mul3A_1034, %add3A_2234 : i32
        %get3A_2236 = arith.constant 1 : i32
        %get3A_2237 = arith.index_cast %get3A_2236 : i32 to index
        %get3A_2238 = arith.index_cast %add3A_2235 : i32 to index
        %get3A_2239 = arith.constant 96 : index
        %get3A_2240 = tpu.vector_load %arg6[%get3A_2237, %get3A_2238, %get3A_2239] {strides = array<i32>} : memref<2x320x128xf32, #tpu.memory_space<vmem>>, vector<1x1x16xf32>,
        %get3A_2241 = vector.shape_cast %get3A_2240 : vector<1x1x16xf32> to vector<16xf32>
        %max3A_2242 = arith.maximumf %max3A_2233, %get3A_2241 : vector<16xf32>
        %add3A_2243 = arith.constant 12 : i32
        %add3A_2244 = arith.addi %mul3A_1034, %add3A_2243 : i32
        %get3A_2245 = arith.constant 1 : i32
        %get3A_2246 = arith.index_cast %get3A_2245 : i32 to index
        %get3A_2247 = arith.index_cast %add3A_2244 : i32 to index
        %get3A_2248 = arith.constant 96 : index
        %get3A_2249 = tpu.vector_load %arg6[%get3A_2246, %get3A_2247, %get3A_2248] {strides = array<i32>} : memref<2x320x128xf32, #tpu.memory_space<vmem>>, vector<1x1x16xf32>,
        %get3A_2250 = vector.shape_cast %get3A_2249 : vector<1x1x16xf32> to vector<16xf32>
        %max3A_2251 = arith.maximumf %max3A_2242, %get3A_2250 : vector<16xf32>
        %add3A_2252 = arith.constant 13 : i32
        %add3A_2253 = arith.addi %mul3A_1034, %add3A_2252 : i32
        %get3A_2254 = arith.constant 1 : i32
        %get3A_2255 = arith.index_cast %get3A_2254 : i32 to index
        %get3A_2256 = arith.index_cast %add3A_2253 : i32 to index
        %get3A_2257 = arith.constant 96 : index
        %get3A_2258 = tpu.vector_load %arg6[%get3A_2255, %get3A_2256, %get3A_2257] {strides = array<i32>} : memref<2x320x128xf32, #tpu.memory_space<vmem>>, vector<1x1x16xf32>,
        %get3A_2259 = vector.shape_cast %get3A_2258 : vector<1x1x16xf32> to vector<16xf32>
        %max3A_2260 = arith.maximumf %max3A_2251, %get3A_2259 : vector<16xf32>
        %add3A_2261 = arith.constant 14 : i32
        %add3A_2262 = arith.addi %mul3A_1034, %add3A_2261 : i32
        %get3A_2263 = arith.constant 1 : i32
        %get3A_2264 = arith.index_cast %get3A_2263 : i32 to index
        %get3A_2265 = arith.index_cast %add3A_2262 : i32 to index
        %get3A_2266 = arith.constant 96 : index
        %get3A_2267 = tpu.vector_load %arg6[%get3A_2264, %get3A_2265, %get3A_2266] {strides = array<i32>} : memref<2x320x128xf32, #tpu.memory_space<vmem>>, vector<1x1x16xf32>,
        %get3A_2268 = vector.shape_cast %get3A_2267 : vector<1x1x16xf32> to vector<16xf32>
        %max3A_2269 = arith.maximumf %max3A_2260, %get3A_2268 : vector<16xf32>
        %add3A_2270 = arith.constant 15 : i32
        %add3A_2271 = arith.addi %mul3A_1034, %add3A_2270 : i32
        %get3A_2272 = arith.constant 1 : i32
        %get3A_2273 = arith.index_cast %get3A_2272 : i32 to index
        %get3A_2274 = arith.index_cast %add3A_2271 : i32 to index
        %get3A_2275 = arith.constant 96 : index
        %get3A_2276 = tpu.vector_load %arg6[%get3A_2273, %get3A_2274, %get3A_2275] {strides = array<i32>} : memref<2x320x128xf32, #tpu.memory_space<vmem>>, vector<1x1x16xf32>,
        %get3A_2277 = vector.shape_cast %get3A_2276 : vector<1x1x16xf32> to vector<16xf32>
        %max3A_2278 = arith.maximumf %max3A_2269, %get3A_2277 : vector<16xf32>
        %add3A_2279 = arith.constant 16 : i32
        %add3A_2280 = arith.addi %mul3A_1034, %add3A_2279 : i32
        %get3A_2281 = arith.constant 1 : i32
        %get3A_2282 = arith.index_cast %get3A_2281 : i32 to index
        %get3A_2283 = arith.index_cast %add3A_2280 : i32 to index
        %get3A_2284 = arith.constant 96 : index
        %get3A_2285 = tpu.vector_load %arg6[%get3A_2282, %get3A_2283, %get3A_2284] {strides = array<i32>} : memref<2x320x128xf32, #tpu.memory_space<vmem>>, vector<1x1x16xf32>,
        %get3A_2286 = vector.shape_cast %get3A_2285 : vector<1x1x16xf32> to vector<16xf32>
        %max3A_2287 = arith.maximumf %max3A_2278, %get3A_2286 : vector<16xf32>
        %add3A_2288 = arith.constant 17 : i32
        %add3A_2289 = arith.addi %mul3A_1034, %add3A_2288 : i32
        %get3A_2290 = arith.constant 1 : i32
        %get3A_2291 = arith.index_cast %get3A_2290 : i32 to index
        %get3A_2292 = arith.index_cast %add3A_2289 : i32 to index
        %get3A_2293 = arith.constant 96 : index
        %get3A_2294 = tpu.vector_load %arg6[%get3A_2291, %get3A_2292, %get3A_2293] {strides = array<i32>} : memref<2x320x128xf32, #tpu.memory_space<vmem>>, vector<1x1x16xf32>,
        %get3A_2295 = vector.shape_cast %get3A_2294 : vector<1x1x16xf32> to vector<16xf32>
        %max3A_2296 = arith.maximumf %max3A_2287, %get3A_2295 : vector<16xf32>
        %add3A_2297 = arith.constant 18 : i32
        %add3A_2298 = arith.addi %mul3A_1034, %add3A_2297 : i32
        %get3A_2299 = arith.constant 1 : i32
        %get3A_2300 = arith.index_cast %get3A_2299 : i32 to index
        %get3A_2301 = arith.index_cast %add3A_2298 : i32 to index
        %get3A_2302 = arith.constant 96 : index
        %get3A_2303 = tpu.vector_load %arg6[%get3A_2300, %get3A_2301, %get3A_2302] {strides = array<i32>} : memref<2x320x128xf32, #tpu.memory_space<vmem>>, vector<1x1x16xf32>,
        %get3A_2304 = vector.shape_cast %get3A_2303 : vector<1x1x16xf32> to vector<16xf32>
        %max3A_2305 = arith.maximumf %max3A_2296, %get3A_2304 : vector<16xf32>
        %add3A_2306 = arith.constant 19 : i32
        %add3A_2307 = arith.addi %mul3A_1034, %add3A_2306 : i32
        %get3A_2308 = arith.constant 1 : i32
        %get3A_2309 = arith.index_cast %get3A_2308 : i32 to index
        %get3A_2310 = arith.index_cast %add3A_2307 : i32 to index
        %get3A_2311 = arith.constant 96 : index
        %get3A_2312 = tpu.vector_load %arg6[%get3A_2309, %get3A_2310, %get3A_2311] {strides = array<i32>} : memref<2x320x128xf32, #tpu.memory_space<vmem>>, vector<1x1x16xf32>,
        %get3A_2313 = vector.shape_cast %get3A_2312 : vector<1x1x16xf32> to vector<16xf32>
        %max3A_2314 = arith.maximumf %max3A_2305, %get3A_2313 : vector<16xf32>
        %swap3A_2315 = arith.constant 1 : i32
        %swap3A_2316 = arith.index_cast %swap3A_2315 : i32 to index
        %swap3A_2317 = arith.index_cast %scan3A_1032 : i32 to index
        %swap3A_2318 = arith.constant 96 : index
        %swap3A_2319 = tpu.vector_load %arg7[%swap3A_2316, %swap3A_2317, %swap3A_2318] {strides = array<i32>} : memref<2x16x128xf32, #tpu.memory_space<vmem>>, vector<1x1x16xf32>,
        %swap3A_2320 = vector.shape_cast %swap3A_2319 : vector<1x1x16xf32> to vector<16xf32>
        %swap3A_2321 = vector.shape_cast %max3A_2314 : vector<16xf32> to vector<1x1x16xf32>
        tpu.vector_store %arg7[%swap3A_2316, %swap3A_2317, %swap3A_2318], %swap3A_2321 {strides = array<i32>} : memref<2x16x128xf32, #tpu.memory_space<vmem>>, vector<1x1x16xf32>,
        %get3A_2322 = arith.constant 1 : i32
        %get3A_2323 = arith.index_cast %get3A_2322 : i32 to index
        %get3A_2324 = arith.index_cast %mul3A_1034 : i32 to index
        %get3A_2325 = arith.constant 112 : index
        %get3A_2326 = tpu.vector_load %arg6[%get3A_2323, %get3A_2324, %get3A_2325] {strides = array<i32>} : memref<2x320x128xf32, #tpu.memory_space<vmem>>, vector<1x1x16xf32>,
        %get3A_2327 = vector.shape_cast %get3A_2326 : vector<1x1x16xf32> to vector<16xf32>
        %add3A_2328 = arith.constant 1 : i32
        %add3A_2329 = arith.addi %mul3A_1034, %add3A_2328 : i32
        %get3A_2330 = arith.constant 1 : i32
        %get3A_2331 = arith.index_cast %get3A_2330 : i32 to index
        %get3A_2332 = arith.index_cast %add3A_2329 : i32 to index
        %get3A_2333 = arith.constant 112 : index
        %get3A_2334 = tpu.vector_load %arg6[%get3A_2331, %get3A_2332, %get3A_2333] {strides = array<i32>} : memref<2x320x128xf32, #tpu.memory_space<vmem>>, vector<1x1x16xf32>,
        %get3A_2335 = vector.shape_cast %get3A_2334 : vector<1x1x16xf32> to vector<16xf32>
        %max3A_2336 = arith.maximumf %get3A_2327, %get3A_2335 : vector<16xf32>
        %add3A_2337 = arith.constant 2 : i32
        %add3A_2338 = arith.addi %mul3A_1034, %add3A_2337 : i32
        %get3A_2339 = arith.constant 1 : i32
        %get3A_2340 = arith.index_cast %get3A_2339 : i32 to index
        %get3A_2341 = arith.index_cast %add3A_2338 : i32 to index
        %get3A_2342 = arith.constant 112 : index
        %get3A_2343 = tpu.vector_load %arg6[%get3A_2340, %get3A_2341, %get3A_2342] {strides = array<i32>} : memref<2x320x128xf32, #tpu.memory_space<vmem>>, vector<1x1x16xf32>,
        %get3A_2344 = vector.shape_cast %get3A_2343 : vector<1x1x16xf32> to vector<16xf32>
        %max3A_2345 = arith.maximumf %max3A_2336, %get3A_2344 : vector<16xf32>
        %add3A_2346 = arith.constant 3 : i32
        %add3A_2347 = arith.addi %mul3A_1034, %add3A_2346 : i32
        %get3A_2348 = arith.constant 1 : i32
        %get3A_2349 = arith.index_cast %get3A_2348 : i32 to index
        %get3A_2350 = arith.index_cast %add3A_2347 : i32 to index
        %get3A_2351 = arith.constant 112 : index
        %get3A_2352 = tpu.vector_load %arg6[%get3A_2349, %get3A_2350, %get3A_2351] {strides = array<i32>} : memref<2x320x128xf32, #tpu.memory_space<vmem>>, vector<1x1x16xf32>,
        %get3A_2353 = vector.shape_cast %get3A_2352 : vector<1x1x16xf32> to vector<16xf32>
        %max3A_2354 = arith.maximumf %max3A_2345, %get3A_2353 : vector<16xf32>
        %add3A_2355 = arith.constant 4 : i32
        %add3A_2356 = arith.addi %mul3A_1034, %add3A_2355 : i32
        %get3A_2357 = arith.constant 1 : i32
        %get3A_2358 = arith.index_cast %get3A_2357 : i32 to index
        %get3A_2359 = arith.index_cast %add3A_2356 : i32 to index
        %get3A_2360 = arith.constant 112 : index
        %get3A_2361 = tpu.vector_load %arg6[%get3A_2358, %get3A_2359, %get3A_2360] {strides = array<i32>} : memref<2x320x128xf32, #tpu.memory_space<vmem>>, vector<1x1x16xf32>,
        %get3A_2362 = vector.shape_cast %get3A_2361 : vector<1x1x16xf32> to vector<16xf32>
        %max3A_2363 = arith.maximumf %max3A_2354, %get3A_2362 : vector<16xf32>
        %add3A_2364 = arith.constant 5 : i32
        %add3A_2365 = arith.addi %mul3A_1034, %add3A_2364 : i32
        %get3A_2366 = arith.constant 1 : i32
        %get3A_2367 = arith.index_cast %get3A_2366 : i32 to index
        %get3A_2368 = arith.index_cast %add3A_2365 : i32 to index
        %get3A_2369 = arith.constant 112 : index
        %get3A_2370 = tpu.vector_load %arg6[%get3A_2367, %get3A_2368, %get3A_2369] {strides = array<i32>} : memref<2x320x128xf32, #tpu.memory_space<vmem>>, vector<1x1x16xf32>,
        %get3A_2371 = vector.shape_cast %get3A_2370 : vector<1x1x16xf32> to vector<16xf32>
        %max3A_2372 = arith.maximumf %max3A_2363, %get3A_2371 : vector<16xf32>
        %add3A_2373 = arith.constant 6 : i32
        %add3A_2374 = arith.addi %mul3A_1034, %add3A_2373 : i32
        %get3A_2375 = arith.constant 1 : i32
        %get3A_2376 = arith.index_cast %get3A_2375 : i32 to index
        %get3A_2377 = arith.index_cast %add3A_2374 : i32 to index
        %get3A_2378 = arith.constant 112 : index
        %get3A_2379 = tpu.vector_load %arg6[%get3A_2376, %get3A_2377, %get3A_2378] {strides = array<i32>} : memref<2x320x128xf32, #tpu.memory_space<vmem>>, vector<1x1x16xf32>,
        %get3A_2380 = vector.shape_cast %get3A_2379 : vector<1x1x16xf32> to vector<16xf32>
        %max3A_2381 = arith.maximumf %max3A_2372, %get3A_2380 : vector<16xf32>
        %add3A_2382 = arith.constant 7 : i32
        %add3A_2383 = arith.addi %mul3A_1034, %add3A_2382 : i32
        %get3A_2384 = arith.constant 1 : i32
        %get3A_2385 = arith.index_cast %get3A_2384 : i32 to index
        %get3A_2386 = arith.index_cast %add3A_2383 : i32 to index
        %get3A_2387 = arith.constant 112 : index
        %get3A_2388 = tpu.vector_load %arg6[%get3A_2385, %get3A_2386, %get3A_2387] {strides = array<i32>} : memref<2x320x128xf32, #tpu.memory_space<vmem>>, vector<1x1x16xf32>,
        %get3A_2389 = vector.shape_cast %get3A_2388 : vector<1x1x16xf32> to vector<16xf32>
        %max3A_2390 = arith.maximumf %max3A_2381, %get3A_2389 : vector<16xf32>
        %add3A_2391 = arith.constant 8 : i32
        %add3A_2392 = arith.addi %mul3A_1034, %add3A_2391 : i32
        %get3A_2393 = arith.constant 1 : i32
        %get3A_2394 = arith.index_cast %get3A_2393 : i32 to index
        %get3A_2395 = arith.index_cast %add3A_2392 : i32 to index
        %get3A_2396 = arith.constant 112 : index
        %get3A_2397 = tpu.vector_load %arg6[%get3A_2394, %get3A_2395, %get3A_2396] {strides = array<i32>} : memref<2x320x128xf32, #tpu.memory_space<vmem>>, vector<1x1x16xf32>,
        %get3A_2398 = vector.shape_cast %get3A_2397 : vector<1x1x16xf32> to vector<16xf32>
        %max3A_2399 = arith.maximumf %max3A_2390, %get3A_2398 : vector<16xf32>
        %add3A_2400 = arith.constant 9 : i32
        %add3A_2401 = arith.addi %mul3A_1034, %add3A_2400 : i32
        %get3A_2402 = arith.constant 1 : i32
        %get3A_2403 = arith.index_cast %get3A_2402 : i32 to index
        %get3A_2404 = arith.index_cast %add3A_2401 : i32 to index
        %get3A_2405 = arith.constant 112 : index
        %get3A_2406 = tpu.vector_load %arg6[%get3A_2403, %get3A_2404, %get3A_2405] {strides = array<i32>} : memref<2x320x128xf32, #tpu.memory_space<vmem>>, vector<1x1x16xf32>,
        %get3A_2407 = vector.shape_cast %get3A_2406 : vector<1x1x16xf32> to vector<16xf32>
        %max3A_2408 = arith.maximumf %max3A_2399, %get3A_2407 : vector<16xf32>
        %add3A_2409 = arith.constant 10 : i32
        %add3A_2410 = arith.addi %mul3A_1034, %add3A_2409 : i32
        %get3A_2411 = arith.constant 1 : i32
        %get3A_2412 = arith.index_cast %get3A_2411 : i32 to index
        %get3A_2413 = arith.index_cast %add3A_2410 : i32 to index
        %get3A_2414 = arith.constant 112 : index
        %get3A_2415 = tpu.vector_load %arg6[%get3A_2412, %get3A_2413, %get3A_2414] {strides = array<i32>} : memref<2x320x128xf32, #tpu.memory_space<vmem>>, vector<1x1x16xf32>,
        %get3A_2416 = vector.shape_cast %get3A_2415 : vector<1x1x16xf32> to vector<16xf32>
        %max3A_2417 = arith.maximumf %max3A_2408, %get3A_2416 : vector<16xf32>
        %add3A_2418 = arith.constant 11 : i32
        %add3A_2419 = arith.addi %mul3A_1034, %add3A_2418 : i32
        %get3A_2420 = arith.constant 1 : i32
        %get3A_2421 = arith.index_cast %get3A_2420 : i32 to index
        %get3A_2422 = arith.index_cast %add3A_2419 : i32 to index
        %get3A_2423 = arith.constant 112 : index
        %get3A_2424 = tpu.vector_load %arg6[%get3A_2421, %get3A_2422, %get3A_2423] {strides = array<i32>} : memref<2x320x128xf32, #tpu.memory_space<vmem>>, vector<1x1x16xf32>,
        %get3A_2425 = vector.shape_cast %get3A_2424 : vector<1x1x16xf32> to vector<16xf32>
        %max3A_2426 = arith.maximumf %max3A_2417, %get3A_2425 : vector<16xf32>
        %add3A_2427 = arith.constant 12 : i32
        %add3A_2428 = arith.addi %mul3A_1034, %add3A_2427 : i32
        %get3A_2429 = arith.constant 1 : i32
        %get3A_2430 = arith.index_cast %get3A_2429 : i32 to index
        %get3A_2431 = arith.index_cast %add3A_2428 : i32 to index
        %get3A_2432 = arith.constant 112 : index
        %get3A_2433 = tpu.vector_load %arg6[%get3A_2430, %get3A_2431, %get3A_2432] {strides = array<i32>} : memref<2x320x128xf32, #tpu.memory_space<vmem>>, vector<1x1x16xf32>,
        %get3A_2434 = vector.shape_cast %get3A_2433 : vector<1x1x16xf32> to vector<16xf32>
        %max3A_2435 = arith.maximumf %max3A_2426, %get3A_2434 : vector<16xf32>
        %add3A_2436 = arith.constant 13 : i32
        %add3A_2437 = arith.addi %mul3A_1034, %add3A_2436 : i32
        %get3A_2438 = arith.constant 1 : i32
        %get3A_2439 = arith.index_cast %get3A_2438 : i32 to index
        %get3A_2440 = arith.index_cast %add3A_2437 : i32 to index
        %get3A_2441 = arith.constant 112 : index
        %get3A_2442 = tpu.vector_load %arg6[%get3A_2439, %get3A_2440, %get3A_2441] {strides = array<i32>} : memref<2x320x128xf32, #tpu.memory_space<vmem>>, vector<1x1x16xf32>,
        %get3A_2443 = vector.shape_cast %get3A_2442 : vector<1x1x16xf32> to vector<16xf32>
        %max3A_2444 = arith.maximumf %max3A_2435, %get3A_2443 : vector<16xf32>
        %add3A_2445 = arith.constant 14 : i32
        %add3A_2446 = arith.addi %mul3A_1034, %add3A_2445 : i32
        %get3A_2447 = arith.constant 1 : i32
        %get3A_2448 = arith.index_cast %get3A_2447 : i32 to index
        %get3A_2449 = arith.index_cast %add3A_2446 : i32 to index
        %get3A_2450 = arith.constant 112 : index
        %get3A_2451 = tpu.vector_load %arg6[%get3A_2448, %get3A_2449, %get3A_2450] {strides = array<i32>} : memref<2x320x128xf32, #tpu.memory_space<vmem>>, vector<1x1x16xf32>,
        %get3A_2452 = vector.shape_cast %get3A_2451 : vector<1x1x16xf32> to vector<16xf32>
        %max3A_2453 = arith.maximumf %max3A_2444, %get3A_2452 : vector<16xf32>
        %add3A_2454 = arith.constant 15 : i32
        %add3A_2455 = arith.addi %mul3A_1034, %add3A_2454 : i32
        %get3A_2456 = arith.constant 1 : i32
        %get3A_2457 = arith.index_cast %get3A_2456 : i32 to index
        %get3A_2458 = arith.index_cast %add3A_2455 : i32 to index
        %get3A_2459 = arith.constant 112 : index
        %get3A_2460 = tpu.vector_load %arg6[%get3A_2457, %get3A_2458, %get3A_2459] {strides = array<i32>} : memref<2x320x128xf32, #tpu.memory_space<vmem>>, vector<1x1x16xf32>,
        %get3A_2461 = vector.shape_cast %get3A_2460 : vector<1x1x16xf32> to vector<16xf32>
        %max3A_2462 = arith.maximumf %max3A_2453, %get3A_2461 : vector<16xf32>
        %add3A_2463 = arith.constant 16 : i32
        %add3A_2464 = arith.addi %mul3A_1034, %add3A_2463 : i32
        %get3A_2465 = arith.constant 1 : i32
        %get3A_2466 = arith.index_cast %get3A_2465 : i32 to index
        %get3A_2467 = arith.index_cast %add3A_2464 : i32 to index
        %get3A_2468 = arith.constant 112 : index
        %get3A_2469 = tpu.vector_load %arg6[%get3A_2466, %get3A_2467, %get3A_2468] {strides = array<i32>} : memref<2x320x128xf32, #tpu.memory_space<vmem>>, vector<1x1x16xf32>,
        %get3A_2470 = vector.shape_cast %get3A_2469 : vector<1x1x16xf32> to vector<16xf32>
        %max3A_2471 = arith.maximumf %max3A_2462, %get3A_2470 : vector<16xf32>
        %add3A_2472 = arith.constant 17 : i32
        %add3A_2473 = arith.addi %mul3A_1034, %add3A_2472 : i32
        %get3A_2474 = arith.constant 1 : i32
        %get3A_2475 = arith.index_cast %get3A_2474 : i32 to index
        %get3A_2476 = arith.index_cast %add3A_2473 : i32 to index
        %get3A_2477 = arith.constant 112 : index
        %get3A_2478 = tpu.vector_load %arg6[%get3A_2475, %get3A_2476, %get3A_2477] {strides = array<i32>} : memref<2x320x128xf32, #tpu.memory_space<vmem>>, vector<1x1x16xf32>,
        %get3A_2479 = vector.shape_cast %get3A_2478 : vector<1x1x16xf32> to vector<16xf32>
        %max3A_2480 = arith.maximumf %max3A_2471, %get3A_2479 : vector<16xf32>
        %add3A_2481 = arith.constant 18 : i32
        %add3A_2482 = arith.addi %mul3A_1034, %add3A_2481 : i32
        %get3A_2483 = arith.constant 1 : i32
        %get3A_2484 = arith.index_cast %get3A_2483 : i32 to index
        %get3A_2485 = arith.index_cast %add3A_2482 : i32 to index
        %get3A_2486 = arith.constant 112 : index
        %get3A_2487 = tpu.vector_load %arg6[%get3A_2484, %get3A_2485, %get3A_2486] {strides = array<i32>} : memref<2x320x128xf32, #tpu.memory_space<vmem>>, vector<1x1x16xf32>,
        %get3A_2488 = vector.shape_cast %get3A_2487 : vector<1x1x16xf32> to vector<16xf32>
        %max3A_2489 = arith.maximumf %max3A_2480, %get3A_2488 : vector<16xf32>
        %add3A_2490 = arith.constant 19 : i32
        %add3A_2491 = arith.addi %mul3A_1034, %add3A_2490 : i32
        %get3A_2492 = arith.constant 1 : i32
        %get3A_2493 = arith.index_cast %get3A_2492 : i32 to index
        %get3A_2494 = arith.index_cast %add3A_2491 : i32 to index
        %get3A_2495 = arith.constant 112 : index
        %get3A_2496 = tpu.vector_load %arg6[%get3A_2493, %get3A_2494, %get3A_2495] {strides = array<i32>} : memref<2x320x128xf32, #tpu.memory_space<vmem>>, vector<1x1x16xf32>,
        %get3A_2497 = vector.shape_cast %get3A_2496 : vector<1x1x16xf32> to vector<16xf32>
        %max3A_2498 = arith.maximumf %max3A_2489, %get3A_2497 : vector<16xf32>
        %swap3A_2499 = arith.constant 1 : i32
        %swap3A_2500 = arith.index_cast %swap3A_2499 : i32 to index
        %swap3A_2501 = arith.index_cast %scan3A_1032 : i32 to index
        %swap3A_2502 = arith.constant 112 : index
        %swap3A_2503 = tpu.vector_load %arg7[%swap3A_2500, %swap3A_2501, %swap3A_2502] {strides = array<i32>} : memref<2x16x128xf32, #tpu.memory_space<vmem>>, vector<1x1x16xf32>,
        %swap3A_2504 = vector.shape_cast %swap3A_2503 : vector<1x1x16xf32> to vector<16xf32>
        %swap3A_2505 = vector.shape_cast %max3A_2498 : vector<16xf32> to vector<1x1x16xf32>
        tpu.vector_store %arg7[%swap3A_2500, %swap3A_2501, %swap3A_2502], %swap3A_2505 {strides = array<i32>} : memref<2x16x128xf32, #tpu.memory_space<vmem>>, vector<1x1x16xf32>,
      }
      %scan3A_1012 = arith.constant 16 : i32
      %mul3A_1013 = arith.constant 16 : i32
      %mul3A_1014 = arith.muli %add3A_681, %mul3A_1013 : i32
      %add3A_1015 = arith.addi %mul3A_20, %mul3A_1014 : i32
      %dma_start3A_1016 = arith.constant 1 : i32
      %dma_start3A_1017 = arith.constant 1 : i32
      %dma_start3A_1018 = arith.constant 0 : i32
      %dma_start3A_1019 = arith.constant 0 : i32
      %dma_start3A_1020 = tpu.memref_slice %arg7[%dma_start3A_1016, %dma_start3A_1018, %dma_start3A_1019] : memref<2x16x128xf32, #tpu.memory_space<vmem>> -> memref<1x16x128xf32, #tpu.memory_space<vmem>>
      %dma_start3A_1021 = tpu.memref_squeeze %dma_start3A_1020 : memref<1x16x128xf32, #tpu.memory_space<vmem>> -> memref<16x128xf32, #tpu.memory_space<vmem>>
      %dma_start3A_1022 = arith.constant 0 : i32
      %dma_start3A_1023 = tpu.memref_slice %arg4[%add3A_1015, %dma_start3A_1022] : memref<65536x128xf32, #tpu.memory_space<hbm>> -> memref<16x128xf32, #tpu.memory_space<hbm>>
      %dma_start3A_1024 = tpu.memref_slice %arg10[%dma_start3A_1017] : memref<2x!tpu.dma_semaphore, #tpu.memory_space<semaphore_mem>> -> memref<1x!tpu.dma_semaphore, #tpu.memory_space<semaphore_mem>>
      %dma_start3A_1025 = tpu.memref_squeeze %dma_start3A_1024 : memref<1x!tpu.dma_semaphore, #tpu.memory_space<semaphore_mem>> -> memref<!tpu.dma_semaphore, #tpu.memory_space<semaphore_mem>>
      %dma_start3A_1026 = arith.constant 0 : i32
      %dma_start3A_1027 = tpu.memref_slice %arg4[%add3A_1015, %dma_start3A_1026] : memref<65536x128xf32, #tpu.memory_space<hbm>> -> memref<16x128xf32, #tpu.memory_space<hbm>>
      %dma_start3A_1028 = arith.constant 0 : i32
      %dma_start3A_1029 = arith.constant 0 : i32
      %dma_start3A_1030 = tpu.memref_slice %arg7[%dma_start3A_1016, %dma_start3A_1028, %dma_start3A_1029] : memref<2x16x128xf32, #tpu.memory_space<vmem>> -> memref<1x16x128xf32, #tpu.memory_space<vmem>>
      %dma_start3A_1031 = tpu.memref_squeeze %dma_start3A_1030 : memref<1x16x128xf32, #tpu.memory_space<vmem>> -> memref<16x128xf32, #tpu.memory_space<vmem>>
      tpu.enqueue_dma source(%dma_start3A_1031 : memref<16x128xf32, #tpu.memory_space<vmem>>) target(%dma_start3A_1027 : memref<16x128xf32, #tpu.memory_space<hbm>>) target_semaphore(%dma_start3A_1025 : memref<!tpu.dma_semaphore, #tpu.memory_space<semaphore_mem>>)
    }
    %scan3A_292 = arith.constant 64 : i32
    %add3A_293 = arith.constant 2016 : i32
    %add3A_294 = arith.addi %mul3A_20, %add3A_293 : i32
    %dma_wait3A_295 = arith.constant 0 : i32
    %dma_wait3A_296 = arith.constant 0 : i32
    %dma_wait3A_297 = arith.constant 0 : i32
    %dma_wait3A_298 = arith.constant 0 : i32
    %dma_wait3A_299 = tpu.memref_slice %arg7[%dma_wait3A_295, %dma_wait3A_297, %dma_wait3A_298] : memref<2x16x128xf32, #tpu.memory_space<vmem>> -> memref<1x16x128xf32, #tpu.memory_space<vmem>>
    %dma_wait3A_300 = tpu.memref_squeeze %dma_wait3A_299 : memref<1x16x128xf32, #tpu.memory_space<vmem>> -> memref<16x128xf32, #tpu.memory_space<vmem>>
    %dma_wait3A_301 = arith.constant 0 : i32
    %dma_wait3A_302 = tpu.memref_slice %arg4[%add3A_294, %dma_wait3A_301] : memref<65536x128xf32, #tpu.memory_space<hbm>> -> memref<16x128xf32, #tpu.memory_space<hbm>>
    %dma_wait3A_303 = tpu.memref_slice %arg10[%dma_wait3A_296] : memref<2x!tpu.dma_semaphore, #tpu.memory_space<semaphore_mem>> -> memref<1x!tpu.dma_semaphore, #tpu.memory_space<semaphore_mem>>
    %dma_wait3A_304 = tpu.memref_squeeze %dma_wait3A_303 : memref<1x!tpu.dma_semaphore, #tpu.memory_space<semaphore_mem>> -> memref<!tpu.dma_semaphore, #tpu.memory_space<semaphore_mem>>
    %dma_wait3A_305 = arith.constant 0 : i32
    %dma_wait3A_306 = tpu.memref_slice %arg4[%add3A_294, %dma_wait3A_305] : memref<65536x128xf32, #tpu.memory_space<hbm>> -> memref<16x128xf32, #tpu.memory_space<hbm>>
    %dma_wait3A_307 = arith.constant 0 : i32
    %dma_wait3A_308 = arith.constant 0 : i32
    %dma_wait3A_309 = tpu.memref_slice %arg7[%dma_wait3A_295, %dma_wait3A_307, %dma_wait3A_308] : memref<2x16x128xf32, #tpu.memory_space<vmem>> -> memref<1x16x128xf32, #tpu.memory_space<vmem>>
    %dma_wait3A_310 = tpu.memref_squeeze %dma_wait3A_309 : memref<1x16x128xf32, #tpu.memory_space<vmem>> -> memref<16x128xf32, #tpu.memory_space<vmem>>
    tpu.wait_dma2 semaphore(%dma_wait3A_304 : memref<!tpu.dma_semaphore, #tpu.memory_space<semaphore_mem>>) src(%dma_wait3A_310 : memref<16x128xf32, #tpu.memory_space<vmem>>) dst(%dma_wait3A_306 : memref<16x128xf32, #tpu.memory_space<hbm>>)
    %add3A_311 = arith.constant 2032 : i32
    %add3A_312 = arith.addi %mul3A_20, %add3A_311 : i32
    %dma_wait3A_313 = arith.constant 1 : i32
    %dma_wait3A_314 = arith.constant 1 : i32
    %dma_wait3A_315 = arith.constant 0 : i32
    %dma_wait3A_316 = arith.constant 0 : i32
    %dma_wait3A_317 = tpu.memref_slice %arg7[%dma_wait3A_313, %dma_wait3A_315, %dma_wait3A_316] : memref<2x16x128xf32, #tpu.memory_space<vmem>> -> memref<1x16x128xf32, #tpu.memory_space<vmem>>
    %dma_wait3A_318 = tpu.memref_squeeze %dma_wait3A_317 : memref<1x16x128xf32, #tpu.memory_space<vmem>> -> memref<16x128xf32, #tpu.memory_space<vmem>>
    %dma_wait3A_319 = arith.constant 0 : i32
    %dma_wait3A_320 = tpu.memref_slice %arg4[%add3A_312, %dma_wait3A_319] : memref<65536x128xf32, #tpu.memory_space<hbm>> -> memref<16x128xf32, #tpu.memory_space<hbm>>
    %dma_wait3A_321 = tpu.memref_slice %arg10[%dma_wait3A_314] : memref<2x!tpu.dma_semaphore, #tpu.memory_space<semaphore_mem>> -> memref<1x!tpu.dma_semaphore, #tpu.memory_space<semaphore_mem>>
    %dma_wait3A_322 = tpu.memref_squeeze %dma_wait3A_321 : memref<1x!tpu.dma_semaphore, #tpu.memory_space<semaphore_mem>> -> memref<!tpu.dma_semaphore, #tpu.memory_space<semaphore_mem>>
    %dma_wait3A_323 = arith.constant 0 : i32
    %dma_wait3A_324 = tpu.memref_slice %arg4[%add3A_312, %dma_wait3A_323] : memref<65536x128xf32, #tpu.memory_space<hbm>> -> memref<16x128xf32, #tpu.memory_space<hbm>>
    %dma_wait3A_325 = arith.constant 0 : i32
    %dma_wait3A_326 = arith.constant 0 : i32
    %dma_wait3A_327 = tpu.memref_slice %arg7[%dma_wait3A_313, %dma_wait3A_325, %dma_wait3A_326] : memref<2x16x128xf32, #tpu.memory_space<vmem>> -> memref<1x16x128xf32, #tpu.memory_space<vmem>>
    %dma_wait3A_328 = tpu.memref_squeeze %dma_wait3A_327 : memref<1x16x128xf32, #tpu.memory_space<vmem>> -> memref<16x128xf32, #tpu.memory_space<vmem>>
    tpu.wait_dma2 semaphore(%dma_wait3A_322 : memref<!tpu.dma_semaphore, #tpu.memory_space<semaphore_mem>>) src(%dma_wait3A_328 : memref<16x128xf32, #tpu.memory_space<vmem>>) dst(%dma_wait3A_324 : memref<16x128xf32, #tpu.memory_space<hbm>>)
    return
  }
}

</mosaic_0001>

<sc_bundles>
// kernel: _launch.3.cloned.1.call-start
scs
__scs_entry_jumppad:
0x0: {  	(pc) =	sbr.rel $0x88, $3  }
0x1: {  	(tag) =	ssettag $0x0;
	lr =	simm.s32 $0x1  }
0x2: {  	[smem:$0x3F9F] =	sst lr;
	_ =	strace $0xD0000000  }
0x3: {  	_ = 	snop  }
0x4: {  	_ = 	snop  }
0x5: {  	_ = 	snop  }
0x6: {  	_ = 	snop  }
0x7: {  	_ = 	snop  }
__scs_overlays_trampoline_lowered:
0x8: {  	[smem:$0x3FAE] =	sst s0  }
0x9: {  	[smem:$0x3FAF] =	sst s1  }
0xa: {  	[smem:$0x3FB0] =	sst s2  }
0xb: {  	[smem:$0x3FB1] =	sst s3  }
0xc: {  	[smem:$0x3FB2] =	sst s4  }
0xd: {  	[smem:$0x3FB3] =	sst s5  }
0xe: {  	[smem:$0x3FB4] =	sst s6  }
0xf: {  	[smem:$0x3FB5] =	sst s7  }
0x10: {  	[smem:$0x3FB6] =	sst s8  }
0x11: {  	[smem:$0x3FB7] =	sst s9;
	s0 =	simm.s32 @!p0 $0x0  }
0x12: {  	s1 =	sld [smem:$0x3F9D];
	s0 =	simm.s32 @p0 $0x1  }
0x13: {  	[smem:$0x3FB8] =	sst s0;
	s0 =	simm.s32 @!p1 $0x0  }
0x14: {  	s2 =	sld [smem:$0x3F9C];
	s0 =	simm.s32 @p1 $0x1  }
0x15: {  	[smem:$0x3FB9] =	sst s0;
	s0 =	simm.s32 @!p2 $0x0  }
0x16: {  	s3 =	sld [smem:$0x3FDB];
	s0 =	simm.s32 @p2 $0x1  }
0x17: {  	s4 =	simm.s32 $0x1BF5;
	[smem:$0x3FBB] =	sst s0  }
0x18: {  	s0 =	sld [smem:$0x3F9E];
	_ =	swait.ge [sflag:s4], $0x0  }
0x19: {  	s7 =	sld [smem:$0x3F9F]  }
0x1a: {  	s8 =	sadd.s32 $0xFFFFE003, lr  }
0x1b: {  	s9 =	sadd.s32 $0xFFFFFEF7, lr;
	s5 =	simm.s32 $0xFFFFFFFF;
	p2 =	slt.u32 s8, $0xFFFFF086  }
0x1c: {  	p1 =	slt.u32 s9, $0xF7A;
	s5 =	simm.s32 @!p2 $0x0  }
0x1d: {  	s5 =	simm.s32 @p1 $0x1;
	p0 =	seq.s32 s7, s2  }
0x1e: {  	s7 =	smul.u32 @!p0 $0xF7A, s2;
	p2 =	seq.s32 @!p0 s5, $0x0  }
0x1f: {  	s9 =	smul.u32 $0xF7A, s1;
	s8 =	simm.s32 @!p0 $0x1BF5;
	p2 =	por !p2, p0  }
0x20: {  	[sflag:s8] =	ssyncset.s32 @!p0 $0xFFFFF086;
	s6 =	sadd.s32 @!p0 s3, s7;
	s7 =	simm.s32 @!p0 $0x108  }
0x21: {  	s3 =	sadd.s32 s3, s9;
	s6 =	sadd.s32 @!p0 $0x88, s6;
	s7 =	simm.s32 @p2 $0x1082  }
0x22: {  	[simem:s7], [sflag:s8] =	dma.local @!p0 [hbm:s6], $0xF7A  }
0x23: {  	s9 =	sor.u32 $0xD0000000, s2;
	s6 =	simm.s32 $0x108;
	_ =	swait.ge @!p0 [sflag:s8], $0x0  }
0x24: {  	s3 =	sadd.s32 $0x88, s3;
	s6 =	simm.s32 @!p1 $0x1082;
	[sflag:s4] =	ssyncset.s32 $0xFFFFF086  }
0x25: {  	[simem:s6], [sflag:s4] =	dma.local [hbm:s3], $0xF7A  }
0x26: {  	[smem:$0x3F9F] =	sst s1;
	(tag) =	ssettag s2;
	_ =	strace s9  }
0x27: {  	s1 =	sld [smem:$0x3FAF]  }
0x28: {  	s2 =	sld [smem:$0x3FB0]  }
0x29: {  	s4 =	sld [smem:$0x3FB2]  }
0x2a: {  	p0 =	seq.s32 s5, $0x0;
	s5 =	sld [smem:$0x3FB3]  }
0x2b: {  	s6 =	sld [smem:$0x3FB4]  }
0x2c: {  	s7 =	sld [smem:$0x3FB5]  }
0x2d: {  	s3 =	simm.s32 $0x108;
	s8 =	sld [smem:$0x3FB6]  }
0x2e: {  	s3 =	simm.s32 @!p0 $0x1082;
	s9 =	sld [smem:$0x3FB7]  }
0x2f: {  	lr =	sadd.s32 s0, s3;
	s0 =	sld [smem:$0x3FAE]  }
0x30: {  	s3 =	sld [smem:$0x3FB1]  }
0x31: {  	[smem:$0x3FBA] =	sst s10  }
0x32: {  	s10 =	sld [smem:$0x3FB8];
	_ =	sdelay $0x3  }
0x33: {  	p0 =	seq.s32 s10, $0x1;
	s10 =	sld [smem:$0x3FBA];
	_ =	sdelay $0x3  }
0x34: {  	[smem:$0x3FBA] =	sst s10  }
0x35: {  	s10 =	sld [smem:$0x3FB9];
	_ =	sdelay $0x3  }
0x36: {  	p1 =	seq.s32 s10, $0x1;
	s10 =	sld [smem:$0x3FBA];
	_ =	sdelay $0x3  }
0x37: {  	[smem:$0x3FBA] =	sst s10  }
0x38: {  	s10 =	sld [smem:$0x3FBB]  }
0x39: {  	_ = 	snop;
	(pc) =	sbr.ind lr, $3  }
0x3a: {  	_ = 	snop  }
0x3b: {  	_ = 	snop  }
0x3c: {  	p2 =	seq.s32 s10, $0x1;
	s10 =	sld [smem:$0x3FBA]  }
0x3d: {  	_ =	shalt  }
0x3e: {  	_ =	shalt  }
0x3f: {  	_ =	shalt  }
0x40: {  	_ =	shalt  }
0x41: {  	_ =	shalt  }
0x42: {  	_ =	shalt  }
0x43: {  	_ =	shalt  }
0x44: {  	_ =	shalt  }
0x45: {  	_ =	shalt  }
0x46: {  	_ =	shalt  }
0x47: {  	_ =	shalt  }
0x48: {  	_ =	shalt  }
0x49: {  	_ =	shalt  }
0x4a: {  	_ =	shalt  }
0x4b: {  	_ =	shalt  }
0x4c: {  	_ =	shalt  }
0x4d: {  	_ =	shalt  }
0x4e: {  	_ =	shalt  }
0x4f: {  	_ =	shalt  }
0x50: {  	_ =	shalt  }
0x51: {  	_ =	shalt  }
0x52: {  	_ =	shalt  }
0x53: {  	_ =	shalt  }
0x54: {  	_ =	shalt  }
0x55: {  	_ =	shalt  }
0x56: {  	_ =	shalt  }
0x57: {  	_ =	shalt  }
0x58: {  	_ =	shalt  }
0x59: {  	_ =	shalt  }
0x5a: {  	_ =	shalt  }
0x5b: {  	_ =	shalt  }
0x5c: {  	_ =	shalt  }
0x5d: {  	_ =	shalt  }
0x5e: {  	_ =	shalt  }
0x5f: {  	_ =	shalt  }
0x60: {  	_ =	shalt  }
0x61: {  	_ =	shalt  }
0x62: {  	_ =	shalt  }
0x63: {  	_ =	shalt  }
0x64: {  	_ =	shalt  }
0x65: {  	_ =	shalt  }
0x66: {  	_ =	shalt  }
0x67: {  	_ =	shalt  }
0x68: {  	_ =	shalt  }
0x69: {  	_ =	shalt  }
0x6a: {  	_ =	shalt  }
0x6b: {  	_ =	shalt  }
0x6c: {  	_ =	shalt  }
0x6d: {  	_ =	shalt  }
0x6e: {  	_ =	shalt  }
0x6f: {  	_ =	shalt  }
0x70: {  	_ =	shalt  }
0x71: {  	_ =	shalt  }
0x72: {  	_ =	shalt  }
0x73: {  	_ =	shalt  }
0x74: {  	_ =	shalt  }
0x75: {  	_ =	shalt  }
0x76: {  	_ =	shalt  }
0x77: {  	_ =	shalt  }
0x78: {  	_ =	shalt  }
0x79: {  	_ =	shalt  }
0x7a: {  	_ =	shalt  }
0x7b: {  	_ =	shalt  }
0x7c: {  	_ =	shalt  }
0x7d: {  	_ =	shalt  }
0x7e: {  	_ =	shalt  }
0x7f: {  	_ =	shalt  }
0x80: {  	_ =	shalt  }
0x81: {  	_ =	shalt  }
0x82: {  	_ =	shalt  }
0x83: {  	_ =	shalt  }
0x84: {  	_ =	shalt  }
0x85: {  	_ =	shalt  }
0x86: {  	_ =	shalt  }
0x87: {  	_ =	shalt  }
.Lfunc_end0:
.L_simem_size_0:
called_computation_lowered:
.L_overlay_start_0:
0x88: {  	s2 =	sld [smem:$0x3FD9]  }
0x89: {  	s3 =	sld [smem:$0x3FFE];
	_ =	sdelay $0x1  }
0x8a: {  	s1 =	srdreg.scid  }
0x8b: {  	s0 =	sand.u32 $0x1, s1  }
0x8c: {  	s18 =	sshll.u32 s0, $0xA;
	s2 =	sadd.s32 s3, s2  }
0x8d: {  	s2 =	sadd.s32 s2, s18  }
0x8e: {  	[smem:$0x3FC6] =	sst s2  }
0x8f: {  	_ = 	snop  }
0x90: {  	s2 =	sld [smem:$0x3FC9]  }
0x91: {  	s19 =	sld [smem:$0x3FC8]  }
0x92: {  	s4 =	sld [smem:$0x3FD0];
	(tm) =	ssettm $0x1  }
0x93: {  	s5 =	sld [smem:$0x3FFB];
	_ =	sdelay $0x3  }
0x94: {  	_ =	strace s5  }
0x95: {  	s5 =	sld [smem:$0x3FFC];
	_ =	sdelay $0x3  }
0x96: {  	_ =	strace s5  }
0x97: {  	s5 =	sld [smem:$0x3FFD];
	_ =	sdelay $0x3  }
0x98: {  	_ =	strace s5  }
0x99: {  	_ =	strace $0x8FFFFFFF  }
0x9a: {  	s20 =	sld [smem:$0x3FDB];
	_ =	sdelay $0x1  }
0x9b: {  	s6 =	simm.s32 $_scs_section_size  }
0x9c: {  	s7 =	simm.s32 $_size__tile_overlayer_lowered;
	s8 =	simm.s32 $_tile_overlayer_lowered  }
0x9d: {  	s23 =	simm.s32 $0x1BFF;
	s22 =	sshll.u32 s8, $0x1;
	s5 =	sadd.s32 s6, s20  }
0x9e: {  	s9 =	simm.s32 $0x0;
	s21 =	sshll.u32 s7, $0x1;
	s7 =	sadd.s32 s22, s5  }
0x9f: {  	[timem:s9], [sflag:s23] =	dma.local [hbm:s7], s21  }
0xa0: {  	_ =	swait.ge [sflag:s23], s21  }
0xa1: {  	s6 =	ssub.s32 $0x0, s21;
	[sflag:s23] =	ssyncset.done $0x0  }
0xa2: {  	[sflag:s23] =	ssyncadd.s32 s6;
	_ =	sdelay $0x1  }
0xa3: {  	s24 =	simm.s32 $0x1B8B  }
0xa4: {  	_ =	swait.ge [sflag:s24], $0x1  }
0xa5: {  	[sflag:s24] =	ssyncset.done $0x0  }
0xa6: {  	s25 =	simm.s32 $0x1B8E;
	[sflag:s24] =	ssyncadd.s32 $0xFFFFFFFF  }
0xa7: {  	s26 =	simm.s32 $execute0_lowered;
	[smem:$0x3FD2] =	sst s25  }
0xa8: {  	s6 =	sshll.u32 s26, $0x1;
	_ =	strace $0x80000046;
	[dreg:$0x1] =	wrdreg $0xFFFFFFFF  }
0xa9: {  	s28 =	simm.s32 $_size_execute0_lowered;
	s5 =	sadd.s32 s5, s6;
	[dreg:$0x0] =	wrdreg $0x0  }
0xaa: {  	s6 =	sshll.u32 s28, $0x1;
	[dreg:$0x2] =	wrdreg s5  }
0xab: {  	[dreg:$0x3] =	wrdreg s6  }
0xac: {  	[dreg:$0x4] =	wrdreg $0xC0  }
0xad: {  	_ =	task [dreg:s9], $0x5FFFF  }
0xae: {  	[dreg:$0x1] =	wrdreg $0xFFFFFFFF  }
0xaf: {  	[dreg:$0x0] =	wrdreg $0x60  }
0xb0: {  	[dreg:$0x2] =	wrdreg s2  }
0xb1: {  	[dreg:$0x3] =	wrdreg s19  }
0xb2: {  	[dreg:$0x4] =	wrdreg s4  }
0xb3: {  	[dreg:$0x5] =	wrdreg $0x9  }
0xb4: {  	_ =	task.clear_ibuf [dreg:s9], $0x6FFFF;
	_ =	strace $0x90000046  }
0xb5: {  	s29 =	simm.s32 $0x9;
	_ =	strace $0x80000048  }
0xb6: {  	_ =	swait.ge [sflag:s29], $0x1  }
0xb7: {  	[sflag:s29] =	ssyncadd.s32 $0xFFFFFFFF  }
0xb8: {  	_ =	strace $0x90000048  }
0xb9: {  	_ =	sfence  }
0xba: {  	s30 =	sld [smem:$0x0];
	_ =	sdelay $0x2  }
0xbb: {  	s31 =	sshll.u32 s1, $0xD;
	s1 =	sshrl.u32 s1, $0x2  }
0xbc: {  	s3 =	sand.u32 $0x4000, s31;
	s1 =	sadd.s32 s1, s30  }
0xbd: {  	s0 =	sor.u32 s3, s0;
	s1 =	sshll.u32 s1, $0x11  }
0xbe: {  	s0 =	sor.u32 s1, s0  }
0xbf: {  	s0 =	sadd.s32 $0x8F2B, s0  }
0xc0: {  	[sflag:s0] =	ssyncadd.remote.s32 $0x1  }
0xc1: {  	_ =	sfence.sel $0xFFFF  }
0xc2: {  	[dreg:$0x0] =	wrdreg $0xFFFFFFFF;
	(pc) =	sbr.abs _section_cstart, $3  }
0xc3: {  	[dreg:$0x1] =	wrdreg $0xFFFFFFFF  }
0xc4: {  	_ =	task.clear_ibuf [dreg:s9], $0x2FFFF;
	_ =	strace $0x9FFFFFFF  }
0xc5: {  	(tm) =	ssettm $0x7FFFFFFF  }
tec
execute0_lowered:
.L_overlay_start_1:
0x0: {  	(tag) =	ssettag $0x1  }
0x1: {  	s1 =	rddreg [dreg:$0x0]  }
0x2: {  	s3 =	rddreg [dreg:$0x1];
	s0 =	srdreg.scid  }
0x3: {  	s9 =	stileid.u32;
	s2 =	rddreg [dreg:$0x2]  }
0x4: {  	s4 =	simm.s32 $0x0;
	s7 =	simm.s32 $0x1;
	s13 =	simm.s32 $0x140  }
0x5: {  	s14 =	simm.s32 $0x50;
	s15 =	simm.s32 $0x280;
	s16 =	simm.s32 $0x2A80  }
0x6: {  	s17 =	simm.s32 $0xA0;
	s18 =	simm.s32 $0x5280;
	s19 =	simm.s32 $0xF0  }
0x7: {  	s20 =	simm.s32 $0x7A80;
	s21 =	simm.s32 $0x2;
	s28 =	simm.s32 $0x230  }
0x8: {  	s29 =	simm.s32 $0x11A80;
	s30 =	simm.s32 $0x3;
	s31 =	simm.s32 $0x14280  }
0x9: {  	s11 =	simm.s32 $0x0;
	s0 =	sand.u32 $0x1, s0;
	s5 =	sshll.u32 s9, $0x1  }
0xa: {  	[smem:$0x7FF] =	sst s4;
	s6 =	sor.u32 s0, s5;
	p1 =	seq.s32 s0, $0x1  }
0xb: {  	_ =	strace $0x80000047;
	s0 =	ssub.s32 $0x2, s0;
	s5 =	simm.s32 $0x1  }
0xc: {  	p0 =	seq.s32 s6, $0x0;
	s26 =	sshrl.u32 s0, $0x1;
	s8 =	smul.u32 $0x1400, s6  }
0xd: {  	s10 =	sshll.u32 s6, $0xB;
	s6 =	sshll.u32 s6, $0xF;
	p0 =	por !p0, !p1  }
0xe: {  	s0 =	ssub.s32 s0, s26;
	s26 =	simm.s32 $0xF280;
	s8 =	sadd.s32 s3, s8  }
0xf: {  	p0 =	por !p0, !p0;
	s0 =	smax.u32 s0, $0x1;
	[dreg:$0x4] =	wrdreg s8  }
0x10: {  	s7 =	simm.s32 @!p0 $0x0;
	s8 =	sadd.s32 $0x28, s8;
	[dreg:$0x6] =	wrdreg s0  }
0x11: {  	s0 =	simm.s32 $0x14A80;
	s7 =	ssub.s32 s9, s7;
	[dreg:$0x5] =	wrdreg s8  }
0x12: {  	s8 =	sor.u32 $0x20, s10;
	s9 =	sadd.s32 s2, s6;
	s7 =	sshll.u32 s7, $0xC  }
0x13: {  	s10 =	sor.u32 $0x30, s10;
	s2 =	simm.s32 $0x4;
	s12 =	sadd.s32 $0x100, s9;
	v0 =	vmov s7  }
.LBB2_1:
0x14: {  	[dreg:$0x7] =	wrdreg s11  }
0x15: {  	s6 =	rddreg [dreg:$0x4]  }
0x16: {  	[tilespmem:s4], [sflag:$0x1] =	stream.linear.gather [hbm4b:s6+s4], $0x140, $0x38;
	[tilespmem:$0x15280] =	vst v63  }
0x17: {  	s25 =	rddreg [dreg:$0x5]  }
0x18: {  	[tilespmem:s13], [sflag:$0x2] =	stream.linear.gather [hbm4b:s25+s4], $0x140, $0x38;
	[tilespmem:$0x15280] =	vst v63  }
0x19: {  	_ =	swait.ge [sflag:s5], $0x140  }
0x1a: {  	[sflag:s5] =	ssyncset.done $0x0  }
0x1b: {  	[sflag:s5] =	ssyncadd.s32 $0xFFFFFEC0  }
0x1c: {  	v1 =	vld [tilespmem:$0x0]  }
0x1d: {  	v2 =	vld [tilespmem:$0x10]  }
0x1e: {  	v3 =	vld [tilespmem:$0x20]  }
0x1f: {  	v4 =	vld [tilespmem:$0x30]  }
0x20: {  	v5 =	vld [tilespmem:$0x40]  }
0x21: {  	v6 =	vld [tilespmem:$0x50];
	v1 =	vadd.s32 v0, v1  }
0x22: {  	[tilespmem:$0x0] =	vst v1;
	v1 =	vadd.s32 v0, v2;
	v2 =	vld [tilespmem:$0x60]  }
0x23: {  	[tilespmem:$0x10] =	vst v1;
	v1 =	vadd.s32 v0, v3;
	v3 =	vld [tilespmem:$0x70]  }
0x24: {  	v56 =	vld [tilespmem:$0x80];
	[tilespmem:$0x20] =	vst v1;
	v1 =	vadd.s32 v0, v4  }
0x25: {  	v57 =	vld [tilespmem:$0x90];
	[tilespmem:$0x30] =	vst v1;
	v1 =	vadd.s32 v0, v5  }
0x26: {  	v58 =	vld [tilespmem:$0xA0];
	[tilespmem:$0x40] =	vst v1;
	v1 =	vadd.s32 v0, v6  }
0x27: {  	[tilespmem:$0x50] =	vst v1;
	v1 =	vadd.s32 v0, v2;
	v2 =	vld [tilespmem:$0xB0]  }
0x28: {  	[tilespmem:$0x60] =	vst v1;
	v1 =	vadd.s32 v0, v3;
	v3 =	vld [tilespmem:$0xC0]  }
0x29: {  	v59 =	vld [tilespmem:$0xD0];
	[tilespmem:$0x70] =	vst v1;
	v1 =	vadd.s32 v0, v56  }
0x2a: {  	v60 =	vld [tilespmem:$0xE0];
	[tilespmem:$0x80] =	vst v1;
	v1 =	vadd.s32 v0, v57  }
0x2b: {  	v61 =	vld [tilespmem:$0xF0];
	[tilespmem:$0x90] =	vst v1;
	v1 =	vadd.s32 v0, v58  }
0x2c: {  	[tilespmem:$0xA0] =	vst v1;
	v1 =	vadd.s32 v0, v2;
	v2 =	vld [tilespmem:$0x100]  }
0x2d: {  	[tilespmem:$0xB0] =	vst v1;
	v1 =	vadd.s32 v0, v3;
	v3 =	vld [tilespmem:$0x110]  }
0x2e: {  	v62 =	vld [tilespmem:$0x120];
	[tilespmem:$0xC0] =	vst v1;
	v1 =	vadd.s32 v0, v59  }
0x2f: {  	v63 =	vld [tilespmem:$0x130];
	[tilespmem:$0xD0] =	vst v1;
	v1 =	vadd.s32 v0, v60  }
0x30: {  	[tilespmem:$0xE0] =	vst v1;
	v1 =	vadd.s32 v0, v61  }
0x31: {  	[tilespmem:$0xF0] =	vst v1;
	v1 =	vadd.s32 v0, v2  }
0x32: {  	[tilespmem:$0x100] =	vst v1;
	v1 =	vadd.s32 v0, v3  }
0x33: {  	[tilespmem:$0x110] =	vst v1;
	v1 =	vadd.s32 v0, v62  }
0x34: {  	[tilespmem:$0x120] =	vst v1;
	v1 =	vadd.s32 v0, v63  }
0x35: {  	[tilespmem:$0x130] =	vst v1  }
0x36: {  	[tilespmem:s15], [sflag:$0x3] =	stream.indirect.gather [hbm4b:s1+s14], $0x80, s4, s14, $0xb8;
	[tilespmem:$0x15280] =	vst v63  }
0x37: {  	_ = 	snop  }
0x38: {  	[tilespmem:s16], [sflag:$0x3] =	stream.indirect.gather [hbm4b:s1+s14], $0x80, s14, s14, $0xb8;
	[tilespmem:$0x15280] =	vst v63  }
0x39: {  	_ = 	snop  }
0x3a: {  	[tilespmem:s18], [sflag:$0x3] =	stream.indirect.gather [hbm4b:s1+s14], $0x80, s17, s14, $0xb8;
	[tilespmem:$0x15280] =	vst v63  }
0x3b: {  	s7 =	simm.s32 $0x0  }
0x3c: {  	[tilespmem:s20], [sflag:$0x3] =	stream.indirect.gather [hbm4b:s1+s14], $0x80, s19, s14, $0xb8;
	[tilespmem:$0x15280] =	vst v63  }
.LBB2_2:
0x3d: {  	_ =	swait.ge [sflag:s21], $0x140  }
0x3e: {  	[sflag:s21] =	ssyncset.done $0x0  }
0x3f: {  	[sflag:s21] =	ssyncadd.s32 $0xFFFFFEC0  }
0x40: {  	v1 =	vld [tilespmem:$0x140]  }
0x41: {  	v2 =	vld [tilespmem:$0x150]  }
0x42: {  	v3 =	vld [tilespmem:$0x160]  }
0x43: {  	v4 =	vld [tilespmem:$0x170]  }
0x44: {  	v5 =	vld [tilespmem:$0x180]  }
0x45: {  	v6 =	vld [tilespmem:$0x190];
	v1 =	vadd.s32 v0, v1  }
0x46: {  	[tilespmem:$0x140] =	vst v1;
	v1 =	vadd.s32 v0, v2;
	v2 =	vld [tilespmem:$0x1A0]  }
0x47: {  	[tilespmem:$0x150] =	vst v1;
	v1 =	vadd.s32 v0, v3;
	v3 =	vld [tilespmem:$0x1B0]  }
0x48: {  	[tilespmem:$0x160] =	vst v1;
	v1 =	vadd.s32 v0, v4;
	v4 =	vld [tilespmem:$0x1C0]  }
0x49: {  	[tilespmem:$0x170] =	vst v1;
	v1 =	vadd.s32 v0, v5;
	v5 =	vld [tilespmem:$0x1D0]  }
0x4a: {  	[tilespmem:$0x180] =	vst v1;
	v1 =	vadd.s32 v0, v6;
	v6 =	vld [tilespmem:$0x1E0]  }
0x4b: {  	[tilespmem:$0x190] =	vst v1;
	v1 =	vadd.s32 v0, v2;
	v2 =	vld [tilespmem:$0x1F0]  }
0x4c: {  	[tilespmem:$0x1A0] =	vst v1;
	v1 =	vadd.s32 v0, v3;
	v3 =	vld [tilespmem:$0x200]  }
0x4d: {  	[tilespmem:$0x1B0] =	vst v1;
	v1 =	vadd.s32 v0, v4;
	v4 =	vld [tilespmem:$0x210]  }
0x4e: {  	[tilespmem:$0x1C0] =	vst v1;
	v1 =	vadd.s32 v0, v5;
	v5 =	vld [tilespmem:$0x220]  }
0x4f: {  	[tilespmem:$0x1D0] =	vst v1;
	v1 =	vadd.s32 v0, v6;
	v6 =	vld [tilespmem:$0x230]  }
0x50: {  	[tilespmem:$0x1E0] =	vst v1;
	v1 =	vadd.s32 v0, v2;
	v2 =	vld [tilespmem:$0x240]  }
0x51: {  	[tilespmem:$0x1F0] =	vst v1;
	v1 =	vadd.s32 v0, v3;
	v3 =	vld [tilespmem:$0x250]  }
0x52: {  	[tilespmem:$0x200] =	vst v1;
	v1 =	vadd.s32 v0, v4;
	v4 =	vld [tilespmem:$0x260]  }
0x53: {  	[tilespmem:$0x210] =	vst v1;
	v1 =	vadd.s32 v0, v5;
	v5 =	vld [tilespmem:$0x270]  }
0x54: {  	[tilespmem:$0x220] =	vst v1;
	v1 =	vadd.s32 v0, v6  }
0x55: {  	[tilespmem:$0x230] =	vst v1;
	v1 =	vadd.s32 v0, v2  }
0x56: {  	[tilespmem:$0x240] =	vst v1;
	v1 =	vadd.s32 v0, v3  }
0x57: {  	[tilespmem:$0x250] =	vst v1;
	v1 =	vadd.s32 v0, v4  }
0x58: {  	[tilespmem:$0x260] =	vst v1;
	v1 =	vadd.s32 v0, v5  }
0x59: {  	s6 =	simm.s32 $0xA280;
	[tilespmem:$0x270] =	vst v1  }
0x5a: {  	[tilespmem:s6], [sflag:$0x4] =	stream.indirect.gather [hbm4b:s1+s14], $0x80, s13, s14, $0xb8;
	[tilespmem:$0x15280] =	vst v63  }
0x5b: {  	s23 =	simm.s32 $0x190;
	s11 =	simm.s32 $0xCA80  }
0x5c: {  	[tilespmem:s11], [sflag:$0x4] =	stream.indirect.gather [hbm4b:s1+s14], $0x80, s23, s14, $0xb8;
	[tilespmem:$0x15280] =	vst v63  }
0x5d: {  	s24 =	simm.s32 $0x1E0  }
0x5e: {  	[tilespmem:s26], [sflag:$0x4] =	stream.indirect.gather [hbm4b:s1+s14], $0x80, s24, s14, $0xb8;
	[tilespmem:$0x15280] =	vst v63  }
0x5f: {  	_ = 	snop  }
0x60: {  	[tilespmem:s29], [sflag:$0x4] =	stream.indirect.gather [hbm4b:s1+s14], $0x80, s28, s14, $0xb8;
	[tilespmem:$0x15280] =	vst v63  }
0x61: {  	_ =	swait.ge [sflag:s30], $0x2800  }
0x62: {  	[sflag:s30] =	ssyncset.done $0x0  }
0x63: {  	[sflag:s30] =	ssyncadd.s32 $0xFFFFD800  }
0x64: {  	_ =	swait.ge [sflag:s30], $0x2800  }
0x65: {  	s11 =	sshll.u32 s7, $0x1;
	[sflag:s30] =	ssyncset.done $0x0  }
0x66: {  	s25 =	smin.u32 s11, $0x7D;
	[sflag:s30] =	ssyncadd.s32 $0xFFFFD800  }
0x67: {  	s6 =	sshll.u32 s25, $0x4;
	_ =	swait.ge [sflag:s30], $0x2800  }
0x68: {  	s6 =	sadd.s32 s6, s8;
	[sflag:s30] =	ssyncset.done $0x0  }
0x69: {  	s6 =	smul.u32 $0x14, s6;
	[sflag:s30] =	ssyncadd.s32 $0xFFFFD800  }
0x6a: {  	_ =	swait.ge [sflag:s30], $0x2800  }
0x6b: {  	s6 =	sshrl.u32 s6, $0x3;
	[sflag:s30] =	ssyncset.done $0x0  }
0x6c: {  	p0 =	seq.s32 s7, $0x0;
	s6 =	sadd.s32 s3, s6;
	[sflag:s30] =	ssyncadd.s32 $0xFFFFD800  }
0x6d: {  	[tilespmem:s4], [sflag:$0x1] =	stream.linear.gather [hbm4b:s6+s4], $0x140, $0x38;
	[tilespmem:$0x15280] =	vst v63  }
0x6e: {  	s6 =	simm.s32 @!p0 $0x5  }
0x6f: {  	_ =	swait.ge @!p0 [sflag:s6], $0x800  }
0x70: {  	[sflag:s6] =	ssyncset.done @!p0 $0x0  }
0x71: {  	[sflag:s6] =	ssyncadd.s32 @!p0 $0xFFFFF800;
	s6 =	simm.s32 $0x780  }
0x72: {  	v1 =	vld [tilespmem:s6+$0xFFFFFB80]  }
0x73: {  	v2 =	vld [tilespmem:s6+$0xFFFFFB00]  }
0x74: {  	v3 =	vld [tilespmem:s6+$0xFFFFFC00]  }
0x75: {  	v4 =	vld [tilespmem:s6+$0xFFFFFC80]  }
0x76: {  	v5 =	vld [tilespmem:s6+$0xFFFFFD00]  }
0x77: {  	v6 =	vld [tilespmem:s6+$0xFFFFFD80]  }
0x78: {  	v7 =	vld [tilespmem:s6+$0xFFFFFE00];
	v1 =	vmax.f32 v2, v1  }
0x79: {  	v2 =	vld [tilespmem:s6+$0xFFFFFE80];
	v1 =	vmax.f32 v1, v3  }
0x7a: {  	v3 =	vld [tilespmem:s6+$0xFFFFFF00];
	v1 =	vmax.f32 v1, v4  }
0x7b: {  	v4 =	vld [tilespmem:s6+$0xFFFFFF80];
	v1 =	vmax.f32 v1, v5  }
0x7c: {  	v5 =	vld [tilespmem:s6+$0x0];
	v1 =	vmax.f32 v1, v6  }
0x7d: {  	v6 =	vld [tilespmem:s6+$0x80];
	v1 =	vmax.f32 v1, v7  }
0x7e: {  	v1 =	vmax.f32 v1, v2;
	v2 =	vld [tilespmem:s6+$0x100]  }
0x7f: {  	v1 =	vmax.f32 v1, v3;
	v3 =	vld [tilespmem:s6+$0x180]  }
0x80: {  	v1 =	vmax.f32 v1, v4;
	v4 =	vld [tilespmem:s6+$0x200]  }
0x81: {  	v1 =	vmax.f32 v1, v5;
	v5 =	vld [tilespmem:s6+$0x280]  }
0x82: {  	v1 =	vmax.f32 v1, v6;
	v6 =	vld [tilespmem:s6+$0x300]  }
0x83: {  	v1 =	vmax.f32 v1, v2;
	v2 =	vld [tilespmem:s6+$0x380]  }
0x84: {  	v1 =	vmax.f32 v1, v3;
	v3 =	vld [tilespmem:s6+$0x400]  }
0x85: {  	v1 =	vmax.f32 v1, v4;
	v4 =	vld [tilespmem:s6+$0x480]  }
0x86: {  	v1 =	vmax.f32 v1, v5  }
0x87: {  	v1 =	vmax.f32 v1, v6  }
0x88: {  	v1 =	vmax.f32 v1, v2  }
0x89: {  	v1 =	vmax.f32 v1, v3  }
0x8a: {  	s22 =	simm.s32 $0x0;
	v1 =	vmax.f32 v1, v4  }
0x8b: {  	[tilespmem:s22+$0x14280] =	vst v1  }
0x8c: {  	v1 =	vld [tilespmem:s6+$0xFFFFFB10]  }
0x8d: {  	v2 =	vld [tilespmem:s6+$0xFFFFFB90]  }
0x8e: {  	v3 =	vld [tilespmem:s6+$0xFFFFFC10]  }
0x8f: {  	v4 =	vld [tilespmem:s6+$0xFFFFFC90]  }
0x90: {  	v5 =	vld [tilespmem:s6+$0xFFFFFD10]  }
0x91: {  	v6 =	vld [tilespmem:s6+$0xFFFFFD90]  }
0x92: {  	v1 =	vmax.f32 v1, v2;
	v2 =	vld [tilespmem:s6+$0xFFFFFE10]  }
0x93: {  	v1 =	vmax.f32 v1, v3;
	v3 =	vld [tilespmem:s6+$0xFFFFFE90]  }
0x94: {  	v1 =	vmax.f32 v1, v4;
	v4 =	vld [tilespmem:s6+$0xFFFFFF10]  }
0x95: {  	v1 =	vmax.f32 v1, v5;
	v5 =	vld [tilespmem:s6+$0xFFFFFF90]  }
0x96: {  	v1 =	vmax.f32 v1, v6;
	v6 =	vld [tilespmem:s6+$0x10]  }
0x97: {  	v1 =	vmax.f32 v1, v2;
	v2 =	vld [tilespmem:s6+$0x90]  }
0x98: {  	v1 =	vmax.f32 v1, v3;
	v3 =	vld [tilespmem:s6+$0x110]  }
0x99: {  	v1 =	vmax.f32 v1, v4;
	v4 =	vld [tilespmem:s6+$0x190]  }
0x9a: {  	v1 =	vmax.f32 v1, v5;
	v5 =	vld [tilespmem:s6+$0x210]  }
0x9b: {  	v1 =	vmax.f32 v1, v6;
	v6 =	vld [tilespmem:s6+$0x290]  }
0x9c: {  	v1 =	vmax.f32 v1, v2;
	v2 =	vld [tilespmem:s6+$0x310]  }
0x9d: {  	v1 =	vmax.f32 v1, v3;
	v3 =	vld [tilespmem:s6+$0x390]  }
0x9e: {  	v1 =	vmax.f32 v1, v4;
	v4 =	vld [tilespmem:s6+$0x410]  }
0x9f: {  	v1 =	vmax.f32 v1, v5;
	v5 =	vld [tilespmem:s6+$0x490]  }
0xa0: {  	v1 =	vmax.f32 v1, v6  }
0xa1: {  	v1 =	vmax.f32 v1, v2  }
0xa2: {  	v1 =	vmax.f32 v1, v3  }
0xa3: {  	v1 =	vmax.f32 v1, v4  }
0xa4: {  	v1 =	vmax.f32 v1, v5  }
0xa5: {  	[tilespmem:s22+$0x14290] =	vst v1  }
0xa6: {  	v1 =	vld [tilespmem:s6+$0xFFFFFB20]  }
0xa7: {  	v2 =	vld [tilespmem:s6+$0xFFFFFBA0]  }
0xa8: {  	v3 =	vld [tilespmem:s6+$0xFFFFFC20]  }
0xa9: {  	v4 =	vld [tilespmem:s6+$0xFFFFFCA0]  }
0xaa: {  	v5 =	vld [tilespmem:s6+$0xFFFFFD20]  }
0xab: {  	v6 =	vld [tilespmem:s6+$0xFFFFFDA0]  }
0xac: {  	v1 =	vmax.f32 v1, v2;
	v2 =	vld [tilespmem:s6+$0xFFFFFE20]  }
0xad: {  	v1 =	vmax.f32 v1, v3;
	v3 =	vld [tilespmem:s6+$0xFFFFFEA0]  }
0xae: {  	v1 =	vmax.f32 v1, v4;
	v4 =	vld [tilespmem:s6+$0xFFFFFF20]  }
0xaf: {  	v1 =	vmax.f32 v1, v5;
	v5 =	vld [tilespmem:s6+$0xFFFFFFA0]  }
0xb0: {  	v1 =	vmax.f32 v1, v6;
	v6 =	vld [tilespmem:s6+$0x20]  }
0xb1: {  	v1 =	vmax.f32 v1, v2;
	v2 =	vld [tilespmem:s6+$0xA0]  }
0xb2: {  	v1 =	vmax.f32 v1, v3;
	v3 =	vld [tilespmem:s6+$0x120]  }
0xb3: {  	v1 =	vmax.f32 v1, v4;
	v4 =	vld [tilespmem:s6+$0x1A0]  }
0xb4: {  	v1 =	vmax.f32 v1, v5;
	v5 =	vld [tilespmem:s6+$0x220]  }
0xb5: {  	v1 =	vmax.f32 v1, v6;
	v6 =	vld [tilespmem:s6+$0x2A0]  }
0xb6: {  	v1 =	vmax.f32 v1, v2;
	v2 =	vld [tilespmem:s6+$0x320]  }
0xb7: {  	v1 =	vmax.f32 v1, v3;
	v3 =	vld [tilespmem:s6+$0x3A0]  }
0xb8: {  	v1 =	vmax.f32 v1, v4;
	v4 =	vld [tilespmem:s6+$0x420]  }
0xb9: {  	v1 =	vmax.f32 v1, v5;
	v5 =	vld [tilespmem:s6+$0x4A0]  }
0xba: {  	v1 =	vmax.f32 v1, v6  }
0xbb: {  	v1 =	vmax.f32 v1, v2  }
0xbc: {  	v1 =	vmax.f32 v1, v3  }
0xbd: {  	v1 =	vmax.f32 v1, v4  }
0xbe: {  	v1 =	vmax.f32 v1, v5  }
0xbf: {  	[tilespmem:s22+$0x142A0] =	vst v1  }
0xc0: {  	v1 =	vld [tilespmem:s6+$0xFFFFFB30]  }
0xc1: {  	v2 =	vld [tilespmem:s6+$0xFFFFFBB0]  }
0xc2: {  	v3 =	vld [tilespmem:s6+$0xFFFFFC30]  }
0xc3: {  	v4 =	vld [tilespmem:s6+$0xFFFFFCB0]  }
0xc4: {  	v5 =	vld [tilespmem:s6+$0xFFFFFD30]  }
0xc5: {  	v6 =	vld [tilespmem:s6+$0xFFFFFDB0]  }
0xc6: {  	v1 =	vmax.f32 v1, v2;
	v2 =	vld [tilespmem:s6+$0xFFFFFE30]  }
0xc7: {  	v1 =	vmax.f32 v1, v3;
	v3 =	vld [tilespmem:s6+$0xFFFFFEB0]  }
0xc8: {  	v1 =	vmax.f32 v1, v4;
	v4 =	vld [tilespmem:s6+$0xFFFFFF30]  }
0xc9: {  	v1 =	vmax.f32 v1, v5;
	v5 =	vld [tilespmem:s6+$0xFFFFFFB0]  }
0xca: {  	v1 =	vmax.f32 v1, v6;
	v6 =	vld [tilespmem:s6+$0x30]  }
0xcb: {  	v1 =	vmax.f32 v1, v2;
	v2 =	vld [tilespmem:s6+$0xB0]  }
0xcc: {  	v1 =	vmax.f32 v1, v3;
	v3 =	vld [tilespmem:s6+$0x130]  }
0xcd: {  	v1 =	vmax.f32 v1, v4;
	v4 =	vld [tilespmem:s6+$0x1B0]  }
0xce: {  	v1 =	vmax.f32 v1, v5;
	v5 =	vld [tilespmem:s6+$0x230]  }
0xcf: {  	v1 =	vmax.f32 v1, v6;
	v6 =	vld [tilespmem:s6+$0x2B0]  }
0xd0: {  	v1 =	vmax.f32 v1, v2;
	v2 =	vld [tilespmem:s6+$0x330]  }
0xd1: {  	v1 =	vmax.f32 v1, v3;
	v3 =	vld [tilespmem:s6+$0x3B0]  }
0xd2: {  	v1 =	vmax.f32 v1, v4;
	v4 =	vld [tilespmem:s6+$0x430]  }
0xd3: {  	v1 =	vmax.f32 v1, v5;
	v5 =	vld [tilespmem:s6+$0x4B0]  }
0xd4: {  	v1 =	vmax.f32 v1, v6  }
0xd5: {  	v1 =	vmax.f32 v1, v2  }
0xd6: {  	v1 =	vmax.f32 v1, v3  }
0xd7: {  	v1 =	vmax.f32 v1, v4  }
0xd8: {  	v1 =	vmax.f32 v1, v5  }
0xd9: {  	[tilespmem:s22+$0x142B0] =	vst v1  }
0xda: {  	v1 =	vld [tilespmem:s6+$0xFFFFFB40]  }
0xdb: {  	v2 =	vld [tilespmem:s6+$0xFFFFFBC0]  }
0xdc: {  	v3 =	vld [tilespmem:s6+$0xFFFFFC40]  }
0xdd: {  	v4 =	vld [tilespmem:s6+$0xFFFFFCC0]  }
0xde: {  	v5 =	vld [tilespmem:s6+$0xFFFFFD40]  }
0xdf: {  	v6 =	vld [tilespmem:s6+$0xFFFFFDC0]  }
0xe0: {  	v1 =	vmax.f32 v1, v2;
	v2 =	vld [tilespmem:s6+$0xFFFFFE40]  }
0xe1: {  	v1 =	vmax.f32 v1, v3;
	v3 =	vld [tilespmem:s6+$0xFFFFFEC0]  }
0xe2: {  	v1 =	vmax.f32 v1, v4;
	v4 =	vld [tilespmem:s6+$0xFFFFFF40]  }
0xe3: {  	v1 =	vmax.f32 v1, v5;
	v5 =	vld [tilespmem:s6+$0xFFFFFFC0]  }
0xe4: {  	v1 =	vmax.f32 v1, v6;
	v6 =	vld [tilespmem:s6+$0x40]  }
0xe5: {  	v1 =	vmax.f32 v1, v2;
	v2 =	vld [tilespmem:s6+$0xC0]  }
0xe6: {  	v1 =	vmax.f32 v1, v3;
	v3 =	vld [tilespmem:s6+$0x140]  }
0xe7: {  	v1 =	vmax.f32 v1, v4;
	v4 =	vld [tilespmem:s6+$0x1C0]  }
0xe8: {  	v1 =	vmax.f32 v1, v5;
	v5 =	vld [tilespmem:s6+$0x240]  }
0xe9: {  	v1 =	vmax.f32 v1, v6;
	v6 =	vld [tilespmem:s6+$0x2C0]  }
0xea: {  	v1 =	vmax.f32 v1, v2;
	v2 =	vld [tilespmem:s6+$0x340]  }
0xeb: {  	v1 =	vmax.f32 v1, v3;
	v3 =	vld [tilespmem:s6+$0x3C0]  }
0xec: {  	v1 =	vmax.f32 v1, v4;
	v4 =	vld [tilespmem:s6+$0x440]  }
0xed: {  	v1 =	vmax.f32 v1, v5;
	v5 =	vld [tilespmem:s6+$0x4C0]  }
0xee: {  	v1 =	vmax.f32 v1, v6  }
0xef: {  	v1 =	vmax.f32 v1, v2  }
0xf0: {  	v1 =	vmax.f32 v1, v3  }
0xf1: {  	v1 =	vmax.f32 v1, v4  }
0xf2: {  	v1 =	vmax.f32 v1, v5  }
0xf3: {  	[tilespmem:s22+$0x142C0] =	vst v1  }
0xf4: {  	v1 =	vld [tilespmem:s6+$0xFFFFFB50]  }
0xf5: {  	v2 =	vld [tilespmem:s6+$0xFFFFFBD0]  }
0xf6: {  	v3 =	vld [tilespmem:s6+$0xFFFFFC50]  }
0xf7: {  	v4 =	vld [tilespmem:s6+$0xFFFFFCD0]  }
0xf8: {  	v5 =	vld [tilespmem:s6+$0xFFFFFD50]  }
0xf9: {  	v6 =	vld [tilespmem:s6+$0xFFFFFDD0]  }
0xfa: {  	v1 =	vmax.f32 v1, v2;
	v2 =	vld [tilespmem:s6+$0xFFFFFE50]  }
0xfb: {  	v1 =	vmax.f32 v1, v3;
	v3 =	vld [tilespmem:s6+$0xFFFFFED0]  }
0xfc: {  	v1 =	vmax.f32 v1, v4;
	v4 =	vld [tilespmem:s6+$0xFFFFFF50]  }
0xfd: {  	v1 =	vmax.f32 v1, v5;
	v5 =	vld [tilespmem:s6+$0xFFFFFFD0]  }
0xfe: {  	v1 =	vmax.f32 v1, v6;
	v6 =	vld [tilespmem:s6+$0x50]  }
0xff: {  	v1 =	vmax.f32 v1, v2;
	v2 =	vld [tilespmem:s6+$0xD0]  }
0x100: {  	v1 =	vmax.f32 v1, v3;
	v3 =	vld [tilespmem:s6+$0x150]  }
0x101: {  	v1 =	vmax.f32 v1, v4;
	v4 =	vld [tilespmem:s6+$0x1D0]  }
0x102: {  	v1 =	vmax.f32 v1, v5;
	v5 =	vld [tilespmem:s6+$0x250]  }
0x103: {  	v1 =	vmax.f32 v1, v6;
	v6 =	vld [tilespmem:s6+$0x2D0]  }
0x104: {  	v1 =	vmax.f32 v1, v2;
	v2 =	vld [tilespmem:s6+$0x350]  }
0x105: {  	v1 =	vmax.f32 v1, v3;
	v3 =	vld [tilespmem:s6+$0x3D0]  }
0x106: {  	v1 =	vmax.f32 v1, v4;
	v4 =	vld [tilespmem:s6+$0x450]  }
0x107: {  	v1 =	vmax.f32 v1, v5;
	v5 =	vld [tilespmem:s6+$0x4D0]  }
0x108: {  	v1 =	vmax.f32 v1, v6  }
0x109: {  	v1 =	vmax.f32 v1, v2  }
0x10a: {  	v1 =	vmax.f32 v1, v3  }
0x10b: {  	v1 =	vmax.f32 v1, v4  }
0x10c: {  	v1 =	vmax.f32 v1, v5  }
0x10d: {  	[tilespmem:s22+$0x142D0] =	vst v1  }
0x10e: {  	v1 =	vld [tilespmem:s6+$0xFFFFFB60]  }
0x10f: {  	v2 =	vld [tilespmem:s6+$0xFFFFFBE0]  }
0x110: {  	v3 =	vld [tilespmem:s6+$0xFFFFFC60]  }
0x111: {  	v4 =	vld [tilespmem:s6+$0xFFFFFCE0]  }
0x112: {  	v5 =	vld [tilespmem:s6+$0xFFFFFD60]  }
0x113: {  	v6 =	vld [tilespmem:s6+$0xFFFFFDE0]  }
0x114: {  	v1 =	vmax.f32 v1, v2;
	v2 =	vld [tilespmem:s6+$0xFFFFFE60]  }
0x115: {  	v1 =	vmax.f32 v1, v3;
	v3 =	vld [tilespmem:s6+$0xFFFFFEE0]  }
0x116: {  	v1 =	vmax.f32 v1, v4;
	v4 =	vld [tilespmem:s6+$0xFFFFFF60]  }
0x117: {  	v1 =	vmax.f32 v1, v5;
	v5 =	vld [tilespmem:s6+$0xFFFFFFE0]  }
0x118: {  	v1 =	vmax.f32 v1, v6;
	v6 =	vld [tilespmem:s6+$0x60]  }
0x119: {  	v1 =	vmax.f32 v1, v2;
	v2 =	vld [tilespmem:s6+$0xE0]  }
0x11a: {  	v1 =	vmax.f32 v1, v3;
	v3 =	vld [tilespmem:s6+$0x160]  }
0x11b: {  	v1 =	vmax.f32 v1, v4;
	v4 =	vld [tilespmem:s6+$0x1E0]  }
0x11c: {  	v1 =	vmax.f32 v1, v5;
	v5 =	vld [tilespmem:s6+$0x260]  }
0x11d: {  	v1 =	vmax.f32 v1, v6;
	v6 =	vld [tilespmem:s6+$0x2E0]  }
0x11e: {  	v1 =	vmax.f32 v1, v2;
	v2 =	vld [tilespmem:s6+$0x360]  }
0x11f: {  	v1 =	vmax.f32 v1, v3;
	v3 =	vld [tilespmem:s6+$0x3E0]  }
0x120: {  	v1 =	vmax.f32 v1, v4;
	v4 =	vld [tilespmem:s6+$0x460]  }
0x121: {  	v1 =	vmax.f32 v1, v5;
	v5 =	vld [tilespmem:s6+$0x4E0]  }
0x122: {  	v1 =	vmax.f32 v1, v6  }
0x123: {  	v1 =	vmax.f32 v1, v2  }
0x124: {  	v1 =	vmax.f32 v1, v3  }
0x125: {  	v1 =	vmax.f32 v1, v4  }
0x126: {  	v1 =	vmax.f32 v1, v5  }
0x127: {  	[tilespmem:s22+$0x142E0] =	vst v1  }
0x128: {  	v1 =	vld [tilespmem:s6+$0xFFFFFB70]  }
0x129: {  	v2 =	vld [tilespmem:s6+$0xFFFFFBF0]  }
0x12a: {  	v3 =	vld [tilespmem:s6+$0xFFFFFC70]  }
0x12b: {  	v4 =	vld [tilespmem:s6+$0xFFFFFCF0]  }
0x12c: {  	v5 =	vld [tilespmem:s6+$0xFFFFFD70]  }
0x12d: {  	v6 =	vld [tilespmem:s6+$0xFFFFFDF0]  }
0x12e: {  	v1 =	vmax.f32 v1, v2;
	v2 =	vld [tilespmem:s6+$0xFFFFFE70]  }
0x12f: {  	v1 =	vmax.f32 v1, v3;
	v3 =	vld [tilespmem:s6+$0xFFFFFEF0]  }
0x130: {  	v1 =	vmax.f32 v1, v4;
	v4 =	vld [tilespmem:s6+$0xFFFFFF70]  }
0x131: {  	v7 =	vld [tilespmem:s6+$0xFFFFFFF0];
	v1 =	vmax.f32 v1, v5  }
0x132: {  	v1 =	vmax.f32 v1, v6;
	v6 =	vld [tilespmem:s6+$0x70]  }
0x133: {  	v5 =	vld [tilespmem:s6+$0xF0];
	v1 =	vmax.f32 v1, v2  }
0x134: {  	v2 =	vmax.f32 v1, v3;
	v1 =	vld [tilespmem:s6+$0x170]  }
0x135: {  	v3 =	vmax.f32 v2, v4;
	v2 =	vld [tilespmem:s6+$0x1F0]  }
0x136: {  	v4 =	vmax.f32 v3, v7;
	v3 =	vld [tilespmem:s6+$0x270]  }
0x137: {  	s23 =	simm.s32 $0x200;
	s24 =	simm.s32 $0x780;
	v6 =	vmax.f32 v4, v6;
	v4 =	vld [tilespmem:s6+$0x2F0]  }
.LBB2_3:
0x138: {  	p1 =	sne.s32 s23, $0x1E00  }
0x139: {  	v5 =	vmax.f32 v6, v5;
	v6 =	vld [tilespmem:s6+$0x370];
	s24 =	sadd.s32 $0xA00, s24;
	s25 =	smov.u32 s23;
	s23 =	sadd.s32 $0x200, s23  }
0x13a: {  	v1 =	vmax.f32 v5, v1;
	v5 =	vld [tilespmem:s6+$0x3F0]  }
0x13b: {  	v1 =	vmax.f32 v1, v2;
	v2 =	vld [tilespmem:s6+$0x470]  }
0x13c: {  	v1 =	vmax.f32 v1, v3;
	v3 =	vld [tilespmem:s6+$0x4F0];
	s6 =	smov.u32 s24  }
0x13d: {  	v1 =	vmax.f32 v1, v4  }
0x13e: {  	v1 =	vmax.f32 v1, v6  }
0x13f: {  	v1 =	vmax.f32 v1, v5  }
0x140: {  	v1 =	vmax.f32 v1, v2  }
0x141: {  	v1 =	vmax.f32 v1, v3  }
0x142: {  	[tilespmem:s22+$0x142F0] =	vst v1  }
0x143: {  	v1 =	vld [tilespmem:s24+$0xFFFFFC00]  }
0x144: {  	v2 =	vld [tilespmem:s24+$0xFFFFFB80]  }
0x145: {  	v3 =	vld [tilespmem:s24+$0xFFFFFB00]  }
0x146: {  	v4 =	vld [tilespmem:s24+$0xFFFFFD00]  }
0x147: {  	v5 =	vld [tilespmem:s24+$0xFFFFFC80]  }
0x148: {  	v6 =	vld [tilespmem:s24+$0xFFFFFD80]  }
0x149: {  	v7 =	vld [tilespmem:s24+$0xFFFFFE00]  }
0x14a: {  	v2 =	vmax.f32 v3, v2  }
0x14b: {  	v1 =	vmax.f32 v2, v1;
	v2 =	vld [tilespmem:s24+$0xFFFFFE80]  }
0x14c: {  	v1 =	vmax.f32 v1, v5;
	v3 =	vld [tilespmem:s24+$0xFFFFFF00]  }
0x14d: {  	v1 =	vmax.f32 v1, v4;
	v4 =	vld [tilespmem:s24+$0xFFFFFF80]  }
0x14e: {  	v1 =	vmax.f32 v1, v6;
	v5 =	vld [tilespmem:s24+$0x0]  }
0x14f: {  	v1 =	vmax.f32 v1, v7;
	v6 =	vld [tilespmem:s24+$0x80]  }
0x150: {  	v1 =	vmax.f32 v1, v2;
	v2 =	vld [tilespmem:s24+$0x100]  }
0x151: {  	v1 =	vmax.f32 v1, v3;
	v3 =	vld [tilespmem:s24+$0x180]  }
0x152: {  	v1 =	vmax.f32 v1, v4;
	v4 =	vld [tilespmem:s24+$0x200]  }
0x153: {  	v1 =	vmax.f32 v1, v5;
	v5 =	vld [tilespmem:s24+$0x280]  }
0x154: {  	v1 =	vmax.f32 v1, v6;
	v6 =	vld [tilespmem:s24+$0x300]  }
0x155: {  	v1 =	vmax.f32 v1, v2;
	v2 =	vld [tilespmem:s24+$0x380]  }
0x156: {  	v1 =	vmax.f32 v1, v3;
	v3 =	vld [tilespmem:s24+$0x400]  }
0x157: {  	v1 =	vmax.f32 v1, v4;
	v4 =	vld [tilespmem:s24+$0x480]  }
0x158: {  	v1 =	vmax.f32 v1, v5  }
0x159: {  	v1 =	vmax.f32 v1, v6  }
0x15a: {  	v1 =	vmax.f32 v1, v2  }
0x15b: {  	v1 =	vmax.f32 v1, v3  }
0x15c: {  	s22 =	sshra.s32 s25, $0x2;
	v1 =	vmax.f32 v1, v4  }
0x15d: {  	[tilespmem:s22+$0x14280] =	vst v1  }
0x15e: {  	v1 =	vld [tilespmem:s24+$0xFFFFFB10]  }
0x15f: {  	v2 =	vld [tilespmem:s24+$0xFFFFFB90]  }
0x160: {  	v3 =	vld [tilespmem:s24+$0xFFFFFC10]  }
0x161: {  	v4 =	vld [tilespmem:s24+$0xFFFFFC90]  }
0x162: {  	v5 =	vld [tilespmem:s24+$0xFFFFFD10]  }
0x163: {  	v6 =	vld [tilespmem:s24+$0xFFFFFD90]  }
0x164: {  	v1 =	vmax.f32 v1, v2;
	v2 =	vld [tilespmem:s24+$0xFFFFFE10]  }
0x165: {  	v1 =	vmax.f32 v1, v3;
	v3 =	vld [tilespmem:s24+$0xFFFFFE90]  }
0x166: {  	v1 =	vmax.f32 v1, v4;
	v4 =	vld [tilespmem:s24+$0xFFFFFF10]  }
0x167: {  	v1 =	vmax.f32 v1, v5;
	v5 =	vld [tilespmem:s24+$0xFFFFFF90]  }
0x168: {  	v1 =	vmax.f32 v1, v6;
	v6 =	vld [tilespmem:s24+$0x10]  }
0x169: {  	v1 =	vmax.f32 v1, v2;
	v2 =	vld [tilespmem:s24+$0x90]  }
0x16a: {  	v1 =	vmax.f32 v1, v3;
	v3 =	vld [tilespmem:s24+$0x110]  }
0x16b: {  	v1 =	vmax.f32 v1, v4;
	v4 =	vld [tilespmem:s24+$0x190]  }
0x16c: {  	v1 =	vmax.f32 v1, v5;
	v5 =	vld [tilespmem:s24+$0x210]  }
0x16d: {  	v1 =	vmax.f32 v1, v6;
	v6 =	vld [tilespmem:s24+$0x290]  }
0x16e: {  	v1 =	vmax.f32 v1, v2;
	v2 =	vld [tilespmem:s24+$0x310]  }
0x16f: {  	v1 =	vmax.f32 v1, v3;
	v3 =	vld [tilespmem:s24+$0x390]  }
0x170: {  	v1 =	vmax.f32 v1, v4;
	v4 =	vld [tilespmem:s24+$0x410]  }
0x171: {  	v1 =	vmax.f32 v1, v5;
	v5 =	vld [tilespmem:s24+$0x490]  }
0x172: {  	v1 =	vmax.f32 v1, v6  }
0x173: {  	v1 =	vmax.f32 v1, v2  }
0x174: {  	v1 =	vmax.f32 v1, v3  }
0x175: {  	v1 =	vmax.f32 v1, v4  }
0x176: {  	v1 =	vmax.f32 v1, v5  }
0x177: {  	[tilespmem:s22+$0x14290] =	vst v1  }
0x178: {  	v1 =	vld [tilespmem:s24+$0xFFFFFB20]  }
0x179: {  	v2 =	vld [tilespmem:s24+$0xFFFFFBA0]  }
0x17a: {  	v3 =	vld [tilespmem:s24+$0xFFFFFC20]  }
0x17b: {  	v4 =	vld [tilespmem:s24+$0xFFFFFCA0]  }
0x17c: {  	v5 =	vld [tilespmem:s24+$0xFFFFFD20]  }
0x17d: {  	v6 =	vld [tilespmem:s24+$0xFFFFFDA0]  }
0x17e: {  	v1 =	vmax.f32 v1, v2;
	v2 =	vld [tilespmem:s24+$0xFFFFFE20]  }
0x17f: {  	v1 =	vmax.f32 v1, v3;
	v3 =	vld [tilespmem:s24+$0xFFFFFEA0]  }
0x180: {  	v1 =	vmax.f32 v1, v4;
	v4 =	vld [tilespmem:s24+$0xFFFFFF20]  }
0x181: {  	v1 =	vmax.f32 v1, v5;
	v5 =	vld [tilespmem:s24+$0xFFFFFFA0]  }
0x182: {  	v1 =	vmax.f32 v1, v6;
	v6 =	vld [tilespmem:s24+$0x20]  }
0x183: {  	v1 =	vmax.f32 v1, v2;
	v2 =	vld [tilespmem:s24+$0xA0]  }
0x184: {  	v1 =	vmax.f32 v1, v3;
	v3 =	vld [tilespmem:s24+$0x120]  }
0x185: {  	v1 =	vmax.f32 v1, v4;
	v4 =	vld [tilespmem:s24+$0x1A0]  }
0x186: {  	v1 =	vmax.f32 v1, v5;
	v5 =	vld [tilespmem:s24+$0x220]  }
0x187: {  	v1 =	vmax.f32 v1, v6;
	v6 =	vld [tilespmem:s24+$0x2A0]  }
0x188: {  	v1 =	vmax.f32 v1, v2;
	v2 =	vld [tilespmem:s24+$0x320]  }
0x189: {  	v1 =	vmax.f32 v1, v3;
	v3 =	vld [tilespmem:s24+$0x3A0]  }
0x18a: {  	v1 =	vmax.f32 v1, v4;
	v4 =	vld [tilespmem:s24+$0x420]  }
0x18b: {  	v1 =	vmax.f32 v1, v5;
	v5 =	vld [tilespmem:s24+$0x4A0]  }
0x18c: {  	v1 =	vmax.f32 v1, v6  }
0x18d: {  	v1 =	vmax.f32 v1, v2  }
0x18e: {  	v1 =	vmax.f32 v1, v3  }
0x18f: {  	v1 =	vmax.f32 v1, v4  }
0x190: {  	v1 =	vmax.f32 v1, v5  }
0x191: {  	[tilespmem:s22+$0x142A0] =	vst v1  }
0x192: {  	v1 =	vld [tilespmem:s24+$0xFFFFFB30]  }
0x193: {  	v2 =	vld [tilespmem:s24+$0xFFFFFBB0]  }
0x194: {  	v3 =	vld [tilespmem:s24+$0xFFFFFC30]  }
0x195: {  	v4 =	vld [tilespmem:s24+$0xFFFFFCB0]  }
0x196: {  	v5 =	vld [tilespmem:s24+$0xFFFFFD30]  }
0x197: {  	v6 =	vld [tilespmem:s24+$0xFFFFFDB0]  }
0x198: {  	v1 =	vmax.f32 v1, v2;
	v2 =	vld [tilespmem:s24+$0xFFFFFE30]  }
0x199: {  	v1 =	vmax.f32 v1, v3;
	v3 =	vld [tilespmem:s24+$0xFFFFFEB0]  }
0x19a: {  	v1 =	vmax.f32 v1, v4;
	v4 =	vld [tilespmem:s24+$0xFFFFFF30]  }
0x19b: {  	v1 =	vmax.f32 v1, v5;
	v5 =	vld [tilespmem:s24+$0xFFFFFFB0]  }
0x19c: {  	v1 =	vmax.f32 v1, v6;
	v6 =	vld [tilespmem:s24+$0x30]  }
0x19d: {  	v1 =	vmax.f32 v1, v2;
	v2 =	vld [tilespmem:s24+$0xB0]  }
0x19e: {  	v1 =	vmax.f32 v1, v3;
	v3 =	vld [tilespmem:s24+$0x130]  }
0x19f: {  	v1 =	vmax.f32 v1, v4;
	v4 =	vld [tilespmem:s24+$0x1B0]  }
0x1a0: {  	v1 =	vmax.f32 v1, v5;
	v5 =	vld [tilespmem:s24+$0x230]  }
0x1a1: {  	v1 =	vmax.f32 v1, v6;
	v6 =	vld [tilespmem:s24+$0x2B0]  }
0x1a2: {  	v1 =	vmax.f32 v1, v2;
	v2 =	vld [tilespmem:s24+$0x330]  }
0x1a3: {  	v1 =	vmax.f32 v1, v3;
	v3 =	vld [tilespmem:s24+$0x3B0]  }
0x1a4: {  	v1 =	vmax.f32 v1, v4;
	v4 =	vld [tilespmem:s24+$0x430]  }
0x1a5: {  	v1 =	vmax.f32 v1, v5;
	v5 =	vld [tilespmem:s24+$0x4B0]  }
0x1a6: {  	v1 =	vmax.f32 v1, v6  }
0x1a7: {  	v1 =	vmax.f32 v1, v2  }
0x1a8: {  	v1 =	vmax.f32 v1, v3  }
0x1a9: {  	v1 =	vmax.f32 v1, v4  }
0x1aa: {  	v1 =	vmax.f32 v1, v5  }
0x1ab: {  	[tilespmem:s22+$0x142B0] =	vst v1  }
0x1ac: {  	v1 =	vld [tilespmem:s24+$0xFFFFFB40]  }
0x1ad: {  	v2 =	vld [tilespmem:s24+$0xFFFFFBC0]  }
0x1ae: {  	v3 =	vld [tilespmem:s24+$0xFFFFFC40]  }
0x1af: {  	v4 =	vld [tilespmem:s24+$0xFFFFFCC0]  }
0x1b0: {  	v5 =	vld [tilespmem:s24+$0xFFFFFD40]  }
0x1b1: {  	v6 =	vld [tilespmem:s24+$0xFFFFFDC0]  }
0x1b2: {  	v1 =	vmax.f32 v1, v2;
	v2 =	vld [tilespmem:s24+$0xFFFFFE40]  }
0x1b3: {  	v1 =	vmax.f32 v1, v3;
	v3 =	vld [tilespmem:s24+$0xFFFFFEC0]  }
0x1b4: {  	v1 =	vmax.f32 v1, v4;
	v4 =	vld [tilespmem:s24+$0xFFFFFF40]  }
0x1b5: {  	v1 =	vmax.f32 v1, v5;
	v5 =	vld [tilespmem:s24+$0xFFFFFFC0]  }
0x1b6: {  	v1 =	vmax.f32 v1, v6;
	v6 =	vld [tilespmem:s24+$0x40]  }
0x1b7: {  	v1 =	vmax.f32 v1, v2;
	v2 =	vld [tilespmem:s24+$0xC0]  }
0x1b8: {  	v1 =	vmax.f32 v1, v3;
	v3 =	vld [tilespmem:s24+$0x140]  }
0x1b9: {  	v1 =	vmax.f32 v1, v4;
	v4 =	vld [tilespmem:s24+$0x1C0]  }
0x1ba: {  	v1 =	vmax.f32 v1, v5;
	v5 =	vld [tilespmem:s24+$0x240]  }
0x1bb: {  	v1 =	vmax.f32 v1, v6;
	v6 =	vld [tilespmem:s24+$0x2C0]  }
0x1bc: {  	v1 =	vmax.f32 v1, v2;
	v2 =	vld [tilespmem:s24+$0x340]  }
0x1bd: {  	v1 =	vmax.f32 v1, v3;
	v3 =	vld [tilespmem:s24+$0x3C0]  }
0x1be: {  	v1 =	vmax.f32 v1, v4;
	v4 =	vld [tilespmem:s24+$0x440]  }
0x1bf: {  	v1 =	vmax.f32 v1, v5;
	v5 =	vld [tilespmem:s24+$0x4C0]  }
0x1c0: {  	v1 =	vmax.f32 v1, v6  }
0x1c1: {  	v1 =	vmax.f32 v1, v2  }
0x1c2: {  	v1 =	vmax.f32 v1, v3  }
0x1c3: {  	v1 =	vmax.f32 v1, v4  }
0x1c4: {  	v1 =	vmax.f32 v1, v5  }
0x1c5: {  	[tilespmem:s22+$0x142C0] =	vst v1  }
0x1c6: {  	v1 =	vld [tilespmem:s24+$0xFFFFFB50]  }
0x1c7: {  	v2 =	vld [tilespmem:s24+$0xFFFFFBD0]  }
0x1c8: {  	v3 =	vld [tilespmem:s24+$0xFFFFFC50]  }
0x1c9: {  	v4 =	vld [tilespmem:s24+$0xFFFFFCD0]  }
0x1ca: {  	v5 =	vld [tilespmem:s24+$0xFFFFFD50]  }
0x1cb: {  	v6 =	vld [tilespmem:s24+$0xFFFFFDD0]  }
0x1cc: {  	v1 =	vmax.f32 v1, v2;
	v2 =	vld [tilespmem:s24+$0xFFFFFE50]  }
0x1cd: {  	v1 =	vmax.f32 v1, v3;
	v3 =	vld [tilespmem:s24+$0xFFFFFED0]  }
0x1ce: {  	v1 =	vmax.f32 v1, v4;
	v4 =	vld [tilespmem:s24+$0xFFFFFF50]  }
0x1cf: {  	v1 =	vmax.f32 v1, v5;
	v5 =	vld [tilespmem:s24+$0xFFFFFFD0]  }
0x1d0: {  	v1 =	vmax.f32 v1, v6;
	v6 =	vld [tilespmem:s24+$0x50]  }
0x1d1: {  	v1 =	vmax.f32 v1, v2;
	v2 =	vld [tilespmem:s24+$0xD0]  }
0x1d2: {  	v1 =	vmax.f32 v1, v3;
	v3 =	vld [tilespmem:s24+$0x150]  }
0x1d3: {  	v1 =	vmax.f32 v1, v4;
	v4 =	vld [tilespmem:s24+$0x1D0]  }
0x1d4: {  	v1 =	vmax.f32 v1, v5;
	v5 =	vld [tilespmem:s24+$0x250]  }
0x1d5: {  	v1 =	vmax.f32 v1, v6;
	v6 =	vld [tilespmem:s24+$0x2D0]  }
0x1d6: {  	v1 =	vmax.f32 v1, v2;
	v2 =	vld [tilespmem:s24+$0x350]  }
0x1d7: {  	v1 =	vmax.f32 v1, v3;
	v3 =	vld [tilespmem:s24+$0x3D0]  }
0x1d8: {  	v1 =	vmax.f32 v1, v4;
	v4 =	vld [tilespmem:s24+$0x450]  }
0x1d9: {  	v1 =	vmax.f32 v1, v5;
	v5 =	vld [tilespmem:s24+$0x4D0]  }
0x1da: {  	v1 =	vmax.f32 v1, v6  }
0x1db: {  	v1 =	vmax.f32 v1, v2  }
0x1dc: {  	v1 =	vmax.f32 v1, v3  }
0x1dd: {  	v1 =	vmax.f32 v1, v4  }
0x1de: {  	v1 =	vmax.f32 v1, v5  }
0x1df: {  	[tilespmem:s22+$0x142D0] =	vst v1  }
0x1e0: {  	v1 =	vld [tilespmem:s24+$0xFFFFFB60]  }
0x1e1: {  	v2 =	vld [tilespmem:s24+$0xFFFFFBE0]  }
0x1e2: {  	v3 =	vld [tilespmem:s24+$0xFFFFFC60]  }
0x1e3: {  	v4 =	vld [tilespmem:s24+$0xFFFFFCE0]  }
0x1e4: {  	v5 =	vld [tilespmem:s24+$0xFFFFFD60]  }
0x1e5: {  	v6 =	vld [tilespmem:s24+$0xFFFFFDE0]  }
0x1e6: {  	v1 =	vmax.f32 v1, v2;
	v2 =	vld [tilespmem:s24+$0xFFFFFE60]  }
0x1e7: {  	v1 =	vmax.f32 v1, v3;
	v3 =	vld [tilespmem:s24+$0xFFFFFEE0]  }
0x1e8: {  	v1 =	vmax.f32 v1, v4;
	v4 =	vld [tilespmem:s24+$0xFFFFFF60]  }
0x1e9: {  	v1 =	vmax.f32 v1, v5;
	v5 =	vld [tilespmem:s24+$0xFFFFFFE0]  }
0x1ea: {  	v1 =	vmax.f32 v1, v6;
	v6 =	vld [tilespmem:s24+$0x60]  }
0x1eb: {  	v1 =	vmax.f32 v1, v2;
	v2 =	vld [tilespmem:s24+$0xE0]  }
0x1ec: {  	v1 =	vmax.f32 v1, v3;
	v3 =	vld [tilespmem:s24+$0x160]  }
0x1ed: {  	v1 =	vmax.f32 v1, v4;
	v4 =	vld [tilespmem:s24+$0x1E0]  }
0x1ee: {  	v1 =	vmax.f32 v1, v5;
	v5 =	vld [tilespmem:s24+$0x260]  }
0x1ef: {  	v1 =	vmax.f32 v1, v6;
	v6 =	vld [tilespmem:s24+$0x2E0]  }
0x1f0: {  	v1 =	vmax.f32 v1, v2;
	v2 =	vld [tilespmem:s24+$0x360]  }
0x1f1: {  	v1 =	vmax.f32 v1, v3;
	v3 =	vld [tilespmem:s24+$0x3E0]  }
0x1f2: {  	v1 =	vmax.f32 v1, v4;
	v4 =	vld [tilespmem:s24+$0x460]  }
0x1f3: {  	v1 =	vmax.f32 v1, v5;
	v5 =	vld [tilespmem:s24+$0x4E0]  }
0x1f4: {  	v1 =	vmax.f32 v1, v6  }
0x1f5: {  	v1 =	vmax.f32 v1, v2  }
0x1f6: {  	v1 =	vmax.f32 v1, v3  }
0x1f7: {  	v1 =	vmax.f32 v1, v4  }
0x1f8: {  	v1 =	vmax.f32 v1, v5  }
0x1f9: {  	[tilespmem:s22+$0x142E0] =	vst v1  }
0x1fa: {  	v1 =	vld [tilespmem:s24+$0xFFFFFB70]  }
0x1fb: {  	v2 =	vld [tilespmem:s24+$0xFFFFFBF0]  }
0x1fc: {  	v3 =	vld [tilespmem:s24+$0xFFFFFC70]  }
0x1fd: {  	v4 =	vld [tilespmem:s24+$0xFFFFFCF0]  }
0x1fe: {  	v5 =	vld [tilespmem:s24+$0xFFFFFD70]  }
0x1ff: {  	v6 =	vld [tilespmem:s24+$0xFFFFFDF0]  }
0x200: {  	v1 =	vmax.f32 v1, v2;
	v2 =	vld [tilespmem:s24+$0xFFFFFE70]  }
0x201: {  	v1 =	vmax.f32 v1, v3;
	v3 =	vld [tilespmem:s24+$0xFFFFFEF0]  }
0x202: {  	v1 =	vmax.f32 v1, v4;
	v4 =	vld [tilespmem:s24+$0xFFFFFF70]  }
0x203: {  	v1 =	vmax.f32 v1, v5;
	v7 =	vld [tilespmem:s24+$0xFFFFFFF0]  }
0x204: {  	v1 =	vmax.f32 v1, v6;
	v6 =	vld [tilespmem:s24+$0x70]  }
.Ltmp0:
0x205: {  	v1 =	vmax.f32 v1, v2;
	v5 =	vld [tilespmem:s24+$0xF0];
	(pc) =	sbr.rel @p1 .LBB2_3-.Ltmp0, $4  }
0x206: {  	v2 =	vmax.f32 v1, v3;
	v1 =	vld [tilespmem:s24+$0x170]  }
0x207: {  	v3 =	vmax.f32 v2, v4;
	v2 =	vld [tilespmem:s24+$0x1F0]  }
0x208: {  	v4 =	vmax.f32 v3, v7;
	v3 =	vld [tilespmem:s24+$0x270]  }
0x209: {  	v6 =	vmax.f32 v4, v6;
	v4 =	vld [tilespmem:s24+$0x2F0]  }
0x20a: {  	v5 =	vmax.f32 v6, v5;
	v6 =	vld [tilespmem:s6+$0x370]  }
0x20b: {  	v1 =	vmax.f32 v5, v1;
	v5 =	vld [tilespmem:s6+$0x3F0]  }
0x20c: {  	v1 =	vmax.f32 v1, v2;
	v2 =	vld [tilespmem:s6+$0x470]  }
0x20d: {  	v1 =	vmax.f32 v1, v3;
	v3 =	vld [tilespmem:s6+$0x4F0]  }
0x20e: {  	v1 =	vmax.f32 v1, v4  }
0x20f: {  	v1 =	vmax.f32 v1, v6  }
0x210: {  	v1 =	vmax.f32 v1, v5  }
0x211: {  	v1 =	vmax.f32 v1, v2  }
0x212: {  	s6 =	sshll.u32 s7, $0x9;
	v1 =	vmax.f32 v1, v3  }
0x213: {  	s25 =	sadd.s32 s6, s9;
	[tilespmem:s22+$0x142F0] =	vst v1  }
0x214: {  	[hbm4b:s25+s4] =	stream.linear.scatter [tilespmem:s31], [sflag:$0x5], $0x800, $0x38;
	[tilespmem:$0x15280] =	vst v63  }
0x215: {  	_ =	swait.ge [sflag:s5], $0x140  }
0x216: {  	[sflag:s5] =	ssyncset.done $0x0  }
0x217: {  	[sflag:s5] =	ssyncadd.s32 $0xFFFFFEC0  }
0x218: {  	v1 =	vld [tilespmem:$0x0]  }
0x219: {  	v2 =	vld [tilespmem:$0x10]  }
0x21a: {  	v3 =	vld [tilespmem:$0x20]  }
0x21b: {  	v4 =	vld [tilespmem:$0x30]  }
0x21c: {  	v5 =	vld [tilespmem:$0x40]  }
0x21d: {  	v6 =	vld [tilespmem:$0x50];
	v1 =	vadd.s32 v0, v1  }
0x21e: {  	[tilespmem:$0x0] =	vst v1;
	v1 =	vadd.s32 v0, v2;
	v2 =	vld [tilespmem:$0x60]  }
0x21f: {  	[tilespmem:$0x10] =	vst v1;
	v1 =	vadd.s32 v0, v3;
	v3 =	vld [tilespmem:$0x70]  }
0x220: {  	[tilespmem:$0x20] =	vst v1;
	v1 =	vadd.s32 v0, v4;
	v4 =	vld [tilespmem:$0x80]  }
0x221: {  	[tilespmem:$0x30] =	vst v1;
	v1 =	vadd.s32 v0, v5;
	v5 =	vld [tilespmem:$0x90]  }
0x222: {  	[tilespmem:$0x40] =	vst v1;
	v1 =	vadd.s32 v0, v6;
	v6 =	vld [tilespmem:$0xA0]  }
0x223: {  	[tilespmem:$0x50] =	vst v1;
	v1 =	vadd.s32 v0, v2;
	v2 =	vld [tilespmem:$0xB0]  }
0x224: {  	[tilespmem:$0x60] =	vst v1;
	v1 =	vadd.s32 v0, v3;
	v3 =	vld [tilespmem:$0xC0]  }
0x225: {  	[tilespmem:$0x70] =	vst v1;
	v1 =	vadd.s32 v0, v4;
	v4 =	vld [tilespmem:$0xD0]  }
0x226: {  	[tilespmem:$0x80] =	vst v1;
	v1 =	vadd.s32 v0, v5;
	v5 =	vld [tilespmem:$0xE0]  }
0x227: {  	[tilespmem:$0x90] =	vst v1;
	v1 =	vadd.s32 v0, v6;
	v6 =	vld [tilespmem:$0xF0]  }
0x228: {  	[tilespmem:$0xA0] =	vst v1;
	v1 =	vadd.s32 v0, v2;
	v2 =	vld [tilespmem:$0x100]  }
0x229: {  	[tilespmem:$0xB0] =	vst v1;
	v1 =	vadd.s32 v0, v3;
	v3 =	vld [tilespmem:$0x110]  }
0x22a: {  	[tilespmem:$0xC0] =	vst v1;
	v1 =	vadd.s32 v0, v4;
	v4 =	vld [tilespmem:$0x120]  }
0x22b: {  	[tilespmem:$0xD0] =	vst v1;
	v1 =	vadd.s32 v0, v5;
	v5 =	vld [tilespmem:$0x130]  }
0x22c: {  	[tilespmem:$0xE0] =	vst v1;
	v1 =	vadd.s32 v0, v6  }
0x22d: {  	[tilespmem:$0xF0] =	vst v1;
	v1 =	vadd.s32 v0, v2  }
0x22e: {  	[tilespmem:$0x100] =	vst v1;
	v1 =	vadd.s32 v0, v3  }
0x22f: {  	[tilespmem:$0x110] =	vst v1;
	v1 =	vadd.s32 v0, v4  }
0x230: {  	[tilespmem:$0x120] =	vst v1;
	v1 =	vadd.s32 v0, v5  }
0x231: {  	[tilespmem:$0x130] =	vst v1  }
0x232: {  	[tilespmem:s15], [sflag:$0x3] =	stream.indirect.gather [hbm4b:s1+s14], $0x80, s4, s14, $0xb8;
	[tilespmem:$0x15280] =	vst v63  }
0x233: {  	_ = 	snop  }
0x234: {  	[tilespmem:s16], [sflag:$0x3] =	stream.indirect.gather [hbm4b:s1+s14], $0x80, s14, s14, $0xb8;
	[tilespmem:$0x15280] =	vst v63  }
0x235: {  	_ = 	snop  }
0x236: {  	[tilespmem:s18], [sflag:$0x3] =	stream.indirect.gather [hbm4b:s1+s14], $0x80, s17, s14, $0xb8;
	[tilespmem:$0x15280] =	vst v63  }
0x237: {  	_ = 	snop  }
0x238: {  	[tilespmem:s20], [sflag:$0x3] =	stream.indirect.gather [hbm4b:s1+s14], $0x80, s19, s14, $0xb8;
	[tilespmem:$0x15280] =	vst v63  }
0x239: {  	_ =	swait.ge [sflag:s2], $0x2800  }
0x23a: {  	[sflag:s2] =	ssyncset.done $0x0  }
0x23b: {  	[sflag:s2] =	ssyncadd.s32 $0xFFFFD800  }
0x23c: {  	_ =	swait.ge [sflag:s2], $0x2800  }
0x23d: {  	[sflag:s2] =	ssyncset.done $0x0  }
0x23e: {  	s11 =	smin.u32 s11, $0x7C;
	[sflag:s2] =	ssyncadd.s32 $0xFFFFD800  }
0x23f: {  	s11 =	sshll.u32 s11, $0x4;
	_ =	swait.ge [sflag:s2], $0x2800  }
0x240: {  	s11 =	sadd.s32 s11, s10;
	[sflag:s2] =	ssyncset.done $0x0  }
0x241: {  	s11 =	smul.u32 $0x14, s11;
	[sflag:s2] =	ssyncadd.s32 $0xFFFFD800  }
0x242: {  	_ =	swait.ge [sflag:s2], $0x2800  }
0x243: {  	s11 =	sshrl.u32 s11, $0x3;
	[sflag:s2] =	ssyncset.done $0x0  }
0x244: {  	s11 =	sadd.s32 s3, s11;
	[sflag:s2] =	ssyncadd.s32 $0xFFFFD800  }
0x245: {  	[tilespmem:s13], [sflag:$0x2] =	stream.linear.gather [hbm4b:s11+s4], $0x140, $0x38;
	[tilespmem:$0x15280] =	vst v63  }
0x246: {  	s11 =	simm.s32 @!p0 $0x6  }
0x247: {  	_ =	swait.ge @!p0 [sflag:s11], $0x800  }
0x248: {  	[sflag:s11] =	ssyncset.done @!p0 $0x0  }
0x249: {  	[sflag:s11] =	ssyncadd.s32 @!p0 $0xFFFFF800;
	s11 =	simm.s32 $0x0  }
0x24a: {  	v1 =	vld [tilespmem:s11+$0xA280]  }
0x24b: {  	v2 =	vld [tilespmem:s11+$0xA300]  }
0x24c: {  	v3 =	vld [tilespmem:s11+$0xA380]  }
0x24d: {  	v4 =	vld [tilespmem:s11+$0xA400]  }
0x24e: {  	v5 =	vld [tilespmem:s11+$0xA480]  }
0x24f: {  	v6 =	vld [tilespmem:s11+$0xA500]  }
0x250: {  	v1 =	vmax.f32 v1, v2;
	v2 =	vld [tilespmem:s11+$0xA580]  }
0x251: {  	v1 =	vmax.f32 v1, v3;
	v3 =	vld [tilespmem:s11+$0xA600]  }
0x252: {  	v1 =	vmax.f32 v1, v4;
	v4 =	vld [tilespmem:s11+$0xA680]  }
0x253: {  	v1 =	vmax.f32 v1, v5;
	v5 =	vld [tilespmem:s11+$0xA700]  }
0x254: {  	v1 =	vmax.f32 v1, v6;
	v6 =	vld [tilespmem:s11+$0xA780]  }
0x255: {  	v1 =	vmax.f32 v1, v2;
	v2 =	vld [tilespmem:s11+$0xA800]  }
0x256: {  	v1 =	vmax.f32 v1, v3;
	v3 =	vld [tilespmem:s11+$0xA880]  }
0x257: {  	v1 =	vmax.f32 v1, v4;
	v4 =	vld [tilespmem:s11+$0xA900]  }
0x258: {  	v1 =	vmax.f32 v1, v5;
	v5 =	vld [tilespmem:s11+$0xA980]  }
0x259: {  	v1 =	vmax.f32 v1, v6;
	v6 =	vld [tilespmem:s11+$0xAA00]  }
0x25a: {  	v1 =	vmax.f32 v1, v2;
	v2 =	vld [tilespmem:s11+$0xAA80]  }
0x25b: {  	v1 =	vmax.f32 v1, v3;
	v3 =	vld [tilespmem:s11+$0xAB00]  }
0x25c: {  	v1 =	vmax.f32 v1, v4;
	v4 =	vld [tilespmem:s11+$0xAB80]  }
0x25d: {  	v1 =	vmax.f32 v1, v5;
	v5 =	vld [tilespmem:s11+$0xAC00]  }
0x25e: {  	v1 =	vmax.f32 v1, v6  }
0x25f: {  	v1 =	vmax.f32 v1, v2  }
0x260: {  	v1 =	vmax.f32 v1, v3  }
0x261: {  	v1 =	vmax.f32 v1, v4  }
0x262: {  	s22 =	simm.s32 $0x14AF0;
	v1 =	vmax.f32 v1, v5  }
0x263: {  	[tilespmem:s22+$0xFFFFFF90] =	vst v1  }
0x264: {  	v1 =	vld [tilespmem:s11+$0xA290]  }
0x265: {  	v2 =	vld [tilespmem:s11+$0xA310]  }
0x266: {  	v3 =	vld [tilespmem:s11+$0xA390]  }
0x267: {  	v4 =	vld [tilespmem:s11+$0xA410]  }
0x268: {  	v5 =	vld [tilespmem:s11+$0xA490]  }
0x269: {  	v6 =	vld [tilespmem:s11+$0xA510]  }
0x26a: {  	v1 =	vmax.f32 v1, v2;
	v2 =	vld [tilespmem:s11+$0xA590]  }
0x26b: {  	v1 =	vmax.f32 v1, v3;
	v3 =	vld [tilespmem:s11+$0xA610]  }
0x26c: {  	v1 =	vmax.f32 v1, v4;
	v4 =	vld [tilespmem:s11+$0xA690]  }
0x26d: {  	v1 =	vmax.f32 v1, v5;
	v5 =	vld [tilespmem:s11+$0xA710]  }
0x26e: {  	v1 =	vmax.f32 v1, v6;
	v6 =	vld [tilespmem:s11+$0xA790]  }
0x26f: {  	v1 =	vmax.f32 v1, v2;
	v2 =	vld [tilespmem:s11+$0xA810]  }
0x270: {  	v1 =	vmax.f32 v1, v3;
	v3 =	vld [tilespmem:s11+$0xA890]  }
0x271: {  	v1 =	vmax.f32 v1, v4;
	v4 =	vld [tilespmem:s11+$0xA910]  }
0x272: {  	v1 =	vmax.f32 v1, v5;
	v5 =	vld [tilespmem:s11+$0xA990]  }
0x273: {  	v1 =	vmax.f32 v1, v6;
	v6 =	vld [tilespmem:s11+$0xAA10]  }
0x274: {  	v1 =	vmax.f32 v1, v2;
	v2 =	vld [tilespmem:s11+$0xAA90]  }
0x275: {  	v1 =	vmax.f32 v1, v3;
	v3 =	vld [tilespmem:s11+$0xAB10]  }
0x276: {  	v1 =	vmax.f32 v1, v4;
	v4 =	vld [tilespmem:s11+$0xAB90]  }
0x277: {  	v1 =	vmax.f32 v1, v5;
	v5 =	vld [tilespmem:s11+$0xAC10]  }
0x278: {  	v1 =	vmax.f32 v1, v6  }
0x279: {  	v1 =	vmax.f32 v1, v2  }
0x27a: {  	v1 =	vmax.f32 v1, v3  }
0x27b: {  	v1 =	vmax.f32 v1, v4  }
0x27c: {  	v1 =	vmax.f32 v1, v5  }
0x27d: {  	[tilespmem:s22+$0xFFFFFFA0] =	vst v1  }
0x27e: {  	v1 =	vld [tilespmem:s11+$0xA2A0]  }
0x27f: {  	v2 =	vld [tilespmem:s11+$0xA320]  }
0x280: {  	v3 =	vld [tilespmem:s11+$0xA3A0]  }
0x281: {  	v4 =	vld [tilespmem:s11+$0xA420]  }
0x282: {  	v5 =	vld [tilespmem:s11+$0xA4A0]  }
0x283: {  	v6 =	vld [tilespmem:s11+$0xA520]  }
0x284: {  	v1 =	vmax.f32 v1, v2;
	v2 =	vld [tilespmem:s11+$0xA5A0]  }
0x285: {  	v1 =	vmax.f32 v1, v3;
	v3 =	vld [tilespmem:s11+$0xA620]  }
0x286: {  	v1 =	vmax.f32 v1, v4;
	v4 =	vld [tilespmem:s11+$0xA6A0]  }
0x287: {  	v1 =	vmax.f32 v1, v5;
	v5 =	vld [tilespmem:s11+$0xA720]  }
0x288: {  	v1 =	vmax.f32 v1, v6;
	v6 =	vld [tilespmem:s11+$0xA7A0]  }
0x289: {  	v1 =	vmax.f32 v1, v2;
	v2 =	vld [tilespmem:s11+$0xA820]  }
0x28a: {  	v1 =	vmax.f32 v1, v3;
	v3 =	vld [tilespmem:s11+$0xA8A0]  }
0x28b: {  	v1 =	vmax.f32 v1, v4;
	v4 =	vld [tilespmem:s11+$0xA920]  }
0x28c: {  	v1 =	vmax.f32 v1, v5;
	v5 =	vld [tilespmem:s11+$0xA9A0]  }
0x28d: {  	v1 =	vmax.f32 v1, v6;
	v6 =	vld [tilespmem:s11+$0xAA20]  }
0x28e: {  	v1 =	vmax.f32 v1, v2;
	v2 =	vld [tilespmem:s11+$0xAAA0]  }
0x28f: {  	v1 =	vmax.f32 v1, v3;
	v3 =	vld [tilespmem:s11+$0xAB20]  }
0x290: {  	v1 =	vmax.f32 v1, v4;
	v4 =	vld [tilespmem:s11+$0xABA0]  }
0x291: {  	v1 =	vmax.f32 v1, v5;
	v5 =	vld [tilespmem:s11+$0xAC20]  }
0x292: {  	v1 =	vmax.f32 v1, v6  }
0x293: {  	v1 =	vmax.f32 v1, v2  }
0x294: {  	v1 =	vmax.f32 v1, v3  }
0x295: {  	v1 =	vmax.f32 v1, v4  }
0x296: {  	v1 =	vmax.f32 v1, v5  }
0x297: {  	[tilespmem:s22+$0xFFFFFFB0] =	vst v1  }
0x298: {  	v1 =	vld [tilespmem:s11+$0xA2B0]  }
0x299: {  	v2 =	vld [tilespmem:s11+$0xA330]  }
0x29a: {  	v3 =	vld [tilespmem:s11+$0xA3B0]  }
0x29b: {  	v4 =	vld [tilespmem:s11+$0xA430]  }
0x29c: {  	v5 =	vld [tilespmem:s11+$0xA4B0]  }
0x29d: {  	v6 =	vld [tilespmem:s11+$0xA530]  }
0x29e: {  	v1 =	vmax.f32 v1, v2;
	v2 =	vld [tilespmem:s11+$0xA5B0]  }
0x29f: {  	v1 =	vmax.f32 v1, v3;
	v3 =	vld [tilespmem:s11+$0xA630]  }
0x2a0: {  	v1 =	vmax.f32 v1, v4;
	v4 =	vld [tilespmem:s11+$0xA6B0]  }
0x2a1: {  	v1 =	vmax.f32 v1, v5;
	v5 =	vld [tilespmem:s11+$0xA730]  }
0x2a2: {  	v1 =	vmax.f32 v1, v6;
	v6 =	vld [tilespmem:s11+$0xA7B0]  }
0x2a3: {  	v1 =	vmax.f32 v1, v2;
	v2 =	vld [tilespmem:s11+$0xA830]  }
0x2a4: {  	v1 =	vmax.f32 v1, v3;
	v3 =	vld [tilespmem:s11+$0xA8B0]  }
0x2a5: {  	v1 =	vmax.f32 v1, v4;
	v4 =	vld [tilespmem:s11+$0xA930]  }
0x2a6: {  	v1 =	vmax.f32 v1, v5;
	v5 =	vld [tilespmem:s11+$0xA9B0]  }
0x2a7: {  	v1 =	vmax.f32 v1, v6;
	v6 =	vld [tilespmem:s11+$0xAA30]  }
0x2a8: {  	v1 =	vmax.f32 v1, v2;
	v2 =	vld [tilespmem:s11+$0xAAB0]  }
0x2a9: {  	v1 =	vmax.f32 v1, v3;
	v3 =	vld [tilespmem:s11+$0xAB30]  }
0x2aa: {  	v1 =	vmax.f32 v1, v4;
	v4 =	vld [tilespmem:s11+$0xABB0]  }
0x2ab: {  	v1 =	vmax.f32 v1, v5;
	v5 =	vld [tilespmem:s11+$0xAC30]  }
0x2ac: {  	v1 =	vmax.f32 v1, v6  }
0x2ad: {  	v1 =	vmax.f32 v1, v2  }
0x2ae: {  	v1 =	vmax.f32 v1, v3  }
0x2af: {  	v1 =	vmax.f32 v1, v4  }
0x2b0: {  	v1 =	vmax.f32 v1, v5  }
0x2b1: {  	[tilespmem:s22+$0xFFFFFFC0] =	vst v1  }
0x2b2: {  	v1 =	vld [tilespmem:s11+$0xA2C0]  }
0x2b3: {  	v2 =	vld [tilespmem:s11+$0xA340]  }
0x2b4: {  	v3 =	vld [tilespmem:s11+$0xA3C0]  }
0x2b5: {  	v4 =	vld [tilespmem:s11+$0xA440]  }
0x2b6: {  	v5 =	vld [tilespmem:s11+$0xA4C0]  }
0x2b7: {  	v6 =	vld [tilespmem:s11+$0xA540]  }
0x2b8: {  	v1 =	vmax.f32 v1, v2;
	v2 =	vld [tilespmem:s11+$0xA5C0]  }
0x2b9: {  	v1 =	vmax.f32 v1, v3;
	v3 =	vld [tilespmem:s11+$0xA640]  }
0x2ba: {  	v1 =	vmax.f32 v1, v4;
	v4 =	vld [tilespmem:s11+$0xA6C0]  }
0x2bb: {  	v1 =	vmax.f32 v1, v5;
	v5 =	vld [tilespmem:s11+$0xA740]  }
0x2bc: {  	v1 =	vmax.f32 v1, v6;
	v6 =	vld [tilespmem:s11+$0xA7C0]  }
0x2bd: {  	v1 =	vmax.f32 v1, v2;
	v2 =	vld [tilespmem:s11+$0xA840]  }
0x2be: {  	v1 =	vmax.f32 v1, v3;
	v3 =	vld [tilespmem:s11+$0xA8C0]  }
0x2bf: {  	v1 =	vmax.f32 v1, v4;
	v4 =	vld [tilespmem:s11+$0xA940]  }
0x2c0: {  	v1 =	vmax.f32 v1, v5;
	v5 =	vld [tilespmem:s11+$0xA9C0]  }
0x2c1: {  	v1 =	vmax.f32 v1, v6;
	v6 =	vld [tilespmem:s11+$0xAA40]  }
0x2c2: {  	v1 =	vmax.f32 v1, v2;
	v2 =	vld [tilespmem:s11+$0xAAC0]  }
0x2c3: {  	v1 =	vmax.f32 v1, v3;
	v3 =	vld [tilespmem:s11+$0xAB40]  }
0x2c4: {  	v1 =	vmax.f32 v1, v4;
	v4 =	vld [tilespmem:s11+$0xABC0]  }
0x2c5: {  	v1 =	vmax.f32 v1, v5;
	v5 =	vld [tilespmem:s11+$0xAC40]  }
0x2c6: {  	v1 =	vmax.f32 v1, v6  }
0x2c7: {  	v1 =	vmax.f32 v1, v2  }
0x2c8: {  	v1 =	vmax.f32 v1, v3  }
0x2c9: {  	v1 =	vmax.f32 v1, v4  }
0x2ca: {  	v1 =	vmax.f32 v1, v5  }
0x2cb: {  	[tilespmem:s22+$0xFFFFFFD0] =	vst v1  }
0x2cc: {  	v1 =	vld [tilespmem:s11+$0xA2D0]  }
0x2cd: {  	v2 =	vld [tilespmem:s11+$0xA350]  }
0x2ce: {  	v3 =	vld [tilespmem:s11+$0xA3D0]  }
0x2cf: {  	v4 =	vld [tilespmem:s11+$0xA450]  }
0x2d0: {  	v5 =	vld [tilespmem:s11+$0xA4D0]  }
0x2d1: {  	v6 =	vld [tilespmem:s11+$0xA550]  }
0x2d2: {  	v1 =	vmax.f32 v1, v2;
	v2 =	vld [tilespmem:s11+$0xA5D0]  }
0x2d3: {  	v1 =	vmax.f32 v1, v3;
	v3 =	vld [tilespmem:s11+$0xA650]  }
0x2d4: {  	v1 =	vmax.f32 v1, v4;
	v4 =	vld [tilespmem:s11+$0xA6D0]  }
0x2d5: {  	v1 =	vmax.f32 v1, v5;
	v5 =	vld [tilespmem:s11+$0xA750]  }
0x2d6: {  	v1 =	vmax.f32 v1, v6;
	v6 =	vld [tilespmem:s11+$0xA7D0]  }
0x2d7: {  	v1 =	vmax.f32 v1, v2;
	v2 =	vld [tilespmem:s11+$0xA850]  }
0x2d8: {  	v1 =	vmax.f32 v1, v3;
	v3 =	vld [tilespmem:s11+$0xA8D0]  }
0x2d9: {  	v1 =	vmax.f32 v1, v4;
	v4 =	vld [tilespmem:s11+$0xA950]  }
0x2da: {  	v1 =	vmax.f32 v1, v5;
	v5 =	vld [tilespmem:s11+$0xA9D0]  }
0x2db: {  	v1 =	vmax.f32 v1, v6;
	v6 =	vld [tilespmem:s11+$0xAA50]  }
0x2dc: {  	v1 =	vmax.f32 v1, v2;
	v2 =	vld [tilespmem:s11+$0xAAD0]  }
0x2dd: {  	v1 =	vmax.f32 v1, v3;
	v3 =	vld [tilespmem:s11+$0xAB50]  }
0x2de: {  	v1 =	vmax.f32 v1, v4;
	v4 =	vld [tilespmem:s11+$0xABD0]  }
0x2df: {  	v1 =	vmax.f32 v1, v5;
	v5 =	vld [tilespmem:s11+$0xAC50]  }
0x2e0: {  	v1 =	vmax.f32 v1, v6  }
0x2e1: {  	v1 =	vmax.f32 v1, v2  }
0x2e2: {  	v1 =	vmax.f32 v1, v3  }
0x2e3: {  	v1 =	vmax.f32 v1, v4  }
0x2e4: {  	v1 =	vmax.f32 v1, v5  }
0x2e5: {  	[tilespmem:s22+$0xFFFFFFE0] =	vst v1  }
0x2e6: {  	v1 =	vld [tilespmem:s11+$0xA2E0]  }
0x2e7: {  	v2 =	vld [tilespmem:s11+$0xA360]  }
0x2e8: {  	v3 =	vld [tilespmem:s11+$0xA3E0]  }
0x2e9: {  	v4 =	vld [tilespmem:s11+$0xA460]  }
0x2ea: {  	v5 =	vld [tilespmem:s11+$0xA4E0]  }
0x2eb: {  	v6 =	vld [tilespmem:s11+$0xA560]  }
0x2ec: {  	v1 =	vmax.f32 v1, v2;
	v2 =	vld [tilespmem:s11+$0xA5E0]  }
0x2ed: {  	v1 =	vmax.f32 v1, v3;
	v3 =	vld [tilespmem:s11+$0xA660]  }
0x2ee: {  	v1 =	vmax.f32 v1, v4;
	v4 =	vld [tilespmem:s11+$0xA6E0]  }
0x2ef: {  	v1 =	vmax.f32 v1, v5;
	v5 =	vld [tilespmem:s11+$0xA760]  }
0x2f0: {  	v1 =	vmax.f32 v1, v6;
	v6 =	vld [tilespmem:s11+$0xA7E0]  }
0x2f1: {  	v1 =	vmax.f32 v1, v2;
	v2 =	vld [tilespmem:s11+$0xA860]  }
0x2f2: {  	v1 =	vmax.f32 v1, v3;
	v3 =	vld [tilespmem:s11+$0xA8E0]  }
0x2f3: {  	v1 =	vmax.f32 v1, v4;
	v4 =	vld [tilespmem:s11+$0xA960]  }
0x2f4: {  	v1 =	vmax.f32 v1, v5;
	v5 =	vld [tilespmem:s11+$0xA9E0]  }
0x2f5: {  	v1 =	vmax.f32 v1, v6;
	v6 =	vld [tilespmem:s11+$0xAA60]  }
0x2f6: {  	v1 =	vmax.f32 v1, v2;
	v2 =	vld [tilespmem:s11+$0xAAE0]  }
0x2f7: {  	v1 =	vmax.f32 v1, v3;
	v3 =	vld [tilespmem:s11+$0xAB60]  }
0x2f8: {  	v1 =	vmax.f32 v1, v4;
	v4 =	vld [tilespmem:s11+$0xABE0]  }
0x2f9: {  	v1 =	vmax.f32 v1, v5;
	v5 =	vld [tilespmem:s11+$0xAC60]  }
0x2fa: {  	v1 =	vmax.f32 v1, v6  }
0x2fb: {  	v1 =	vmax.f32 v1, v2  }
0x2fc: {  	v1 =	vmax.f32 v1, v3  }
0x2fd: {  	v1 =	vmax.f32 v1, v4  }
0x2fe: {  	v1 =	vmax.f32 v1, v5  }
0x2ff: {  	[tilespmem:s22+$0xFFFFFFF0] =	vst v1  }
0x300: {  	v1 =	vld [tilespmem:s11+$0xA2F0]  }
0x301: {  	v2 =	vld [tilespmem:s11+$0xA370]  }
0x302: {  	v3 =	vld [tilespmem:s11+$0xA3F0]  }
0x303: {  	v4 =	vld [tilespmem:s11+$0xA470]  }
0x304: {  	v5 =	vld [tilespmem:s11+$0xA4F0]  }
0x305: {  	v6 =	vld [tilespmem:s11+$0xA570]  }
0x306: {  	v1 =	vmax.f32 v1, v2;
	v2 =	vld [tilespmem:s11+$0xA5F0]  }
0x307: {  	v1 =	vmax.f32 v1, v3;
	v3 =	vld [tilespmem:s11+$0xA670]  }
0x308: {  	v1 =	vmax.f32 v1, v4;
	v4 =	vld [tilespmem:s11+$0xA6F0]  }
0x309: {  	v1 =	vmax.f32 v1, v5;
	v5 =	vld [tilespmem:s11+$0xA770]  }
0x30a: {  	v6 =	vmax.f32 v1, v6;
	v1 =	vld [tilespmem:s11+$0xA7F0]  }
0x30b: {  	v6 =	vmax.f32 v6, v2;
	v2 =	vld [tilespmem:s11+$0xA870]  }
0x30c: {  	v6 =	vmax.f32 v6, v3;
	v3 =	vld [tilespmem:s11+$0xA8F0]  }
0x30d: {  	v6 =	vmax.f32 v6, v4;
	v4 =	vld [tilespmem:s11+$0xA970]  }
0x30e: {  	s24 =	simm.s32 $0x2800;
	s23 =	simm.s32 $0x14AF0;
	v6 =	vmax.f32 v6, v5;
	v5 =	vld [tilespmem:s11+$0xA9F0]  }
.LBB2_5:
0x30f: {  	p0 =	sne.s32 s24, $0x25800  }
0x310: {  	v7 =	vld [tilespmem:s11+$0xAA70];
	s22 =	sadd.s32 $0x80, s22;
	s25 =	smov.u32 s24;
	s24 =	sadd.s32 $0x2800, s24  }
0x311: {  	v1 =	vmax.f32 v6, v1;
	v6 =	vld [tilespmem:s11+$0xAAF0]  }
0x312: {  	v1 =	vmax.f32 v1, v2;
	v2 =	vld [tilespmem:s11+$0xAB70]  }
0x313: {  	v1 =	vmax.f32 v1, v3;
	v3 =	vld [tilespmem:s11+$0xABF0]  }
0x314: {  	v1 =	vmax.f32 v1, v4;
	v4 =	vld [tilespmem:s11+$0xAC70]  }
0x315: {  	v1 =	vmax.f32 v1, v5  }
0x316: {  	v1 =	vmax.f32 v1, v7  }
0x317: {  	v1 =	vmax.f32 v1, v6  }
0x318: {  	v1 =	vmax.f32 v1, v2  }
0x319: {  	s11 =	sshra.s32 s25, $0x2;
	v1 =	vmax.f32 v1, v3  }
0x31a: {  	v1 =	vmax.f32 v1, v4  }
0x31b: {  	[tilespmem:s23+$0x0] =	vst v1;
	s23 =	smov.u32 s22  }
0x31c: {  	v1 =	vld [tilespmem:s11+$0xA280]  }
0x31d: {  	v2 =	vld [tilespmem:s11+$0xA300]  }
0x31e: {  	v3 =	vld [tilespmem:s11+$0xA380]  }
0x31f: {  	v4 =	vld [tilespmem:s11+$0xA400]  }
0x320: {  	v5 =	vld [tilespmem:s11+$0xA480]  }
0x321: {  	v6 =	vld [tilespmem:s11+$0xA500]  }
0x322: {  	v1 =	vmax.f32 v1, v2;
	v2 =	vld [tilespmem:s11+$0xA580]  }
0x323: {  	v1 =	vmax.f32 v1, v3;
	v3 =	vld [tilespmem:s11+$0xA600]  }
0x324: {  	v1 =	vmax.f32 v1, v4;
	v4 =	vld [tilespmem:s11+$0xA680]  }
0x325: {  	v1 =	vmax.f32 v1, v5;
	v5 =	vld [tilespmem:s11+$0xA700]  }
0x326: {  	v1 =	vmax.f32 v1, v6;
	v6 =	vld [tilespmem:s11+$0xA780]  }
0x327: {  	v1 =	vmax.f32 v1, v2;
	v2 =	vld [tilespmem:s11+$0xA800]  }
0x328: {  	v1 =	vmax.f32 v1, v3;
	v3 =	vld [tilespmem:s11+$0xA880]  }
0x329: {  	v1 =	vmax.f32 v1, v4;
	v4 =	vld [tilespmem:s11+$0xA900]  }
0x32a: {  	v1 =	vmax.f32 v1, v5;
	v5 =	vld [tilespmem:s11+$0xA980]  }
0x32b: {  	v1 =	vmax.f32 v1, v6;
	v6 =	vld [tilespmem:s11+$0xAA00]  }
0x32c: {  	v1 =	vmax.f32 v1, v2;
	v2 =	vld [tilespmem:s11+$0xAA80]  }
0x32d: {  	v1 =	vmax.f32 v1, v3;
	v3 =	vld [tilespmem:s11+$0xAB00]  }
0x32e: {  	v1 =	vmax.f32 v1, v4;
	v4 =	vld [tilespmem:s11+$0xAB80]  }
0x32f: {  	v1 =	vmax.f32 v1, v5;
	v5 =	vld [tilespmem:s11+$0xAC00]  }
0x330: {  	v1 =	vmax.f32 v1, v6  }
0x331: {  	v1 =	vmax.f32 v1, v2  }
0x332: {  	v1 =	vmax.f32 v1, v3  }
0x333: {  	v1 =	vmax.f32 v1, v4  }
0x334: {  	v1 =	vmax.f32 v1, v5  }
0x335: {  	[tilespmem:s22+$0xFFFFFF90] =	vst v1  }
0x336: {  	v1 =	vld [tilespmem:s11+$0xA290]  }
0x337: {  	v2 =	vld [tilespmem:s11+$0xA310]  }
0x338: {  	v3 =	vld [tilespmem:s11+$0xA390]  }
0x339: {  	v4 =	vld [tilespmem:s11+$0xA410]  }
0x33a: {  	v5 =	vld [tilespmem:s11+$0xA490]  }
0x33b: {  	v6 =	vld [tilespmem:s11+$0xA510]  }
0x33c: {  	v1 =	vmax.f32 v1, v2;
	v2 =	vld [tilespmem:s11+$0xA590]  }
0x33d: {  	v1 =	vmax.f32 v1, v3;
	v3 =	vld [tilespmem:s11+$0xA610]  }
0x33e: {  	v1 =	vmax.f32 v1, v4;
	v4 =	vld [tilespmem:s11+$0xA690]  }
0x33f: {  	v1 =	vmax.f32 v1, v5;
	v5 =	vld [tilespmem:s11+$0xA710]  }
0x340: {  	v1 =	vmax.f32 v1, v6;
	v6 =	vld [tilespmem:s11+$0xA790]  }
0x341: {  	v1 =	vmax.f32 v1, v2;
	v2 =	vld [tilespmem:s11+$0xA810]  }
0x342: {  	v1 =	vmax.f32 v1, v3;
	v3 =	vld [tilespmem:s11+$0xA890]  }
0x343: {  	v1 =	vmax.f32 v1, v4;
	v4 =	vld [tilespmem:s11+$0xA910]  }
0x344: {  	v1 =	vmax.f32 v1, v5;
	v5 =	vld [tilespmem:s11+$0xA990]  }
0x345: {  	v1 =	vmax.f32 v1, v6;
	v6 =	vld [tilespmem:s11+$0xAA10]  }
0x346: {  	v1 =	vmax.f32 v1, v2;
	v2 =	vld [tilespmem:s11+$0xAA90]  }
0x347: {  	v1 =	vmax.f32 v1, v3;
	v3 =	vld [tilespmem:s11+$0xAB10]  }
0x348: {  	v1 =	vmax.f32 v1, v4;
	v4 =	vld [tilespmem:s11+$0xAB90]  }
0x349: {  	v1 =	vmax.f32 v1, v5;
	v5 =	vld [tilespmem:s11+$0xAC10]  }
0x34a: {  	v1 =	vmax.f32 v1, v6  }
0x34b: {  	v1 =	vmax.f32 v1, v2  }
0x34c: {  	v1 =	vmax.f32 v1, v3  }
0x34d: {  	v1 =	vmax.f32 v1, v4  }
0x34e: {  	v1 =	vmax.f32 v1, v5  }
0x34f: {  	[tilespmem:s22+$0xFFFFFFA0] =	vst v1  }
0x350: {  	v1 =	vld [tilespmem:s11+$0xA2A0]  }
0x351: {  	v2 =	vld [tilespmem:s11+$0xA320]  }
0x352: {  	v3 =	vld [tilespmem:s11+$0xA3A0]  }
0x353: {  	v4 =	vld [tilespmem:s11+$0xA420]  }
0x354: {  	v5 =	vld [tilespmem:s11+$0xA4A0]  }
0x355: {  	v6 =	vld [tilespmem:s11+$0xA520]  }
0x356: {  	v1 =	vmax.f32 v1, v2;
	v2 =	vld [tilespmem:s11+$0xA5A0]  }
0x357: {  	v1 =	vmax.f32 v1, v3;
	v3 =	vld [tilespmem:s11+$0xA620]  }
0x358: {  	v1 =	vmax.f32 v1, v4;
	v4 =	vld [tilespmem:s11+$0xA6A0]  }
0x359: {  	v1 =	vmax.f32 v1, v5;
	v5 =	vld [tilespmem:s11+$0xA720]  }
0x35a: {  	v1 =	vmax.f32 v1, v6;
	v6 =	vld [tilespmem:s11+$0xA7A0]  }
0x35b: {  	v1 =	vmax.f32 v1, v2;
	v2 =	vld [tilespmem:s11+$0xA820]  }
0x35c: {  	v1 =	vmax.f32 v1, v3;
	v3 =	vld [tilespmem:s11+$0xA8A0]  }
0x35d: {  	v1 =	vmax.f32 v1, v4;
	v4 =	vld [tilespmem:s11+$0xA920]  }
0x35e: {  	v1 =	vmax.f32 v1, v5;
	v5 =	vld [tilespmem:s11+$0xA9A0]  }
0x35f: {  	v1 =	vmax.f32 v1, v6;
	v6 =	vld [tilespmem:s11+$0xAA20]  }
0x360: {  	v1 =	vmax.f32 v1, v2;
	v2 =	vld [tilespmem:s11+$0xAAA0]  }
0x361: {  	v1 =	vmax.f32 v1, v3;
	v3 =	vld [tilespmem:s11+$0xAB20]  }
0x362: {  	v1 =	vmax.f32 v1, v4;
	v4 =	vld [tilespmem:s11+$0xABA0]  }
0x363: {  	v1 =	vmax.f32 v1, v5;
	v5 =	vld [tilespmem:s11+$0xAC20]  }
0x364: {  	v1 =	vmax.f32 v1, v6  }
0x365: {  	v1 =	vmax.f32 v1, v2  }
0x366: {  	v1 =	vmax.f32 v1, v3  }
0x367: {  	v1 =	vmax.f32 v1, v4  }
0x368: {  	v1 =	vmax.f32 v1, v5  }
0x369: {  	[tilespmem:s22+$0xFFFFFFB0] =	vst v1  }
0x36a: {  	v1 =	vld [tilespmem:s11+$0xA2B0]  }
0x36b: {  	v2 =	vld [tilespmem:s11+$0xA330]  }
0x36c: {  	v3 =	vld [tilespmem:s11+$0xA3B0]  }
0x36d: {  	v4 =	vld [tilespmem:s11+$0xA430]  }
0x36e: {  	v5 =	vld [tilespmem:s11+$0xA4B0]  }
0x36f: {  	v6 =	vld [tilespmem:s11+$0xA530]  }
0x370: {  	v1 =	vmax.f32 v1, v2;
	v2 =	vld [tilespmem:s11+$0xA5B0]  }
0x371: {  	v1 =	vmax.f32 v1, v3;
	v3 =	vld [tilespmem:s11+$0xA630]  }
0x372: {  	v1 =	vmax.f32 v1, v4;
	v4 =	vld [tilespmem:s11+$0xA6B0]  }
0x373: {  	v1 =	vmax.f32 v1, v5;
	v5 =	vld [tilespmem:s11+$0xA730]  }
0x374: {  	v1 =	vmax.f32 v1, v6;
	v6 =	vld [tilespmem:s11+$0xA7B0]  }
0x375: {  	v1 =	vmax.f32 v1, v2;
	v2 =	vld [tilespmem:s11+$0xA830]  }
0x376: {  	v1 =	vmax.f32 v1, v3;
	v3 =	vld [tilespmem:s11+$0xA8B0]  }
0x377: {  	v1 =	vmax.f32 v1, v4;
	v4 =	vld [tilespmem:s11+$0xA930]  }
0x378: {  	v1 =	vmax.f32 v1, v5;
	v5 =	vld [tilespmem:s11+$0xA9B0]  }
0x379: {  	v1 =	vmax.f32 v1, v6;
	v6 =	vld [tilespmem:s11+$0xAA30]  }
0x37a: {  	v1 =	vmax.f32 v1, v2;
	v2 =	vld [tilespmem:s11+$0xAAB0]  }
0x37b: {  	v1 =	vmax.f32 v1, v3;
	v3 =	vld [tilespmem:s11+$0xAB30]  }
0x37c: {  	v1 =	vmax.f32 v1, v4;
	v4 =	vld [tilespmem:s11+$0xABB0]  }
0x37d: {  	v1 =	vmax.f32 v1, v5;
	v5 =	vld [tilespmem:s11+$0xAC30]  }
0x37e: {  	v1 =	vmax.f32 v1, v6  }
0x37f: {  	v1 =	vmax.f32 v1, v2  }
0x380: {  	v1 =	vmax.f32 v1, v3  }
0x381: {  	v1 =	vmax.f32 v1, v4  }
0x382: {  	v1 =	vmax.f32 v1, v5  }
0x383: {  	[tilespmem:s22+$0xFFFFFFC0] =	vst v1  }
0x384: {  	v1 =	vld [tilespmem:s11+$0xA2C0]  }
0x385: {  	v2 =	vld [tilespmem:s11+$0xA340]  }
0x386: {  	v3 =	vld [tilespmem:s11+$0xA3C0]  }
0x387: {  	v4 =	vld [tilespmem:s11+$0xA440]  }
0x388: {  	v5 =	vld [tilespmem:s11+$0xA4C0]  }
0x389: {  	v6 =	vld [tilespmem:s11+$0xA540]  }
0x38a: {  	v1 =	vmax.f32 v1, v2;
	v2 =	vld [tilespmem:s11+$0xA5C0]  }
0x38b: {  	v1 =	vmax.f32 v1, v3;
	v3 =	vld [tilespmem:s11+$0xA640]  }
0x38c: {  	v1 =	vmax.f32 v1, v4;
	v4 =	vld [tilespmem:s11+$0xA6C0]  }
0x38d: {  	v1 =	vmax.f32 v1, v5;
	v5 =	vld [tilespmem:s11+$0xA740]  }
0x38e: {  	v1 =	vmax.f32 v1, v6;
	v6 =	vld [tilespmem:s11+$0xA7C0]  }
0x38f: {  	v1 =	vmax.f32 v1, v2;
	v2 =	vld [tilespmem:s11+$0xA840]  }
0x390: {  	v1 =	vmax.f32 v1, v3;
	v3 =	vld [tilespmem:s11+$0xA8C0]  }
0x391: {  	v1 =	vmax.f32 v1, v4;
	v4 =	vld [tilespmem:s11+$0xA940]  }
0x392: {  	v1 =	vmax.f32 v1, v5;
	v5 =	vld [tilespmem:s11+$0xA9C0]  }
0x393: {  	v1 =	vmax.f32 v1, v6;
	v6 =	vld [tilespmem:s11+$0xAA40]  }
0x394: {  	v1 =	vmax.f32 v1, v2;
	v2 =	vld [tilespmem:s11+$0xAAC0]  }
0x395: {  	v1 =	vmax.f32 v1, v3;
	v3 =	vld [tilespmem:s11+$0xAB40]  }
0x396: {  	v1 =	vmax.f32 v1, v4;
	v4 =	vld [tilespmem:s11+$0xABC0]  }
0x397: {  	v1 =	vmax.f32 v1, v5;
	v5 =	vld [tilespmem:s11+$0xAC40]  }
0x398: {  	v1 =	vmax.f32 v1, v6  }
0x399: {  	v1 =	vmax.f32 v1, v2  }
0x39a: {  	v1 =	vmax.f32 v1, v3  }
0x39b: {  	v1 =	vmax.f32 v1, v4  }
0x39c: {  	v1 =	vmax.f32 v1, v5  }
0x39d: {  	[tilespmem:s22+$0xFFFFFFD0] =	vst v1  }
0x39e: {  	v1 =	vld [tilespmem:s11+$0xA2D0]  }
0x39f: {  	v2 =	vld [tilespmem:s11+$0xA350]  }
0x3a0: {  	v3 =	vld [tilespmem:s11+$0xA3D0]  }
0x3a1: {  	v4 =	vld [tilespmem:s11+$0xA450]  }
0x3a2: {  	v5 =	vld [tilespmem:s11+$0xA4D0]  }
0x3a3: {  	v6 =	vld [tilespmem:s11+$0xA550]  }
0x3a4: {  	v1 =	vmax.f32 v1, v2;
	v2 =	vld [tilespmem:s11+$0xA5D0]  }
0x3a5: {  	v1 =	vmax.f32 v1, v3;
	v3 =	vld [tilespmem:s11+$0xA650]  }
0x3a6: {  	v1 =	vmax.f32 v1, v4;
	v4 =	vld [tilespmem:s11+$0xA6D0]  }
0x3a7: {  	v1 =	vmax.f32 v1, v5;
	v5 =	vld [tilespmem:s11+$0xA750]  }
0x3a8: {  	v1 =	vmax.f32 v1, v6;
	v6 =	vld [tilespmem:s11+$0xA7D0]  }
0x3a9: {  	v1 =	vmax.f32 v1, v2;
	v2 =	vld [tilespmem:s11+$0xA850]  }
0x3aa: {  	v1 =	vmax.f32 v1, v3;
	v3 =	vld [tilespmem:s11+$0xA8D0]  }
0x3ab: {  	v1 =	vmax.f32 v1, v4;
	v4 =	vld [tilespmem:s11+$0xA950]  }
0x3ac: {  	v1 =	vmax.f32 v1, v5;
	v5 =	vld [tilespmem:s11+$0xA9D0]  }
0x3ad: {  	v1 =	vmax.f32 v1, v6;
	v6 =	vld [tilespmem:s11+$0xAA50]  }
0x3ae: {  	v1 =	vmax.f32 v1, v2;
	v2 =	vld [tilespmem:s11+$0xAAD0]  }
0x3af: {  	v1 =	vmax.f32 v1, v3;
	v3 =	vld [tilespmem:s11+$0xAB50]  }
0x3b0: {  	v1 =	vmax.f32 v1, v4;
	v4 =	vld [tilespmem:s11+$0xABD0]  }
0x3b1: {  	v1 =	vmax.f32 v1, v5;
	v5 =	vld [tilespmem:s11+$0xAC50]  }
0x3b2: {  	v1 =	vmax.f32 v1, v6  }
0x3b3: {  	v1 =	vmax.f32 v1, v2  }
0x3b4: {  	v1 =	vmax.f32 v1, v3  }
0x3b5: {  	v1 =	vmax.f32 v1, v4  }
0x3b6: {  	v1 =	vmax.f32 v1, v5  }
0x3b7: {  	[tilespmem:s22+$0xFFFFFFE0] =	vst v1  }
0x3b8: {  	v1 =	vld [tilespmem:s11+$0xA2E0]  }
0x3b9: {  	v2 =	vld [tilespmem:s11+$0xA360]  }
0x3ba: {  	v3 =	vld [tilespmem:s11+$0xA3E0]  }
0x3bb: {  	v4 =	vld [tilespmem:s11+$0xA460]  }
0x3bc: {  	v5 =	vld [tilespmem:s11+$0xA4E0]  }
0x3bd: {  	v6 =	vld [tilespmem:s11+$0xA560]  }
0x3be: {  	v1 =	vmax.f32 v1, v2;
	v2 =	vld [tilespmem:s11+$0xA5E0]  }
0x3bf: {  	v1 =	vmax.f32 v1, v3;
	v3 =	vld [tilespmem:s11+$0xA660]  }
0x3c0: {  	v1 =	vmax.f32 v1, v4;
	v4 =	vld [tilespmem:s11+$0xA6E0]  }
0x3c1: {  	v1 =	vmax.f32 v1, v5;
	v5 =	vld [tilespmem:s11+$0xA760]  }
0x3c2: {  	v1 =	vmax.f32 v1, v6;
	v6 =	vld [tilespmem:s11+$0xA7E0]  }
0x3c3: {  	v1 =	vmax.f32 v1, v2;
	v2 =	vld [tilespmem:s11+$0xA860]  }
0x3c4: {  	v1 =	vmax.f32 v1, v3;
	v3 =	vld [tilespmem:s11+$0xA8E0]  }
0x3c5: {  	v1 =	vmax.f32 v1, v4;
	v4 =	vld [tilespmem:s11+$0xA960]  }
0x3c6: {  	v1 =	vmax.f32 v1, v5;
	v5 =	vld [tilespmem:s11+$0xA9E0]  }
0x3c7: {  	v1 =	vmax.f32 v1, v6;
	v6 =	vld [tilespmem:s11+$0xAA60]  }
0x3c8: {  	v1 =	vmax.f32 v1, v2;
	v2 =	vld [tilespmem:s11+$0xAAE0]  }
0x3c9: {  	v1 =	vmax.f32 v1, v3;
	v3 =	vld [tilespmem:s11+$0xAB60]  }
0x3ca: {  	v1 =	vmax.f32 v1, v4;
	v4 =	vld [tilespmem:s11+$0xABE0]  }
0x3cb: {  	v1 =	vmax.f32 v1, v5;
	v5 =	vld [tilespmem:s11+$0xAC60]  }
0x3cc: {  	v1 =	vmax.f32 v1, v6  }
0x3cd: {  	v1 =	vmax.f32 v1, v2  }
0x3ce: {  	v1 =	vmax.f32 v1, v3  }
0x3cf: {  	v1 =	vmax.f32 v1, v4  }
0x3d0: {  	v1 =	vmax.f32 v1, v5  }
0x3d1: {  	[tilespmem:s22+$0xFFFFFFF0] =	vst v1  }
0x3d2: {  	v1 =	vld [tilespmem:s11+$0xA2F0]  }
0x3d3: {  	v2 =	vld [tilespmem:s11+$0xA370]  }
0x3d4: {  	v3 =	vld [tilespmem:s11+$0xA3F0]  }
0x3d5: {  	v4 =	vld [tilespmem:s11+$0xA470]  }
0x3d6: {  	v5 =	vld [tilespmem:s11+$0xA4F0]  }
0x3d7: {  	v6 =	vld [tilespmem:s11+$0xA570]  }
0x3d8: {  	v1 =	vmax.f32 v1, v2;
	v2 =	vld [tilespmem:s11+$0xA5F0]  }
0x3d9: {  	v1 =	vmax.f32 v1, v3;
	v3 =	vld [tilespmem:s11+$0xA670]  }
0x3da: {  	v1 =	vmax.f32 v1, v4;
	v4 =	vld [tilespmem:s11+$0xA6F0]  }
0x3db: {  	v1 =	vmax.f32 v1, v5;
	v5 =	vld [tilespmem:s11+$0xA770]  }
.Ltmp1:
0x3dc: {  	v6 =	vmax.f32 v1, v6;
	v1 =	vld [tilespmem:s11+$0xA7F0];
	(pc) =	sbr.rel @p0 .LBB2_5-.Ltmp1, $4  }
0x3dd: {  	v6 =	vmax.f32 v6, v2;
	v2 =	vld [tilespmem:s11+$0xA870]  }
0x3de: {  	v6 =	vmax.f32 v6, v3;
	v3 =	vld [tilespmem:s11+$0xA8F0]  }
0x3df: {  	v6 =	vmax.f32 v6, v4;
	v4 =	vld [tilespmem:s11+$0xA970]  }
0x3e0: {  	v6 =	vmax.f32 v6, v5;
	v5 =	vld [tilespmem:s11+$0xA9F0]  }
0x3e1: {  	v7 =	vld [tilespmem:s11+$0xAA70];
	v1 =	vmax.f32 v6, v1  }
0x3e2: {  	v62 =	vld [tilespmem:s11+$0xAAF0];
	v1 =	vmax.f32 v1, v2  }
0x3e3: {  	v2 =	vld [tilespmem:s11+$0xAB70];
	v1 =	vmax.f32 v1, v3  }
0x3e4: {  	v3 =	vld [tilespmem:s11+$0xABF0];
	v1 =	vmax.f32 v1, v4  }
0x3e5: {  	v63 =	vld [tilespmem:s11+$0xAC70];
	v1 =	vmax.f32 v1, v5  }
0x3e6: {  	s7 =	sadd.s32 $0x1, s7;
	v1 =	vmax.f32 v1, v7  }
0x3e7: {  	p0 =	sne.s32 s7, $0x40;
	v1 =	vmax.f32 v1, v62  }
.Ltmp2:
0x3e8: {  	v1 =	vmax.f32 v1, v2;
	(pc) =	sbr.rel @p0 .LBB2_2-.Ltmp2, $4  }
0x3e9: {  	v1 =	vmax.f32 v1, v3  }
0x3ea: {  	v1 =	vmax.f32 v1, v63  }
0x3eb: {  	s6 =	sadd.s32 s12, s6;
	[tilespmem:s23+$0x0] =	vst v1  }
0x3ec: {  	[hbm4b:s6+s4] =	stream.linear.scatter [tilespmem:s0], [sflag:$0x6], $0x800, $0x38;
	[tilespmem:$0x15280] =	vst v63  }
0x3ed: {  	s6 =	simm.s32 $0x5  }
0x3ee: {  	_ =	swait.ge [sflag:s6], $0x800  }
0x3ef: {  	[sflag:s6] =	ssyncset.done $0x0  }
0x3f0: {  	s7 =	simm.s32 $0x6;
	[sflag:s6] =	ssyncadd.s32 $0xFFFFF800  }
0x3f1: {  	_ =	swait.ge [sflag:s7], $0x800  }
0x3f2: {  	s11 =	rddreg [dreg:$0x7]  }
0x3f3: {  	s25 =	rddreg [dreg:$0x6];
	s11 =	sadd.s32 $0x1, s11  }
0x3f4: {  	p0 =	sne.s32 s11, s25  }
.Ltmp3:
0x3f5: {  	_ = 	snop;
	(pc) =	sbr.rel @p0 .LBB2_1-.Ltmp3, $3  }
0x3f6: {  	_ =	sdelay $0x1  }
0x3f7: {  	[sflag:s7] =	ssyncset.done $0x0  }
0x3f8: {  	[sflag:s7] =	ssyncadd.s32 $0xFFFFF800  }
0x3f9: {  	_ =	sfence.sel $0x180000  }
0x3fa: {  	[bflag:$0x0] =	sbarrier.arrive $0xFFFF  }
0x3fb: {  	_ =	strace $0x90000047  }
0x3fc: {  	s0 =	stileid.u32;
	[bflag:$0x2] =	sbarrier.arrive $0xFFFF  }
0x3fd: {  	p0 =	sne.s32 s0, $0x0;
	s0 =	rddreg [dreg:$0x3]  }
0x3fe: {  	s0 =	sadd.s32 @!p0 $0x100000, s0  }
0x3ff: {  	[sflag:s0] =	ssyncadd.tile.s32 @!p0 $0x1;
	_ =	shalt  }
.Lfunc_end2:
_tile_overlayer_lowered:
.L_overlay_start_2:
0x400: {  	(tag) =	ssettag $0x2  }
0x401: {  	s0 =	rddreg [dreg:$0x0];
	s2 =	stileid.u32  }
0x402: {  	s1 =	rddreg [dreg:$0x1];
	p0 =	sne.s32 s2, $0x0  }
0x403: {  	s3 =	rddreg [dreg:$0x2];
	[bflag:$0x3] =	sbarrier.arrive $0xFFFF;
	s2 =	simm.s32 @!p0 $0x1C07  }
0x404: {  	[timem:s3], [sflag:s2] =	dma.local @!p0 [hbm:s0], s1  }
0x405: {  	s0 =	simm.s32 @!p0 $0x7  }
0x406: {  	_ =	swait.ge @!p0 [sflag:s0], s1  }
0x407: {  	s1 =	ssub.s32 @!p0 $0x0, s1;
	[sflag:s0] =	ssyncset.done @!p0 $0x0  }
0x408: {  	[sflag:s0] =	ssyncadd.s32 @!p0 s1  }
0x409: {  	[bflag:$0x3] =	sbarrier.arrive $0xFFFF  }
0x40a: {  	_ =	shalt  }

</sc_bundles>
